<compile_context>
chip_gen: v7x
topology: tpu7x:2x2x1
jax: 0.10.2.dev20260603
libtpu: 0.0.44.dev20260713+nightly
codegen_flags: <defaults>
</compile_context>

<pallas_src>
import jax
import jax.numpy as jnp
from jax import lax
from jax.experimental import pallas as pl
from jax.experimental.pallas import tpu as pltpu
from jax.experimental.pallas import tpu_sc as plsc

_NUM_HASH = 3
_NUM_WORDS = 1000000
_EMB = 64
_NC = 2
_NS = 16
_NW = _NC * _NS
_LANES = 16

_N = 4096 * 50
_NPW = _N // _NW
_C = 160
_NCHUNK = _NPW // _C
_NPAIR = _NCHUNK // 2


def _body(ids_hbm, hash_hbm, imp0_hbm, imp1_hbm, imp2_hbm, emb_hbm, out_hbm,
          ids_v,
          bidxa, bidx1a, bidx2a, iidxa, buck0a, buck1a, buck2a,
          wimp0a, wimp1a, wimp2a, emb0a, emb1a, emb2a, outba,
          bidxb, bidx1b, bidx2b, iidxb, buck0b, buck1b, buck2b,
          wimp0b, wimp1b, wimp2b, emb0b, emb1b, emb2b, outbb,
          sem_s, sem_e, sem_o):
    sets = (
        dict(bidx=bidxa, bidx1=bidx1a, bidx2=bidx2a, iidx=iidxa,
             buck=(buck0a, buck1a, buck2a), imp=(wimp0a, wimp1a, wimp2a),
             emb=(emb0a, emb1a, emb2a), outb=outba),
        dict(bidx=bidxb, bidx1=bidx1b, bidx2=bidx2b, iidx=iidxb,
             buck=(buck0b, buck1b, buck2b), imp=(wimp0b, wimp1b, wimp2b),
             emb=(emb0b, emb1b, emb2b), outb=outbb),
    )
    imp_hbms = (imp0_hbm, imp1_hbm, imp2_hbm)
    wid = lax.axis_index("s") * _NC + lax.axis_index("c")
    base = wid * _NPW
    pltpu.sync_copy(ids_hbm.at[pl.ds(base, _NPW)], ids_v)

    def build_idx(off, s):
        for j in range(_C // _LANES):
            dsl = pl.ds(j * _LANES, _LANES)
            v = ids_v[pl.ds(off + j * _LANES, _LANES)]
            s['bidx'][dsl] = v
            s['bidx1'][dsl] = v + _NUM_WORDS
            s['bidx2'][dsl] = v + 2 * _NUM_WORDS
            vi = v + 3
            s['iidx'][dsl] = jnp.where(vi >= _NUM_WORDS, vi - _NUM_WORDS, vi)

    def fire_w1(s):
        bs = (s['bidx'], s['bidx1'], s['bidx2'])
        for h in range(_NUM_HASH):
            pltpu.async_copy(hash_hbm.at[bs[h]], s['buck'][h], sem_s)
            pltpu.async_copy(imp_hbms[h].at[s['iidx']], s['imp'][h], sem_s)

    def wait_w1(s):
        bs = (s['bidx'], s['bidx1'], s['bidx2'])
        for h in range(_NUM_HASH):
            pltpu.make_async_copy(hash_hbm.at[bs[h]], s['buck'][h],
                                  sem_s).wait()
            pltpu.make_async_copy(imp_hbms[h].at[s['iidx']], s['imp'][h],
                                  sem_s).wait()

    def fire_w2(s):
        for h in range(_NUM_HASH):
            pltpu.async_copy(emb_hbm.at[s['buck'][h]], s['emb'][h], sem_e)

    def wait_w2(s):
        for h in range(_NUM_HASH):
            pltpu.make_async_copy(emb_hbm.at[s['buck'][h]], s['emb'][h],
                                  sem_e).wait()

    def combine(s):
        e0, e1, e2 = s['emb']
        i0, i1, i2 = s['imp']
        ob = s['outb']
        dnums = lax.GatherDimensionNumbers(
            offset_dims=(), collapsed_slice_dims=(0,), start_index_map=(0,))

        def bcast(vec, k):
            idx = jnp.full((_LANES, 1), k, jnp.int32)
            return lax.gather(vec, idx, dnums, (1,),
                              mode=lax.GatherScatterMode.PROMISE_IN_BOUNDS)

        def grp(g, c):
            t0 = g * _LANES
            m0 = i0[pl.ds(t0, _LANES)]
            m1 = i1[pl.ds(t0, _LANES)]
            m2 = i2[pl.ds(t0, _LANES)]
            for k in range(_LANES):
                t = t0 + k
                w0 = bcast(m0, k)
                w1 = bcast(m1, k)
                w2 = bcast(m2, k)
                for d in range(_EMB // _LANES):
                    esl = pl.ds(d * _LANES, _LANES)
                    ob[t, esl] = (e0[t, esl] * w0 + e1[t, esl] * w1
                                  + e2[t, esl] * w2)
            return c
        lax.fori_loop(0, _C // _LANES, grp, 0)

    def chunk_step(i, b):
        s = sets[b]
        nxt = sets[1 - b]
        j = 2 * i + b
        off = j * _C

        @pl.when(j >= 2)
        def _():
            pltpu.make_async_copy(
                s['outb'], out_hbm.at[pl.ds(base + off - 2 * _C, _C)],
                sem_o).wait()

        wait_w2(s)

        @pl.when(j + 1 < _NCHUNK)
        def _():
            wait_w1(nxt)
            fire_w2(nxt)

        @pl.when(j + 2 < _NCHUNK)
        def _():
            build_idx(off + 2 * _C, s)

        combine(s)
        pltpu.async_copy(s['outb'], out_hbm.at[pl.ds(base + off, _C)], sem_o)

        @pl.when(j + 2 < _NCHUNK)
        def _():
            fire_w1(s)

    def pair(i, carry):
        chunk_step(i, 0)
        chunk_step(i, 1)
        return carry

    build_idx(0, sets[0])
    fire_w1(sets[0])
    build_idx(_C, sets[1])
    fire_w1(sets[1])
    wait_w1(sets[0])
    fire_w2(sets[0])
    lax.fori_loop(0, _NPAIR, pair, 0)
    pltpu.make_async_copy(
        sets[0]['outb'], out_hbm.at[pl.ds(base + _NPW - 2 * _C, _C)],
        sem_o).wait()
    pltpu.make_async_copy(
        sets[1]['outb'], out_hbm.at[pl.ds(base + _NPW - _C, _C)],
        sem_o).wait()


def _sc_lookup(ids, hash_flat, imp_cols, emb):
    mesh = plsc.VectorSubcoreMesh(core_axis_name="c", subcore_axis_name="s")
    one_set = (
        [pltpu.VMEM((_C,), jnp.int32)] * 4
        + [pltpu.VMEM((_C,), jnp.int32)] * 3
        + [pltpu.VMEM((_C,), jnp.float32)] * 3
        + [pltpu.VMEM((_C, _EMB), jnp.float32)] * 3
        + [pltpu.VMEM((_C, _EMB), jnp.float32)]
    )
    f = pl.kernel(
        _body,
        out_type=jax.ShapeDtypeStruct((_N, _EMB), jnp.float32),
        mesh=mesh,
        compiler_params=pltpu.CompilerParams(needs_layout_passes=False,
                                             use_tc_tiling_on_sc=False),
        scratch_types=(
            [pltpu.VMEM((_NPW,), jnp.int32)]
            + one_set + one_set
            + [pltpu.SemaphoreType.DMA] * 3
        ),
    )
    return f(ids, hash_flat, imp_cols[0], imp_cols[1], imp_cols[2], emb)


def kernel(X, hash_vals, word_importance, embedding_matrix):
    ids = X.reshape(_N)
    hash_flat = hash_vals.reshape(_NUM_HASH * _NUM_WORDS)
    imp_cols = [word_importance[:, h] for h in range(_NUM_HASH)]
    out = _sc_lookup(ids, hash_flat, imp_cols, embedding_matrix)
    return out.reshape(X.shape[0], X.shape[1], _EMB)

# --- scband reference (transcript-rebuilt; emitter-appended) ---
"""Pipeline reference for scband-hash-embedding-78589311582740 (READ-ONLY COPY).

The authoritative reference and input builder live on the scoring server;
editing this copy changes nothing except your own understanding.
"""

import jax, jax.numpy as jnp
import numpy as np

NUM_HASH = 3
NUM_WORDS = 1000000
NUM_BUCKETS = 100000
EMB = 64
B = 4096
L = 50


def setup_inputs(seed: int = 0) -> dict:
    key = jax.random.key(seed)
    k1, k2, k3, k4 = jax.random.split(key, 4)
    X = jax.random.randint(k1, (B, L), 0, NUM_WORDS, dtype=jnp.int32)
    # StaticHashTable per hash func: word_id -> (random uniform int in [1, 2^16-1]) % num_hash_buckets
    hash_vals = jax.random.randint(k2, (NUM_HASH, NUM_WORDS), 1, 2 ** 16 - 1, dtype=jnp.int32) % NUM_BUCKETS
    # word_importance: normal(mean=0, stddev=0.0005), shape [num_words, num_hash_func]
    word_importance = jax.random.normal(k3, (NUM_WORDS, NUM_HASH), dtype=jnp.float32) * 0.0005
    # embedding_matrix: row 0 zeros (default bucket), then normal(0, 0.1) for num_hash_buckets rows
    emb_rest = jax.random.normal(k4, (NUM_BUCKETS, EMB), dtype=jnp.float32) * 0.1
    embedding_matrix = jnp.concatenate([jnp.zeros((1, EMB), dtype=jnp.float32), emb_rest], axis=0)
    return {
        "X": X,
        "hash_vals": hash_vals,
        "word_importance": word_importance,
        "embedding_matrix": embedding_matrix,
    }


def reference(X, hash_vals, word_importance, embedding_matrix):
    word_ids = X % NUM_WORDS
    word_ids_imp = (X + 3) % NUM_WORDS
    out = jnp.zeros((X.shape[0], X.shape[1], embedding_matrix.shape[1]), dtype=embedding_matrix.dtype)
    for h in range(NUM_HASH):
        # hash table lookup: word id -> bucket id
        buckets = jnp.take(hash_vals[h], word_ids, axis=0)
        # gather embedding rows for buckets
        emb = jnp.take(embedding_matrix, buckets, axis=0)  # [B, L, EMB]
        # gather per-word importance for this hash function
        imp = jnp.take(word_importance[:, h], word_ids_imp, axis=0)  # [B, L]
        out = out + jnp.einsum('ijk,ij->ijk', emb, imp)
    # aggregation_mode == 'sum' -> add_n of weighted embeddings (done incrementally above)
    return out

if __name__ == "__main__":
    import jax
    _d = setup_inputs()
    print(jax.jit(kernel)(*tuple(_d.values())))

</pallas_src>

<mosaic_0001>
#map = affine_map<(d0, d1) -> (0)>
#map1 = affine_map<(d0, d1) -> (0, 0)>
module attributes {stable_mosaic.version = 14 : i64} {
  func.func @_body(%arg0: i32, %arg1: i32, %arg2: memref<204800xi32, #tpu.memory_space<hbm>>, %arg3: memref<3000000xi32, #tpu.memory_space<hbm>>, %arg4: memref<1000000xf32, #tpu.memory_space<hbm>>, %arg5: memref<1000000xf32, #tpu.memory_space<hbm>>, %arg6: memref<1000000xf32, #tpu.memory_space<hbm>>, %arg7: memref<100001x64xf32, #tpu.memory_space<hbm>>, %arg8: memref<204800x64xf32, #tpu.memory_space<hbm>>, %arg9: memref<6400xi32, #tpu.memory_space<vmem>>, %arg10: memref<160xi32, #tpu.memory_space<vmem>>, %arg11: memref<160xi32, #tpu.memory_space<vmem>>, %arg12: memref<160xi32, #tpu.memory_space<vmem>>, %arg13: memref<160xi32, #tpu.memory_space<vmem>>, %arg14: memref<160xi32, #tpu.memory_space<vmem>>, %arg15: memref<160xi32, #tpu.memory_space<vmem>>, %arg16: memref<160xi32, #tpu.memory_space<vmem>>, %arg17: memref<160xf32, #tpu.memory_space<vmem>>, %arg18: memref<160xf32, #tpu.memory_space<vmem>>, %arg19: memref<160xf32, #tpu.memory_space<vmem>>, %arg20: memref<160x64xf32, #tpu.memory_space<vmem>>, %arg21: memref<160x64xf32, #tpu.memory_space<vmem>>, %arg22: memref<160x64xf32, #tpu.memory_space<vmem>>, %arg23: memref<160x64xf32, #tpu.memory_space<vmem>>, %arg24: memref<160xi32, #tpu.memory_space<vmem>>, %arg25: memref<160xi32, #tpu.memory_space<vmem>>, %arg26: memref<160xi32, #tpu.memory_space<vmem>>, %arg27: memref<160xi32, #tpu.memory_space<vmem>>, %arg28: memref<160xi32, #tpu.memory_space<vmem>>, %arg29: memref<160xi32, #tpu.memory_space<vmem>>, %arg30: memref<160xi32, #tpu.memory_space<vmem>>, %arg31: memref<160xf32, #tpu.memory_space<vmem>>, %arg32: memref<160xf32, #tpu.memory_space<vmem>>, %arg33: memref<160xf32, #tpu.memory_space<vmem>>, %arg34: memref<160x64xf32, #tpu.memory_space<vmem>>, %arg35: memref<160x64xf32, #tpu.memory_space<vmem>>, %arg36: memref<160x64xf32, #tpu.memory_space<vmem>>, %arg37: memref<160x64xf32, #tpu.memory_space<vmem>>, %arg38: memref<!tpu.dma_semaphore, #tpu.memory_space<semaphore_mem>>, %arg39: memref<!tpu.dma_semaphore, #tpu.memory_space<semaphore_mem>>, %arg40: memref<!tpu.dma_semaphore, #tpu.memory_space<semaphore_mem>>) attributes {dimension_semantics = [#tpu.dimension_semantics<core_parallel>, #tpu.dimension_semantics<subcore_parallel>], iteration_bounds = array<i64: 2, 16>, scalar_prefetch = 0 : i64, scratch_operands = 32 : i64, tpu.core_type = #tpu.core_type<sc_vector_subcore>, window_params = [{transform_indices = #map}, {transform_indices = #map}, {transform_indices = #map}, {transform_indices = #map}, {transform_indices = #map}, {transform_indices = #map1}, {transform_indices = #map1}]} {
    %mul3A = arith.constant 2 : i32
    %mul3A_0 = arith.muli %arg1, %mul3A : i32
    %add3A = arith.addi %mul3A_0, %arg0 : i32
    %mul3A_1 = arith.constant 6400 : i32
    %mul3A_2 = arith.muli %add3A, %mul3A_1 : i32
    "tpu.region"() ({
      %run_scoped3A = tpu.sem_alloc : memref<!tpu.dma_semaphore, #tpu.memory_space<semaphore_mem>>
      %dma_start3A_582 = tpu.memref_slice %arg2[%mul3A_2] : memref<204800xi32, #tpu.memory_space<hbm>> -> memref<6400xi32, #tpu.memory_space<hbm>>
      %dma_start3A_583 = tpu.memref_slice %arg2[%mul3A_2] : memref<204800xi32, #tpu.memory_space<hbm>> -> memref<6400xi32, #tpu.memory_space<hbm>>
      tpu.enqueue_dma source(%dma_start3A_583 : memref<6400xi32, #tpu.memory_space<hbm>>) target(%arg9 : memref<6400xi32, #tpu.memory_space<vmem>>) target_semaphore(%run_scoped3A : memref<!tpu.dma_semaphore, #tpu.memory_space<semaphore_mem>>)
      %dma_wait3A_584 = tpu.memref_slice %arg2[%mul3A_2] : memref<204800xi32, #tpu.memory_space<hbm>> -> memref<6400xi32, #tpu.memory_space<hbm>>
      %dma_wait3A_585 = tpu.memref_slice %arg2[%mul3A_2] : memref<204800xi32, #tpu.memory_space<hbm>> -> memref<6400xi32, #tpu.memory_space<hbm>>
      tpu.wait_dma2 semaphore(%run_scoped3A : memref<!tpu.dma_semaphore, #tpu.memory_space<semaphore_mem>>) src(%dma_wait3A_585 : memref<6400xi32, #tpu.memory_space<hbm>>) dst(%arg9 : memref<6400xi32, #tpu.memory_space<vmem>>)
      tpu.yield
    }) : () -> ()
    %get3A = arith.constant 0 : index
    %get3A_3 = tpu.vector_load %arg9[%get3A] {strides = array<i32>} : memref<6400xi32, #tpu.memory_space<vmem>>, vector<16xi32>,
    %swap3A = arith.constant 0 : index
    %swap3A_4 = tpu.vector_load %arg10[%swap3A] {strides = array<i32>} : memref<160xi32, #tpu.memory_space<vmem>>, vector<16xi32>,
    tpu.vector_store %arg10[%swap3A], %get3A_3 {strides = array<i32>} : memref<160xi32, #tpu.memory_space<vmem>>, vector<16xi32>,
    %add3A_5 = arith.constant 1000000 : i32
    %add3A_6 = vector.broadcast %add3A_5 : i32 to vector<16xi32>
    %add3A_7 = arith.addi %get3A_3, %add3A_6 : vector<16xi32>
    %swap3A_8 = arith.constant 0 : index
    %swap3A_9 = tpu.vector_load %arg11[%swap3A_8] {strides = array<i32>} : memref<160xi32, #tpu.memory_space<vmem>>, vector<16xi32>,
    tpu.vector_store %arg11[%swap3A_8], %add3A_7 {strides = array<i32>} : memref<160xi32, #tpu.memory_space<vmem>>, vector<16xi32>,
    %add3A_10 = arith.constant 2000000 : i32
    %add3A_11 = vector.broadcast %add3A_10 : i32 to vector<16xi32>
    %add3A_12 = arith.addi %get3A_3, %add3A_11 : vector<16xi32>
    %swap3A_13 = arith.constant 0 : index
    %swap3A_14 = tpu.vector_load %arg12[%swap3A_13] {strides = array<i32>} : memref<160xi32, #tpu.memory_space<vmem>>, vector<16xi32>,
    tpu.vector_store %arg12[%swap3A_13], %add3A_12 {strides = array<i32>} : memref<160xi32, #tpu.memory_space<vmem>>, vector<16xi32>,
    %add3A_15 = arith.constant 3 : i32
    %add3A_16 = vector.broadcast %add3A_15 : i32 to vector<16xi32>
    %add3A_17 = arith.addi %get3A_3, %add3A_16 : vector<16xi32>
    %ge3A = arith.constant 1000000 : i32
    %ge3A_18 = vector.broadcast %ge3A : i32 to vector<16xi32>
    %ge3A_19 = arith.cmpi sge, %add3A_17, %ge3A_18 : vector<16xi32>
    %sub3A = arith.constant 1000000 : i32
    %sub3A_20 = vector.broadcast %sub3A : i32 to vector<16xi32>
    %sub3A_21 = arith.subi %add3A_17, %sub3A_20 : vector<16xi32>
    %select_n3A = arith.select %ge3A_19, %sub3A_21, %add3A_17 : vector<16xi1>, vector<16xi32>
    %swap3A_22 = arith.constant 0 : index
    %swap3A_23 = tpu.vector_load %arg13[%swap3A_22] {strides = array<i32>} : memref<160xi32, #tpu.memory_space<vmem>>, vector<16xi32>,
    tpu.vector_store %arg13[%swap3A_22], %select_n3A {strides = array<i32>} : memref<160xi32, #tpu.memory_space<vmem>>, vector<16xi32>,
    %get3A_24 = arith.constant 16 : index
    %get3A_25 = tpu.vector_load %arg9[%get3A_24] {strides = array<i32>} : memref<6400xi32, #tpu.memory_space<vmem>>, vector<16xi32>,
    %swap3A_26 = arith.constant 16 : index
    %swap3A_27 = tpu.vector_load %arg10[%swap3A_26] {strides = array<i32>} : memref<160xi32, #tpu.memory_space<vmem>>, vector<16xi32>,
    tpu.vector_store %arg10[%swap3A_26], %get3A_25 {strides = array<i32>} : memref<160xi32, #tpu.memory_space<vmem>>, vector<16xi32>,
    %add3A_28 = arith.constant 1000000 : i32
    %add3A_29 = vector.broadcast %add3A_28 : i32 to vector<16xi32>
    %add3A_30 = arith.addi %get3A_25, %add3A_29 : vector<16xi32>
    %swap3A_31 = arith.constant 16 : index
    %swap3A_32 = tpu.vector_load %arg11[%swap3A_31] {strides = array<i32>} : memref<160xi32, #tpu.memory_space<vmem>>, vector<16xi32>,
    tpu.vector_store %arg11[%swap3A_31], %add3A_30 {strides = array<i32>} : memref<160xi32, #tpu.memory_space<vmem>>, vector<16xi32>,
    %add3A_33 = arith.constant 2000000 : i32
    %add3A_34 = vector.broadcast %add3A_33 : i32 to vector<16xi32>
    %add3A_35 = arith.addi %get3A_25, %add3A_34 : vector<16xi32>
    %swap3A_36 = arith.constant 16 : index
    %swap3A_37 = tpu.vector_load %arg12[%swap3A_36] {strides = array<i32>} : memref<160xi32, #tpu.memory_space<vmem>>, vector<16xi32>,
    tpu.vector_store %arg12[%swap3A_36], %add3A_35 {strides = array<i32>} : memref<160xi32, #tpu.memory_space<vmem>>, vector<16xi32>,
    %add3A_38 = arith.constant 3 : i32
    %add3A_39 = vector.broadcast %add3A_38 : i32 to vector<16xi32>
    %add3A_40 = arith.addi %get3A_25, %add3A_39 : vector<16xi32>
    %ge3A_41 = arith.constant 1000000 : i32
    %ge3A_42 = vector.broadcast %ge3A_41 : i32 to vector<16xi32>
    %ge3A_43 = arith.cmpi sge, %add3A_40, %ge3A_42 : vector<16xi32>
    %sub3A_44 = arith.constant 1000000 : i32
    %sub3A_45 = vector.broadcast %sub3A_44 : i32 to vector<16xi32>
    %sub3A_46 = arith.subi %add3A_40, %sub3A_45 : vector<16xi32>
    %select_n3A_47 = arith.select %ge3A_43, %sub3A_46, %add3A_40 : vector<16xi1>, vector<16xi32>
    %swap3A_48 = arith.constant 16 : index
    %swap3A_49 = tpu.vector_load %arg13[%swap3A_48] {strides = array<i32>} : memref<160xi32, #tpu.memory_space<vmem>>, vector<16xi32>,
    tpu.vector_store %arg13[%swap3A_48], %select_n3A_47 {strides = array<i32>} : memref<160xi32, #tpu.memory_space<vmem>>, vector<16xi32>,
    %get3A_50 = arith.constant 32 : index
    %get3A_51 = tpu.vector_load %arg9[%get3A_50] {strides = array<i32>} : memref<6400xi32, #tpu.memory_space<vmem>>, vector<16xi32>,
    %swap3A_52 = arith.constant 32 : index
    %swap3A_53 = tpu.vector_load %arg10[%swap3A_52] {strides = array<i32>} : memref<160xi32, #tpu.memory_space<vmem>>, vector<16xi32>,
    tpu.vector_store %arg10[%swap3A_52], %get3A_51 {strides = array<i32>} : memref<160xi32, #tpu.memory_space<vmem>>, vector<16xi32>,
    %add3A_54 = arith.constant 1000000 : i32
    %add3A_55 = vector.broadcast %add3A_54 : i32 to vector<16xi32>
    %add3A_56 = arith.addi %get3A_51, %add3A_55 : vector<16xi32>
    %swap3A_57 = arith.constant 32 : index
    %swap3A_58 = tpu.vector_load %arg11[%swap3A_57] {strides = array<i32>} : memref<160xi32, #tpu.memory_space<vmem>>, vector<16xi32>,
    tpu.vector_store %arg11[%swap3A_57], %add3A_56 {strides = array<i32>} : memref<160xi32, #tpu.memory_space<vmem>>, vector<16xi32>,
    %add3A_59 = arith.constant 2000000 : i32
    %add3A_60 = vector.broadcast %add3A_59 : i32 to vector<16xi32>
    %add3A_61 = arith.addi %get3A_51, %add3A_60 : vector<16xi32>
    %swap3A_62 = arith.constant 32 : index
    %swap3A_63 = tpu.vector_load %arg12[%swap3A_62] {strides = array<i32>} : memref<160xi32, #tpu.memory_space<vmem>>, vector<16xi32>,
    tpu.vector_store %arg12[%swap3A_62], %add3A_61 {strides = array<i32>} : memref<160xi32, #tpu.memory_space<vmem>>, vector<16xi32>,
    %add3A_64 = arith.constant 3 : i32
    %add3A_65 = vector.broadcast %add3A_64 : i32 to vector<16xi32>
    %add3A_66 = arith.addi %get3A_51, %add3A_65 : vector<16xi32>
    %ge3A_67 = arith.constant 1000000 : i32
    %ge3A_68 = vector.broadcast %ge3A_67 : i32 to vector<16xi32>
    %ge3A_69 = arith.cmpi sge, %add3A_66, %ge3A_68 : vector<16xi32>
    %sub3A_70 = arith.constant 1000000 : i32
    %sub3A_71 = vector.broadcast %sub3A_70 : i32 to vector<16xi32>
    %sub3A_72 = arith.subi %add3A_66, %sub3A_71 : vector<16xi32>
    %select_n3A_73 = arith.select %ge3A_69, %sub3A_72, %add3A_66 : vector<16xi1>, vector<16xi32>
    %swap3A_74 = arith.constant 32 : index
    %swap3A_75 = tpu.vector_load %arg13[%swap3A_74] {strides = array<i32>} : memref<160xi32, #tpu.memory_space<vmem>>, vector<16xi32>,
    tpu.vector_store %arg13[%swap3A_74], %select_n3A_73 {strides = array<i32>} : memref<160xi32, #tpu.memory_space<vmem>>, vector<16xi32>,
    %get3A_76 = arith.constant 48 : index
    %get3A_77 = tpu.vector_load %arg9[%get3A_76] {strides = array<i32>} : memref<6400xi32, #tpu.memory_space<vmem>>, vector<16xi32>,
    %swap3A_78 = arith.constant 48 : index
    %swap3A_79 = tpu.vector_load %arg10[%swap3A_78] {strides = array<i32>} : memref<160xi32, #tpu.memory_space<vmem>>, vector<16xi32>,
    tpu.vector_store %arg10[%swap3A_78], %get3A_77 {strides = array<i32>} : memref<160xi32, #tpu.memory_space<vmem>>, vector<16xi32>,
    %add3A_80 = arith.constant 1000000 : i32
    %add3A_81 = vector.broadcast %add3A_80 : i32 to vector<16xi32>
    %add3A_82 = arith.addi %get3A_77, %add3A_81 : vector<16xi32>
    %swap3A_83 = arith.constant 48 : index
    %swap3A_84 = tpu.vector_load %arg11[%swap3A_83] {strides = array<i32>} : memref<160xi32, #tpu.memory_space<vmem>>, vector<16xi32>,
    tpu.vector_store %arg11[%swap3A_83], %add3A_82 {strides = array<i32>} : memref<160xi32, #tpu.memory_space<vmem>>, vector<16xi32>,
    %add3A_85 = arith.constant 2000000 : i32
    %add3A_86 = vector.broadcast %add3A_85 : i32 to vector<16xi32>
    %add3A_87 = arith.addi %get3A_77, %add3A_86 : vector<16xi32>
    %swap3A_88 = arith.constant 48 : index
    %swap3A_89 = tpu.vector_load %arg12[%swap3A_88] {strides = array<i32>} : memref<160xi32, #tpu.memory_space<vmem>>, vector<16xi32>,
    tpu.vector_store %arg12[%swap3A_88], %add3A_87 {strides = array<i32>} : memref<160xi32, #tpu.memory_space<vmem>>, vector<16xi32>,
    %add3A_90 = arith.constant 3 : i32
    %add3A_91 = vector.broadcast %add3A_90 : i32 to vector<16xi32>
    %add3A_92 = arith.addi %get3A_77, %add3A_91 : vector<16xi32>
    %ge3A_93 = arith.constant 1000000 : i32
    %ge3A_94 = vector.broadcast %ge3A_93 : i32 to vector<16xi32>
    %ge3A_95 = arith.cmpi sge, %add3A_92, %ge3A_94 : vector<16xi32>
    %sub3A_96 = arith.constant 1000000 : i32
    %sub3A_97 = vector.broadcast %sub3A_96 : i32 to vector<16xi32>
    %sub3A_98 = arith.subi %add3A_92, %sub3A_97 : vector<16xi32>
    %select_n3A_99 = arith.select %ge3A_95, %sub3A_98, %add3A_92 : vector<16xi1>, vector<16xi32>
    %swap3A_100 = arith.constant 48 : index
    %swap3A_101 = tpu.vector_load %arg13[%swap3A_100] {strides = array<i32>} : memref<160xi32, #tpu.memory_space<vmem>>, vector<16xi32>,
    tpu.vector_store %arg13[%swap3A_100], %select_n3A_99 {strides = array<i32>} : memref<160xi32, #tpu.memory_space<vmem>>, vector<16xi32>,
    %get3A_102 = arith.constant 64 : index
    %get3A_103 = tpu.vector_load %arg9[%get3A_102] {strides = array<i32>} : memref<6400xi32, #tpu.memory_space<vmem>>, vector<16xi32>,
    %swap3A_104 = arith.constant 64 : index
    %swap3A_105 = tpu.vector_load %arg10[%swap3A_104] {strides = array<i32>} : memref<160xi32, #tpu.memory_space<vmem>>, vector<16xi32>,
    tpu.vector_store %arg10[%swap3A_104], %get3A_103 {strides = array<i32>} : memref<160xi32, #tpu.memory_space<vmem>>, vector<16xi32>,
    %add3A_106 = arith.constant 1000000 : i32
    %add3A_107 = vector.broadcast %add3A_106 : i32 to vector<16xi32>
    %add3A_108 = arith.addi %get3A_103, %add3A_107 : vector<16xi32>
    %swap3A_109 = arith.constant 64 : index
    %swap3A_110 = tpu.vector_load %arg11[%swap3A_109] {strides = array<i32>} : memref<160xi32, #tpu.memory_space<vmem>>, vector<16xi32>,
    tpu.vector_store %arg11[%swap3A_109], %add3A_108 {strides = array<i32>} : memref<160xi32, #tpu.memory_space<vmem>>, vector<16xi32>,
    %add3A_111 = arith.constant 2000000 : i32
    %add3A_112 = vector.broadcast %add3A_111 : i32 to vector<16xi32>
    %add3A_113 = arith.addi %get3A_103, %add3A_112 : vector<16xi32>
    %swap3A_114 = arith.constant 64 : index
    %swap3A_115 = tpu.vector_load %arg12[%swap3A_114] {strides = array<i32>} : memref<160xi32, #tpu.memory_space<vmem>>, vector<16xi32>,
    tpu.vector_store %arg12[%swap3A_114], %add3A_113 {strides = array<i32>} : memref<160xi32, #tpu.memory_space<vmem>>, vector<16xi32>,
    %add3A_116 = arith.constant 3 : i32
    %add3A_117 = vector.broadcast %add3A_116 : i32 to vector<16xi32>
    %add3A_118 = arith.addi %get3A_103, %add3A_117 : vector<16xi32>
    %ge3A_119 = arith.constant 1000000 : i32
    %ge3A_120 = vector.broadcast %ge3A_119 : i32 to vector<16xi32>
    %ge3A_121 = arith.cmpi sge, %add3A_118, %ge3A_120 : vector<16xi32>
    %sub3A_122 = arith.constant 1000000 : i32
    %sub3A_123 = vector.broadcast %sub3A_122 : i32 to vector<16xi32>
    %sub3A_124 = arith.subi %add3A_118, %sub3A_123 : vector<16xi32>
    %select_n3A_125 = arith.select %ge3A_121, %sub3A_124, %add3A_118 : vector<16xi1>, vector<16xi32>
    %swap3A_126 = arith.constant 64 : index
    %swap3A_127 = tpu.vector_load %arg13[%swap3A_126] {strides = array<i32>} : memref<160xi32, #tpu.memory_space<vmem>>, vector<16xi32>,
    tpu.vector_store %arg13[%swap3A_126], %select_n3A_125 {strides = array<i32>} : memref<160xi32, #tpu.memory_space<vmem>>, vector<16xi32>,
    %get3A_128 = arith.constant 80 : index
    %get3A_129 = tpu.vector_load %arg9[%get3A_128] {strides = array<i32>} : memref<6400xi32, #tpu.memory_space<vmem>>, vector<16xi32>,
    %swap3A_130 = arith.constant 80 : index
    %swap3A_131 = tpu.vector_load %arg10[%swap3A_130] {strides = array<i32>} : memref<160xi32, #tpu.memory_space<vmem>>, vector<16xi32>,
    tpu.vector_store %arg10[%swap3A_130], %get3A_129 {strides = array<i32>} : memref<160xi32, #tpu.memory_space<vmem>>, vector<16xi32>,
    %add3A_132 = arith.constant 1000000 : i32
    %add3A_133 = vector.broadcast %add3A_132 : i32 to vector<16xi32>
    %add3A_134 = arith.addi %get3A_129, %add3A_133 : vector<16xi32>
    %swap3A_135 = arith.constant 80 : index
    %swap3A_136 = tpu.vector_load %arg11[%swap3A_135] {strides = array<i32>} : memref<160xi32, #tpu.memory_space<vmem>>, vector<16xi32>,
    tpu.vector_store %arg11[%swap3A_135], %add3A_134 {strides = array<i32>} : memref<160xi32, #tpu.memory_space<vmem>>, vector<16xi32>,
    %add3A_137 = arith.constant 2000000 : i32
    %add3A_138 = vector.broadcast %add3A_137 : i32 to vector<16xi32>
    %add3A_139 = arith.addi %get3A_129, %add3A_138 : vector<16xi32>
    %swap3A_140 = arith.constant 80 : index
    %swap3A_141 = tpu.vector_load %arg12[%swap3A_140] {strides = array<i32>} : memref<160xi32, #tpu.memory_space<vmem>>, vector<16xi32>,
    tpu.vector_store %arg12[%swap3A_140], %add3A_139 {strides = array<i32>} : memref<160xi32, #tpu.memory_space<vmem>>, vector<16xi32>,
    %add3A_142 = arith.constant 3 : i32
    %add3A_143 = vector.broadcast %add3A_142 : i32 to vector<16xi32>
    %add3A_144 = arith.addi %get3A_129, %add3A_143 : vector<16xi32>
    %ge3A_145 = arith.constant 1000000 : i32
    %ge3A_146 = vector.broadcast %ge3A_145 : i32 to vector<16xi32>
    %ge3A_147 = arith.cmpi sge, %add3A_144, %ge3A_146 : vector<16xi32>
    %sub3A_148 = arith.constant 1000000 : i32
    %sub3A_149 = vector.broadcast %sub3A_148 : i32 to vector<16xi32>
    %sub3A_150 = arith.subi %add3A_144, %sub3A_149 : vector<16xi32>
    %select_n3A_151 = arith.select %ge3A_147, %sub3A_150, %add3A_144 : vector<16xi1>, vector<16xi32>
    %swap3A_152 = arith.constant 80 : index
    %swap3A_153 = tpu.vector_load %arg13[%swap3A_152] {strides = array<i32>} : memref<160xi32, #tpu.memory_space<vmem>>, vector<16xi32>,
    tpu.vector_store %arg13[%swap3A_152], %select_n3A_151 {strides = array<i32>} : memref<160xi32, #tpu.memory_space<vmem>>, vector<16xi32>,
    %get3A_154 = arith.constant 96 : index
    %get3A_155 = tpu.vector_load %arg9[%get3A_154] {strides = array<i32>} : memref<6400xi32, #tpu.memory_space<vmem>>, vector<16xi32>,
    %swap3A_156 = arith.constant 96 : index
    %swap3A_157 = tpu.vector_load %arg10[%swap3A_156] {strides = array<i32>} : memref<160xi32, #tpu.memory_space<vmem>>, vector<16xi32>,
    tpu.vector_store %arg10[%swap3A_156], %get3A_155 {strides = array<i32>} : memref<160xi32, #tpu.memory_space<vmem>>, vector<16xi32>,
    %add3A_158 = arith.constant 1000000 : i32
    %add3A_159 = vector.broadcast %add3A_158 : i32 to vector<16xi32>
    %add3A_160 = arith.addi %get3A_155, %add3A_159 : vector<16xi32>
    %swap3A_161 = arith.constant 96 : index
    %swap3A_162 = tpu.vector_load %arg11[%swap3A_161] {strides = array<i32>} : memref<160xi32, #tpu.memory_space<vmem>>, vector<16xi32>,
    tpu.vector_store %arg11[%swap3A_161], %add3A_160 {strides = array<i32>} : memref<160xi32, #tpu.memory_space<vmem>>, vector<16xi32>,
    %add3A_163 = arith.constant 2000000 : i32
    %add3A_164 = vector.broadcast %add3A_163 : i32 to vector<16xi32>
    %add3A_165 = arith.addi %get3A_155, %add3A_164 : vector<16xi32>
    %swap3A_166 = arith.constant 96 : index
    %swap3A_167 = tpu.vector_load %arg12[%swap3A_166] {strides = array<i32>} : memref<160xi32, #tpu.memory_space<vmem>>, vector<16xi32>,
    tpu.vector_store %arg12[%swap3A_166], %add3A_165 {strides = array<i32>} : memref<160xi32, #tpu.memory_space<vmem>>, vector<16xi32>,
    %add3A_168 = arith.constant 3 : i32
    %add3A_169 = vector.broadcast %add3A_168 : i32 to vector<16xi32>
    %add3A_170 = arith.addi %get3A_155, %add3A_169 : vector<16xi32>
    %ge3A_171 = arith.constant 1000000 : i32
    %ge3A_172 = vector.broadcast %ge3A_171 : i32 to vector<16xi32>
    %ge3A_173 = arith.cmpi sge, %add3A_170, %ge3A_172 : vector<16xi32>
    %sub3A_174 = arith.constant 1000000 : i32
    %sub3A_175 = vector.broadcast %sub3A_174 : i32 to vector<16xi32>
    %sub3A_176 = arith.subi %add3A_170, %sub3A_175 : vector<16xi32>
    %select_n3A_177 = arith.select %ge3A_173, %sub3A_176, %add3A_170 : vector<16xi1>, vector<16xi32>
    %swap3A_178 = arith.constant 96 : index
    %swap3A_179 = tpu.vector_load %arg13[%swap3A_178] {strides = array<i32>} : memref<160xi32, #tpu.memory_space<vmem>>, vector<16xi32>,
    tpu.vector_store %arg13[%swap3A_178], %select_n3A_177 {strides = array<i32>} : memref<160xi32, #tpu.memory_space<vmem>>, vector<16xi32>,
    %get3A_180 = arith.constant 112 : index
    %get3A_181 = tpu.vector_load %arg9[%get3A_180] {strides = array<i32>} : memref<6400xi32, #tpu.memory_space<vmem>>, vector<16xi32>,
    %swap3A_182 = arith.constant 112 : index
    %swap3A_183 = tpu.vector_load %arg10[%swap3A_182] {strides = array<i32>} : memref<160xi32, #tpu.memory_space<vmem>>, vector<16xi32>,
    tpu.vector_store %arg10[%swap3A_182], %get3A_181 {strides = array<i32>} : memref<160xi32, #tpu.memory_space<vmem>>, vector<16xi32>,
    %add3A_184 = arith.constant 1000000 : i32
    %add3A_185 = vector.broadcast %add3A_184 : i32 to vector<16xi32>
    %add3A_186 = arith.addi %get3A_181, %add3A_185 : vector<16xi32>
    %swap3A_187 = arith.constant 112 : index
    %swap3A_188 = tpu.vector_load %arg11[%swap3A_187] {strides = array<i32>} : memref<160xi32, #tpu.memory_space<vmem>>, vector<16xi32>,
    tpu.vector_store %arg11[%swap3A_187], %add3A_186 {strides = array<i32>} : memref<160xi32, #tpu.memory_space<vmem>>, vector<16xi32>,
    %add3A_189 = arith.constant 2000000 : i32
    %add3A_190 = vector.broadcast %add3A_189 : i32 to vector<16xi32>
    %add3A_191 = arith.addi %get3A_181, %add3A_190 : vector<16xi32>
    %swap3A_192 = arith.constant 112 : index
    %swap3A_193 = tpu.vector_load %arg12[%swap3A_192] {strides = array<i32>} : memref<160xi32, #tpu.memory_space<vmem>>, vector<16xi32>,
    tpu.vector_store %arg12[%swap3A_192], %add3A_191 {strides = array<i32>} : memref<160xi32, #tpu.memory_space<vmem>>, vector<16xi32>,
    %add3A_194 = arith.constant 3 : i32
    %add3A_195 = vector.broadcast %add3A_194 : i32 to vector<16xi32>
    %add3A_196 = arith.addi %get3A_181, %add3A_195 : vector<16xi32>
    %ge3A_197 = arith.constant 1000000 : i32
    %ge3A_198 = vector.broadcast %ge3A_197 : i32 to vector<16xi32>
    %ge3A_199 = arith.cmpi sge, %add3A_196, %ge3A_198 : vector<16xi32>
    %sub3A_200 = arith.constant 1000000 : i32
    %sub3A_201 = vector.broadcast %sub3A_200 : i32 to vector<16xi32>
    %sub3A_202 = arith.subi %add3A_196, %sub3A_201 : vector<16xi32>
    %select_n3A_203 = arith.select %ge3A_199, %sub3A_202, %add3A_196 : vector<16xi1>, vector<16xi32>
    %swap3A_204 = arith.constant 112 : index
    %swap3A_205 = tpu.vector_load %arg13[%swap3A_204] {strides = array<i32>} : memref<160xi32, #tpu.memory_space<vmem>>, vector<16xi32>,
    tpu.vector_store %arg13[%swap3A_204], %select_n3A_203 {strides = array<i32>} : memref<160xi32, #tpu.memory_space<vmem>>, vector<16xi32>,
    %get3A_206 = arith.constant 128 : index
    %get3A_207 = tpu.vector_load %arg9[%get3A_206] {strides = array<i32>} : memref<6400xi32, #tpu.memory_space<vmem>>, vector<16xi32>,
    %swap3A_208 = arith.constant 128 : index
    %swap3A_209 = tpu.vector_load %arg10[%swap3A_208] {strides = array<i32>} : memref<160xi32, #tpu.memory_space<vmem>>, vector<16xi32>,
    tpu.vector_store %arg10[%swap3A_208], %get3A_207 {strides = array<i32>} : memref<160xi32, #tpu.memory_space<vmem>>, vector<16xi32>,
    %add3A_210 = arith.constant 1000000 : i32
    %add3A_211 = vector.broadcast %add3A_210 : i32 to vector<16xi32>
    %add3A_212 = arith.addi %get3A_207, %add3A_211 : vector<16xi32>
    %swap3A_213 = arith.constant 128 : index
    %swap3A_214 = tpu.vector_load %arg11[%swap3A_213] {strides = array<i32>} : memref<160xi32, #tpu.memory_space<vmem>>, vector<16xi32>,
    tpu.vector_store %arg11[%swap3A_213], %add3A_212 {strides = array<i32>} : memref<160xi32, #tpu.memory_space<vmem>>, vector<16xi32>,
    %add3A_215 = arith.constant 2000000 : i32
    %add3A_216 = vector.broadcast %add3A_215 : i32 to vector<16xi32>
    %add3A_217 = arith.addi %get3A_207, %add3A_216 : vector<16xi32>
    %swap3A_218 = arith.constant 128 : index
    %swap3A_219 = tpu.vector_load %arg12[%swap3A_218] {strides = array<i32>} : memref<160xi32, #tpu.memory_space<vmem>>, vector<16xi32>,
    tpu.vector_store %arg12[%swap3A_218], %add3A_217 {strides = array<i32>} : memref<160xi32, #tpu.memory_space<vmem>>, vector<16xi32>,
    %add3A_220 = arith.constant 3 : i32
    %add3A_221 = vector.broadcast %add3A_220 : i32 to vector<16xi32>
    %add3A_222 = arith.addi %get3A_207, %add3A_221 : vector<16xi32>
    %ge3A_223 = arith.constant 1000000 : i32
    %ge3A_224 = vector.broadcast %ge3A_223 : i32 to vector<16xi32>
    %ge3A_225 = arith.cmpi sge, %add3A_222, %ge3A_224 : vector<16xi32>
    %sub3A_226 = arith.constant 1000000 : i32
    %sub3A_227 = vector.broadcast %sub3A_226 : i32 to vector<16xi32>
    %sub3A_228 = arith.subi %add3A_222, %sub3A_227 : vector<16xi32>
    %select_n3A_229 = arith.select %ge3A_225, %sub3A_228, %add3A_222 : vector<16xi1>, vector<16xi32>
    %swap3A_230 = arith.constant 128 : index
    %swap3A_231 = tpu.vector_load %arg13[%swap3A_230] {strides = array<i32>} : memref<160xi32, #tpu.memory_space<vmem>>, vector<16xi32>,
    tpu.vector_store %arg13[%swap3A_230], %select_n3A_229 {strides = array<i32>} : memref<160xi32, #tpu.memory_space<vmem>>, vector<16xi32>,
    %get3A_232 = arith.constant 144 : index
    %get3A_233 = tpu.vector_load %arg9[%get3A_232] {strides = array<i32>} : memref<6400xi32, #tpu.memory_space<vmem>>, vector<16xi32>,
    %swap3A_234 = arith.constant 144 : index
    %swap3A_235 = tpu.vector_load %arg10[%swap3A_234] {strides = array<i32>} : memref<160xi32, #tpu.memory_space<vmem>>, vector<16xi32>,
    tpu.vector_store %arg10[%swap3A_234], %get3A_233 {strides = array<i32>} : memref<160xi32, #tpu.memory_space<vmem>>, vector<16xi32>,
    %add3A_236 = arith.constant 1000000 : i32
    %add3A_237 = vector.broadcast %add3A_236 : i32 to vector<16xi32>
    %add3A_238 = arith.addi %get3A_233, %add3A_237 : vector<16xi32>
    %swap3A_239 = arith.constant 144 : index
    %swap3A_240 = tpu.vector_load %arg11[%swap3A_239] {strides = array<i32>} : memref<160xi32, #tpu.memory_space<vmem>>, vector<16xi32>,
    tpu.vector_store %arg11[%swap3A_239], %add3A_238 {strides = array<i32>} : memref<160xi32, #tpu.memory_space<vmem>>, vector<16xi32>,
    %add3A_241 = arith.constant 2000000 : i32
    %add3A_242 = vector.broadcast %add3A_241 : i32 to vector<16xi32>
    %add3A_243 = arith.addi %get3A_233, %add3A_242 : vector<16xi32>
    %swap3A_244 = arith.constant 144 : index
    %swap3A_245 = tpu.vector_load %arg12[%swap3A_244] {strides = array<i32>} : memref<160xi32, #tpu.memory_space<vmem>>, vector<16xi32>,
    tpu.vector_store %arg12[%swap3A_244], %add3A_243 {strides = array<i32>} : memref<160xi32, #tpu.memory_space<vmem>>, vector<16xi32>,
    %add3A_246 = arith.constant 3 : i32
    %add3A_247 = vector.broadcast %add3A_246 : i32 to vector<16xi32>
    %add3A_248 = arith.addi %get3A_233, %add3A_247 : vector<16xi32>
    %ge3A_249 = arith.constant 1000000 : i32
    %ge3A_250 = vector.broadcast %ge3A_249 : i32 to vector<16xi32>
    %ge3A_251 = arith.cmpi sge, %add3A_248, %ge3A_250 : vector<16xi32>
    %sub3A_252 = arith.constant 1000000 : i32
    %sub3A_253 = vector.broadcast %sub3A_252 : i32 to vector<16xi32>
    %sub3A_254 = arith.subi %add3A_248, %sub3A_253 : vector<16xi32>
    %select_n3A_255 = arith.select %ge3A_251, %sub3A_254, %add3A_248 : vector<16xi1>, vector<16xi32>
    %swap3A_256 = arith.constant 144 : index
    %swap3A_257 = tpu.vector_load %arg13[%swap3A_256] {strides = array<i32>} : memref<160xi32, #tpu.memory_space<vmem>>, vector<16xi32>,
    tpu.vector_store %arg13[%swap3A_256], %select_n3A_255 {strides = array<i32>} : memref<160xi32, #tpu.memory_space<vmem>>, vector<16xi32>,
    %dma_start3A = arith.constant 0 : i32
    %dma_start3A_258 = tpu.memref_slice %arg3[%dma_start3A] : memref<3000000xi32, #tpu.memory_space<hbm>> -> memref<3000000xi32, #tpu.memory_space<hbm>>
    tpu.enqueue_indirect_dma source(%dma_start3A_258 : memref<3000000xi32, #tpu.memory_space<hbm>>) target(%arg14 : memref<160xi32, #tpu.memory_space<vmem>>) offsets(%arg10 : memref<160xi32, #tpu.memory_space<vmem>>) semaphore(%arg38 : memref<!tpu.dma_semaphore, #tpu.memory_space<semaphore_mem>>)
    %dma_start3A_259 = arith.constant 0 : i32
    %dma_start3A_260 = tpu.memref_slice %arg4[%dma_start3A_259] : memref<1000000xf32, #tpu.memory_space<hbm>> -> memref<1000000xf32, #tpu.memory_space<hbm>>
    tpu.enqueue_indirect_dma source(%dma_start3A_260 : memref<1000000xf32, #tpu.memory_space<hbm>>) target(%arg17 : memref<160xf32, #tpu.memory_space<vmem>>) offsets(%arg13 : memref<160xi32, #tpu.memory_space<vmem>>) semaphore(%arg38 : memref<!tpu.dma_semaphore, #tpu.memory_space<semaphore_mem>>)
    %dma_start3A_261 = arith.constant 0 : i32
    %dma_start3A_262 = tpu.memref_slice %arg3[%dma_start3A_261] : memref<3000000xi32, #tpu.memory_space<hbm>> -> memref<3000000xi32, #tpu.memory_space<hbm>>
    tpu.enqueue_indirect_dma source(%dma_start3A_262 : memref<3000000xi32, #tpu.memory_space<hbm>>) target(%arg15 : memref<160xi32, #tpu.memory_space<vmem>>) offsets(%arg11 : memref<160xi32, #tpu.memory_space<vmem>>) semaphore(%arg38 : memref<!tpu.dma_semaphore, #tpu.memory_space<semaphore_mem>>)
    %dma_start3A_263 = arith.constant 0 : i32
    %dma_start3A_264 = tpu.memref_slice %arg5[%dma_start3A_263] : memref<1000000xf32, #tpu.memory_space<hbm>> -> memref<1000000xf32, #tpu.memory_space<hbm>>
    tpu.enqueue_indirect_dma source(%dma_start3A_264 : memref<1000000xf32, #tpu.memory_space<hbm>>) target(%arg18 : memref<160xf32, #tpu.memory_space<vmem>>) offsets(%arg13 : memref<160xi32, #tpu.memory_space<vmem>>) semaphore(%arg38 : memref<!tpu.dma_semaphore, #tpu.memory_space<semaphore_mem>>)
    %dma_start3A_265 = arith.constant 0 : i32
    %dma_start3A_266 = tpu.memref_slice %arg3[%dma_start3A_265] : memref<3000000xi32, #tpu.memory_space<hbm>> -> memref<3000000xi32, #tpu.memory_space<hbm>>
    tpu.enqueue_indirect_dma source(%dma_start3A_266 : memref<3000000xi32, #tpu.memory_space<hbm>>) target(%arg16 : memref<160xi32, #tpu.memory_space<vmem>>) offsets(%arg12 : memref<160xi32, #tpu.memory_space<vmem>>) semaphore(%arg38 : memref<!tpu.dma_semaphore, #tpu.memory_space<semaphore_mem>>)
    %dma_start3A_267 = arith.constant 0 : i32
    %dma_start3A_268 = tpu.memref_slice %arg6[%dma_start3A_267] : memref<1000000xf32, #tpu.memory_space<hbm>> -> memref<1000000xf32, #tpu.memory_space<hbm>>
    tpu.enqueue_indirect_dma source(%dma_start3A_268 : memref<1000000xf32, #tpu.memory_space<hbm>>) target(%arg19 : memref<160xf32, #tpu.memory_space<vmem>>) offsets(%arg13 : memref<160xi32, #tpu.memory_space<vmem>>) semaphore(%arg38 : memref<!tpu.dma_semaphore, #tpu.memory_space<semaphore_mem>>)
    %get3A_269 = arith.constant 160 : index
    %get3A_270 = tpu.vector_load %arg9[%get3A_269] {strides = array<i32>} : memref<6400xi32, #tpu.memory_space<vmem>>, vector<16xi32>,
    %swap3A_271 = arith.constant 0 : index
    %swap3A_272 = tpu.vector_load %arg24[%swap3A_271] {strides = array<i32>} : memref<160xi32, #tpu.memory_space<vmem>>, vector<16xi32>,
    tpu.vector_store %arg24[%swap3A_271], %get3A_270 {strides = array<i32>} : memref<160xi32, #tpu.memory_space<vmem>>, vector<16xi32>,
    %add3A_273 = arith.constant 1000000 : i32
    %add3A_274 = vector.broadcast %add3A_273 : i32 to vector<16xi32>
    %add3A_275 = arith.addi %get3A_270, %add3A_274 : vector<16xi32>
    %swap3A_276 = arith.constant 0 : index
    %swap3A_277 = tpu.vector_load %arg25[%swap3A_276] {strides = array<i32>} : memref<160xi32, #tpu.memory_space<vmem>>, vector<16xi32>,
    tpu.vector_store %arg25[%swap3A_276], %add3A_275 {strides = array<i32>} : memref<160xi32, #tpu.memory_space<vmem>>, vector<16xi32>,
    %add3A_278 = arith.constant 2000000 : i32
    %add3A_279 = vector.broadcast %add3A_278 : i32 to vector<16xi32>
    %add3A_280 = arith.addi %get3A_270, %add3A_279 : vector<16xi32>
    %swap3A_281 = arith.constant 0 : index
    %swap3A_282 = tpu.vector_load %arg26[%swap3A_281] {strides = array<i32>} : memref<160xi32, #tpu.memory_space<vmem>>, vector<16xi32>,
    tpu.vector_store %arg26[%swap3A_281], %add3A_280 {strides = array<i32>} : memref<160xi32, #tpu.memory_space<vmem>>, vector<16xi32>,
    %add3A_283 = arith.constant 3 : i32
    %add3A_284 = vector.broadcast %add3A_283 : i32 to vector<16xi32>
    %add3A_285 = arith.addi %get3A_270, %add3A_284 : vector<16xi32>
    %ge3A_286 = arith.constant 1000000 : i32
    %ge3A_287 = vector.broadcast %ge3A_286 : i32 to vector<16xi32>
    %ge3A_288 = arith.cmpi sge, %add3A_285, %ge3A_287 : vector<16xi32>
    %sub3A_289 = arith.constant 1000000 : i32
    %sub3A_290 = vector.broadcast %sub3A_289 : i32 to vector<16xi32>
    %sub3A_291 = arith.subi %add3A_285, %sub3A_290 : vector<16xi32>
    %select_n3A_292 = arith.select %ge3A_288, %sub3A_291, %add3A_285 : vector<16xi1>, vector<16xi32>
    %swap3A_293 = arith.constant 0 : index
    %swap3A_294 = tpu.vector_load %arg27[%swap3A_293] {strides = array<i32>} : memref<160xi32, #tpu.memory_space<vmem>>, vector<16xi32>,
    tpu.vector_store %arg27[%swap3A_293], %select_n3A_292 {strides = array<i32>} : memref<160xi32, #tpu.memory_space<vmem>>, vector<16xi32>,
    %get3A_295 = arith.constant 176 : index
    %get3A_296 = tpu.vector_load %arg9[%get3A_295] {strides = array<i32>} : memref<6400xi32, #tpu.memory_space<vmem>>, vector<16xi32>,
    %swap3A_297 = arith.constant 16 : index
    %swap3A_298 = tpu.vector_load %arg24[%swap3A_297] {strides = array<i32>} : memref<160xi32, #tpu.memory_space<vmem>>, vector<16xi32>,
    tpu.vector_store %arg24[%swap3A_297], %get3A_296 {strides = array<i32>} : memref<160xi32, #tpu.memory_space<vmem>>, vector<16xi32>,
    %add3A_299 = arith.constant 1000000 : i32
    %add3A_300 = vector.broadcast %add3A_299 : i32 to vector<16xi32>
    %add3A_301 = arith.addi %get3A_296, %add3A_300 : vector<16xi32>
    %swap3A_302 = arith.constant 16 : index
    %swap3A_303 = tpu.vector_load %arg25[%swap3A_302] {strides = array<i32>} : memref<160xi32, #tpu.memory_space<vmem>>, vector<16xi32>,
    tpu.vector_store %arg25[%swap3A_302], %add3A_301 {strides = array<i32>} : memref<160xi32, #tpu.memory_space<vmem>>, vector<16xi32>,
    %add3A_304 = arith.constant 2000000 : i32
    %add3A_305 = vector.broadcast %add3A_304 : i32 to vector<16xi32>
    %add3A_306 = arith.addi %get3A_296, %add3A_305 : vector<16xi32>
    %swap3A_307 = arith.constant 16 : index
    %swap3A_308 = tpu.vector_load %arg26[%swap3A_307] {strides = array<i32>} : memref<160xi32, #tpu.memory_space<vmem>>, vector<16xi32>,
    tpu.vector_store %arg26[%swap3A_307], %add3A_306 {strides = array<i32>} : memref<160xi32, #tpu.memory_space<vmem>>, vector<16xi32>,
    %add3A_309 = arith.constant 3 : i32
    %add3A_310 = vector.broadcast %add3A_309 : i32 to vector<16xi32>
    %add3A_311 = arith.addi %get3A_296, %add3A_310 : vector<16xi32>
    %ge3A_312 = arith.constant 1000000 : i32
    %ge3A_313 = vector.broadcast %ge3A_312 : i32 to vector<16xi32>
    %ge3A_314 = arith.cmpi sge, %add3A_311, %ge3A_313 : vector<16xi32>
    %sub3A_315 = arith.constant 1000000 : i32
    %sub3A_316 = vector.broadcast %sub3A_315 : i32 to vector<16xi32>
    %sub3A_317 = arith.subi %add3A_311, %sub3A_316 : vector<16xi32>
    %select_n3A_318 = arith.select %ge3A_314, %sub3A_317, %add3A_311 : vector<16xi1>, vector<16xi32>
    %swap3A_319 = arith.constant 16 : index
    %swap3A_320 = tpu.vector_load %arg27[%swap3A_319] {strides = array<i32>} : memref<160xi32, #tpu.memory_space<vmem>>, vector<16xi32>,
    tpu.vector_store %arg27[%swap3A_319], %select_n3A_318 {strides = array<i32>} : memref<160xi32, #tpu.memory_space<vmem>>, vector<16xi32>,
    %get3A_321 = arith.constant 192 : index
    %get3A_322 = tpu.vector_load %arg9[%get3A_321] {strides = array<i32>} : memref<6400xi32, #tpu.memory_space<vmem>>, vector<16xi32>,
    %swap3A_323 = arith.constant 32 : index
    %swap3A_324 = tpu.vector_load %arg24[%swap3A_323] {strides = array<i32>} : memref<160xi32, #tpu.memory_space<vmem>>, vector<16xi32>,
    tpu.vector_store %arg24[%swap3A_323], %get3A_322 {strides = array<i32>} : memref<160xi32, #tpu.memory_space<vmem>>, vector<16xi32>,
    %add3A_325 = arith.constant 1000000 : i32
    %add3A_326 = vector.broadcast %add3A_325 : i32 to vector<16xi32>
    %add3A_327 = arith.addi %get3A_322, %add3A_326 : vector<16xi32>
    %swap3A_328 = arith.constant 32 : index
    %swap3A_329 = tpu.vector_load %arg25[%swap3A_328] {strides = array<i32>} : memref<160xi32, #tpu.memory_space<vmem>>, vector<16xi32>,
    tpu.vector_store %arg25[%swap3A_328], %add3A_327 {strides = array<i32>} : memref<160xi32, #tpu.memory_space<vmem>>, vector<16xi32>,
    %add3A_330 = arith.constant 2000000 : i32
    %add3A_331 = vector.broadcast %add3A_330 : i32 to vector<16xi32>
    %add3A_332 = arith.addi %get3A_322, %add3A_331 : vector<16xi32>
    %swap3A_333 = arith.constant 32 : index
    %swap3A_334 = tpu.vector_load %arg26[%swap3A_333] {strides = array<i32>} : memref<160xi32, #tpu.memory_space<vmem>>, vector<16xi32>,
    tpu.vector_store %arg26[%swap3A_333], %add3A_332 {strides = array<i32>} : memref<160xi32, #tpu.memory_space<vmem>>, vector<16xi32>,
    %add3A_335 = arith.constant 3 : i32
    %add3A_336 = vector.broadcast %add3A_335 : i32 to vector<16xi32>
    %add3A_337 = arith.addi %get3A_322, %add3A_336 : vector<16xi32>
    %ge3A_338 = arith.constant 1000000 : i32
    %ge3A_339 = vector.broadcast %ge3A_338 : i32 to vector<16xi32>
    %ge3A_340 = arith.cmpi sge, %add3A_337, %ge3A_339 : vector<16xi32>
    %sub3A_341 = arith.constant 1000000 : i32
    %sub3A_342 = vector.broadcast %sub3A_341 : i32 to vector<16xi32>
    %sub3A_343 = arith.subi %add3A_337, %sub3A_342 : vector<16xi32>
    %select_n3A_344 = arith.select %ge3A_340, %sub3A_343, %add3A_337 : vector<16xi1>, vector<16xi32>
    %swap3A_345 = arith.constant 32 : index
    %swap3A_346 = tpu.vector_load %arg27[%swap3A_345] {strides = array<i32>} : memref<160xi32, #tpu.memory_space<vmem>>, vector<16xi32>,
    tpu.vector_store %arg27[%swap3A_345], %select_n3A_344 {strides = array<i32>} : memref<160xi32, #tpu.memory_space<vmem>>, vector<16xi32>,
    %get3A_347 = arith.constant 208 : index
    %get3A_348 = tpu.vector_load %arg9[%get3A_347] {strides = array<i32>} : memref<6400xi32, #tpu.memory_space<vmem>>, vector<16xi32>,
    %swap3A_349 = arith.constant 48 : index
    %swap3A_350 = tpu.vector_load %arg24[%swap3A_349] {strides = array<i32>} : memref<160xi32, #tpu.memory_space<vmem>>, vector<16xi32>,
    tpu.vector_store %arg24[%swap3A_349], %get3A_348 {strides = array<i32>} : memref<160xi32, #tpu.memory_space<vmem>>, vector<16xi32>,
    %add3A_351 = arith.constant 1000000 : i32
    %add3A_352 = vector.broadcast %add3A_351 : i32 to vector<16xi32>
    %add3A_353 = arith.addi %get3A_348, %add3A_352 : vector<16xi32>
    %swap3A_354 = arith.constant 48 : index
    %swap3A_355 = tpu.vector_load %arg25[%swap3A_354] {strides = array<i32>} : memref<160xi32, #tpu.memory_space<vmem>>, vector<16xi32>,
    tpu.vector_store %arg25[%swap3A_354], %add3A_353 {strides = array<i32>} : memref<160xi32, #tpu.memory_space<vmem>>, vector<16xi32>,
    %add3A_356 = arith.constant 2000000 : i32
    %add3A_357 = vector.broadcast %add3A_356 : i32 to vector<16xi32>
    %add3A_358 = arith.addi %get3A_348, %add3A_357 : vector<16xi32>
    %swap3A_359 = arith.constant 48 : index
    %swap3A_360 = tpu.vector_load %arg26[%swap3A_359] {strides = array<i32>} : memref<160xi32, #tpu.memory_space<vmem>>, vector<16xi32>,
    tpu.vector_store %arg26[%swap3A_359], %add3A_358 {strides = array<i32>} : memref<160xi32, #tpu.memory_space<vmem>>, vector<16xi32>,
    %add3A_361 = arith.constant 3 : i32
    %add3A_362 = vector.broadcast %add3A_361 : i32 to vector<16xi32>
    %add3A_363 = arith.addi %get3A_348, %add3A_362 : vector<16xi32>
    %ge3A_364 = arith.constant 1000000 : i32
    %ge3A_365 = vector.broadcast %ge3A_364 : i32 to vector<16xi32>
    %ge3A_366 = arith.cmpi sge, %add3A_363, %ge3A_365 : vector<16xi32>
    %sub3A_367 = arith.constant 1000000 : i32
    %sub3A_368 = vector.broadcast %sub3A_367 : i32 to vector<16xi32>
    %sub3A_369 = arith.subi %add3A_363, %sub3A_368 : vector<16xi32>
    %select_n3A_370 = arith.select %ge3A_366, %sub3A_369, %add3A_363 : vector<16xi1>, vector<16xi32>
    %swap3A_371 = arith.constant 48 : index
    %swap3A_372 = tpu.vector_load %arg27[%swap3A_371] {strides = array<i32>} : memref<160xi32, #tpu.memory_space<vmem>>, vector<16xi32>,
    tpu.vector_store %arg27[%swap3A_371], %select_n3A_370 {strides = array<i32>} : memref<160xi32, #tpu.memory_space<vmem>>, vector<16xi32>,
    %get3A_373 = arith.constant 224 : index
    %get3A_374 = tpu.vector_load %arg9[%get3A_373] {strides = array<i32>} : memref<6400xi32, #tpu.memory_space<vmem>>, vector<16xi32>,
    %swap3A_375 = arith.constant 64 : index
    %swap3A_376 = tpu.vector_load %arg24[%swap3A_375] {strides = array<i32>} : memref<160xi32, #tpu.memory_space<vmem>>, vector<16xi32>,
    tpu.vector_store %arg24[%swap3A_375], %get3A_374 {strides = array<i32>} : memref<160xi32, #tpu.memory_space<vmem>>, vector<16xi32>,
    %add3A_377 = arith.constant 1000000 : i32
    %add3A_378 = vector.broadcast %add3A_377 : i32 to vector<16xi32>
    %add3A_379 = arith.addi %get3A_374, %add3A_378 : vector<16xi32>
    %swap3A_380 = arith.constant 64 : index
    %swap3A_381 = tpu.vector_load %arg25[%swap3A_380] {strides = array<i32>} : memref<160xi32, #tpu.memory_space<vmem>>, vector<16xi32>,
    tpu.vector_store %arg25[%swap3A_380], %add3A_379 {strides = array<i32>} : memref<160xi32, #tpu.memory_space<vmem>>, vector<16xi32>,
    %add3A_382 = arith.constant 2000000 : i32
    %add3A_383 = vector.broadcast %add3A_382 : i32 to vector<16xi32>
    %add3A_384 = arith.addi %get3A_374, %add3A_383 : vector<16xi32>
    %swap3A_385 = arith.constant 64 : index
    %swap3A_386 = tpu.vector_load %arg26[%swap3A_385] {strides = array<i32>} : memref<160xi32, #tpu.memory_space<vmem>>, vector<16xi32>,
    tpu.vector_store %arg26[%swap3A_385], %add3A_384 {strides = array<i32>} : memref<160xi32, #tpu.memory_space<vmem>>, vector<16xi32>,
    %add3A_387 = arith.constant 3 : i32
    %add3A_388 = vector.broadcast %add3A_387 : i32 to vector<16xi32>
    %add3A_389 = arith.addi %get3A_374, %add3A_388 : vector<16xi32>
    %ge3A_390 = arith.constant 1000000 : i32
    %ge3A_391 = vector.broadcast %ge3A_390 : i32 to vector<16xi32>
    %ge3A_392 = arith.cmpi sge, %add3A_389, %ge3A_391 : vector<16xi32>
    %sub3A_393 = arith.constant 1000000 : i32
    %sub3A_394 = vector.broadcast %sub3A_393 : i32 to vector<16xi32>
    %sub3A_395 = arith.subi %add3A_389, %sub3A_394 : vector<16xi32>
    %select_n3A_396 = arith.select %ge3A_392, %sub3A_395, %add3A_389 : vector<16xi1>, vector<16xi32>
    %swap3A_397 = arith.constant 64 : index
    %swap3A_398 = tpu.vector_load %arg27[%swap3A_397] {strides = array<i32>} : memref<160xi32, #tpu.memory_space<vmem>>, vector<16xi32>,
    tpu.vector_store %arg27[%swap3A_397], %select_n3A_396 {strides = array<i32>} : memref<160xi32, #tpu.memory_space<vmem>>, vector<16xi32>,
    %get3A_399 = arith.constant 240 : index
    %get3A_400 = tpu.vector_load %arg9[%get3A_399] {strides = array<i32>} : memref<6400xi32, #tpu.memory_space<vmem>>, vector<16xi32>,
    %swap3A_401 = arith.constant 80 : index
    %swap3A_402 = tpu.vector_load %arg24[%swap3A_401] {strides = array<i32>} : memref<160xi32, #tpu.memory_space<vmem>>, vector<16xi32>,
    tpu.vector_store %arg24[%swap3A_401], %get3A_400 {strides = array<i32>} : memref<160xi32, #tpu.memory_space<vmem>>, vector<16xi32>,
    %add3A_403 = arith.constant 1000000 : i32
    %add3A_404 = vector.broadcast %add3A_403 : i32 to vector<16xi32>
    %add3A_405 = arith.addi %get3A_400, %add3A_404 : vector<16xi32>
    %swap3A_406 = arith.constant 80 : index
    %swap3A_407 = tpu.vector_load %arg25[%swap3A_406] {strides = array<i32>} : memref<160xi32, #tpu.memory_space<vmem>>, vector<16xi32>,
    tpu.vector_store %arg25[%swap3A_406], %add3A_405 {strides = array<i32>} : memref<160xi32, #tpu.memory_space<vmem>>, vector<16xi32>,
    %add3A_408 = arith.constant 2000000 : i32
    %add3A_409 = vector.broadcast %add3A_408 : i32 to vector<16xi32>
    %add3A_410 = arith.addi %get3A_400, %add3A_409 : vector<16xi32>
    %swap3A_411 = arith.constant 80 : index
    %swap3A_412 = tpu.vector_load %arg26[%swap3A_411] {strides = array<i32>} : memref<160xi32, #tpu.memory_space<vmem>>, vector<16xi32>,
    tpu.vector_store %arg26[%swap3A_411], %add3A_410 {strides = array<i32>} : memref<160xi32, #tpu.memory_space<vmem>>, vector<16xi32>,
    %add3A_413 = arith.constant 3 : i32
    %add3A_414 = vector.broadcast %add3A_413 : i32 to vector<16xi32>
    %add3A_415 = arith.addi %get3A_400, %add3A_414 : vector<16xi32>
    %ge3A_416 = arith.constant 1000000 : i32
    %ge3A_417 = vector.broadcast %ge3A_416 : i32 to vector<16xi32>
    %ge3A_418 = arith.cmpi sge, %add3A_415, %ge3A_417 : vector<16xi32>
    %sub3A_419 = arith.constant 1000000 : i32
    %sub3A_420 = vector.broadcast %sub3A_419 : i32 to vector<16xi32>
    %sub3A_421 = arith.subi %add3A_415, %sub3A_420 : vector<16xi32>
    %select_n3A_422 = arith.select %ge3A_418, %sub3A_421, %add3A_415 : vector<16xi1>, vector<16xi32>
    %swap3A_423 = arith.constant 80 : index
    %swap3A_424 = tpu.vector_load %arg27[%swap3A_423] {strides = array<i32>} : memref<160xi32, #tpu.memory_space<vmem>>, vector<16xi32>,
    tpu.vector_store %arg27[%swap3A_423], %select_n3A_422 {strides = array<i32>} : memref<160xi32, #tpu.memory_space<vmem>>, vector<16xi32>,
    %get3A_425 = arith.constant 256 : index
    %get3A_426 = tpu.vector_load %arg9[%get3A_425] {strides = array<i32>} : memref<6400xi32, #tpu.memory_space<vmem>>, vector<16xi32>,
    %swap3A_427 = arith.constant 96 : index
    %swap3A_428 = tpu.vector_load %arg24[%swap3A_427] {strides = array<i32>} : memref<160xi32, #tpu.memory_space<vmem>>, vector<16xi32>,
    tpu.vector_store %arg24[%swap3A_427], %get3A_426 {strides = array<i32>} : memref<160xi32, #tpu.memory_space<vmem>>, vector<16xi32>,
    %add3A_429 = arith.constant 1000000 : i32
    %add3A_430 = vector.broadcast %add3A_429 : i32 to vector<16xi32>
    %add3A_431 = arith.addi %get3A_426, %add3A_430 : vector<16xi32>
    %swap3A_432 = arith.constant 96 : index
    %swap3A_433 = tpu.vector_load %arg25[%swap3A_432] {strides = array<i32>} : memref<160xi32, #tpu.memory_space<vmem>>, vector<16xi32>,
    tpu.vector_store %arg25[%swap3A_432], %add3A_431 {strides = array<i32>} : memref<160xi32, #tpu.memory_space<vmem>>, vector<16xi32>,
    %add3A_434 = arith.constant 2000000 : i32
    %add3A_435 = vector.broadcast %add3A_434 : i32 to vector<16xi32>
    %add3A_436 = arith.addi %get3A_426, %add3A_435 : vector<16xi32>
    %swap3A_437 = arith.constant 96 : index
    %swap3A_438 = tpu.vector_load %arg26[%swap3A_437] {strides = array<i32>} : memref<160xi32, #tpu.memory_space<vmem>>, vector<16xi32>,
    tpu.vector_store %arg26[%swap3A_437], %add3A_436 {strides = array<i32>} : memref<160xi32, #tpu.memory_space<vmem>>, vector<16xi32>,
    %add3A_439 = arith.constant 3 : i32
    %add3A_440 = vector.broadcast %add3A_439 : i32 to vector<16xi32>
    %add3A_441 = arith.addi %get3A_426, %add3A_440 : vector<16xi32>
    %ge3A_442 = arith.constant 1000000 : i32
    %ge3A_443 = vector.broadcast %ge3A_442 : i32 to vector<16xi32>
    %ge3A_444 = arith.cmpi sge, %add3A_441, %ge3A_443 : vector<16xi32>
    %sub3A_445 = arith.constant 1000000 : i32
    %sub3A_446 = vector.broadcast %sub3A_445 : i32 to vector<16xi32>
    %sub3A_447 = arith.subi %add3A_441, %sub3A_446 : vector<16xi32>
    %select_n3A_448 = arith.select %ge3A_444, %sub3A_447, %add3A_441 : vector<16xi1>, vector<16xi32>
    %swap3A_449 = arith.constant 96 : index
    %swap3A_450 = tpu.vector_load %arg27[%swap3A_449] {strides = array<i32>} : memref<160xi32, #tpu.memory_space<vmem>>, vector<16xi32>,
    tpu.vector_store %arg27[%swap3A_449], %select_n3A_448 {strides = array<i32>} : memref<160xi32, #tpu.memory_space<vmem>>, vector<16xi32>,
    %get3A_451 = arith.constant 272 : index
    %get3A_452 = tpu.vector_load %arg9[%get3A_451] {strides = array<i32>} : memref<6400xi32, #tpu.memory_space<vmem>>, vector<16xi32>,
    %swap3A_453 = arith.constant 112 : index
    %swap3A_454 = tpu.vector_load %arg24[%swap3A_453] {strides = array<i32>} : memref<160xi32, #tpu.memory_space<vmem>>, vector<16xi32>,
    tpu.vector_store %arg24[%swap3A_453], %get3A_452 {strides = array<i32>} : memref<160xi32, #tpu.memory_space<vmem>>, vector<16xi32>,
    %add3A_455 = arith.constant 1000000 : i32
    %add3A_456 = vector.broadcast %add3A_455 : i32 to vector<16xi32>
    %add3A_457 = arith.addi %get3A_452, %add3A_456 : vector<16xi32>
    %swap3A_458 = arith.constant 112 : index
    %swap3A_459 = tpu.vector_load %arg25[%swap3A_458] {strides = array<i32>} : memref<160xi32, #tpu.memory_space<vmem>>, vector<16xi32>,
    tpu.vector_store %arg25[%swap3A_458], %add3A_457 {strides = array<i32>} : memref<160xi32, #tpu.memory_space<vmem>>, vector<16xi32>,
    %add3A_460 = arith.constant 2000000 : i32
    %add3A_461 = vector.broadcast %add3A_460 : i32 to vector<16xi32>
    %add3A_462 = arith.addi %get3A_452, %add3A_461 : vector<16xi32>
    %swap3A_463 = arith.constant 112 : index
    %swap3A_464 = tpu.vector_load %arg26[%swap3A_463] {strides = array<i32>} : memref<160xi32, #tpu.memory_space<vmem>>, vector<16xi32>,
    tpu.vector_store %arg26[%swap3A_463], %add3A_462 {strides = array<i32>} : memref<160xi32, #tpu.memory_space<vmem>>, vector<16xi32>,
    %add3A_465 = arith.constant 3 : i32
    %add3A_466 = vector.broadcast %add3A_465 : i32 to vector<16xi32>
    %add3A_467 = arith.addi %get3A_452, %add3A_466 : vector<16xi32>
    %ge3A_468 = arith.constant 1000000 : i32
    %ge3A_469 = vector.broadcast %ge3A_468 : i32 to vector<16xi32>
    %ge3A_470 = arith.cmpi sge, %add3A_467, %ge3A_469 : vector<16xi32>
    %sub3A_471 = arith.constant 1000000 : i32
    %sub3A_472 = vector.broadcast %sub3A_471 : i32 to vector<16xi32>
    %sub3A_473 = arith.subi %add3A_467, %sub3A_472 : vector<16xi32>
    %select_n3A_474 = arith.select %ge3A_470, %sub3A_473, %add3A_467 : vector<16xi1>, vector<16xi32>
    %swap3A_475 = arith.constant 112 : index
    %swap3A_476 = tpu.vector_load %arg27[%swap3A_475] {strides = array<i32>} : memref<160xi32, #tpu.memory_space<vmem>>, vector<16xi32>,
    tpu.vector_store %arg27[%swap3A_475], %select_n3A_474 {strides = array<i32>} : memref<160xi32, #tpu.memory_space<vmem>>, vector<16xi32>,
    %get3A_477 = arith.constant 288 : index
    %get3A_478 = tpu.vector_load %arg9[%get3A_477] {strides = array<i32>} : memref<6400xi32, #tpu.memory_space<vmem>>, vector<16xi32>,
    %swap3A_479 = arith.constant 128 : index
    %swap3A_480 = tpu.vector_load %arg24[%swap3A_479] {strides = array<i32>} : memref<160xi32, #tpu.memory_space<vmem>>, vector<16xi32>,
    tpu.vector_store %arg24[%swap3A_479], %get3A_478 {strides = array<i32>} : memref<160xi32, #tpu.memory_space<vmem>>, vector<16xi32>,
    %add3A_481 = arith.constant 1000000 : i32
    %add3A_482 = vector.broadcast %add3A_481 : i32 to vector<16xi32>
    %add3A_483 = arith.addi %get3A_478, %add3A_482 : vector<16xi32>
    %swap3A_484 = arith.constant 128 : index
    %swap3A_485 = tpu.vector_load %arg25[%swap3A_484] {strides = array<i32>} : memref<160xi32, #tpu.memory_space<vmem>>, vector<16xi32>,
    tpu.vector_store %arg25[%swap3A_484], %add3A_483 {strides = array<i32>} : memref<160xi32, #tpu.memory_space<vmem>>, vector<16xi32>,
    %add3A_486 = arith.constant 2000000 : i32
    %add3A_487 = vector.broadcast %add3A_486 : i32 to vector<16xi32>
    %add3A_488 = arith.addi %get3A_478, %add3A_487 : vector<16xi32>
    %swap3A_489 = arith.constant 128 : index
    %swap3A_490 = tpu.vector_load %arg26[%swap3A_489] {strides = array<i32>} : memref<160xi32, #tpu.memory_space<vmem>>, vector<16xi32>,
    tpu.vector_store %arg26[%swap3A_489], %add3A_488 {strides = array<i32>} : memref<160xi32, #tpu.memory_space<vmem>>, vector<16xi32>,
    %add3A_491 = arith.constant 3 : i32
    %add3A_492 = vector.broadcast %add3A_491 : i32 to vector<16xi32>
    %add3A_493 = arith.addi %get3A_478, %add3A_492 : vector<16xi32>
    %ge3A_494 = arith.constant 1000000 : i32
    %ge3A_495 = vector.broadcast %ge3A_494 : i32 to vector<16xi32>
    %ge3A_496 = arith.cmpi sge, %add3A_493, %ge3A_495 : vector<16xi32>
    %sub3A_497 = arith.constant 1000000 : i32
    %sub3A_498 = vector.broadcast %sub3A_497 : i32 to vector<16xi32>
    %sub3A_499 = arith.subi %add3A_493, %sub3A_498 : vector<16xi32>
    %select_n3A_500 = arith.select %ge3A_496, %sub3A_499, %add3A_493 : vector<16xi1>, vector<16xi32>
    %swap3A_501 = arith.constant 128 : index
    %swap3A_502 = tpu.vector_load %arg27[%swap3A_501] {strides = array<i32>} : memref<160xi32, #tpu.memory_space<vmem>>, vector<16xi32>,
    tpu.vector_store %arg27[%swap3A_501], %select_n3A_500 {strides = array<i32>} : memref<160xi32, #tpu.memory_space<vmem>>, vector<16xi32>,
    %get3A_503 = arith.constant 304 : index
    %get3A_504 = tpu.vector_load %arg9[%get3A_503] {strides = array<i32>} : memref<6400xi32, #tpu.memory_space<vmem>>, vector<16xi32>,
    %swap3A_505 = arith.constant 144 : index
    %swap3A_506 = tpu.vector_load %arg24[%swap3A_505] {strides = array<i32>} : memref<160xi32, #tpu.memory_space<vmem>>, vector<16xi32>,
    tpu.vector_store %arg24[%swap3A_505], %get3A_504 {strides = array<i32>} : memref<160xi32, #tpu.memory_space<vmem>>, vector<16xi32>,
    %add3A_507 = arith.constant 1000000 : i32
    %add3A_508 = vector.broadcast %add3A_507 : i32 to vector<16xi32>
    %add3A_509 = arith.addi %get3A_504, %add3A_508 : vector<16xi32>
    %swap3A_510 = arith.constant 144 : index
    %swap3A_511 = tpu.vector_load %arg25[%swap3A_510] {strides = array<i32>} : memref<160xi32, #tpu.memory_space<vmem>>, vector<16xi32>,
    tpu.vector_store %arg25[%swap3A_510], %add3A_509 {strides = array<i32>} : memref<160xi32, #tpu.memory_space<vmem>>, vector<16xi32>,
    %add3A_512 = arith.constant 2000000 : i32
    %add3A_513 = vector.broadcast %add3A_512 : i32 to vector<16xi32>
    %add3A_514 = arith.addi %get3A_504, %add3A_513 : vector<16xi32>
    %swap3A_515 = arith.constant 144 : index
    %swap3A_516 = tpu.vector_load %arg26[%swap3A_515] {strides = array<i32>} : memref<160xi32, #tpu.memory_space<vmem>>, vector<16xi32>,
    tpu.vector_store %arg26[%swap3A_515], %add3A_514 {strides = array<i32>} : memref<160xi32, #tpu.memory_space<vmem>>, vector<16xi32>,
    %add3A_517 = arith.constant 3 : i32
    %add3A_518 = vector.broadcast %add3A_517 : i32 to vector<16xi32>
    %add3A_519 = arith.addi %get3A_504, %add3A_518 : vector<16xi32>
    %ge3A_520 = arith.constant 1000000 : i32
    %ge3A_521 = vector.broadcast %ge3A_520 : i32 to vector<16xi32>
    %ge3A_522 = arith.cmpi sge, %add3A_519, %ge3A_521 : vector<16xi32>
    %sub3A_523 = arith.constant 1000000 : i32
    %sub3A_524 = vector.broadcast %sub3A_523 : i32 to vector<16xi32>
    %sub3A_525 = arith.subi %add3A_519, %sub3A_524 : vector<16xi32>
    %select_n3A_526 = arith.select %ge3A_522, %sub3A_525, %add3A_519 : vector<16xi1>, vector<16xi32>
    %swap3A_527 = arith.constant 144 : index
    %swap3A_528 = tpu.vector_load %arg27[%swap3A_527] {strides = array<i32>} : memref<160xi32, #tpu.memory_space<vmem>>, vector<16xi32>,
    tpu.vector_store %arg27[%swap3A_527], %select_n3A_526 {strides = array<i32>} : memref<160xi32, #tpu.memory_space<vmem>>, vector<16xi32>,
    %dma_start3A_529 = arith.constant 0 : i32
    %dma_start3A_530 = tpu.memref_slice %arg3[%dma_start3A_529] : memref<3000000xi32, #tpu.memory_space<hbm>> -> memref<3000000xi32, #tpu.memory_space<hbm>>
    tpu.enqueue_indirect_dma source(%dma_start3A_530 : memref<3000000xi32, #tpu.memory_space<hbm>>) target(%arg28 : memref<160xi32, #tpu.memory_space<vmem>>) offsets(%arg24 : memref<160xi32, #tpu.memory_space<vmem>>) semaphore(%arg38 : memref<!tpu.dma_semaphore, #tpu.memory_space<semaphore_mem>>)
    %dma_start3A_531 = arith.constant 0 : i32
    %dma_start3A_532 = tpu.memref_slice %arg4[%dma_start3A_531] : memref<1000000xf32, #tpu.memory_space<hbm>> -> memref<1000000xf32, #tpu.memory_space<hbm>>
    tpu.enqueue_indirect_dma source(%dma_start3A_532 : memref<1000000xf32, #tpu.memory_space<hbm>>) target(%arg31 : memref<160xf32, #tpu.memory_space<vmem>>) offsets(%arg27 : memref<160xi32, #tpu.memory_space<vmem>>) semaphore(%arg38 : memref<!tpu.dma_semaphore, #tpu.memory_space<semaphore_mem>>)
    %dma_start3A_533 = arith.constant 0 : i32
    %dma_start3A_534 = tpu.memref_slice %arg3[%dma_start3A_533] : memref<3000000xi32, #tpu.memory_space<hbm>> -> memref<3000000xi32, #tpu.memory_space<hbm>>
    tpu.enqueue_indirect_dma source(%dma_start3A_534 : memref<3000000xi32, #tpu.memory_space<hbm>>) target(%arg29 : memref<160xi32, #tpu.memory_space<vmem>>) offsets(%arg25 : memref<160xi32, #tpu.memory_space<vmem>>) semaphore(%arg38 : memref<!tpu.dma_semaphore, #tpu.memory_space<semaphore_mem>>)
    %dma_start3A_535 = arith.constant 0 : i32
    %dma_start3A_536 = tpu.memref_slice %arg5[%dma_start3A_535] : memref<1000000xf32, #tpu.memory_space<hbm>> -> memref<1000000xf32, #tpu.memory_space<hbm>>
    tpu.enqueue_indirect_dma source(%dma_start3A_536 : memref<1000000xf32, #tpu.memory_space<hbm>>) target(%arg32 : memref<160xf32, #tpu.memory_space<vmem>>) offsets(%arg27 : memref<160xi32, #tpu.memory_space<vmem>>) semaphore(%arg38 : memref<!tpu.dma_semaphore, #tpu.memory_space<semaphore_mem>>)
    %dma_start3A_537 = arith.constant 0 : i32
    %dma_start3A_538 = tpu.memref_slice %arg3[%dma_start3A_537] : memref<3000000xi32, #tpu.memory_space<hbm>> -> memref<3000000xi32, #tpu.memory_space<hbm>>
    tpu.enqueue_indirect_dma source(%dma_start3A_538 : memref<3000000xi32, #tpu.memory_space<hbm>>) target(%arg30 : memref<160xi32, #tpu.memory_space<vmem>>) offsets(%arg26 : memref<160xi32, #tpu.memory_space<vmem>>) semaphore(%arg38 : memref<!tpu.dma_semaphore, #tpu.memory_space<semaphore_mem>>)
    %dma_start3A_539 = arith.constant 0 : i32
    %dma_start3A_540 = tpu.memref_slice %arg6[%dma_start3A_539] : memref<1000000xf32, #tpu.memory_space<hbm>> -> memref<1000000xf32, #tpu.memory_space<hbm>>
    tpu.enqueue_indirect_dma source(%dma_start3A_540 : memref<1000000xf32, #tpu.memory_space<hbm>>) target(%arg33 : memref<160xf32, #tpu.memory_space<vmem>>) offsets(%arg27 : memref<160xi32, #tpu.memory_space<vmem>>) semaphore(%arg38 : memref<!tpu.dma_semaphore, #tpu.memory_space<semaphore_mem>>)
    %dma_wait3A = arith.constant 0 : i32
    %dma_wait3A_541 = tpu.memref_slice %arg3[%dma_wait3A] : memref<3000000xi32, #tpu.memory_space<hbm>> -> memref<3000000xi32, #tpu.memory_space<hbm>>
    tpu.wait_indirect_dma semaphore(%arg38 : memref<!tpu.dma_semaphore, #tpu.memory_space<semaphore_mem>>) src(%dma_wait3A_541 : memref<3000000xi32, #tpu.memory_space<hbm>>) dst(%arg14 : memref<160xi32, #tpu.memory_space<vmem>>)
    %dma_wait3A_542 = arith.constant 0 : i32
    %dma_wait3A_543 = tpu.memref_slice %arg4[%dma_wait3A_542] : memref<1000000xf32, #tpu.memory_space<hbm>> -> memref<1000000xf32, #tpu.memory_space<hbm>>
    tpu.wait_indirect_dma semaphore(%arg38 : memref<!tpu.dma_semaphore, #tpu.memory_space<semaphore_mem>>) src(%dma_wait3A_543 : memref<1000000xf32, #tpu.memory_space<hbm>>) dst(%arg17 : memref<160xf32, #tpu.memory_space<vmem>>)
    %dma_wait3A_544 = arith.constant 0 : i32
    %dma_wait3A_545 = tpu.memref_slice %arg3[%dma_wait3A_544] : memref<3000000xi32, #tpu.memory_space<hbm>> -> memref<3000000xi32, #tpu.memory_space<hbm>>
    tpu.wait_indirect_dma semaphore(%arg38 : memref<!tpu.dma_semaphore, #tpu.memory_space<semaphore_mem>>) src(%dma_wait3A_545 : memref<3000000xi32, #tpu.memory_space<hbm>>) dst(%arg15 : memref<160xi32, #tpu.memory_space<vmem>>)
    %dma_wait3A_546 = arith.constant 0 : i32
    %dma_wait3A_547 = tpu.memref_slice %arg5[%dma_wait3A_546] : memref<1000000xf32, #tpu.memory_space<hbm>> -> memref<1000000xf32, #tpu.memory_space<hbm>>
    tpu.wait_indirect_dma semaphore(%arg38 : memref<!tpu.dma_semaphore, #tpu.memory_space<semaphore_mem>>) src(%dma_wait3A_547 : memref<1000000xf32, #tpu.memory_space<hbm>>) dst(%arg18 : memref<160xf32, #tpu.memory_space<vmem>>)
    %dma_wait3A_548 = arith.constant 0 : i32
    %dma_wait3A_549 = tpu.memref_slice %arg3[%dma_wait3A_548] : memref<3000000xi32, #tpu.memory_space<hbm>> -> memref<3000000xi32, #tpu.memory_space<hbm>>
    tpu.wait_indirect_dma semaphore(%arg38 : memref<!tpu.dma_semaphore, #tpu.memory_space<semaphore_mem>>) src(%dma_wait3A_549 : memref<3000000xi32, #tpu.memory_space<hbm>>) dst(%arg16 : memref<160xi32, #tpu.memory_space<vmem>>)
    %dma_wait3A_550 = arith.constant 0 : i32
    %dma_wait3A_551 = tpu.memref_slice %arg6[%dma_wait3A_550] : memref<1000000xf32, #tpu.memory_space<hbm>> -> memref<1000000xf32, #tpu.memory_space<hbm>>
    tpu.wait_indirect_dma semaphore(%arg38 : memref<!tpu.dma_semaphore, #tpu.memory_space<semaphore_mem>>) src(%dma_wait3A_551 : memref<1000000xf32, #tpu.memory_space<hbm>>) dst(%arg19 : memref<160xf32, #tpu.memory_space<vmem>>)
    %dma_start3A_552 = arith.constant 0 : i32
    %dma_start3A_553 = arith.constant 0 : i32
    %dma_start3A_554 = tpu.memref_slice %arg7[%dma_start3A_552, %dma_start3A_553] : memref<100001x64xf32, #tpu.memory_space<hbm>> -> memref<100001x64xf32, #tpu.memory_space<hbm>>
    tpu.enqueue_indirect_dma source(%dma_start3A_554 : memref<100001x64xf32, #tpu.memory_space<hbm>>) target(%arg20 : memref<160x64xf32, #tpu.memory_space<vmem>>) offsets(%arg14 : memref<160xi32, #tpu.memory_space<vmem>>) semaphore(%arg39 : memref<!tpu.dma_semaphore, #tpu.memory_space<semaphore_mem>>)
    %dma_start3A_555 = arith.constant 0 : i32
    %dma_start3A_556 = arith.constant 0 : i32
    %dma_start3A_557 = tpu.memref_slice %arg7[%dma_start3A_555, %dma_start3A_556] : memref<100001x64xf32, #tpu.memory_space<hbm>> -> memref<100001x64xf32, #tpu.memory_space<hbm>>
    tpu.enqueue_indirect_dma source(%dma_start3A_557 : memref<100001x64xf32, #tpu.memory_space<hbm>>) target(%arg21 : memref<160x64xf32, #tpu.memory_space<vmem>>) offsets(%arg15 : memref<160xi32, #tpu.memory_space<vmem>>) semaphore(%arg39 : memref<!tpu.dma_semaphore, #tpu.memory_space<semaphore_mem>>)
    %dma_start3A_558 = arith.constant 0 : i32
    %dma_start3A_559 = arith.constant 0 : i32
    %dma_start3A_560 = tpu.memref_slice %arg7[%dma_start3A_558, %dma_start3A_559] : memref<100001x64xf32, #tpu.memory_space<hbm>> -> memref<100001x64xf32, #tpu.memory_space<hbm>>
    tpu.enqueue_indirect_dma source(%dma_start3A_560 : memref<100001x64xf32, #tpu.memory_space<hbm>>) target(%arg22 : memref<160x64xf32, #tpu.memory_space<vmem>>) offsets(%arg16 : memref<160xi32, #tpu.memory_space<vmem>>) semaphore(%arg39 : memref<!tpu.dma_semaphore, #tpu.memory_space<semaphore_mem>>)
    %scan3A = arith.constant 0 : i32
    %scan3A_561 = arith.constant 0 : i32
    %scan3A_562 = arith.constant 20 : i32
    %scan3A_563 = arith.addi %scan3A_561, %scan3A_562 : i32
    %scan3A_564 = arith.constant 1 : i32
    scf.for %scan3A_582 = %scan3A_561 to %scan3A_563 step %scan3A_564  : i32 {
      %mul3A_583 = arith.constant 2 : i32
      %mul3A_584 = arith.muli %mul3A_583, %scan3A_582 : i32
      %add3A_585 = arith.constant 0 : i32
      %add3A_586 = arith.addi %mul3A_584, %add3A_585 : i32
      %mul3A_587 = arith.constant 160 : i32
      %mul3A_588 = arith.muli %add3A_586, %mul3A_587 : i32
      %ge3A_589 = arith.constant 2 : i32
      %ge3A_590 = arith.cmpi sge, %add3A_586, %ge3A_589 : i32
      %convert_element_type3A = arith.extui %ge3A_590 : i1 to i32
      %cond3A = arith.constant 0 : i32
      %cond3A_591 = arith.cmpi ne, %convert_element_type3A, %cond3A : i32
      scf.if %cond3A_591 {
        %add3A_684 = arith.addi %mul3A_2, %mul3A_588 : i32
        %sub3A_685 = arith.constant 320 : i32
        %sub3A_686 = arith.subi %add3A_684, %sub3A_685 : i32
        %dma_wait3A_687 = arith.constant 0 : i32
        %dma_wait3A_688 = tpu.memref_slice %arg8[%sub3A_686, %dma_wait3A_687] : memref<204800x64xf32, #tpu.memory_space<hbm>> -> memref<160x64xf32, #tpu.memory_space<hbm>>
        %dma_wait3A_689 = arith.constant 0 : i32
        %dma_wait3A_690 = tpu.memref_slice %arg8[%sub3A_686, %dma_wait3A_689] : memref<204800x64xf32, #tpu.memory_space<hbm>> -> memref<160x64xf32, #tpu.memory_space<hbm>>
        tpu.wait_dma2 semaphore(%arg40 : memref<!tpu.dma_semaphore, #tpu.memory_space<semaphore_mem>>) src(%arg23 : memref<160x64xf32, #tpu.memory_space<vmem>>) dst(%dma_wait3A_690 : memref<160x64xf32, #tpu.memory_space<hbm>>)
      } else {
      }
      %dma_wait3A_592 = arith.constant 0 : i32
      %dma_wait3A_593 = arith.constant 0 : i32
      %dma_wait3A_594 = tpu.memref_slice %arg7[%dma_wait3A_592, %dma_wait3A_593] : memref<100001x64xf32, #tpu.memory_space<hbm>> -> memref<100001x64xf32, #tpu.memory_space<hbm>>
      tpu.wait_indirect_dma semaphore(%arg39 : memref<!tpu.dma_semaphore, #tpu.memory_space<semaphore_mem>>) src(%dma_wait3A_594 : memref<100001x64xf32, #tpu.memory_space<hbm>>) dst(%arg20 : memref<160x64xf32, #tpu.memory_space<vmem>>)
      %dma_wait3A_595 = arith.constant 0 : i32
      %dma_wait3A_596 = arith.constant 0 : i32
      %dma_wait3A_597 = tpu.memref_slice %arg7[%dma_wait3A_595, %dma_wait3A_596] : memref<100001x64xf32, #tpu.memory_space<hbm>> -> memref<100001x64xf32, #tpu.memory_space<hbm>>
      tpu.wait_indirect_dma semaphore(%arg39 : memref<!tpu.dma_semaphore, #tpu.memory_space<semaphore_mem>>) src(%dma_wait3A_597 : memref<100001x64xf32, #tpu.memory_space<hbm>>) dst(%arg21 : memref<160x64xf32, #tpu.memory_space<vmem>>)
      %dma_wait3A_598 = arith.constant 0 : i32
      %dma_wait3A_599 = arith.constant 0 : i32
      %dma_wait3A_600 = tpu.memref_slice %arg7[%dma_wait3A_598, %dma_wait3A_599] : memref<100001x64xf32, #tpu.memory_space<hbm>> -> memref<100001x64xf32, #tpu.memory_space<hbm>>
      tpu.wait_indirect_dma semaphore(%arg39 : memref<!tpu.dma_semaphore, #tpu.memory_space<semaphore_mem>>) src(%dma_wait3A_600 : memref<100001x64xf32, #tpu.memory_space<hbm>>) dst(%arg22 : memref<160x64xf32, #tpu.memory_space<vmem>>)
      %add3A_601 = arith.constant 1 : i32
      %add3A_602 = arith.addi %add3A_586, %add3A_601 : i32
      %lt3A = arith.constant 40 : i32
      %lt3A_603 = arith.cmpi slt, %add3A_602, %lt3A : i32
      %convert_element_type3A_604 = arith.extui %lt3A_603 : i1 to i32
      %cond3A_605 = arith.constant 0 : i32
      %cond3A_606 = arith.cmpi ne, %convert_element_type3A_604, %cond3A_605 : i32
      scf.if %cond3A_606 {
        %dma_wait3A_684 = arith.constant 0 : i32
        %dma_wait3A_685 = tpu.memref_slice %arg3[%dma_wait3A_684] : memref<3000000xi32, #tpu.memory_space<hbm>> -> memref<3000000xi32, #tpu.memory_space<hbm>>
        tpu.wait_indirect_dma semaphore(%arg38 : memref<!tpu.dma_semaphore, #tpu.memory_space<semaphore_mem>>) src(%dma_wait3A_685 : memref<3000000xi32, #tpu.memory_space<hbm>>) dst(%arg28 : memref<160xi32, #tpu.memory_space<vmem>>)
        %dma_wait3A_686 = arith.constant 0 : i32
        %dma_wait3A_687 = tpu.memref_slice %arg4[%dma_wait3A_686] : memref<1000000xf32, #tpu.memory_space<hbm>> -> memref<1000000xf32, #tpu.memory_space<hbm>>
        tpu.wait_indirect_dma semaphore(%arg38 : memref<!tpu.dma_semaphore, #tpu.memory_space<semaphore_mem>>) src(%dma_wait3A_687 : memref<1000000xf32, #tpu.memory_space<hbm>>) dst(%arg31 : memref<160xf32, #tpu.memory_space<vmem>>)
        %dma_wait3A_688 = arith.constant 0 : i32
        %dma_wait3A_689 = tpu.memref_slice %arg3[%dma_wait3A_688] : memref<3000000xi32, #tpu.memory_space<hbm>> -> memref<3000000xi32, #tpu.memory_space<hbm>>
        tpu.wait_indirect_dma semaphore(%arg38 : memref<!tpu.dma_semaphore, #tpu.memory_space<semaphore_mem>>) src(%dma_wait3A_689 : memref<3000000xi32, #tpu.memory_space<hbm>>) dst(%arg29 : memref<160xi32, #tpu.memory_space<vmem>>)
        %dma_wait3A_690 = arith.constant 0 : i32
        %dma_wait3A_691 = tpu.memref_slice %arg5[%dma_wait3A_690] : memref<1000000xf32, #tpu.memory_space<hbm>> -> memref<1000000xf32, #tpu.memory_space<hbm>>
        tpu.wait_indirect_dma semaphore(%arg38 : memref<!tpu.dma_semaphore, #tpu.memory_space<semaphore_mem>>) src(%dma_wait3A_691 : memref<1000000xf32, #tpu.memory_space<hbm>>) dst(%arg32 : memref<160xf32, #tpu.memory_space<vmem>>)
        %dma_wait3A_692 = arith.constant 0 : i32
        %dma_wait3A_693 = tpu.memref_slice %arg3[%dma_wait3A_692] : memref<3000000xi32, #tpu.memory_space<hbm>> -> memref<3000000xi32, #tpu.memory_space<hbm>>
        tpu.wait_indirect_dma semaphore(%arg38 : memref<!tpu.dma_semaphore, #tpu.memory_space<semaphore_mem>>) src(%dma_wait3A_693 : memref<3000000xi32, #tpu.memory_space<hbm>>) dst(%arg30 : memref<160xi32, #tpu.memory_space<vmem>>)
        %dma_wait3A_694 = arith.constant 0 : i32
        %dma_wait3A_695 = tpu.memref_slice %arg6[%dma_wait3A_694] : memref<1000000xf32, #tpu.memory_space<hbm>> -> memref<1000000xf32, #tpu.memory_space<hbm>>
        tpu.wait_indirect_dma semaphore(%arg38 : memref<!tpu.dma_semaphore, #tpu.memory_space<semaphore_mem>>) src(%dma_wait3A_695 : memref<1000000xf32, #tpu.memory_space<hbm>>) dst(%arg33 : memref<160xf32, #tpu.memory_space<vmem>>)
        %dma_start3A_696 = arith.constant 0 : i32
        %dma_start3A_697 = arith.constant 0 : i32
        %dma_start3A_698 = tpu.memref_slice %arg7[%dma_start3A_696, %dma_start3A_697] : memref<100001x64xf32, #tpu.memory_space<hbm>> -> memref<100001x64xf32, #tpu.memory_space<hbm>>
        tpu.enqueue_indirect_dma source(%dma_start3A_698 : memref<100001x64xf32, #tpu.memory_space<hbm>>) target(%arg34 : memref<160x64xf32, #tpu.memory_space<vmem>>) offsets(%arg28 : memref<160xi32, #tpu.memory_space<vmem>>) semaphore(%arg39 : memref<!tpu.dma_semaphore, #tpu.memory_space<semaphore_mem>>)
        %dma_start3A_699 = arith.constant 0 : i32
        %dma_start3A_700 = arith.constant 0 : i32
        %dma_start3A_701 = tpu.memref_slice %arg7[%dma_start3A_699, %dma_start3A_700] : memref<100001x64xf32, #tpu.memory_space<hbm>> -> memref<100001x64xf32, #tpu.memory_space<hbm>>
        tpu.enqueue_indirect_dma source(%dma_start3A_701 : memref<100001x64xf32, #tpu.memory_space<hbm>>) target(%arg35 : memref<160x64xf32, #tpu.memory_space<vmem>>) offsets(%arg29 : memref<160xi32, #tpu.memory_space<vmem>>) semaphore(%arg39 : memref<!tpu.dma_semaphore, #tpu.memory_space<semaphore_mem>>)
        %dma_start3A_702 = arith.constant 0 : i32
        %dma_start3A_703 = arith.constant 0 : i32
        %dma_start3A_704 = tpu.memref_slice %arg7[%dma_start3A_702, %dma_start3A_703] : memref<100001x64xf32, #tpu.memory_space<hbm>> -> memref<100001x64xf32, #tpu.memory_space<hbm>>
        tpu.enqueue_indirect_dma source(%dma_start3A_704 : memref<100001x64xf32, #tpu.memory_space<hbm>>) target(%arg36 : memref<160x64xf32, #tpu.memory_space<vmem>>) offsets(%arg30 : memref<160xi32, #tpu.memory_space<vmem>>) semaphore(%arg39 : memref<!tpu.dma_semaphore, #tpu.memory_space<semaphore_mem>>)
      } else {
      }
      %add3A_607 = arith.constant 2 : i32
      %add3A_608 = arith.addi %add3A_586, %add3A_607 : i32
      %lt3A_609 = arith.constant 40 : i32
      %lt3A_610 = arith.cmpi slt, %add3A_608, %lt3A_609 : i32
      %convert_element_type3A_611 = arith.extui %lt3A_610 : i1 to i32
      %cond3A_612 = arith.constant 0 : i32
      %cond3A_613 = arith.cmpi ne, %convert_element_type3A_611, %cond3A_612 : i32
      scf.if %cond3A_613 {
        %add3A_684 = arith.constant 320 : i32
        %add3A_685 = arith.addi %mul3A_588, %add3A_684 : i32
        %add3A_686 = arith.constant 0 : i32
        %add3A_687 = arith.addi %add3A_685, %add3A_686 : i32
        %get3A_688 = arith.index_cast %add3A_687 : i32 to index
        %get3A_689 = tpu.vector_load %arg9[%get3A_688] {strides = array<i32>} : memref<6400xi32, #tpu.memory_space<vmem>>, vector<16xi32>,
        %swap3A_690 = arith.constant 0 : index
        %swap3A_691 = tpu.vector_load %arg10[%swap3A_690] {strides = array<i32>} : memref<160xi32, #tpu.memory_space<vmem>>, vector<16xi32>,
        tpu.vector_store %arg10[%swap3A_690], %get3A_689 {strides = array<i32>} : memref<160xi32, #tpu.memory_space<vmem>>, vector<16xi32>,
        %add3A_692 = arith.constant 1000000 : i32
        %add3A_693 = vector.broadcast %add3A_692 : i32 to vector<16xi32>
        %add3A_694 = arith.addi %get3A_689, %add3A_693 : vector<16xi32>
        %swap3A_695 = arith.constant 0 : index
        %swap3A_696 = tpu.vector_load %arg11[%swap3A_695] {strides = array<i32>} : memref<160xi32, #tpu.memory_space<vmem>>, vector<16xi32>,
        tpu.vector_store %arg11[%swap3A_695], %add3A_694 {strides = array<i32>} : memref<160xi32, #tpu.memory_space<vmem>>, vector<16xi32>,
        %add3A_697 = arith.constant 2000000 : i32
        %add3A_698 = vector.broadcast %add3A_697 : i32 to vector<16xi32>
        %add3A_699 = arith.addi %get3A_689, %add3A_698 : vector<16xi32>
        %swap3A_700 = arith.constant 0 : index
        %swap3A_701 = tpu.vector_load %arg12[%swap3A_700] {strides = array<i32>} : memref<160xi32, #tpu.memory_space<vmem>>, vector<16xi32>,
        tpu.vector_store %arg12[%swap3A_700], %add3A_699 {strides = array<i32>} : memref<160xi32, #tpu.memory_space<vmem>>, vector<16xi32>,
        %add3A_702 = arith.constant 3 : i32
        %add3A_703 = vector.broadcast %add3A_702 : i32 to vector<16xi32>
        %add3A_704 = arith.addi %get3A_689, %add3A_703 : vector<16xi32>
        %ge3A_705 = arith.constant 1000000 : i32
        %ge3A_706 = vector.broadcast %ge3A_705 : i32 to vector<16xi32>
        %ge3A_707 = arith.cmpi sge, %add3A_704, %ge3A_706 : vector<16xi32>
        %sub3A_708 = arith.constant 1000000 : i32
        %sub3A_709 = vector.broadcast %sub3A_708 : i32 to vector<16xi32>
        %sub3A_710 = arith.subi %add3A_704, %sub3A_709 : vector<16xi32>
        %select_n3A_711 = arith.select %ge3A_707, %sub3A_710, %add3A_704 : vector<16xi1>, vector<16xi32>
        %swap3A_712 = arith.constant 0 : index
        %swap3A_713 = tpu.vector_load %arg13[%swap3A_712] {strides = array<i32>} : memref<160xi32, #tpu.memory_space<vmem>>, vector<16xi32>,
        tpu.vector_store %arg13[%swap3A_712], %select_n3A_711 {strides = array<i32>} : memref<160xi32, #tpu.memory_space<vmem>>, vector<16xi32>,
        %add3A_714 = arith.constant 16 : i32
        %add3A_715 = arith.addi %add3A_685, %add3A_714 : i32
        %get3A_716 = arith.index_cast %add3A_715 : i32 to index
        %get3A_717 = tpu.vector_load %arg9[%get3A_716] {strides = array<i32>} : memref<6400xi32, #tpu.memory_space<vmem>>, vector<16xi32>,
        %swap3A_718 = arith.constant 16 : index
        %swap3A_719 = tpu.vector_load %arg10[%swap3A_718] {strides = array<i32>} : memref<160xi32, #tpu.memory_space<vmem>>, vector<16xi32>,
        tpu.vector_store %arg10[%swap3A_718], %get3A_717 {strides = array<i32>} : memref<160xi32, #tpu.memory_space<vmem>>, vector<16xi32>,
        %add3A_720 = arith.constant 1000000 : i32
        %add3A_721 = vector.broadcast %add3A_720 : i32 to vector<16xi32>
        %add3A_722 = arith.addi %get3A_717, %add3A_721 : vector<16xi32>
        %swap3A_723 = arith.constant 16 : index
        %swap3A_724 = tpu.vector_load %arg11[%swap3A_723] {strides = array<i32>} : memref<160xi32, #tpu.memory_space<vmem>>, vector<16xi32>,
        tpu.vector_store %arg11[%swap3A_723], %add3A_722 {strides = array<i32>} : memref<160xi32, #tpu.memory_space<vmem>>, vector<16xi32>,
        %add3A_725 = arith.constant 2000000 : i32
        %add3A_726 = vector.broadcast %add3A_725 : i32 to vector<16xi32>
        %add3A_727 = arith.addi %get3A_717, %add3A_726 : vector<16xi32>
        %swap3A_728 = arith.constant 16 : index
        %swap3A_729 = tpu.vector_load %arg12[%swap3A_728] {strides = array<i32>} : memref<160xi32, #tpu.memory_space<vmem>>, vector<16xi32>,
        tpu.vector_store %arg12[%swap3A_728], %add3A_727 {strides = array<i32>} : memref<160xi32, #tpu.memory_space<vmem>>, vector<16xi32>,
        %add3A_730 = arith.constant 3 : i32
        %add3A_731 = vector.broadcast %add3A_730 : i32 to vector<16xi32>
        %add3A_732 = arith.addi %get3A_717, %add3A_731 : vector<16xi32>
        %ge3A_733 = arith.constant 1000000 : i32
        %ge3A_734 = vector.broadcast %ge3A_733 : i32 to vector<16xi32>
        %ge3A_735 = arith.cmpi sge, %add3A_732, %ge3A_734 : vector<16xi32>
        %sub3A_736 = arith.constant 1000000 : i32
        %sub3A_737 = vector.broadcast %sub3A_736 : i32 to vector<16xi32>
        %sub3A_738 = arith.subi %add3A_732, %sub3A_737 : vector<16xi32>
        %select_n3A_739 = arith.select %ge3A_735, %sub3A_738, %add3A_732 : vector<16xi1>, vector<16xi32>
        %swap3A_740 = arith.constant 16 : index
        %swap3A_741 = tpu.vector_load %arg13[%swap3A_740] {strides = array<i32>} : memref<160xi32, #tpu.memory_space<vmem>>, vector<16xi32>,
        tpu.vector_store %arg13[%swap3A_740], %select_n3A_739 {strides = array<i32>} : memref<160xi32, #tpu.memory_space<vmem>>, vector<16xi32>,
        %add3A_742 = arith.constant 32 : i32
        %add3A_743 = arith.addi %add3A_685, %add3A_742 : i32
        %get3A_744 = arith.index_cast %add3A_743 : i32 to index
        %get3A_745 = tpu.vector_load %arg9[%get3A_744] {strides = array<i32>} : memref<6400xi32, #tpu.memory_space<vmem>>, vector<16xi32>,
        %swap3A_746 = arith.constant 32 : index
        %swap3A_747 = tpu.vector_load %arg10[%swap3A_746] {strides = array<i32>} : memref<160xi32, #tpu.memory_space<vmem>>, vector<16xi32>,
        tpu.vector_store %arg10[%swap3A_746], %get3A_745 {strides = array<i32>} : memref<160xi32, #tpu.memory_space<vmem>>, vector<16xi32>,
        %add3A_748 = arith.constant 1000000 : i32
        %add3A_749 = vector.broadcast %add3A_748 : i32 to vector<16xi32>
        %add3A_750 = arith.addi %get3A_745, %add3A_749 : vector<16xi32>
        %swap3A_751 = arith.constant 32 : index
        %swap3A_752 = tpu.vector_load %arg11[%swap3A_751] {strides = array<i32>} : memref<160xi32, #tpu.memory_space<vmem>>, vector<16xi32>,
        tpu.vector_store %arg11[%swap3A_751], %add3A_750 {strides = array<i32>} : memref<160xi32, #tpu.memory_space<vmem>>, vector<16xi32>,
        %add3A_753 = arith.constant 2000000 : i32
        %add3A_754 = vector.broadcast %add3A_753 : i32 to vector<16xi32>
        %add3A_755 = arith.addi %get3A_745, %add3A_754 : vector<16xi32>
        %swap3A_756 = arith.constant 32 : index
        %swap3A_757 = tpu.vector_load %arg12[%swap3A_756] {strides = array<i32>} : memref<160xi32, #tpu.memory_space<vmem>>, vector<16xi32>,
        tpu.vector_store %arg12[%swap3A_756], %add3A_755 {strides = array<i32>} : memref<160xi32, #tpu.memory_space<vmem>>, vector<16xi32>,
        %add3A_758 = arith.constant 3 : i32
        %add3A_759 = vector.broadcast %add3A_758 : i32 to vector<16xi32>
        %add3A_760 = arith.addi %get3A_745, %add3A_759 : vector<16xi32>
        %ge3A_761 = arith.constant 1000000 : i32
        %ge3A_762 = vector.broadcast %ge3A_761 : i32 to vector<16xi32>
        %ge3A_763 = arith.cmpi sge, %add3A_760, %ge3A_762 : vector<16xi32>
        %sub3A_764 = arith.constant 1000000 : i32
        %sub3A_765 = vector.broadcast %sub3A_764 : i32 to vector<16xi32>
        %sub3A_766 = arith.subi %add3A_760, %sub3A_765 : vector<16xi32>
        %select_n3A_767 = arith.select %ge3A_763, %sub3A_766, %add3A_760 : vector<16xi1>, vector<16xi32>
        %swap3A_768 = arith.constant 32 : index
        %swap3A_769 = tpu.vector_load %arg13[%swap3A_768] {strides = array<i32>} : memref<160xi32, #tpu.memory_space<vmem>>, vector<16xi32>,
        tpu.vector_store %arg13[%swap3A_768], %select_n3A_767 {strides = array<i32>} : memref<160xi32, #tpu.memory_space<vmem>>, vector<16xi32>,
        %add3A_770 = arith.constant 48 : i32
        %add3A_771 = arith.addi %add3A_685, %add3A_770 : i32
        %get3A_772 = arith.index_cast %add3A_771 : i32 to index
        %get3A_773 = tpu.vector_load %arg9[%get3A_772] {strides = array<i32>} : memref<6400xi32, #tpu.memory_space<vmem>>, vector<16xi32>,
        %swap3A_774 = arith.constant 48 : index
        %swap3A_775 = tpu.vector_load %arg10[%swap3A_774] {strides = array<i32>} : memref<160xi32, #tpu.memory_space<vmem>>, vector<16xi32>,
        tpu.vector_store %arg10[%swap3A_774], %get3A_773 {strides = array<i32>} : memref<160xi32, #tpu.memory_space<vmem>>, vector<16xi32>,
        %add3A_776 = arith.constant 1000000 : i32
        %add3A_777 = vector.broadcast %add3A_776 : i32 to vector<16xi32>
        %add3A_778 = arith.addi %get3A_773, %add3A_777 : vector<16xi32>
        %swap3A_779 = arith.constant 48 : index
        %swap3A_780 = tpu.vector_load %arg11[%swap3A_779] {strides = array<i32>} : memref<160xi32, #tpu.memory_space<vmem>>, vector<16xi32>,
        tpu.vector_store %arg11[%swap3A_779], %add3A_778 {strides = array<i32>} : memref<160xi32, #tpu.memory_space<vmem>>, vector<16xi32>,
        %add3A_781 = arith.constant 2000000 : i32
        %add3A_782 = vector.broadcast %add3A_781 : i32 to vector<16xi32>
        %add3A_783 = arith.addi %get3A_773, %add3A_782 : vector<16xi32>
        %swap3A_784 = arith.constant 48 : index
        %swap3A_785 = tpu.vector_load %arg12[%swap3A_784] {strides = array<i32>} : memref<160xi32, #tpu.memory_space<vmem>>, vector<16xi32>,
        tpu.vector_store %arg12[%swap3A_784], %add3A_783 {strides = array<i32>} : memref<160xi32, #tpu.memory_space<vmem>>, vector<16xi32>,
        %add3A_786 = arith.constant 3 : i32
        %add3A_787 = vector.broadcast %add3A_786 : i32 to vector<16xi32>
        %add3A_788 = arith.addi %get3A_773, %add3A_787 : vector<16xi32>
        %ge3A_789 = arith.constant 1000000 : i32
        %ge3A_790 = vector.broadcast %ge3A_789 : i32 to vector<16xi32>
        %ge3A_791 = arith.cmpi sge, %add3A_788, %ge3A_790 : vector<16xi32>
        %sub3A_792 = arith.constant 1000000 : i32
        %sub3A_793 = vector.broadcast %sub3A_792 : i32 to vector<16xi32>
        %sub3A_794 = arith.subi %add3A_788, %sub3A_793 : vector<16xi32>
        %select_n3A_795 = arith.select %ge3A_791, %sub3A_794, %add3A_788 : vector<16xi1>, vector<16xi32>
        %swap3A_796 = arith.constant 48 : index
        %swap3A_797 = tpu.vector_load %arg13[%swap3A_796] {strides = array<i32>} : memref<160xi32, #tpu.memory_space<vmem>>, vector<16xi32>,
        tpu.vector_store %arg13[%swap3A_796], %select_n3A_795 {strides = array<i32>} : memref<160xi32, #tpu.memory_space<vmem>>, vector<16xi32>,
        %add3A_798 = arith.constant 64 : i32
        %add3A_799 = arith.addi %add3A_685, %add3A_798 : i32
        %get3A_800 = arith.index_cast %add3A_799 : i32 to index
        %get3A_801 = tpu.vector_load %arg9[%get3A_800] {strides = array<i32>} : memref<6400xi32, #tpu.memory_space<vmem>>, vector<16xi32>,
        %swap3A_802 = arith.constant 64 : index
        %swap3A_803 = tpu.vector_load %arg10[%swap3A_802] {strides = array<i32>} : memref<160xi32, #tpu.memory_space<vmem>>, vector<16xi32>,
        tpu.vector_store %arg10[%swap3A_802], %get3A_801 {strides = array<i32>} : memref<160xi32, #tpu.memory_space<vmem>>, vector<16xi32>,
        %add3A_804 = arith.constant 1000000 : i32
        %add3A_805 = vector.broadcast %add3A_804 : i32 to vector<16xi32>
        %add3A_806 = arith.addi %get3A_801, %add3A_805 : vector<16xi32>
        %swap3A_807 = arith.constant 64 : index
        %swap3A_808 = tpu.vector_load %arg11[%swap3A_807] {strides = array<i32>} : memref<160xi32, #tpu.memory_space<vmem>>, vector<16xi32>,
        tpu.vector_store %arg11[%swap3A_807], %add3A_806 {strides = array<i32>} : memref<160xi32, #tpu.memory_space<vmem>>, vector<16xi32>,
        %add3A_809 = arith.constant 2000000 : i32
        %add3A_810 = vector.broadcast %add3A_809 : i32 to vector<16xi32>
        %add3A_811 = arith.addi %get3A_801, %add3A_810 : vector<16xi32>
        %swap3A_812 = arith.constant 64 : index
        %swap3A_813 = tpu.vector_load %arg12[%swap3A_812] {strides = array<i32>} : memref<160xi32, #tpu.memory_space<vmem>>, vector<16xi32>,
        tpu.vector_store %arg12[%swap3A_812], %add3A_811 {strides = array<i32>} : memref<160xi32, #tpu.memory_space<vmem>>, vector<16xi32>,
        %add3A_814 = arith.constant 3 : i32
        %add3A_815 = vector.broadcast %add3A_814 : i32 to vector<16xi32>
        %add3A_816 = arith.addi %get3A_801, %add3A_815 : vector<16xi32>
        %ge3A_817 = arith.constant 1000000 : i32
        %ge3A_818 = vector.broadcast %ge3A_817 : i32 to vector<16xi32>
        %ge3A_819 = arith.cmpi sge, %add3A_816, %ge3A_818 : vector<16xi32>
        %sub3A_820 = arith.constant 1000000 : i32
        %sub3A_821 = vector.broadcast %sub3A_820 : i32 to vector<16xi32>
        %sub3A_822 = arith.subi %add3A_816, %sub3A_821 : vector<16xi32>
        %select_n3A_823 = arith.select %ge3A_819, %sub3A_822, %add3A_816 : vector<16xi1>, vector<16xi32>
        %swap3A_824 = arith.constant 64 : index
        %swap3A_825 = tpu.vector_load %arg13[%swap3A_824] {strides = array<i32>} : memref<160xi32, #tpu.memory_space<vmem>>, vector<16xi32>,
        tpu.vector_store %arg13[%swap3A_824], %select_n3A_823 {strides = array<i32>} : memref<160xi32, #tpu.memory_space<vmem>>, vector<16xi32>,
        %add3A_826 = arith.constant 80 : i32
        %add3A_827 = arith.addi %add3A_685, %add3A_826 : i32
        %get3A_828 = arith.index_cast %add3A_827 : i32 to index
        %get3A_829 = tpu.vector_load %arg9[%get3A_828] {strides = array<i32>} : memref<6400xi32, #tpu.memory_space<vmem>>, vector<16xi32>,
        %swap3A_830 = arith.constant 80 : index
        %swap3A_831 = tpu.vector_load %arg10[%swap3A_830] {strides = array<i32>} : memref<160xi32, #tpu.memory_space<vmem>>, vector<16xi32>,
        tpu.vector_store %arg10[%swap3A_830], %get3A_829 {strides = array<i32>} : memref<160xi32, #tpu.memory_space<vmem>>, vector<16xi32>,
        %add3A_832 = arith.constant 1000000 : i32
        %add3A_833 = vector.broadcast %add3A_832 : i32 to vector<16xi32>
        %add3A_834 = arith.addi %get3A_829, %add3A_833 : vector<16xi32>
        %swap3A_835 = arith.constant 80 : index
        %swap3A_836 = tpu.vector_load %arg11[%swap3A_835] {strides = array<i32>} : memref<160xi32, #tpu.memory_space<vmem>>, vector<16xi32>,
        tpu.vector_store %arg11[%swap3A_835], %add3A_834 {strides = array<i32>} : memref<160xi32, #tpu.memory_space<vmem>>, vector<16xi32>,
        %add3A_837 = arith.constant 2000000 : i32
        %add3A_838 = vector.broadcast %add3A_837 : i32 to vector<16xi32>
        %add3A_839 = arith.addi %get3A_829, %add3A_838 : vector<16xi32>
        %swap3A_840 = arith.constant 80 : index
        %swap3A_841 = tpu.vector_load %arg12[%swap3A_840] {strides = array<i32>} : memref<160xi32, #tpu.memory_space<vmem>>, vector<16xi32>,
        tpu.vector_store %arg12[%swap3A_840], %add3A_839 {strides = array<i32>} : memref<160xi32, #tpu.memory_space<vmem>>, vector<16xi32>,
        %add3A_842 = arith.constant 3 : i32
        %add3A_843 = vector.broadcast %add3A_842 : i32 to vector<16xi32>
        %add3A_844 = arith.addi %get3A_829, %add3A_843 : vector<16xi32>
        %ge3A_845 = arith.constant 1000000 : i32
        %ge3A_846 = vector.broadcast %ge3A_845 : i32 to vector<16xi32>
        %ge3A_847 = arith.cmpi sge, %add3A_844, %ge3A_846 : vector<16xi32>
        %sub3A_848 = arith.constant 1000000 : i32
        %sub3A_849 = vector.broadcast %sub3A_848 : i32 to vector<16xi32>
        %sub3A_850 = arith.subi %add3A_844, %sub3A_849 : vector<16xi32>
        %select_n3A_851 = arith.select %ge3A_847, %sub3A_850, %add3A_844 : vector<16xi1>, vector<16xi32>
        %swap3A_852 = arith.constant 80 : index
        %swap3A_853 = tpu.vector_load %arg13[%swap3A_852] {strides = array<i32>} : memref<160xi32, #tpu.memory_space<vmem>>, vector<16xi32>,
        tpu.vector_store %arg13[%swap3A_852], %select_n3A_851 {strides = array<i32>} : memref<160xi32, #tpu.memory_space<vmem>>, vector<16xi32>,
        %add3A_854 = arith.constant 96 : i32
        %add3A_855 = arith.addi %add3A_685, %add3A_854 : i32
        %get3A_856 = arith.index_cast %add3A_855 : i32 to index
        %get3A_857 = tpu.vector_load %arg9[%get3A_856] {strides = array<i32>} : memref<6400xi32, #tpu.memory_space<vmem>>, vector<16xi32>,
        %swap3A_858 = arith.constant 96 : index
        %swap3A_859 = tpu.vector_load %arg10[%swap3A_858] {strides = array<i32>} : memref<160xi32, #tpu.memory_space<vmem>>, vector<16xi32>,
        tpu.vector_store %arg10[%swap3A_858], %get3A_857 {strides = array<i32>} : memref<160xi32, #tpu.memory_space<vmem>>, vector<16xi32>,
        %add3A_860 = arith.constant 1000000 : i32
        %add3A_861 = vector.broadcast %add3A_860 : i32 to vector<16xi32>
        %add3A_862 = arith.addi %get3A_857, %add3A_861 : vector<16xi32>
        %swap3A_863 = arith.constant 96 : index
        %swap3A_864 = tpu.vector_load %arg11[%swap3A_863] {strides = array<i32>} : memref<160xi32, #tpu.memory_space<vmem>>, vector<16xi32>,
        tpu.vector_store %arg11[%swap3A_863], %add3A_862 {strides = array<i32>} : memref<160xi32, #tpu.memory_space<vmem>>, vector<16xi32>,
        %add3A_865 = arith.constant 2000000 : i32
        %add3A_866 = vector.broadcast %add3A_865 : i32 to vector<16xi32>
        %add3A_867 = arith.addi %get3A_857, %add3A_866 : vector<16xi32>
        %swap3A_868 = arith.constant 96 : index
        %swap3A_869 = tpu.vector_load %arg12[%swap3A_868] {strides = array<i32>} : memref<160xi32, #tpu.memory_space<vmem>>, vector<16xi32>,
        tpu.vector_store %arg12[%swap3A_868], %add3A_867 {strides = array<i32>} : memref<160xi32, #tpu.memory_space<vmem>>, vector<16xi32>,
        %add3A_870 = arith.constant 3 : i32
        %add3A_871 = vector.broadcast %add3A_870 : i32 to vector<16xi32>
        %add3A_872 = arith.addi %get3A_857, %add3A_871 : vector<16xi32>
        %ge3A_873 = arith.constant 1000000 : i32
        %ge3A_874 = vector.broadcast %ge3A_873 : i32 to vector<16xi32>
        %ge3A_875 = arith.cmpi sge, %add3A_872, %ge3A_874 : vector<16xi32>
        %sub3A_876 = arith.constant 1000000 : i32
        %sub3A_877 = vector.broadcast %sub3A_876 : i32 to vector<16xi32>
        %sub3A_878 = arith.subi %add3A_872, %sub3A_877 : vector<16xi32>
        %select_n3A_879 = arith.select %ge3A_875, %sub3A_878, %add3A_872 : vector<16xi1>, vector<16xi32>
        %swap3A_880 = arith.constant 96 : index
        %swap3A_881 = tpu.vector_load %arg13[%swap3A_880] {strides = array<i32>} : memref<160xi32, #tpu.memory_space<vmem>>, vector<16xi32>,
        tpu.vector_store %arg13[%swap3A_880], %select_n3A_879 {strides = array<i32>} : memref<160xi32, #tpu.memory_space<vmem>>, vector<16xi32>,
        %add3A_882 = arith.constant 112 : i32
        %add3A_883 = arith.addi %add3A_685, %add3A_882 : i32
        %get3A_884 = arith.index_cast %add3A_883 : i32 to index
        %get3A_885 = tpu.vector_load %arg9[%get3A_884] {strides = array<i32>} : memref<6400xi32, #tpu.memory_space<vmem>>, vector<16xi32>,
        %swap3A_886 = arith.constant 112 : index
        %swap3A_887 = tpu.vector_load %arg10[%swap3A_886] {strides = array<i32>} : memref<160xi32, #tpu.memory_space<vmem>>, vector<16xi32>,
        tpu.vector_store %arg10[%swap3A_886], %get3A_885 {strides = array<i32>} : memref<160xi32, #tpu.memory_space<vmem>>, vector<16xi32>,
        %add3A_888 = arith.constant 1000000 : i32
        %add3A_889 = vector.broadcast %add3A_888 : i32 to vector<16xi32>
        %add3A_890 = arith.addi %get3A_885, %add3A_889 : vector<16xi32>
        %swap3A_891 = arith.constant 112 : index
        %swap3A_892 = tpu.vector_load %arg11[%swap3A_891] {strides = array<i32>} : memref<160xi32, #tpu.memory_space<vmem>>, vector<16xi32>,
        tpu.vector_store %arg11[%swap3A_891], %add3A_890 {strides = array<i32>} : memref<160xi32, #tpu.memory_space<vmem>>, vector<16xi32>,
        %add3A_893 = arith.constant 2000000 : i32
        %add3A_894 = vector.broadcast %add3A_893 : i32 to vector<16xi32>
        %add3A_895 = arith.addi %get3A_885, %add3A_894 : vector<16xi32>
        %swap3A_896 = arith.constant 112 : index
        %swap3A_897 = tpu.vector_load %arg12[%swap3A_896] {strides = array<i32>} : memref<160xi32, #tpu.memory_space<vmem>>, vector<16xi32>,
        tpu.vector_store %arg12[%swap3A_896], %add3A_895 {strides = array<i32>} : memref<160xi32, #tpu.memory_space<vmem>>, vector<16xi32>,
        %add3A_898 = arith.constant 3 : i32
        %add3A_899 = vector.broadcast %add3A_898 : i32 to vector<16xi32>
        %add3A_900 = arith.addi %get3A_885, %add3A_899 : vector<16xi32>
        %ge3A_901 = arith.constant 1000000 : i32
        %ge3A_902 = vector.broadcast %ge3A_901 : i32 to vector<16xi32>
        %ge3A_903 = arith.cmpi sge, %add3A_900, %ge3A_902 : vector<16xi32>
        %sub3A_904 = arith.constant 1000000 : i32
        %sub3A_905 = vector.broadcast %sub3A_904 : i32 to vector<16xi32>
        %sub3A_906 = arith.subi %add3A_900, %sub3A_905 : vector<16xi32>
        %select_n3A_907 = arith.select %ge3A_903, %sub3A_906, %add3A_900 : vector<16xi1>, vector<16xi32>
        %swap3A_908 = arith.constant 112 : index
        %swap3A_909 = tpu.vector_load %arg13[%swap3A_908] {strides = array<i32>} : memref<160xi32, #tpu.memory_space<vmem>>, vector<16xi32>,
        tpu.vector_store %arg13[%swap3A_908], %select_n3A_907 {strides = array<i32>} : memref<160xi32, #tpu.memory_space<vmem>>, vector<16xi32>,
        %add3A_910 = arith.constant 128 : i32
        %add3A_911 = arith.addi %add3A_685, %add3A_910 : i32
        %get3A_912 = arith.index_cast %add3A_911 : i32 to index
        %get3A_913 = tpu.vector_load %arg9[%get3A_912] {strides = array<i32>} : memref<6400xi32, #tpu.memory_space<vmem>>, vector<16xi32>,
        %swap3A_914 = arith.constant 128 : index
        %swap3A_915 = tpu.vector_load %arg10[%swap3A_914] {strides = array<i32>} : memref<160xi32, #tpu.memory_space<vmem>>, vector<16xi32>,
        tpu.vector_store %arg10[%swap3A_914], %get3A_913 {strides = array<i32>} : memref<160xi32, #tpu.memory_space<vmem>>, vector<16xi32>,
        %add3A_916 = arith.constant 1000000 : i32
        %add3A_917 = vector.broadcast %add3A_916 : i32 to vector<16xi32>
        %add3A_918 = arith.addi %get3A_913, %add3A_917 : vector<16xi32>
        %swap3A_919 = arith.constant 128 : index
        %swap3A_920 = tpu.vector_load %arg11[%swap3A_919] {strides = array<i32>} : memref<160xi32, #tpu.memory_space<vmem>>, vector<16xi32>,
        tpu.vector_store %arg11[%swap3A_919], %add3A_918 {strides = array<i32>} : memref<160xi32, #tpu.memory_space<vmem>>, vector<16xi32>,
        %add3A_921 = arith.constant 2000000 : i32
        %add3A_922 = vector.broadcast %add3A_921 : i32 to vector<16xi32>
        %add3A_923 = arith.addi %get3A_913, %add3A_922 : vector<16xi32>
        %swap3A_924 = arith.constant 128 : index
        %swap3A_925 = tpu.vector_load %arg12[%swap3A_924] {strides = array<i32>} : memref<160xi32, #tpu.memory_space<vmem>>, vector<16xi32>,
        tpu.vector_store %arg12[%swap3A_924], %add3A_923 {strides = array<i32>} : memref<160xi32, #tpu.memory_space<vmem>>, vector<16xi32>,
        %add3A_926 = arith.constant 3 : i32
        %add3A_927 = vector.broadcast %add3A_926 : i32 to vector<16xi32>
        %add3A_928 = arith.addi %get3A_913, %add3A_927 : vector<16xi32>
        %ge3A_929 = arith.constant 1000000 : i32
        %ge3A_930 = vector.broadcast %ge3A_929 : i32 to vector<16xi32>
        %ge3A_931 = arith.cmpi sge, %add3A_928, %ge3A_930 : vector<16xi32>
        %sub3A_932 = arith.constant 1000000 : i32
        %sub3A_933 = vector.broadcast %sub3A_932 : i32 to vector<16xi32>
        %sub3A_934 = arith.subi %add3A_928, %sub3A_933 : vector<16xi32>
        %select_n3A_935 = arith.select %ge3A_931, %sub3A_934, %add3A_928 : vector<16xi1>, vector<16xi32>
        %swap3A_936 = arith.constant 128 : index
        %swap3A_937 = tpu.vector_load %arg13[%swap3A_936] {strides = array<i32>} : memref<160xi32, #tpu.memory_space<vmem>>, vector<16xi32>,
        tpu.vector_store %arg13[%swap3A_936], %select_n3A_935 {strides = array<i32>} : memref<160xi32, #tpu.memory_space<vmem>>, vector<16xi32>,
        %add3A_938 = arith.constant 144 : i32
        %add3A_939 = arith.addi %add3A_685, %add3A_938 : i32
        %get3A_940 = arith.index_cast %add3A_939 : i32 to index
        %get3A_941 = tpu.vector_load %arg9[%get3A_940] {strides = array<i32>} : memref<6400xi32, #tpu.memory_space<vmem>>, vector<16xi32>,
        %swap3A_942 = arith.constant 144 : index
        %swap3A_943 = tpu.vector_load %arg10[%swap3A_942] {strides = array<i32>} : memref<160xi32, #tpu.memory_space<vmem>>, vector<16xi32>,
        tpu.vector_store %arg10[%swap3A_942], %get3A_941 {strides = array<i32>} : memref<160xi32, #tpu.memory_space<vmem>>, vector<16xi32>,
        %add3A_944 = arith.constant 1000000 : i32
        %add3A_945 = vector.broadcast %add3A_944 : i32 to vector<16xi32>
        %add3A_946 = arith.addi %get3A_941, %add3A_945 : vector<16xi32>
        %swap3A_947 = arith.constant 144 : index
        %swap3A_948 = tpu.vector_load %arg11[%swap3A_947] {strides = array<i32>} : memref<160xi32, #tpu.memory_space<vmem>>, vector<16xi32>,
        tpu.vector_store %arg11[%swap3A_947], %add3A_946 {strides = array<i32>} : memref<160xi32, #tpu.memory_space<vmem>>, vector<16xi32>,
        %add3A_949 = arith.constant 2000000 : i32
        %add3A_950 = vector.broadcast %add3A_949 : i32 to vector<16xi32>
        %add3A_951 = arith.addi %get3A_941, %add3A_950 : vector<16xi32>
        %swap3A_952 = arith.constant 144 : index
        %swap3A_953 = tpu.vector_load %arg12[%swap3A_952] {strides = array<i32>} : memref<160xi32, #tpu.memory_space<vmem>>, vector<16xi32>,
        tpu.vector_store %arg12[%swap3A_952], %add3A_951 {strides = array<i32>} : memref<160xi32, #tpu.memory_space<vmem>>, vector<16xi32>,
        %add3A_954 = arith.constant 3 : i32
        %add3A_955 = vector.broadcast %add3A_954 : i32 to vector<16xi32>
        %add3A_956 = arith.addi %get3A_941, %add3A_955 : vector<16xi32>
        %ge3A_957 = arith.constant 1000000 : i32
        %ge3A_958 = vector.broadcast %ge3A_957 : i32 to vector<16xi32>
        %ge3A_959 = arith.cmpi sge, %add3A_956, %ge3A_958 : vector<16xi32>
        %sub3A_960 = arith.constant 1000000 : i32
        %sub3A_961 = vector.broadcast %sub3A_960 : i32 to vector<16xi32>
        %sub3A_962 = arith.subi %add3A_956, %sub3A_961 : vector<16xi32>
        %select_n3A_963 = arith.select %ge3A_959, %sub3A_962, %add3A_956 : vector<16xi1>, vector<16xi32>
        %swap3A_964 = arith.constant 144 : index
        %swap3A_965 = tpu.vector_load %arg13[%swap3A_964] {strides = array<i32>} : memref<160xi32, #tpu.memory_space<vmem>>, vector<16xi32>,
        tpu.vector_store %arg13[%swap3A_964], %select_n3A_963 {strides = array<i32>} : memref<160xi32, #tpu.memory_space<vmem>>, vector<16xi32>,
      } else {
      }
      %scan3A_614 = arith.constant 0 : i32
      %scan3A_615 = arith.constant 0 : i32
      %scan3A_616 = arith.constant 10 : i32
      %scan3A_617 = arith.addi %scan3A_615, %scan3A_616 : i32
      %scan3A_618 = arith.constant 1 : i32
      scf.for %scan3A_684 = %scan3A_615 to %scan3A_617 step %scan3A_618  : i32 {
        %mul3A_685 = arith.constant 16 : i32
        %mul3A_686 = arith.muli %scan3A_684, %mul3A_685 : i32
        %get3A_687 = arith.index_cast %mul3A_686 : i32 to index
        %get3A_688 = tpu.vector_load %arg17[%get3A_687] {strides = array<i32>} : memref<160xf32, #tpu.memory_space<vmem>>, vector<16xf32>,
        %get3A_689 = arith.index_cast %mul3A_686 : i32 to index
        %get3A_690 = tpu.vector_load %arg18[%get3A_689] {strides = array<i32>} : memref<160xf32, #tpu.memory_space<vmem>>, vector<16xf32>,
        %get3A_691 = arith.index_cast %mul3A_686 : i32 to index
        %get3A_692 = tpu.vector_load %arg19[%get3A_691] {strides = array<i32>} : memref<160xf32, #tpu.memory_space<vmem>>, vector<16xf32>,
        %add3A_693 = arith.constant 0 : i32
        %add3A_694 = arith.addi %mul3A_686, %add3A_693 : i32
        %broadcast_in_dim3A = arith.constant 0 : i32
        %broadcast_in_dim3A_695 = vector.broadcast %broadcast_in_dim3A : i32 to vector<16x1xi32>
        %gather3A = vector.shape_cast %broadcast_in_dim3A_695 : vector<16x1xi32> to vector<16xi32>
        %gather3A_696 = tpu.dynamic_gather %get3A_688[%gather3A] in [0] : vector<16xf32>, vector<16xi32> -> vector<16xf32>
        %broadcast_in_dim3A_697 = arith.constant 0 : i32
        %broadcast_in_dim3A_698 = vector.broadcast %broadcast_in_dim3A_697 : i32 to vector<16x1xi32>
        %gather3A_699 = vector.shape_cast %broadcast_in_dim3A_698 : vector<16x1xi32> to vector<16xi32>
        %gather3A_700 = tpu.dynamic_gather %get3A_690[%gather3A_699] in [0] : vector<16xf32>, vector<16xi32> -> vector<16xf32>
        %broadcast_in_dim3A_701 = arith.constant 0 : i32
        %broadcast_in_dim3A_702 = vector.broadcast %broadcast_in_dim3A_701 : i32 to vector<16x1xi32>
        %gather3A_703 = vector.shape_cast %broadcast_in_dim3A_702 : vector<16x1xi32> to vector<16xi32>
        %gather3A_704 = tpu.dynamic_gather %get3A_692[%gather3A_703] in [0] : vector<16xf32>, vector<16xi32> -> vector<16xf32>
        %get3A_705 = arith.index_cast %add3A_694 : i32 to index
        %get3A_706 = arith.constant 0 : index
        %get3A_707 = tpu.vector_load %arg20[%get3A_705, %get3A_706] {strides = array<i32>} : memref<160x64xf32, #tpu.memory_space<vmem>>, vector<16xf32>,
        %mul3A_708 = arith.mulf %get3A_707, %gather3A_696 : vector<16xf32>
        %get3A_709 = arith.index_cast %add3A_694 : i32 to index
        %get3A_710 = arith.constant 0 : index
        %get3A_711 = tpu.vector_load %arg21[%get3A_709, %get3A_710] {strides = array<i32>} : memref<160x64xf32, #tpu.memory_space<vmem>>, vector<16xf32>,
        %mul3A_712 = arith.mulf %get3A_711, %gather3A_700 : vector<16xf32>
        %add3A_713 = arith.addf %mul3A_708, %mul3A_712 : vector<16xf32>
        %get3A_714 = arith.index_cast %add3A_694 : i32 to index
        %get3A_715 = arith.constant 0 : index
        %get3A_716 = tpu.vector_load %arg22[%get3A_714, %get3A_715] {strides = array<i32>} : memref<160x64xf32, #tpu.memory_space<vmem>>, vector<16xf32>,
        %mul3A_717 = arith.mulf %get3A_716, %gather3A_704 : vector<16xf32>
        %add3A_718 = arith.addf %add3A_713, %mul3A_717 : vector<16xf32>
        %swap3A_719 = arith.index_cast %add3A_694 : i32 to index
        %swap3A_720 = arith.constant 0 : index
        %swap3A_721 = tpu.vector_load %arg23[%swap3A_719, %swap3A_720] {strides = array<i32>} : memref<160x64xf32, #tpu.memory_space<vmem>>, vector<16xf32>,
        tpu.vector_store %arg23[%swap3A_719, %swap3A_720], %add3A_718 {strides = array<i32>} : memref<160x64xf32, #tpu.memory_space<vmem>>, vector<16xf32>,
        %get3A_722 = arith.index_cast %add3A_694 : i32 to index
        %get3A_723 = arith.constant 16 : index
        %get3A_724 = tpu.vector_load %arg20[%get3A_722, %get3A_723] {strides = array<i32>} : memref<160x64xf32, #tpu.memory_space<vmem>>, vector<16xf32>,
        %mul3A_725 = arith.mulf %get3A_724, %gather3A_696 : vector<16xf32>
        %get3A_726 = arith.index_cast %add3A_694 : i32 to index
        %get3A_727 = arith.constant 16 : index
        %get3A_728 = tpu.vector_load %arg21[%get3A_726, %get3A_727] {strides = array<i32>} : memref<160x64xf32, #tpu.memory_space<vmem>>, vector<16xf32>,
        %mul3A_729 = arith.mulf %get3A_728, %gather3A_700 : vector<16xf32>
        %add3A_730 = arith.addf %mul3A_725, %mul3A_729 : vector<16xf32>
        %get3A_731 = arith.index_cast %add3A_694 : i32 to index
        %get3A_732 = arith.constant 16 : index
        %get3A_733 = tpu.vector_load %arg22[%get3A_731, %get3A_732] {strides = array<i32>} : memref<160x64xf32, #tpu.memory_space<vmem>>, vector<16xf32>,
        %mul3A_734 = arith.mulf %get3A_733, %gather3A_704 : vector<16xf32>
        %add3A_735 = arith.addf %add3A_730, %mul3A_734 : vector<16xf32>
        %swap3A_736 = arith.index_cast %add3A_694 : i32 to index
        %swap3A_737 = arith.constant 16 : index
        %swap3A_738 = tpu.vector_load %arg23[%swap3A_736, %swap3A_737] {strides = array<i32>} : memref<160x64xf32, #tpu.memory_space<vmem>>, vector<16xf32>,
        tpu.vector_store %arg23[%swap3A_736, %swap3A_737], %add3A_735 {strides = array<i32>} : memref<160x64xf32, #tpu.memory_space<vmem>>, vector<16xf32>,
        %get3A_739 = arith.index_cast %add3A_694 : i32 to index
        %get3A_740 = arith.constant 32 : index
        %get3A_741 = tpu.vector_load %arg20[%get3A_739, %get3A_740] {strides = array<i32>} : memref<160x64xf32, #tpu.memory_space<vmem>>, vector<16xf32>,
        %mul3A_742 = arith.mulf %get3A_741, %gather3A_696 : vector<16xf32>
        %get3A_743 = arith.index_cast %add3A_694 : i32 to index
        %get3A_744 = arith.constant 32 : index
        %get3A_745 = tpu.vector_load %arg21[%get3A_743, %get3A_744] {strides = array<i32>} : memref<160x64xf32, #tpu.memory_space<vmem>>, vector<16xf32>,
        %mul3A_746 = arith.mulf %get3A_745, %gather3A_700 : vector<16xf32>
        %add3A_747 = arith.addf %mul3A_742, %mul3A_746 : vector<16xf32>
        %get3A_748 = arith.index_cast %add3A_694 : i32 to index
        %get3A_749 = arith.constant 32 : index
        %get3A_750 = tpu.vector_load %arg22[%get3A_748, %get3A_749] {strides = array<i32>} : memref<160x64xf32, #tpu.memory_space<vmem>>, vector<16xf32>,
        %mul3A_751 = arith.mulf %get3A_750, %gather3A_704 : vector<16xf32>
        %add3A_752 = arith.addf %add3A_747, %mul3A_751 : vector<16xf32>
        %swap3A_753 = arith.index_cast %add3A_694 : i32 to index
        %swap3A_754 = arith.constant 32 : index
        %swap3A_755 = tpu.vector_load %arg23[%swap3A_753, %swap3A_754] {strides = array<i32>} : memref<160x64xf32, #tpu.memory_space<vmem>>, vector<16xf32>,
        tpu.vector_store %arg23[%swap3A_753, %swap3A_754], %add3A_752 {strides = array<i32>} : memref<160x64xf32, #tpu.memory_space<vmem>>, vector<16xf32>,
        %get3A_756 = arith.index_cast %add3A_694 : i32 to index
        %get3A_757 = arith.constant 48 : index
        %get3A_758 = tpu.vector_load %arg20[%get3A_756, %get3A_757] {strides = array<i32>} : memref<160x64xf32, #tpu.memory_space<vmem>>, vector<16xf32>,
        %mul3A_759 = arith.mulf %get3A_758, %gather3A_696 : vector<16xf32>
        %get3A_760 = arith.index_cast %add3A_694 : i32 to index
        %get3A_761 = arith.constant 48 : index
        %get3A_762 = tpu.vector_load %arg21[%get3A_760, %get3A_761] {strides = array<i32>} : memref<160x64xf32, #tpu.memory_space<vmem>>, vector<16xf32>,
        %mul3A_763 = arith.mulf %get3A_762, %gather3A_700 : vector<16xf32>
        %add3A_764 = arith.addf %mul3A_759, %mul3A_763 : vector<16xf32>
        %get3A_765 = arith.index_cast %add3A_694 : i32 to index
        %get3A_766 = arith.constant 48 : index
        %get3A_767 = tpu.vector_load %arg22[%get3A_765, %get3A_766] {strides = array<i32>} : memref<160x64xf32, #tpu.memory_space<vmem>>, vector<16xf32>,
        %mul3A_768 = arith.mulf %get3A_767, %gather3A_704 : vector<16xf32>
        %add3A_769 = arith.addf %add3A_764, %mul3A_768 : vector<16xf32>
        %swap3A_770 = arith.index_cast %add3A_694 : i32 to index
        %swap3A_771 = arith.constant 48 : index
        %swap3A_772 = tpu.vector_load %arg23[%swap3A_770, %swap3A_771] {strides = array<i32>} : memref<160x64xf32, #tpu.memory_space<vmem>>, vector<16xf32>,
        tpu.vector_store %arg23[%swap3A_770, %swap3A_771], %add3A_769 {strides = array<i32>} : memref<160x64xf32, #tpu.memory_space<vmem>>, vector<16xf32>,
        %add3A_773 = arith.constant 1 : i32
        %add3A_774 = arith.addi %mul3A_686, %add3A_773 : i32
        %broadcast_in_dim3A_775 = arith.constant 1 : i32
        %broadcast_in_dim3A_776 = vector.broadcast %broadcast_in_dim3A_775 : i32 to vector<16x1xi32>
        %gather3A_777 = vector.shape_cast %broadcast_in_dim3A_776 : vector<16x1xi32> to vector<16xi32>
        %gather3A_778 = tpu.dynamic_gather %get3A_688[%gather3A_777] in [0] : vector<16xf32>, vector<16xi32> -> vector<16xf32>
        %broadcast_in_dim3A_779 = arith.constant 1 : i32
        %broadcast_in_dim3A_780 = vector.broadcast %broadcast_in_dim3A_779 : i32 to vector<16x1xi32>
        %gather3A_781 = vector.shape_cast %broadcast_in_dim3A_780 : vector<16x1xi32> to vector<16xi32>
        %gather3A_782 = tpu.dynamic_gather %get3A_690[%gather3A_781] in [0] : vector<16xf32>, vector<16xi32> -> vector<16xf32>
        %broadcast_in_dim3A_783 = arith.constant 1 : i32
        %broadcast_in_dim3A_784 = vector.broadcast %broadcast_in_dim3A_783 : i32 to vector<16x1xi32>
        %gather3A_785 = vector.shape_cast %broadcast_in_dim3A_784 : vector<16x1xi32> to vector<16xi32>
        %gather3A_786 = tpu.dynamic_gather %get3A_692[%gather3A_785] in [0] : vector<16xf32>, vector<16xi32> -> vector<16xf32>
        %get3A_787 = arith.index_cast %add3A_774 : i32 to index
        %get3A_788 = arith.constant 0 : index
        %get3A_789 = tpu.vector_load %arg20[%get3A_787, %get3A_788] {strides = array<i32>} : memref<160x64xf32, #tpu.memory_space<vmem>>, vector<16xf32>,
        %mul3A_790 = arith.mulf %get3A_789, %gather3A_778 : vector<16xf32>
        %get3A_791 = arith.index_cast %add3A_774 : i32 to index
        %get3A_792 = arith.constant 0 : index
        %get3A_793 = tpu.vector_load %arg21[%get3A_791, %get3A_792] {strides = array<i32>} : memref<160x64xf32, #tpu.memory_space<vmem>>, vector<16xf32>,
        %mul3A_794 = arith.mulf %get3A_793, %gather3A_782 : vector<16xf32>
        %add3A_795 = arith.addf %mul3A_790, %mul3A_794 : vector<16xf32>
        %get3A_796 = arith.index_cast %add3A_774 : i32 to index
        %get3A_797 = arith.constant 0 : index
        %get3A_798 = tpu.vector_load %arg22[%get3A_796, %get3A_797] {strides = array<i32>} : memref<160x64xf32, #tpu.memory_space<vmem>>, vector<16xf32>,
        %mul3A_799 = arith.mulf %get3A_798, %gather3A_786 : vector<16xf32>
        %add3A_800 = arith.addf %add3A_795, %mul3A_799 : vector<16xf32>
        %swap3A_801 = arith.index_cast %add3A_774 : i32 to index
        %swap3A_802 = arith.constant 0 : index
        %swap3A_803 = tpu.vector_load %arg23[%swap3A_801, %swap3A_802] {strides = array<i32>} : memref<160x64xf32, #tpu.memory_space<vmem>>, vector<16xf32>,
        tpu.vector_store %arg23[%swap3A_801, %swap3A_802], %add3A_800 {strides = array<i32>} : memref<160x64xf32, #tpu.memory_space<vmem>>, vector<16xf32>,
        %get3A_804 = arith.index_cast %add3A_774 : i32 to index
        %get3A_805 = arith.constant 16 : index
        %get3A_806 = tpu.vector_load %arg20[%get3A_804, %get3A_805] {strides = array<i32>} : memref<160x64xf32, #tpu.memory_space<vmem>>, vector<16xf32>,
        %mul3A_807 = arith.mulf %get3A_806, %gather3A_778 : vector<16xf32>
        %get3A_808 = arith.index_cast %add3A_774 : i32 to index
        %get3A_809 = arith.constant 16 : index
        %get3A_810 = tpu.vector_load %arg21[%get3A_808, %get3A_809] {strides = array<i32>} : memref<160x64xf32, #tpu.memory_space<vmem>>, vector<16xf32>,
        %mul3A_811 = arith.mulf %get3A_810, %gather3A_782 : vector<16xf32>
        %add3A_812 = arith.addf %mul3A_807, %mul3A_811 : vector<16xf32>
        %get3A_813 = arith.index_cast %add3A_774 : i32 to index
        %get3A_814 = arith.constant 16 : index
        %get3A_815 = tpu.vector_load %arg22[%get3A_813, %get3A_814] {strides = array<i32>} : memref<160x64xf32, #tpu.memory_space<vmem>>, vector<16xf32>,
        %mul3A_816 = arith.mulf %get3A_815, %gather3A_786 : vector<16xf32>
        %add3A_817 = arith.addf %add3A_812, %mul3A_816 : vector<16xf32>
        %swap3A_818 = arith.index_cast %add3A_774 : i32 to index
        %swap3A_819 = arith.constant 16 : index
        %swap3A_820 = tpu.vector_load %arg23[%swap3A_818, %swap3A_819] {strides = array<i32>} : memref<160x64xf32, #tpu.memory_space<vmem>>, vector<16xf32>,
        tpu.vector_store %arg23[%swap3A_818, %swap3A_819], %add3A_817 {strides = array<i32>} : memref<160x64xf32, #tpu.memory_space<vmem>>, vector<16xf32>,
        %get3A_821 = arith.index_cast %add3A_774 : i32 to index
        %get3A_822 = arith.constant 32 : index
        %get3A_823 = tpu.vector_load %arg20[%get3A_821, %get3A_822] {strides = array<i32>} : memref<160x64xf32, #tpu.memory_space<vmem>>, vector<16xf32>,
        %mul3A_824 = arith.mulf %get3A_823, %gather3A_778 : vector<16xf32>
        %get3A_825 = arith.index_cast %add3A_774 : i32 to index
        %get3A_826 = arith.constant 32 : index
        %get3A_827 = tpu.vector_load %arg21[%get3A_825, %get3A_826] {strides = array<i32>} : memref<160x64xf32, #tpu.memory_space<vmem>>, vector<16xf32>,
        %mul3A_828 = arith.mulf %get3A_827, %gather3A_782 : vector<16xf32>
        %add3A_829 = arith.addf %mul3A_824, %mul3A_828 : vector<16xf32>
        %get3A_830 = arith.index_cast %add3A_774 : i32 to index
        %get3A_831 = arith.constant 32 : index
        %get3A_832 = tpu.vector_load %arg22[%get3A_830, %get3A_831] {strides = array<i32>} : memref<160x64xf32, #tpu.memory_space<vmem>>, vector<16xf32>,
        %mul3A_833 = arith.mulf %get3A_832, %gather3A_786 : vector<16xf32>
        %add3A_834 = arith.addf %add3A_829, %mul3A_833 : vector<16xf32>
        %swap3A_835 = arith.index_cast %add3A_774 : i32 to index
        %swap3A_836 = arith.constant 32 : index
        %swap3A_837 = tpu.vector_load %arg23[%swap3A_835, %swap3A_836] {strides = array<i32>} : memref<160x64xf32, #tpu.memory_space<vmem>>, vector<16xf32>,
        tpu.vector_store %arg23[%swap3A_835, %swap3A_836], %add3A_834 {strides = array<i32>} : memref<160x64xf32, #tpu.memory_space<vmem>>, vector<16xf32>,
        %get3A_838 = arith.index_cast %add3A_774 : i32 to index
        %get3A_839 = arith.constant 48 : index
        %get3A_840 = tpu.vector_load %arg20[%get3A_838, %get3A_839] {strides = array<i32>} : memref<160x64xf32, #tpu.memory_space<vmem>>, vector<16xf32>,
        %mul3A_841 = arith.mulf %get3A_840, %gather3A_778 : vector<16xf32>
        %get3A_842 = arith.index_cast %add3A_774 : i32 to index
        %get3A_843 = arith.constant 48 : index
        %get3A_844 = tpu.vector_load %arg21[%get3A_842, %get3A_843] {strides = array<i32>} : memref<160x64xf32, #tpu.memory_space<vmem>>, vector<16xf32>,
        %mul3A_845 = arith.mulf %get3A_844, %gather3A_782 : vector<16xf32>
        %add3A_846 = arith.addf %mul3A_841, %mul3A_845 : vector<16xf32>
        %get3A_847 = arith.index_cast %add3A_774 : i32 to index
        %get3A_848 = arith.constant 48 : index
        %get3A_849 = tpu.vector_load %arg22[%get3A_847, %get3A_848] {strides = array<i32>} : memref<160x64xf32, #tpu.memory_space<vmem>>, vector<16xf32>,
        %mul3A_850 = arith.mulf %get3A_849, %gather3A_786 : vector<16xf32>
        %add3A_851 = arith.addf %add3A_846, %mul3A_850 : vector<16xf32>
        %swap3A_852 = arith.index_cast %add3A_774 : i32 to index
        %swap3A_853 = arith.constant 48 : index
        %swap3A_854 = tpu.vector_load %arg23[%swap3A_852, %swap3A_853] {strides = array<i32>} : memref<160x64xf32, #tpu.memory_space<vmem>>, vector<16xf32>,
        tpu.vector_store %arg23[%swap3A_852, %swap3A_853], %add3A_851 {strides = array<i32>} : memref<160x64xf32, #tpu.memory_space<vmem>>, vector<16xf32>,
        %add3A_855 = arith.constant 2 : i32
        %add3A_856 = arith.addi %mul3A_686, %add3A_855 : i32
        %broadcast_in_dim3A_857 = arith.constant 2 : i32
        %broadcast_in_dim3A_858 = vector.broadcast %broadcast_in_dim3A_857 : i32 to vector<16x1xi32>
        %gather3A_859 = vector.shape_cast %broadcast_in_dim3A_858 : vector<16x1xi32> to vector<16xi32>
        %gather3A_860 = tpu.dynamic_gather %get3A_688[%gather3A_859] in [0] : vector<16xf32>, vector<16xi32> -> vector<16xf32>
        %broadcast_in_dim3A_861 = arith.constant 2 : i32
        %broadcast_in_dim3A_862 = vector.broadcast %broadcast_in_dim3A_861 : i32 to vector<16x1xi32>
        %gather3A_863 = vector.shape_cast %broadcast_in_dim3A_862 : vector<16x1xi32> to vector<16xi32>
        %gather3A_864 = tpu.dynamic_gather %get3A_690[%gather3A_863] in [0] : vector<16xf32>, vector<16xi32> -> vector<16xf32>
        %broadcast_in_dim3A_865 = arith.constant 2 : i32
        %broadcast_in_dim3A_866 = vector.broadcast %broadcast_in_dim3A_865 : i32 to vector<16x1xi32>
        %gather3A_867 = vector.shape_cast %broadcast_in_dim3A_866 : vector<16x1xi32> to vector<16xi32>
        %gather3A_868 = tpu.dynamic_gather %get3A_692[%gather3A_867] in [0] : vector<16xf32>, vector<16xi32> -> vector<16xf32>
        %get3A_869 = arith.index_cast %add3A_856 : i32 to index
        %get3A_870 = arith.constant 0 : index
        %get3A_871 = tpu.vector_load %arg20[%get3A_869, %get3A_870] {strides = array<i32>} : memref<160x64xf32, #tpu.memory_space<vmem>>, vector<16xf32>,
        %mul3A_872 = arith.mulf %get3A_871, %gather3A_860 : vector<16xf32>
        %get3A_873 = arith.index_cast %add3A_856 : i32 to index
        %get3A_874 = arith.constant 0 : index
        %get3A_875 = tpu.vector_load %arg21[%get3A_873, %get3A_874] {strides = array<i32>} : memref<160x64xf32, #tpu.memory_space<vmem>>, vector<16xf32>,
        %mul3A_876 = arith.mulf %get3A_875, %gather3A_864 : vector<16xf32>
        %add3A_877 = arith.addf %mul3A_872, %mul3A_876 : vector<16xf32>
        %get3A_878 = arith.index_cast %add3A_856 : i32 to index
        %get3A_879 = arith.constant 0 : index
        %get3A_880 = tpu.vector_load %arg22[%get3A_878, %get3A_879] {strides = array<i32>} : memref<160x64xf32, #tpu.memory_space<vmem>>, vector<16xf32>,
        %mul3A_881 = arith.mulf %get3A_880, %gather3A_868 : vector<16xf32>
        %add3A_882 = arith.addf %add3A_877, %mul3A_881 : vector<16xf32>
        %swap3A_883 = arith.index_cast %add3A_856 : i32 to index
        %swap3A_884 = arith.constant 0 : index
        %swap3A_885 = tpu.vector_load %arg23[%swap3A_883, %swap3A_884] {strides = array<i32>} : memref<160x64xf32, #tpu.memory_space<vmem>>, vector<16xf32>,
        tpu.vector_store %arg23[%swap3A_883, %swap3A_884], %add3A_882 {strides = array<i32>} : memref<160x64xf32, #tpu.memory_space<vmem>>, vector<16xf32>,
        %get3A_886 = arith.index_cast %add3A_856 : i32 to index
        %get3A_887 = arith.constant 16 : index
        %get3A_888 = tpu.vector_load %arg20[%get3A_886, %get3A_887] {strides = array<i32>} : memref<160x64xf32, #tpu.memory_space<vmem>>, vector<16xf32>,
        %mul3A_889 = arith.mulf %get3A_888, %gather3A_860 : vector<16xf32>
        %get3A_890 = arith.index_cast %add3A_856 : i32 to index
        %get3A_891 = arith.constant 16 : index
        %get3A_892 = tpu.vector_load %arg21[%get3A_890, %get3A_891] {strides = array<i32>} : memref<160x64xf32, #tpu.memory_space<vmem>>, vector<16xf32>,
        %mul3A_893 = arith.mulf %get3A_892, %gather3A_864 : vector<16xf32>
        %add3A_894 = arith.addf %mul3A_889, %mul3A_893 : vector<16xf32>
        %get3A_895 = arith.index_cast %add3A_856 : i32 to index
        %get3A_896 = arith.constant 16 : index
        %get3A_897 = tpu.vector_load %arg22[%get3A_895, %get3A_896] {strides = array<i32>} : memref<160x64xf32, #tpu.memory_space<vmem>>, vector<16xf32>,
        %mul3A_898 = arith.mulf %get3A_897, %gather3A_868 : vector<16xf32>
        %add3A_899 = arith.addf %add3A_894, %mul3A_898 : vector<16xf32>
        %swap3A_900 = arith.index_cast %add3A_856 : i32 to index
        %swap3A_901 = arith.constant 16 : index
        %swap3A_902 = tpu.vector_load %arg23[%swap3A_900, %swap3A_901] {strides = array<i32>} : memref<160x64xf32, #tpu.memory_space<vmem>>, vector<16xf32>,
        tpu.vector_store %arg23[%swap3A_900, %swap3A_901], %add3A_899 {strides = array<i32>} : memref<160x64xf32, #tpu.memory_space<vmem>>, vector<16xf32>,
        %get3A_903 = arith.index_cast %add3A_856 : i32 to index
        %get3A_904 = arith.constant 32 : index
        %get3A_905 = tpu.vector_load %arg20[%get3A_903, %get3A_904] {strides = array<i32>} : memref<160x64xf32, #tpu.memory_space<vmem>>, vector<16xf32>,
        %mul3A_906 = arith.mulf %get3A_905, %gather3A_860 : vector<16xf32>
        %get3A_907 = arith.index_cast %add3A_856 : i32 to index
        %get3A_908 = arith.constant 32 : index
        %get3A_909 = tpu.vector_load %arg21[%get3A_907, %get3A_908] {strides = array<i32>} : memref<160x64xf32, #tpu.memory_space<vmem>>, vector<16xf32>,
        %mul3A_910 = arith.mulf %get3A_909, %gather3A_864 : vector<16xf32>
        %add3A_911 = arith.addf %mul3A_906, %mul3A_910 : vector<16xf32>
        %get3A_912 = arith.index_cast %add3A_856 : i32 to index
        %get3A_913 = arith.constant 32 : index
        %get3A_914 = tpu.vector_load %arg22[%get3A_912, %get3A_913] {strides = array<i32>} : memref<160x64xf32, #tpu.memory_space<vmem>>, vector<16xf32>,
        %mul3A_915 = arith.mulf %get3A_914, %gather3A_868 : vector<16xf32>
        %add3A_916 = arith.addf %add3A_911, %mul3A_915 : vector<16xf32>
        %swap3A_917 = arith.index_cast %add3A_856 : i32 to index
        %swap3A_918 = arith.constant 32 : index
        %swap3A_919 = tpu.vector_load %arg23[%swap3A_917, %swap3A_918] {strides = array<i32>} : memref<160x64xf32, #tpu.memory_space<vmem>>, vector<16xf32>,
        tpu.vector_store %arg23[%swap3A_917, %swap3A_918], %add3A_916 {strides = array<i32>} : memref<160x64xf32, #tpu.memory_space<vmem>>, vector<16xf32>,
        %get3A_920 = arith.index_cast %add3A_856 : i32 to index
        %get3A_921 = arith.constant 48 : index
        %get3A_922 = tpu.vector_load %arg20[%get3A_920, %get3A_921] {strides = array<i32>} : memref<160x64xf32, #tpu.memory_space<vmem>>, vector<16xf32>,
        %mul3A_923 = arith.mulf %get3A_922, %gather3A_860 : vector<16xf32>
        %get3A_924 = arith.index_cast %add3A_856 : i32 to index
        %get3A_925 = arith.constant 48 : index
        %get3A_926 = tpu.vector_load %arg21[%get3A_924, %get3A_925] {strides = array<i32>} : memref<160x64xf32, #tpu.memory_space<vmem>>, vector<16xf32>,
        %mul3A_927 = arith.mulf %get3A_926, %gather3A_864 : vector<16xf32>
        %add3A_928 = arith.addf %mul3A_923, %mul3A_927 : vector<16xf32>
        %get3A_929 = arith.index_cast %add3A_856 : i32 to index
        %get3A_930 = arith.constant 48 : index
        %get3A_931 = tpu.vector_load %arg22[%get3A_929, %get3A_930] {strides = array<i32>} : memref<160x64xf32, #tpu.memory_space<vmem>>, vector<16xf32>,
        %mul3A_932 = arith.mulf %get3A_931, %gather3A_868 : vector<16xf32>
        %add3A_933 = arith.addf %add3A_928, %mul3A_932 : vector<16xf32>
        %swap3A_934 = arith.index_cast %add3A_856 : i32 to index
        %swap3A_935 = arith.constant 48 : index
        %swap3A_936 = tpu.vector_load %arg23[%swap3A_934, %swap3A_935] {strides = array<i32>} : memref<160x64xf32, #tpu.memory_space<vmem>>, vector<16xf32>,
        tpu.vector_store %arg23[%swap3A_934, %swap3A_935], %add3A_933 {strides = array<i32>} : memref<160x64xf32, #tpu.memory_space<vmem>>, vector<16xf32>,
        %add3A_937 = arith.constant 3 : i32
        %add3A_938 = arith.addi %mul3A_686, %add3A_937 : i32
        %broadcast_in_dim3A_939 = arith.constant 3 : i32
        %broadcast_in_dim3A_940 = vector.broadcast %broadcast_in_dim3A_939 : i32 to vector<16x1xi32>
        %gather3A_941 = vector.shape_cast %broadcast_in_dim3A_940 : vector<16x1xi32> to vector<16xi32>
        %gather3A_942 = tpu.dynamic_gather %get3A_688[%gather3A_941] in [0] : vector<16xf32>, vector<16xi32> -> vector<16xf32>
        %broadcast_in_dim3A_943 = arith.constant 3 : i32
        %broadcast_in_dim3A_944 = vector.broadcast %broadcast_in_dim3A_943 : i32 to vector<16x1xi32>
        %gather3A_945 = vector.shape_cast %broadcast_in_dim3A_944 : vector<16x1xi32> to vector<16xi32>
        %gather3A_946 = tpu.dynamic_gather %get3A_690[%gather3A_945] in [0] : vector<16xf32>, vector<16xi32> -> vector<16xf32>
        %broadcast_in_dim3A_947 = arith.constant 3 : i32
        %broadcast_in_dim3A_948 = vector.broadcast %broadcast_in_dim3A_947 : i32 to vector<16x1xi32>
        %gather3A_949 = vector.shape_cast %broadcast_in_dim3A_948 : vector<16x1xi32> to vector<16xi32>
        %gather3A_950 = tpu.dynamic_gather %get3A_692[%gather3A_949] in [0] : vector<16xf32>, vector<16xi32> -> vector<16xf32>
        %get3A_951 = arith.index_cast %add3A_938 : i32 to index
        %get3A_952 = arith.constant 0 : index
        %get3A_953 = tpu.vector_load %arg20[%get3A_951, %get3A_952] {strides = array<i32>} : memref<160x64xf32, #tpu.memory_space<vmem>>, vector<16xf32>,
        %mul3A_954 = arith.mulf %get3A_953, %gather3A_942 : vector<16xf32>
        %get3A_955 = arith.index_cast %add3A_938 : i32 to index
        %get3A_956 = arith.constant 0 : index
        %get3A_957 = tpu.vector_load %arg21[%get3A_955, %get3A_956] {strides = array<i32>} : memref<160x64xf32, #tpu.memory_space<vmem>>, vector<16xf32>,
        %mul3A_958 = arith.mulf %get3A_957, %gather3A_946 : vector<16xf32>
        %add3A_959 = arith.addf %mul3A_954, %mul3A_958 : vector<16xf32>
        %get3A_960 = arith.index_cast %add3A_938 : i32 to index
        %get3A_961 = arith.constant 0 : index
        %get3A_962 = tpu.vector_load %arg22[%get3A_960, %get3A_961] {strides = array<i32>} : memref<160x64xf32, #tpu.memory_space<vmem>>, vector<16xf32>,
        %mul3A_963 = arith.mulf %get3A_962, %gather3A_950 : vector<16xf32>
        %add3A_964 = arith.addf %add3A_959, %mul3A_963 : vector<16xf32>
        %swap3A_965 = arith.index_cast %add3A_938 : i32 to index
        %swap3A_966 = arith.constant 0 : index
        %swap3A_967 = tpu.vector_load %arg23[%swap3A_965, %swap3A_966] {strides = array<i32>} : memref<160x64xf32, #tpu.memory_space<vmem>>, vector<16xf32>,
        tpu.vector_store %arg23[%swap3A_965, %swap3A_966], %add3A_964 {strides = array<i32>} : memref<160x64xf32, #tpu.memory_space<vmem>>, vector<16xf32>,
        %get3A_968 = arith.index_cast %add3A_938 : i32 to index
        %get3A_969 = arith.constant 16 : index
        %get3A_970 = tpu.vector_load %arg20[%get3A_968, %get3A_969] {strides = array<i32>} : memref<160x64xf32, #tpu.memory_space<vmem>>, vector<16xf32>,
        %mul3A_971 = arith.mulf %get3A_970, %gather3A_942 : vector<16xf32>
        %get3A_972 = arith.index_cast %add3A_938 : i32 to index
        %get3A_973 = arith.constant 16 : index
        %get3A_974 = tpu.vector_load %arg21[%get3A_972, %get3A_973] {strides = array<i32>} : memref<160x64xf32, #tpu.memory_space<vmem>>, vector<16xf32>,
        %mul3A_975 = arith.mulf %get3A_974, %gather3A_946 : vector<16xf32>
        %add3A_976 = arith.addf %mul3A_971, %mul3A_975 : vector<16xf32>
        %get3A_977 = arith.index_cast %add3A_938 : i32 to index
        %get3A_978 = arith.constant 16 : index
        %get3A_979 = tpu.vector_load %arg22[%get3A_977, %get3A_978] {strides = array<i32>} : memref<160x64xf32, #tpu.memory_space<vmem>>, vector<16xf32>,
        %mul3A_980 = arith.mulf %get3A_979, %gather3A_950 : vector<16xf32>
        %add3A_981 = arith.addf %add3A_976, %mul3A_980 : vector<16xf32>
        %swap3A_982 = arith.index_cast %add3A_938 : i32 to index
        %swap3A_983 = arith.constant 16 : index
        %swap3A_984 = tpu.vector_load %arg23[%swap3A_982, %swap3A_983] {strides = array<i32>} : memref<160x64xf32, #tpu.memory_space<vmem>>, vector<16xf32>,
        tpu.vector_store %arg23[%swap3A_982, %swap3A_983], %add3A_981 {strides = array<i32>} : memref<160x64xf32, #tpu.memory_space<vmem>>, vector<16xf32>,
        %get3A_985 = arith.index_cast %add3A_938 : i32 to index
        %get3A_986 = arith.constant 32 : index
        %get3A_987 = tpu.vector_load %arg20[%get3A_985, %get3A_986] {strides = array<i32>} : memref<160x64xf32, #tpu.memory_space<vmem>>, vector<16xf32>,
        %mul3A_988 = arith.mulf %get3A_987, %gather3A_942 : vector<16xf32>
        %get3A_989 = arith.index_cast %add3A_938 : i32 to index
        %get3A_990 = arith.constant 32 : index
        %get3A_991 = tpu.vector_load %arg21[%get3A_989, %get3A_990] {strides = array<i32>} : memref<160x64xf32, #tpu.memory_space<vmem>>, vector<16xf32>,
        %mul3A_992 = arith.mulf %get3A_991, %gather3A_946 : vector<16xf32>
        %add3A_993 = arith.addf %mul3A_988, %mul3A_992 : vector<16xf32>
        %get3A_994 = arith.index_cast %add3A_938 : i32 to index
        %get3A_995 = arith.constant 32 : index
        %get3A_996 = tpu.vector_load %arg22[%get3A_994, %get3A_995] {strides = array<i32>} : memref<160x64xf32, #tpu.memory_space<vmem>>, vector<16xf32>,
        %mul3A_997 = arith.mulf %get3A_996, %gather3A_950 : vector<16xf32>
        %add3A_998 = arith.addf %add3A_993, %mul3A_997 : vector<16xf32>
        %swap3A_999 = arith.index_cast %add3A_938 : i32 to index
        %swap3A_1000 = arith.constant 32 : index
        %swap3A_1001 = tpu.vector_load %arg23[%swap3A_999, %swap3A_1000] {strides = array<i32>} : memref<160x64xf32, #tpu.memory_space<vmem>>, vector<16xf32>,
        tpu.vector_store %arg23[%swap3A_999, %swap3A_1000], %add3A_998 {strides = array<i32>} : memref<160x64xf32, #tpu.memory_space<vmem>>, vector<16xf32>,
        %get3A_1002 = arith.index_cast %add3A_938 : i32 to index
        %get3A_1003 = arith.constant 48 : index
        %get3A_1004 = tpu.vector_load %arg20[%get3A_1002, %get3A_1003] {strides = array<i32>} : memref<160x64xf32, #tpu.memory_space<vmem>>, vector<16xf32>,
        %mul3A_1005 = arith.mulf %get3A_1004, %gather3A_942 : vector<16xf32>
        %get3A_1006 = arith.index_cast %add3A_938 : i32 to index
        %get3A_1007 = arith.constant 48 : index
        %get3A_1008 = tpu.vector_load %arg21[%get3A_1006, %get3A_1007] {strides = array<i32>} : memref<160x64xf32, #tpu.memory_space<vmem>>, vector<16xf32>,
        %mul3A_1009 = arith.mulf %get3A_1008, %gather3A_946 : vector<16xf32>
        %add3A_1010 = arith.addf %mul3A_1005, %mul3A_1009 : vector<16xf32>
        %get3A_1011 = arith.index_cast %add3A_938 : i32 to index
        %get3A_1012 = arith.constant 48 : index
        %get3A_1013 = tpu.vector_load %arg22[%get3A_1011, %get3A_1012] {strides = array<i32>} : memref<160x64xf32, #tpu.memory_space<vmem>>, vector<16xf32>,
        %mul3A_1014 = arith.mulf %get3A_1013, %gather3A_950 : vector<16xf32>
        %add3A_1015 = arith.addf %add3A_1010, %mul3A_1014 : vector<16xf32>
        %swap3A_1016 = arith.index_cast %add3A_938 : i32 to index
        %swap3A_1017 = arith.constant 48 : index
        %swap3A_1018 = tpu.vector_load %arg23[%swap3A_1016, %swap3A_1017] {strides = array<i32>} : memref<160x64xf32, #tpu.memory_space<vmem>>, vector<16xf32>,
        tpu.vector_store %arg23[%swap3A_1016, %swap3A_1017], %add3A_1015 {strides = array<i32>} : memref<160x64xf32, #tpu.memory_space<vmem>>, vector<16xf32>,
        %add3A_1019 = arith.constant 4 : i32
        %add3A_1020 = arith.addi %mul3A_686, %add3A_1019 : i32
        %broadcast_in_dim3A_1021 = arith.constant 4 : i32
        %broadcast_in_dim3A_1022 = vector.broadcast %broadcast_in_dim3A_1021 : i32 to vector<16x1xi32>
        %gather3A_1023 = vector.shape_cast %broadcast_in_dim3A_1022 : vector<16x1xi32> to vector<16xi32>
        %gather3A_1024 = tpu.dynamic_gather %get3A_688[%gather3A_1023] in [0] : vector<16xf32>, vector<16xi32> -> vector<16xf32>
        %broadcast_in_dim3A_1025 = arith.constant 4 : i32
        %broadcast_in_dim3A_1026 = vector.broadcast %broadcast_in_dim3A_1025 : i32 to vector<16x1xi32>
        %gather3A_1027 = vector.shape_cast %broadcast_in_dim3A_1026 : vector<16x1xi32> to vector<16xi32>
        %gather3A_1028 = tpu.dynamic_gather %get3A_690[%gather3A_1027] in [0] : vector<16xf32>, vector<16xi32> -> vector<16xf32>
        %broadcast_in_dim3A_1029 = arith.constant 4 : i32
        %broadcast_in_dim3A_1030 = vector.broadcast %broadcast_in_dim3A_1029 : i32 to vector<16x1xi32>
        %gather3A_1031 = vector.shape_cast %broadcast_in_dim3A_1030 : vector<16x1xi32> to vector<16xi32>
        %gather3A_1032 = tpu.dynamic_gather %get3A_692[%gather3A_1031] in [0] : vector<16xf32>, vector<16xi32> -> vector<16xf32>
        %get3A_1033 = arith.index_cast %add3A_1020 : i32 to index
        %get3A_1034 = arith.constant 0 : index
        %get3A_1035 = tpu.vector_load %arg20[%get3A_1033, %get3A_1034] {strides = array<i32>} : memref<160x64xf32, #tpu.memory_space<vmem>>, vector<16xf32>,
        %mul3A_1036 = arith.mulf %get3A_1035, %gather3A_1024 : vector<16xf32>
        %get3A_1037 = arith.index_cast %add3A_1020 : i32 to index
        %get3A_1038 = arith.constant 0 : index
        %get3A_1039 = tpu.vector_load %arg21[%get3A_1037, %get3A_1038] {strides = array<i32>} : memref<160x64xf32, #tpu.memory_space<vmem>>, vector<16xf32>,
        %mul3A_1040 = arith.mulf %get3A_1039, %gather3A_1028 : vector<16xf32>
        %add3A_1041 = arith.addf %mul3A_1036, %mul3A_1040 : vector<16xf32>
        %get3A_1042 = arith.index_cast %add3A_1020 : i32 to index
        %get3A_1043 = arith.constant 0 : index
        %get3A_1044 = tpu.vector_load %arg22[%get3A_1042, %get3A_1043] {strides = array<i32>} : memref<160x64xf32, #tpu.memory_space<vmem>>, vector<16xf32>,
        %mul3A_1045 = arith.mulf %get3A_1044, %gather3A_1032 : vector<16xf32>
        %add3A_1046 = arith.addf %add3A_1041, %mul3A_1045 : vector<16xf32>
        %swap3A_1047 = arith.index_cast %add3A_1020 : i32 to index
        %swap3A_1048 = arith.constant 0 : index
        %swap3A_1049 = tpu.vector_load %arg23[%swap3A_1047, %swap3A_1048] {strides = array<i32>} : memref<160x64xf32, #tpu.memory_space<vmem>>, vector<16xf32>,
        tpu.vector_store %arg23[%swap3A_1047, %swap3A_1048], %add3A_1046 {strides = array<i32>} : memref<160x64xf32, #tpu.memory_space<vmem>>, vector<16xf32>,
        %get3A_1050 = arith.index_cast %add3A_1020 : i32 to index
        %get3A_1051 = arith.constant 16 : index
        %get3A_1052 = tpu.vector_load %arg20[%get3A_1050, %get3A_1051] {strides = array<i32>} : memref<160x64xf32, #tpu.memory_space<vmem>>, vector<16xf32>,
        %mul3A_1053 = arith.mulf %get3A_1052, %gather3A_1024 : vector<16xf32>
        %get3A_1054 = arith.index_cast %add3A_1020 : i32 to index
        %get3A_1055 = arith.constant 16 : index
        %get3A_1056 = tpu.vector_load %arg21[%get3A_1054, %get3A_1055] {strides = array<i32>} : memref<160x64xf32, #tpu.memory_space<vmem>>, vector<16xf32>,
        %mul3A_1057 = arith.mulf %get3A_1056, %gather3A_1028 : vector<16xf32>
        %add3A_1058 = arith.addf %mul3A_1053, %mul3A_1057 : vector<16xf32>
        %get3A_1059 = arith.index_cast %add3A_1020 : i32 to index
        %get3A_1060 = arith.constant 16 : index
        %get3A_1061 = tpu.vector_load %arg22[%get3A_1059, %get3A_1060] {strides = array<i32>} : memref<160x64xf32, #tpu.memory_space<vmem>>, vector<16xf32>,
        %mul3A_1062 = arith.mulf %get3A_1061, %gather3A_1032 : vector<16xf32>
        %add3A_1063 = arith.addf %add3A_1058, %mul3A_1062 : vector<16xf32>
        %swap3A_1064 = arith.index_cast %add3A_1020 : i32 to index
        %swap3A_1065 = arith.constant 16 : index
        %swap3A_1066 = tpu.vector_load %arg23[%swap3A_1064, %swap3A_1065] {strides = array<i32>} : memref<160x64xf32, #tpu.memory_space<vmem>>, vector<16xf32>,
        tpu.vector_store %arg23[%swap3A_1064, %swap3A_1065], %add3A_1063 {strides = array<i32>} : memref<160x64xf32, #tpu.memory_space<vmem>>, vector<16xf32>,
        %get3A_1067 = arith.index_cast %add3A_1020 : i32 to index
        %get3A_1068 = arith.constant 32 : index
        %get3A_1069 = tpu.vector_load %arg20[%get3A_1067, %get3A_1068] {strides = array<i32>} : memref<160x64xf32, #tpu.memory_space<vmem>>, vector<16xf32>,
        %mul3A_1070 = arith.mulf %get3A_1069, %gather3A_1024 : vector<16xf32>
        %get3A_1071 = arith.index_cast %add3A_1020 : i32 to index
        %get3A_1072 = arith.constant 32 : index
        %get3A_1073 = tpu.vector_load %arg21[%get3A_1071, %get3A_1072] {strides = array<i32>} : memref<160x64xf32, #tpu.memory_space<vmem>>, vector<16xf32>,
        %mul3A_1074 = arith.mulf %get3A_1073, %gather3A_1028 : vector<16xf32>
        %add3A_1075 = arith.addf %mul3A_1070, %mul3A_1074 : vector<16xf32>
        %get3A_1076 = arith.index_cast %add3A_1020 : i32 to index
        %get3A_1077 = arith.constant 32 : index
        %get3A_1078 = tpu.vector_load %arg22[%get3A_1076, %get3A_1077] {strides = array<i32>} : memref<160x64xf32, #tpu.memory_space<vmem>>, vector<16xf32>,
        %mul3A_1079 = arith.mulf %get3A_1078, %gather3A_1032 : vector<16xf32>
        %add3A_1080 = arith.addf %add3A_1075, %mul3A_1079 : vector<16xf32>
        %swap3A_1081 = arith.index_cast %add3A_1020 : i32 to index
        %swap3A_1082 = arith.constant 32 : index
        %swap3A_1083 = tpu.vector_load %arg23[%swap3A_1081, %swap3A_1082] {strides = array<i32>} : memref<160x64xf32, #tpu.memory_space<vmem>>, vector<16xf32>,
        tpu.vector_store %arg23[%swap3A_1081, %swap3A_1082], %add3A_1080 {strides = array<i32>} : memref<160x64xf32, #tpu.memory_space<vmem>>, vector<16xf32>,
        %get3A_1084 = arith.index_cast %add3A_1020 : i32 to index
        %get3A_1085 = arith.constant 48 : index
        %get3A_1086 = tpu.vector_load %arg20[%get3A_1084, %get3A_1085] {strides = array<i32>} : memref<160x64xf32, #tpu.memory_space<vmem>>, vector<16xf32>,
        %mul3A_1087 = arith.mulf %get3A_1086, %gather3A_1024 : vector<16xf32>
        %get3A_1088 = arith.index_cast %add3A_1020 : i32 to index
        %get3A_1089 = arith.constant 48 : index
        %get3A_1090 = tpu.vector_load %arg21[%get3A_1088, %get3A_1089] {strides = array<i32>} : memref<160x64xf32, #tpu.memory_space<vmem>>, vector<16xf32>,
        %mul3A_1091 = arith.mulf %get3A_1090, %gather3A_1028 : vector<16xf32>
        %add3A_1092 = arith.addf %mul3A_1087, %mul3A_1091 : vector<16xf32>
        %get3A_1093 = arith.index_cast %add3A_1020 : i32 to index
        %get3A_1094 = arith.constant 48 : index
        %get3A_1095 = tpu.vector_load %arg22[%get3A_1093, %get3A_1094] {strides = array<i32>} : memref<160x64xf32, #tpu.memory_space<vmem>>, vector<16xf32>,
        %mul3A_1096 = arith.mulf %get3A_1095, %gather3A_1032 : vector<16xf32>
        %add3A_1097 = arith.addf %add3A_1092, %mul3A_1096 : vector<16xf32>
        %swap3A_1098 = arith.index_cast %add3A_1020 : i32 to index
        %swap3A_1099 = arith.constant 48 : index
        %swap3A_1100 = tpu.vector_load %arg23[%swap3A_1098, %swap3A_1099] {strides = array<i32>} : memref<160x64xf32, #tpu.memory_space<vmem>>, vector<16xf32>,
        tpu.vector_store %arg23[%swap3A_1098, %swap3A_1099], %add3A_1097 {strides = array<i32>} : memref<160x64xf32, #tpu.memory_space<vmem>>, vector<16xf32>,
        %add3A_1101 = arith.constant 5 : i32
        %add3A_1102 = arith.addi %mul3A_686, %add3A_1101 : i32
        %broadcast_in_dim3A_1103 = arith.constant 5 : i32
        %broadcast_in_dim3A_1104 = vector.broadcast %broadcast_in_dim3A_1103 : i32 to vector<16x1xi32>
        %gather3A_1105 = vector.shape_cast %broadcast_in_dim3A_1104 : vector<16x1xi32> to vector<16xi32>
        %gather3A_1106 = tpu.dynamic_gather %get3A_688[%gather3A_1105] in [0] : vector<16xf32>, vector<16xi32> -> vector<16xf32>
        %broadcast_in_dim3A_1107 = arith.constant 5 : i32
        %broadcast_in_dim3A_1108 = vector.broadcast %broadcast_in_dim3A_1107 : i32 to vector<16x1xi32>
        %gather3A_1109 = vector.shape_cast %broadcast_in_dim3A_1108 : vector<16x1xi32> to vector<16xi32>
        %gather3A_1110 = tpu.dynamic_gather %get3A_690[%gather3A_1109] in [0] : vector<16xf32>, vector<16xi32> -> vector<16xf32>
        %broadcast_in_dim3A_1111 = arith.constant 5 : i32
        %broadcast_in_dim3A_1112 = vector.broadcast %broadcast_in_dim3A_1111 : i32 to vector<16x1xi32>
        %gather3A_1113 = vector.shape_cast %broadcast_in_dim3A_1112 : vector<16x1xi32> to vector<16xi32>
        %gather3A_1114 = tpu.dynamic_gather %get3A_692[%gather3A_1113] in [0] : vector<16xf32>, vector<16xi32> -> vector<16xf32>
        %get3A_1115 = arith.index_cast %add3A_1102 : i32 to index
        %get3A_1116 = arith.constant 0 : index
        %get3A_1117 = tpu.vector_load %arg20[%get3A_1115, %get3A_1116] {strides = array<i32>} : memref<160x64xf32, #tpu.memory_space<vmem>>, vector<16xf32>,
        %mul3A_1118 = arith.mulf %get3A_1117, %gather3A_1106 : vector<16xf32>
        %get3A_1119 = arith.index_cast %add3A_1102 : i32 to index
        %get3A_1120 = arith.constant 0 : index
        %get3A_1121 = tpu.vector_load %arg21[%get3A_1119, %get3A_1120] {strides = array<i32>} : memref<160x64xf32, #tpu.memory_space<vmem>>, vector<16xf32>,
        %mul3A_1122 = arith.mulf %get3A_1121, %gather3A_1110 : vector<16xf32>
        %add3A_1123 = arith.addf %mul3A_1118, %mul3A_1122 : vector<16xf32>
        %get3A_1124 = arith.index_cast %add3A_1102 : i32 to index
        %get3A_1125 = arith.constant 0 : index
        %get3A_1126 = tpu.vector_load %arg22[%get3A_1124, %get3A_1125] {strides = array<i32>} : memref<160x64xf32, #tpu.memory_space<vmem>>, vector<16xf32>,
        %mul3A_1127 = arith.mulf %get3A_1126, %gather3A_1114 : vector<16xf32>
        %add3A_1128 = arith.addf %add3A_1123, %mul3A_1127 : vector<16xf32>
        %swap3A_1129 = arith.index_cast %add3A_1102 : i32 to index
        %swap3A_1130 = arith.constant 0 : index
        %swap3A_1131 = tpu.vector_load %arg23[%swap3A_1129, %swap3A_1130] {strides = array<i32>} : memref<160x64xf32, #tpu.memory_space<vmem>>, vector<16xf32>,
        tpu.vector_store %arg23[%swap3A_1129, %swap3A_1130], %add3A_1128 {strides = array<i32>} : memref<160x64xf32, #tpu.memory_space<vmem>>, vector<16xf32>,
        %get3A_1132 = arith.index_cast %add3A_1102 : i32 to index
        %get3A_1133 = arith.constant 16 : index
        %get3A_1134 = tpu.vector_load %arg20[%get3A_1132, %get3A_1133] {strides = array<i32>} : memref<160x64xf32, #tpu.memory_space<vmem>>, vector<16xf32>,
        %mul3A_1135 = arith.mulf %get3A_1134, %gather3A_1106 : vector<16xf32>
        %get3A_1136 = arith.index_cast %add3A_1102 : i32 to index
        %get3A_1137 = arith.constant 16 : index
        %get3A_1138 = tpu.vector_load %arg21[%get3A_1136, %get3A_1137] {strides = array<i32>} : memref<160x64xf32, #tpu.memory_space<vmem>>, vector<16xf32>,
        %mul3A_1139 = arith.mulf %get3A_1138, %gather3A_1110 : vector<16xf32>
        %add3A_1140 = arith.addf %mul3A_1135, %mul3A_1139 : vector<16xf32>
        %get3A_1141 = arith.index_cast %add3A_1102 : i32 to index
        %get3A_1142 = arith.constant 16 : index
        %get3A_1143 = tpu.vector_load %arg22[%get3A_1141, %get3A_1142] {strides = array<i32>} : memref<160x64xf32, #tpu.memory_space<vmem>>, vector<16xf32>,
        %mul3A_1144 = arith.mulf %get3A_1143, %gather3A_1114 : vector<16xf32>
        %add3A_1145 = arith.addf %add3A_1140, %mul3A_1144 : vector<16xf32>
        %swap3A_1146 = arith.index_cast %add3A_1102 : i32 to index
        %swap3A_1147 = arith.constant 16 : index
        %swap3A_1148 = tpu.vector_load %arg23[%swap3A_1146, %swap3A_1147] {strides = array<i32>} : memref<160x64xf32, #tpu.memory_space<vmem>>, vector<16xf32>,
        tpu.vector_store %arg23[%swap3A_1146, %swap3A_1147], %add3A_1145 {strides = array<i32>} : memref<160x64xf32, #tpu.memory_space<vmem>>, vector<16xf32>,
        %get3A_1149 = arith.index_cast %add3A_1102 : i32 to index
        %get3A_1150 = arith.constant 32 : index
        %get3A_1151 = tpu.vector_load %arg20[%get3A_1149, %get3A_1150] {strides = array<i32>} : memref<160x64xf32, #tpu.memory_space<vmem>>, vector<16xf32>,
        %mul3A_1152 = arith.mulf %get3A_1151, %gather3A_1106 : vector<16xf32>
        %get3A_1153 = arith.index_cast %add3A_1102 : i32 to index
        %get3A_1154 = arith.constant 32 : index
        %get3A_1155 = tpu.vector_load %arg21[%get3A_1153, %get3A_1154] {strides = array<i32>} : memref<160x64xf32, #tpu.memory_space<vmem>>, vector<16xf32>,
        %mul3A_1156 = arith.mulf %get3A_1155, %gather3A_1110 : vector<16xf32>
        %add3A_1157 = arith.addf %mul3A_1152, %mul3A_1156 : vector<16xf32>
        %get3A_1158 = arith.index_cast %add3A_1102 : i32 to index
        %get3A_1159 = arith.constant 32 : index
        %get3A_1160 = tpu.vector_load %arg22[%get3A_1158, %get3A_1159] {strides = array<i32>} : memref<160x64xf32, #tpu.memory_space<vmem>>, vector<16xf32>,
        %mul3A_1161 = arith.mulf %get3A_1160, %gather3A_1114 : vector<16xf32>
        %add3A_1162 = arith.addf %add3A_1157, %mul3A_1161 : vector<16xf32>
        %swap3A_1163 = arith.index_cast %add3A_1102 : i32 to index
        %swap3A_1164 = arith.constant 32 : index
        %swap3A_1165 = tpu.vector_load %arg23[%swap3A_1163, %swap3A_1164] {strides = array<i32>} : memref<160x64xf32, #tpu.memory_space<vmem>>, vector<16xf32>,
        tpu.vector_store %arg23[%swap3A_1163, %swap3A_1164], %add3A_1162 {strides = array<i32>} : memref<160x64xf32, #tpu.memory_space<vmem>>, vector<16xf32>,
        %get3A_1166 = arith.index_cast %add3A_1102 : i32 to index
        %get3A_1167 = arith.constant 48 : index
        %get3A_1168 = tpu.vector_load %arg20[%get3A_1166, %get3A_1167] {strides = array<i32>} : memref<160x64xf32, #tpu.memory_space<vmem>>, vector<16xf32>,
        %mul3A_1169 = arith.mulf %get3A_1168, %gather3A_1106 : vector<16xf32>
        %get3A_1170 = arith.index_cast %add3A_1102 : i32 to index
        %get3A_1171 = arith.constant 48 : index
        %get3A_1172 = tpu.vector_load %arg21[%get3A_1170, %get3A_1171] {strides = array<i32>} : memref<160x64xf32, #tpu.memory_space<vmem>>, vector<16xf32>,
        %mul3A_1173 = arith.mulf %get3A_1172, %gather3A_1110 : vector<16xf32>
        %add3A_1174 = arith.addf %mul3A_1169, %mul3A_1173 : vector<16xf32>
        %get3A_1175 = arith.index_cast %add3A_1102 : i32 to index
        %get3A_1176 = arith.constant 48 : index
        %get3A_1177 = tpu.vector_load %arg22[%get3A_1175, %get3A_1176] {strides = array<i32>} : memref<160x64xf32, #tpu.memory_space<vmem>>, vector<16xf32>,
        %mul3A_1178 = arith.mulf %get3A_1177, %gather3A_1114 : vector<16xf32>
        %add3A_1179 = arith.addf %add3A_1174, %mul3A_1178 : vector<16xf32>
        %swap3A_1180 = arith.index_cast %add3A_1102 : i32 to index
        %swap3A_1181 = arith.constant 48 : index
        %swap3A_1182 = tpu.vector_load %arg23[%swap3A_1180, %swap3A_1181] {strides = array<i32>} : memref<160x64xf32, #tpu.memory_space<vmem>>, vector<16xf32>,
        tpu.vector_store %arg23[%swap3A_1180, %swap3A_1181], %add3A_1179 {strides = array<i32>} : memref<160x64xf32, #tpu.memory_space<vmem>>, vector<16xf32>,
        %add3A_1183 = arith.constant 6 : i32
        %add3A_1184 = arith.addi %mul3A_686, %add3A_1183 : i32
        %broadcast_in_dim3A_1185 = arith.constant 6 : i32
        %broadcast_in_dim3A_1186 = vector.broadcast %broadcast_in_dim3A_1185 : i32 to vector<16x1xi32>
        %gather3A_1187 = vector.shape_cast %broadcast_in_dim3A_1186 : vector<16x1xi32> to vector<16xi32>
        %gather3A_1188 = tpu.dynamic_gather %get3A_688[%gather3A_1187] in [0] : vector<16xf32>, vector<16xi32> -> vector<16xf32>
        %broadcast_in_dim3A_1189 = arith.constant 6 : i32
        %broadcast_in_dim3A_1190 = vector.broadcast %broadcast_in_dim3A_1189 : i32 to vector<16x1xi32>
        %gather3A_1191 = vector.shape_cast %broadcast_in_dim3A_1190 : vector<16x1xi32> to vector<16xi32>
        %gather3A_1192 = tpu.dynamic_gather %get3A_690[%gather3A_1191] in [0] : vector<16xf32>, vector<16xi32> -> vector<16xf32>
        %broadcast_in_dim3A_1193 = arith.constant 6 : i32
        %broadcast_in_dim3A_1194 = vector.broadcast %broadcast_in_dim3A_1193 : i32 to vector<16x1xi32>
        %gather3A_1195 = vector.shape_cast %broadcast_in_dim3A_1194 : vector<16x1xi32> to vector<16xi32>
        %gather3A_1196 = tpu.dynamic_gather %get3A_692[%gather3A_1195] in [0] : vector<16xf32>, vector<16xi32> -> vector<16xf32>
        %get3A_1197 = arith.index_cast %add3A_1184 : i32 to index
        %get3A_1198 = arith.constant 0 : index
        %get3A_1199 = tpu.vector_load %arg20[%get3A_1197, %get3A_1198] {strides = array<i32>} : memref<160x64xf32, #tpu.memory_space<vmem>>, vector<16xf32>,
        %mul3A_1200 = arith.mulf %get3A_1199, %gather3A_1188 : vector<16xf32>
        %get3A_1201 = arith.index_cast %add3A_1184 : i32 to index
        %get3A_1202 = arith.constant 0 : index
        %get3A_1203 = tpu.vector_load %arg21[%get3A_1201, %get3A_1202] {strides = array<i32>} : memref<160x64xf32, #tpu.memory_space<vmem>>, vector<16xf32>,
        %mul3A_1204 = arith.mulf %get3A_1203, %gather3A_1192 : vector<16xf32>
        %add3A_1205 = arith.addf %mul3A_1200, %mul3A_1204 : vector<16xf32>
        %get3A_1206 = arith.index_cast %add3A_1184 : i32 to index
        %get3A_1207 = arith.constant 0 : index
        %get3A_1208 = tpu.vector_load %arg22[%get3A_1206, %get3A_1207] {strides = array<i32>} : memref<160x64xf32, #tpu.memory_space<vmem>>, vector<16xf32>,
        %mul3A_1209 = arith.mulf %get3A_1208, %gather3A_1196 : vector<16xf32>
        %add3A_1210 = arith.addf %add3A_1205, %mul3A_1209 : vector<16xf32>
        %swap3A_1211 = arith.index_cast %add3A_1184 : i32 to index
        %swap3A_1212 = arith.constant 0 : index
        %swap3A_1213 = tpu.vector_load %arg23[%swap3A_1211, %swap3A_1212] {strides = array<i32>} : memref<160x64xf32, #tpu.memory_space<vmem>>, vector<16xf32>,
        tpu.vector_store %arg23[%swap3A_1211, %swap3A_1212], %add3A_1210 {strides = array<i32>} : memref<160x64xf32, #tpu.memory_space<vmem>>, vector<16xf32>,
        %get3A_1214 = arith.index_cast %add3A_1184 : i32 to index
        %get3A_1215 = arith.constant 16 : index
        %get3A_1216 = tpu.vector_load %arg20[%get3A_1214, %get3A_1215] {strides = array<i32>} : memref<160x64xf32, #tpu.memory_space<vmem>>, vector<16xf32>,
        %mul3A_1217 = arith.mulf %get3A_1216, %gather3A_1188 : vector<16xf32>
        %get3A_1218 = arith.index_cast %add3A_1184 : i32 to index
        %get3A_1219 = arith.constant 16 : index
        %get3A_1220 = tpu.vector_load %arg21[%get3A_1218, %get3A_1219] {strides = array<i32>} : memref<160x64xf32, #tpu.memory_space<vmem>>, vector<16xf32>,
        %mul3A_1221 = arith.mulf %get3A_1220, %gather3A_1192 : vector<16xf32>
        %add3A_1222 = arith.addf %mul3A_1217, %mul3A_1221 : vector<16xf32>
        %get3A_1223 = arith.index_cast %add3A_1184 : i32 to index
        %get3A_1224 = arith.constant 16 : index
        %get3A_1225 = tpu.vector_load %arg22[%get3A_1223, %get3A_1224] {strides = array<i32>} : memref<160x64xf32, #tpu.memory_space<vmem>>, vector<16xf32>,
        %mul3A_1226 = arith.mulf %get3A_1225, %gather3A_1196 : vector<16xf32>
        %add3A_1227 = arith.addf %add3A_1222, %mul3A_1226 : vector<16xf32>
        %swap3A_1228 = arith.index_cast %add3A_1184 : i32 to index
        %swap3A_1229 = arith.constant 16 : index
        %swap3A_1230 = tpu.vector_load %arg23[%swap3A_1228, %swap3A_1229] {strides = array<i32>} : memref<160x64xf32, #tpu.memory_space<vmem>>, vector<16xf32>,
        tpu.vector_store %arg23[%swap3A_1228, %swap3A_1229], %add3A_1227 {strides = array<i32>} : memref<160x64xf32, #tpu.memory_space<vmem>>, vector<16xf32>,
        %get3A_1231 = arith.index_cast %add3A_1184 : i32 to index
        %get3A_1232 = arith.constant 32 : index
        %get3A_1233 = tpu.vector_load %arg20[%get3A_1231, %get3A_1232] {strides = array<i32>} : memref<160x64xf32, #tpu.memory_space<vmem>>, vector<16xf32>,
        %mul3A_1234 = arith.mulf %get3A_1233, %gather3A_1188 : vector<16xf32>
        %get3A_1235 = arith.index_cast %add3A_1184 : i32 to index
        %get3A_1236 = arith.constant 32 : index
        %get3A_1237 = tpu.vector_load %arg21[%get3A_1235, %get3A_1236] {strides = array<i32>} : memref<160x64xf32, #tpu.memory_space<vmem>>, vector<16xf32>,
        %mul3A_1238 = arith.mulf %get3A_1237, %gather3A_1192 : vector<16xf32>
        %add3A_1239 = arith.addf %mul3A_1234, %mul3A_1238 : vector<16xf32>
        %get3A_1240 = arith.index_cast %add3A_1184 : i32 to index
        %get3A_1241 = arith.constant 32 : index
        %get3A_1242 = tpu.vector_load %arg22[%get3A_1240, %get3A_1241] {strides = array<i32>} : memref<160x64xf32, #tpu.memory_space<vmem>>, vector<16xf32>,
        %mul3A_1243 = arith.mulf %get3A_1242, %gather3A_1196 : vector<16xf32>
        %add3A_1244 = arith.addf %add3A_1239, %mul3A_1243 : vector<16xf32>
        %swap3A_1245 = arith.index_cast %add3A_1184 : i32 to index
        %swap3A_1246 = arith.constant 32 : index
        %swap3A_1247 = tpu.vector_load %arg23[%swap3A_1245, %swap3A_1246] {strides = array<i32>} : memref<160x64xf32, #tpu.memory_space<vmem>>, vector<16xf32>,
        tpu.vector_store %arg23[%swap3A_1245, %swap3A_1246], %add3A_1244 {strides = array<i32>} : memref<160x64xf32, #tpu.memory_space<vmem>>, vector<16xf32>,
        %get3A_1248 = arith.index_cast %add3A_1184 : i32 to index
        %get3A_1249 = arith.constant 48 : index
        %get3A_1250 = tpu.vector_load %arg20[%get3A_1248, %get3A_1249] {strides = array<i32>} : memref<160x64xf32, #tpu.memory_space<vmem>>, vector<16xf32>,
        %mul3A_1251 = arith.mulf %get3A_1250, %gather3A_1188 : vector<16xf32>
        %get3A_1252 = arith.index_cast %add3A_1184 : i32 to index
        %get3A_1253 = arith.constant 48 : index
        %get3A_1254 = tpu.vector_load %arg21[%get3A_1252, %get3A_1253] {strides = array<i32>} : memref<160x64xf32, #tpu.memory_space<vmem>>, vector<16xf32>,
        %mul3A_1255 = arith.mulf %get3A_1254, %gather3A_1192 : vector<16xf32>
        %add3A_1256 = arith.addf %mul3A_1251, %mul3A_1255 : vector<16xf32>
        %get3A_1257 = arith.index_cast %add3A_1184 : i32 to index
        %get3A_1258 = arith.constant 48 : index
        %get3A_1259 = tpu.vector_load %arg22[%get3A_1257, %get3A_1258] {strides = array<i32>} : memref<160x64xf32, #tpu.memory_space<vmem>>, vector<16xf32>,
        %mul3A_1260 = arith.mulf %get3A_1259, %gather3A_1196 : vector<16xf32>
        %add3A_1261 = arith.addf %add3A_1256, %mul3A_1260 : vector<16xf32>
        %swap3A_1262 = arith.index_cast %add3A_1184 : i32 to index
        %swap3A_1263 = arith.constant 48 : index
        %swap3A_1264 = tpu.vector_load %arg23[%swap3A_1262, %swap3A_1263] {strides = array<i32>} : memref<160x64xf32, #tpu.memory_space<vmem>>, vector<16xf32>,
        tpu.vector_store %arg23[%swap3A_1262, %swap3A_1263], %add3A_1261 {strides = array<i32>} : memref<160x64xf32, #tpu.memory_space<vmem>>, vector<16xf32>,
        %add3A_1265 = arith.constant 7 : i32
        %add3A_1266 = arith.addi %mul3A_686, %add3A_1265 : i32
        %broadcast_in_dim3A_1267 = arith.constant 7 : i32
        %broadcast_in_dim3A_1268 = vector.broadcast %broadcast_in_dim3A_1267 : i32 to vector<16x1xi32>
        %gather3A_1269 = vector.shape_cast %broadcast_in_dim3A_1268 : vector<16x1xi32> to vector<16xi32>
        %gather3A_1270 = tpu.dynamic_gather %get3A_688[%gather3A_1269] in [0] : vector<16xf32>, vector<16xi32> -> vector<16xf32>
        %broadcast_in_dim3A_1271 = arith.constant 7 : i32
        %broadcast_in_dim3A_1272 = vector.broadcast %broadcast_in_dim3A_1271 : i32 to vector<16x1xi32>
        %gather3A_1273 = vector.shape_cast %broadcast_in_dim3A_1272 : vector<16x1xi32> to vector<16xi32>
        %gather3A_1274 = tpu.dynamic_gather %get3A_690[%gather3A_1273] in [0] : vector<16xf32>, vector<16xi32> -> vector<16xf32>
        %broadcast_in_dim3A_1275 = arith.constant 7 : i32
        %broadcast_in_dim3A_1276 = vector.broadcast %broadcast_in_dim3A_1275 : i32 to vector<16x1xi32>
        %gather3A_1277 = vector.shape_cast %broadcast_in_dim3A_1276 : vector<16x1xi32> to vector<16xi32>
        %gather3A_1278 = tpu.dynamic_gather %get3A_692[%gather3A_1277] in [0] : vector<16xf32>, vector<16xi32> -> vector<16xf32>
        %get3A_1279 = arith.index_cast %add3A_1266 : i32 to index
        %get3A_1280 = arith.constant 0 : index
        %get3A_1281 = tpu.vector_load %arg20[%get3A_1279, %get3A_1280] {strides = array<i32>} : memref<160x64xf32, #tpu.memory_space<vmem>>, vector<16xf32>,
        %mul3A_1282 = arith.mulf %get3A_1281, %gather3A_1270 : vector<16xf32>
        %get3A_1283 = arith.index_cast %add3A_1266 : i32 to index
        %get3A_1284 = arith.constant 0 : index
        %get3A_1285 = tpu.vector_load %arg21[%get3A_1283, %get3A_1284] {strides = array<i32>} : memref<160x64xf32, #tpu.memory_space<vmem>>, vector<16xf32>,
        %mul3A_1286 = arith.mulf %get3A_1285, %gather3A_1274 : vector<16xf32>
        %add3A_1287 = arith.addf %mul3A_1282, %mul3A_1286 : vector<16xf32>
        %get3A_1288 = arith.index_cast %add3A_1266 : i32 to index
        %get3A_1289 = arith.constant 0 : index
        %get3A_1290 = tpu.vector_load %arg22[%get3A_1288, %get3A_1289] {strides = array<i32>} : memref<160x64xf32, #tpu.memory_space<vmem>>, vector<16xf32>,
        %mul3A_1291 = arith.mulf %get3A_1290, %gather3A_1278 : vector<16xf32>
        %add3A_1292 = arith.addf %add3A_1287, %mul3A_1291 : vector<16xf32>
        %swap3A_1293 = arith.index_cast %add3A_1266 : i32 to index
        %swap3A_1294 = arith.constant 0 : index
        %swap3A_1295 = tpu.vector_load %arg23[%swap3A_1293, %swap3A_1294] {strides = array<i32>} : memref<160x64xf32, #tpu.memory_space<vmem>>, vector<16xf32>,
        tpu.vector_store %arg23[%swap3A_1293, %swap3A_1294], %add3A_1292 {strides = array<i32>} : memref<160x64xf32, #tpu.memory_space<vmem>>, vector<16xf32>,
        %get3A_1296 = arith.index_cast %add3A_1266 : i32 to index
        %get3A_1297 = arith.constant 16 : index
        %get3A_1298 = tpu.vector_load %arg20[%get3A_1296, %get3A_1297] {strides = array<i32>} : memref<160x64xf32, #tpu.memory_space<vmem>>, vector<16xf32>,
        %mul3A_1299 = arith.mulf %get3A_1298, %gather3A_1270 : vector<16xf32>
        %get3A_1300 = arith.index_cast %add3A_1266 : i32 to index
        %get3A_1301 = arith.constant 16 : index
        %get3A_1302 = tpu.vector_load %arg21[%get3A_1300, %get3A_1301] {strides = array<i32>} : memref<160x64xf32, #tpu.memory_space<vmem>>, vector<16xf32>,
        %mul3A_1303 = arith.mulf %get3A_1302, %gather3A_1274 : vector<16xf32>
        %add3A_1304 = arith.addf %mul3A_1299, %mul3A_1303 : vector<16xf32>
        %get3A_1305 = arith.index_cast %add3A_1266 : i32 to index
        %get3A_1306 = arith.constant 16 : index
        %get3A_1307 = tpu.vector_load %arg22[%get3A_1305, %get3A_1306] {strides = array<i32>} : memref<160x64xf32, #tpu.memory_space<vmem>>, vector<16xf32>,
        %mul3A_1308 = arith.mulf %get3A_1307, %gather3A_1278 : vector<16xf32>
        %add3A_1309 = arith.addf %add3A_1304, %mul3A_1308 : vector<16xf32>
        %swap3A_1310 = arith.index_cast %add3A_1266 : i32 to index
        %swap3A_1311 = arith.constant 16 : index
        %swap3A_1312 = tpu.vector_load %arg23[%swap3A_1310, %swap3A_1311] {strides = array<i32>} : memref<160x64xf32, #tpu.memory_space<vmem>>, vector<16xf32>,
        tpu.vector_store %arg23[%swap3A_1310, %swap3A_1311], %add3A_1309 {strides = array<i32>} : memref<160x64xf32, #tpu.memory_space<vmem>>, vector<16xf32>,
        %get3A_1313 = arith.index_cast %add3A_1266 : i32 to index
        %get3A_1314 = arith.constant 32 : index
        %get3A_1315 = tpu.vector_load %arg20[%get3A_1313, %get3A_1314] {strides = array<i32>} : memref<160x64xf32, #tpu.memory_space<vmem>>, vector<16xf32>,
        %mul3A_1316 = arith.mulf %get3A_1315, %gather3A_1270 : vector<16xf32>
        %get3A_1317 = arith.index_cast %add3A_1266 : i32 to index
        %get3A_1318 = arith.constant 32 : index
        %get3A_1319 = tpu.vector_load %arg21[%get3A_1317, %get3A_1318] {strides = array<i32>} : memref<160x64xf32, #tpu.memory_space<vmem>>, vector<16xf32>,
        %mul3A_1320 = arith.mulf %get3A_1319, %gather3A_1274 : vector<16xf32>
        %add3A_1321 = arith.addf %mul3A_1316, %mul3A_1320 : vector<16xf32>
        %get3A_1322 = arith.index_cast %add3A_1266 : i32 to index
        %get3A_1323 = arith.constant 32 : index
        %get3A_1324 = tpu.vector_load %arg22[%get3A_1322, %get3A_1323] {strides = array<i32>} : memref<160x64xf32, #tpu.memory_space<vmem>>, vector<16xf32>,
        %mul3A_1325 = arith.mulf %get3A_1324, %gather3A_1278 : vector<16xf32>
        %add3A_1326 = arith.addf %add3A_1321, %mul3A_1325 : vector<16xf32>
        %swap3A_1327 = arith.index_cast %add3A_1266 : i32 to index
        %swap3A_1328 = arith.constant 32 : index
        %swap3A_1329 = tpu.vector_load %arg23[%swap3A_1327, %swap3A_1328] {strides = array<i32>} : memref<160x64xf32, #tpu.memory_space<vmem>>, vector<16xf32>,
        tpu.vector_store %arg23[%swap3A_1327, %swap3A_1328], %add3A_1326 {strides = array<i32>} : memref<160x64xf32, #tpu.memory_space<vmem>>, vector<16xf32>,
        %get3A_1330 = arith.index_cast %add3A_1266 : i32 to index
        %get3A_1331 = arith.constant 48 : index
        %get3A_1332 = tpu.vector_load %arg20[%get3A_1330, %get3A_1331] {strides = array<i32>} : memref<160x64xf32, #tpu.memory_space<vmem>>, vector<16xf32>,
        %mul3A_1333 = arith.mulf %get3A_1332, %gather3A_1270 : vector<16xf32>
        %get3A_1334 = arith.index_cast %add3A_1266 : i32 to index
        %get3A_1335 = arith.constant 48 : index
        %get3A_1336 = tpu.vector_load %arg21[%get3A_1334, %get3A_1335] {strides = array<i32>} : memref<160x64xf32, #tpu.memory_space<vmem>>, vector<16xf32>,
        %mul3A_1337 = arith.mulf %get3A_1336, %gather3A_1274 : vector<16xf32>
        %add3A_1338 = arith.addf %mul3A_1333, %mul3A_1337 : vector<16xf32>
        %get3A_1339 = arith.index_cast %add3A_1266 : i32 to index
        %get3A_1340 = arith.constant 48 : index
        %get3A_1341 = tpu.vector_load %arg22[%get3A_1339, %get3A_1340] {strides = array<i32>} : memref<160x64xf32, #tpu.memory_space<vmem>>, vector<16xf32>,
        %mul3A_1342 = arith.mulf %get3A_1341, %gather3A_1278 : vector<16xf32>
        %add3A_1343 = arith.addf %add3A_1338, %mul3A_1342 : vector<16xf32>
        %swap3A_1344 = arith.index_cast %add3A_1266 : i32 to index
        %swap3A_1345 = arith.constant 48 : index
        %swap3A_1346 = tpu.vector_load %arg23[%swap3A_1344, %swap3A_1345] {strides = array<i32>} : memref<160x64xf32, #tpu.memory_space<vmem>>, vector<16xf32>,
        tpu.vector_store %arg23[%swap3A_1344, %swap3A_1345], %add3A_1343 {strides = array<i32>} : memref<160x64xf32, #tpu.memory_space<vmem>>, vector<16xf32>,
        %add3A_1347 = arith.constant 8 : i32
        %add3A_1348 = arith.addi %mul3A_686, %add3A_1347 : i32
        %broadcast_in_dim3A_1349 = arith.constant 8 : i32
        %broadcast_in_dim3A_1350 = vector.broadcast %broadcast_in_dim3A_1349 : i32 to vector<16x1xi32>
        %gather3A_1351 = vector.shape_cast %broadcast_in_dim3A_1350 : vector<16x1xi32> to vector<16xi32>
        %gather3A_1352 = tpu.dynamic_gather %get3A_688[%gather3A_1351] in [0] : vector<16xf32>, vector<16xi32> -> vector<16xf32>
        %broadcast_in_dim3A_1353 = arith.constant 8 : i32
        %broadcast_in_dim3A_1354 = vector.broadcast %broadcast_in_dim3A_1353 : i32 to vector<16x1xi32>
        %gather3A_1355 = vector.shape_cast %broadcast_in_dim3A_1354 : vector<16x1xi32> to vector<16xi32>
        %gather3A_1356 = tpu.dynamic_gather %get3A_690[%gather3A_1355] in [0] : vector<16xf32>, vector<16xi32> -> vector<16xf32>
        %broadcast_in_dim3A_1357 = arith.constant 8 : i32
        %broadcast_in_dim3A_1358 = vector.broadcast %broadcast_in_dim3A_1357 : i32 to vector<16x1xi32>
        %gather3A_1359 = vector.shape_cast %broadcast_in_dim3A_1358 : vector<16x1xi32> to vector<16xi32>
        %gather3A_1360 = tpu.dynamic_gather %get3A_692[%gather3A_1359] in [0] : vector<16xf32>, vector<16xi32> -> vector<16xf32>
        %get3A_1361 = arith.index_cast %add3A_1348 : i32 to index
        %get3A_1362 = arith.constant 0 : index
        %get3A_1363 = tpu.vector_load %arg20[%get3A_1361, %get3A_1362] {strides = array<i32>} : memref<160x64xf32, #tpu.memory_space<vmem>>, vector<16xf32>,
        %mul3A_1364 = arith.mulf %get3A_1363, %gather3A_1352 : vector<16xf32>
        %get3A_1365 = arith.index_cast %add3A_1348 : i32 to index
        %get3A_1366 = arith.constant 0 : index
        %get3A_1367 = tpu.vector_load %arg21[%get3A_1365, %get3A_1366] {strides = array<i32>} : memref<160x64xf32, #tpu.memory_space<vmem>>, vector<16xf32>,
        %mul3A_1368 = arith.mulf %get3A_1367, %gather3A_1356 : vector<16xf32>
        %add3A_1369 = arith.addf %mul3A_1364, %mul3A_1368 : vector<16xf32>
        %get3A_1370 = arith.index_cast %add3A_1348 : i32 to index
        %get3A_1371 = arith.constant 0 : index
        %get3A_1372 = tpu.vector_load %arg22[%get3A_1370, %get3A_1371] {strides = array<i32>} : memref<160x64xf32, #tpu.memory_space<vmem>>, vector<16xf32>,
        %mul3A_1373 = arith.mulf %get3A_1372, %gather3A_1360 : vector<16xf32>
        %add3A_1374 = arith.addf %add3A_1369, %mul3A_1373 : vector<16xf32>
        %swap3A_1375 = arith.index_cast %add3A_1348 : i32 to index
        %swap3A_1376 = arith.constant 0 : index
        %swap3A_1377 = tpu.vector_load %arg23[%swap3A_1375, %swap3A_1376] {strides = array<i32>} : memref<160x64xf32, #tpu.memory_space<vmem>>, vector<16xf32>,
        tpu.vector_store %arg23[%swap3A_1375, %swap3A_1376], %add3A_1374 {strides = array<i32>} : memref<160x64xf32, #tpu.memory_space<vmem>>, vector<16xf32>,
        %get3A_1378 = arith.index_cast %add3A_1348 : i32 to index
        %get3A_1379 = arith.constant 16 : index
        %get3A_1380 = tpu.vector_load %arg20[%get3A_1378, %get3A_1379] {strides = array<i32>} : memref<160x64xf32, #tpu.memory_space<vmem>>, vector<16xf32>,
        %mul3A_1381 = arith.mulf %get3A_1380, %gather3A_1352 : vector<16xf32>
        %get3A_1382 = arith.index_cast %add3A_1348 : i32 to index
        %get3A_1383 = arith.constant 16 : index
        %get3A_1384 = tpu.vector_load %arg21[%get3A_1382, %get3A_1383] {strides = array<i32>} : memref<160x64xf32, #tpu.memory_space<vmem>>, vector<16xf32>,
        %mul3A_1385 = arith.mulf %get3A_1384, %gather3A_1356 : vector<16xf32>
        %add3A_1386 = arith.addf %mul3A_1381, %mul3A_1385 : vector<16xf32>
        %get3A_1387 = arith.index_cast %add3A_1348 : i32 to index
        %get3A_1388 = arith.constant 16 : index
        %get3A_1389 = tpu.vector_load %arg22[%get3A_1387, %get3A_1388] {strides = array<i32>} : memref<160x64xf32, #tpu.memory_space<vmem>>, vector<16xf32>,
        %mul3A_1390 = arith.mulf %get3A_1389, %gather3A_1360 : vector<16xf32>
        %add3A_1391 = arith.addf %add3A_1386, %mul3A_1390 : vector<16xf32>
        %swap3A_1392 = arith.index_cast %add3A_1348 : i32 to index
        %swap3A_1393 = arith.constant 16 : index
        %swap3A_1394 = tpu.vector_load %arg23[%swap3A_1392, %swap3A_1393] {strides = array<i32>} : memref<160x64xf32, #tpu.memory_space<vmem>>, vector<16xf32>,
        tpu.vector_store %arg23[%swap3A_1392, %swap3A_1393], %add3A_1391 {strides = array<i32>} : memref<160x64xf32, #tpu.memory_space<vmem>>, vector<16xf32>,
        %get3A_1395 = arith.index_cast %add3A_1348 : i32 to index
        %get3A_1396 = arith.constant 32 : index
        %get3A_1397 = tpu.vector_load %arg20[%get3A_1395, %get3A_1396] {strides = array<i32>} : memref<160x64xf32, #tpu.memory_space<vmem>>, vector<16xf32>,
        %mul3A_1398 = arith.mulf %get3A_1397, %gather3A_1352 : vector<16xf32>
        %get3A_1399 = arith.index_cast %add3A_1348 : i32 to index
        %get3A_1400 = arith.constant 32 : index
        %get3A_1401 = tpu.vector_load %arg21[%get3A_1399, %get3A_1400] {strides = array<i32>} : memref<160x64xf32, #tpu.memory_space<vmem>>, vector<16xf32>,
        %mul3A_1402 = arith.mulf %get3A_1401, %gather3A_1356 : vector<16xf32>
        %add3A_1403 = arith.addf %mul3A_1398, %mul3A_1402 : vector<16xf32>
        %get3A_1404 = arith.index_cast %add3A_1348 : i32 to index
        %get3A_1405 = arith.constant 32 : index
        %get3A_1406 = tpu.vector_load %arg22[%get3A_1404, %get3A_1405] {strides = array<i32>} : memref<160x64xf32, #tpu.memory_space<vmem>>, vector<16xf32>,
        %mul3A_1407 = arith.mulf %get3A_1406, %gather3A_1360 : vector<16xf32>
        %add3A_1408 = arith.addf %add3A_1403, %mul3A_1407 : vector<16xf32>
        %swap3A_1409 = arith.index_cast %add3A_1348 : i32 to index
        %swap3A_1410 = arith.constant 32 : index
        %swap3A_1411 = tpu.vector_load %arg23[%swap3A_1409, %swap3A_1410] {strides = array<i32>} : memref<160x64xf32, #tpu.memory_space<vmem>>, vector<16xf32>,
        tpu.vector_store %arg23[%swap3A_1409, %swap3A_1410], %add3A_1408 {strides = array<i32>} : memref<160x64xf32, #tpu.memory_space<vmem>>, vector<16xf32>,
        %get3A_1412 = arith.index_cast %add3A_1348 : i32 to index
        %get3A_1413 = arith.constant 48 : index
        %get3A_1414 = tpu.vector_load %arg20[%get3A_1412, %get3A_1413] {strides = array<i32>} : memref<160x64xf32, #tpu.memory_space<vmem>>, vector<16xf32>,
        %mul3A_1415 = arith.mulf %get3A_1414, %gather3A_1352 : vector<16xf32>
        %get3A_1416 = arith.index_cast %add3A_1348 : i32 to index
        %get3A_1417 = arith.constant 48 : index
        %get3A_1418 = tpu.vector_load %arg21[%get3A_1416, %get3A_1417] {strides = array<i32>} : memref<160x64xf32, #tpu.memory_space<vmem>>, vector<16xf32>,
        %mul3A_1419 = arith.mulf %get3A_1418, %gather3A_1356 : vector<16xf32>
        %add3A_1420 = arith.addf %mul3A_1415, %mul3A_1419 : vector<16xf32>
        %get3A_1421 = arith.index_cast %add3A_1348 : i32 to index
        %get3A_1422 = arith.constant 48 : index
        %get3A_1423 = tpu.vector_load %arg22[%get3A_1421, %get3A_1422] {strides = array<i32>} : memref<160x64xf32, #tpu.memory_space<vmem>>, vector<16xf32>,
        %mul3A_1424 = arith.mulf %get3A_1423, %gather3A_1360 : vector<16xf32>
        %add3A_1425 = arith.addf %add3A_1420, %mul3A_1424 : vector<16xf32>
        %swap3A_1426 = arith.index_cast %add3A_1348 : i32 to index
        %swap3A_1427 = arith.constant 48 : index
        %swap3A_1428 = tpu.vector_load %arg23[%swap3A_1426, %swap3A_1427] {strides = array<i32>} : memref<160x64xf32, #tpu.memory_space<vmem>>, vector<16xf32>,
        tpu.vector_store %arg23[%swap3A_1426, %swap3A_1427], %add3A_1425 {strides = array<i32>} : memref<160x64xf32, #tpu.memory_space<vmem>>, vector<16xf32>,
        %add3A_1429 = arith.constant 9 : i32
        %add3A_1430 = arith.addi %mul3A_686, %add3A_1429 : i32
        %broadcast_in_dim3A_1431 = arith.constant 9 : i32
        %broadcast_in_dim3A_1432 = vector.broadcast %broadcast_in_dim3A_1431 : i32 to vector<16x1xi32>
        %gather3A_1433 = vector.shape_cast %broadcast_in_dim3A_1432 : vector<16x1xi32> to vector<16xi32>
        %gather3A_1434 = tpu.dynamic_gather %get3A_688[%gather3A_1433] in [0] : vector<16xf32>, vector<16xi32> -> vector<16xf32>
        %broadcast_in_dim3A_1435 = arith.constant 9 : i32
        %broadcast_in_dim3A_1436 = vector.broadcast %broadcast_in_dim3A_1435 : i32 to vector<16x1xi32>
        %gather3A_1437 = vector.shape_cast %broadcast_in_dim3A_1436 : vector<16x1xi32> to vector<16xi32>
        %gather3A_1438 = tpu.dynamic_gather %get3A_690[%gather3A_1437] in [0] : vector<16xf32>, vector<16xi32> -> vector<16xf32>
        %broadcast_in_dim3A_1439 = arith.constant 9 : i32
        %broadcast_in_dim3A_1440 = vector.broadcast %broadcast_in_dim3A_1439 : i32 to vector<16x1xi32>
        %gather3A_1441 = vector.shape_cast %broadcast_in_dim3A_1440 : vector<16x1xi32> to vector<16xi32>
        %gather3A_1442 = tpu.dynamic_gather %get3A_692[%gather3A_1441] in [0] : vector<16xf32>, vector<16xi32> -> vector<16xf32>
        %get3A_1443 = arith.index_cast %add3A_1430 : i32 to index
        %get3A_1444 = arith.constant 0 : index
        %get3A_1445 = tpu.vector_load %arg20[%get3A_1443, %get3A_1444] {strides = array<i32>} : memref<160x64xf32, #tpu.memory_space<vmem>>, vector<16xf32>,
        %mul3A_1446 = arith.mulf %get3A_1445, %gather3A_1434 : vector<16xf32>
        %get3A_1447 = arith.index_cast %add3A_1430 : i32 to index
        %get3A_1448 = arith.constant 0 : index
        %get3A_1449 = tpu.vector_load %arg21[%get3A_1447, %get3A_1448] {strides = array<i32>} : memref<160x64xf32, #tpu.memory_space<vmem>>, vector<16xf32>,
        %mul3A_1450 = arith.mulf %get3A_1449, %gather3A_1438 : vector<16xf32>
        %add3A_1451 = arith.addf %mul3A_1446, %mul3A_1450 : vector<16xf32>
        %get3A_1452 = arith.index_cast %add3A_1430 : i32 to index
        %get3A_1453 = arith.constant 0 : index
        %get3A_1454 = tpu.vector_load %arg22[%get3A_1452, %get3A_1453] {strides = array<i32>} : memref<160x64xf32, #tpu.memory_space<vmem>>, vector<16xf32>,
        %mul3A_1455 = arith.mulf %get3A_1454, %gather3A_1442 : vector<16xf32>
        %add3A_1456 = arith.addf %add3A_1451, %mul3A_1455 : vector<16xf32>
        %swap3A_1457 = arith.index_cast %add3A_1430 : i32 to index
        %swap3A_1458 = arith.constant 0 : index
        %swap3A_1459 = tpu.vector_load %arg23[%swap3A_1457, %swap3A_1458] {strides = array<i32>} : memref<160x64xf32, #tpu.memory_space<vmem>>, vector<16xf32>,
        tpu.vector_store %arg23[%swap3A_1457, %swap3A_1458], %add3A_1456 {strides = array<i32>} : memref<160x64xf32, #tpu.memory_space<vmem>>, vector<16xf32>,
        %get3A_1460 = arith.index_cast %add3A_1430 : i32 to index
        %get3A_1461 = arith.constant 16 : index
        %get3A_1462 = tpu.vector_load %arg20[%get3A_1460, %get3A_1461] {strides = array<i32>} : memref<160x64xf32, #tpu.memory_space<vmem>>, vector<16xf32>,
        %mul3A_1463 = arith.mulf %get3A_1462, %gather3A_1434 : vector<16xf32>
        %get3A_1464 = arith.index_cast %add3A_1430 : i32 to index
        %get3A_1465 = arith.constant 16 : index
        %get3A_1466 = tpu.vector_load %arg21[%get3A_1464, %get3A_1465] {strides = array<i32>} : memref<160x64xf32, #tpu.memory_space<vmem>>, vector<16xf32>,
        %mul3A_1467 = arith.mulf %get3A_1466, %gather3A_1438 : vector<16xf32>
        %add3A_1468 = arith.addf %mul3A_1463, %mul3A_1467 : vector<16xf32>
        %get3A_1469 = arith.index_cast %add3A_1430 : i32 to index
        %get3A_1470 = arith.constant 16 : index
        %get3A_1471 = tpu.vector_load %arg22[%get3A_1469, %get3A_1470] {strides = array<i32>} : memref<160x64xf32, #tpu.memory_space<vmem>>, vector<16xf32>,
        %mul3A_1472 = arith.mulf %get3A_1471, %gather3A_1442 : vector<16xf32>
        %add3A_1473 = arith.addf %add3A_1468, %mul3A_1472 : vector<16xf32>
        %swap3A_1474 = arith.index_cast %add3A_1430 : i32 to index
        %swap3A_1475 = arith.constant 16 : index
        %swap3A_1476 = tpu.vector_load %arg23[%swap3A_1474, %swap3A_1475] {strides = array<i32>} : memref<160x64xf32, #tpu.memory_space<vmem>>, vector<16xf32>,
        tpu.vector_store %arg23[%swap3A_1474, %swap3A_1475], %add3A_1473 {strides = array<i32>} : memref<160x64xf32, #tpu.memory_space<vmem>>, vector<16xf32>,
        %get3A_1477 = arith.index_cast %add3A_1430 : i32 to index
        %get3A_1478 = arith.constant 32 : index
        %get3A_1479 = tpu.vector_load %arg20[%get3A_1477, %get3A_1478] {strides = array<i32>} : memref<160x64xf32, #tpu.memory_space<vmem>>, vector<16xf32>,
        %mul3A_1480 = arith.mulf %get3A_1479, %gather3A_1434 : vector<16xf32>
        %get3A_1481 = arith.index_cast %add3A_1430 : i32 to index
        %get3A_1482 = arith.constant 32 : index
        %get3A_1483 = tpu.vector_load %arg21[%get3A_1481, %get3A_1482] {strides = array<i32>} : memref<160x64xf32, #tpu.memory_space<vmem>>, vector<16xf32>,
        %mul3A_1484 = arith.mulf %get3A_1483, %gather3A_1438 : vector<16xf32>
        %add3A_1485 = arith.addf %mul3A_1480, %mul3A_1484 : vector<16xf32>
        %get3A_1486 = arith.index_cast %add3A_1430 : i32 to index
        %get3A_1487 = arith.constant 32 : index
        %get3A_1488 = tpu.vector_load %arg22[%get3A_1486, %get3A_1487] {strides = array<i32>} : memref<160x64xf32, #tpu.memory_space<vmem>>, vector<16xf32>,
        %mul3A_1489 = arith.mulf %get3A_1488, %gather3A_1442 : vector<16xf32>
        %add3A_1490 = arith.addf %add3A_1485, %mul3A_1489 : vector<16xf32>
        %swap3A_1491 = arith.index_cast %add3A_1430 : i32 to index
        %swap3A_1492 = arith.constant 32 : index
        %swap3A_1493 = tpu.vector_load %arg23[%swap3A_1491, %swap3A_1492] {strides = array<i32>} : memref<160x64xf32, #tpu.memory_space<vmem>>, vector<16xf32>,
        tpu.vector_store %arg23[%swap3A_1491, %swap3A_1492], %add3A_1490 {strides = array<i32>} : memref<160x64xf32, #tpu.memory_space<vmem>>, vector<16xf32>,
        %get3A_1494 = arith.index_cast %add3A_1430 : i32 to index
        %get3A_1495 = arith.constant 48 : index
        %get3A_1496 = tpu.vector_load %arg20[%get3A_1494, %get3A_1495] {strides = array<i32>} : memref<160x64xf32, #tpu.memory_space<vmem>>, vector<16xf32>,
        %mul3A_1497 = arith.mulf %get3A_1496, %gather3A_1434 : vector<16xf32>
        %get3A_1498 = arith.index_cast %add3A_1430 : i32 to index
        %get3A_1499 = arith.constant 48 : index
        %get3A_1500 = tpu.vector_load %arg21[%get3A_1498, %get3A_1499] {strides = array<i32>} : memref<160x64xf32, #tpu.memory_space<vmem>>, vector<16xf32>,
        %mul3A_1501 = arith.mulf %get3A_1500, %gather3A_1438 : vector<16xf32>
        %add3A_1502 = arith.addf %mul3A_1497, %mul3A_1501 : vector<16xf32>
        %get3A_1503 = arith.index_cast %add3A_1430 : i32 to index
        %get3A_1504 = arith.constant 48 : index
        %get3A_1505 = tpu.vector_load %arg22[%get3A_1503, %get3A_1504] {strides = array<i32>} : memref<160x64xf32, #tpu.memory_space<vmem>>, vector<16xf32>,
        %mul3A_1506 = arith.mulf %get3A_1505, %gather3A_1442 : vector<16xf32>
        %add3A_1507 = arith.addf %add3A_1502, %mul3A_1506 : vector<16xf32>
        %swap3A_1508 = arith.index_cast %add3A_1430 : i32 to index
        %swap3A_1509 = arith.constant 48 : index
        %swap3A_1510 = tpu.vector_load %arg23[%swap3A_1508, %swap3A_1509] {strides = array<i32>} : memref<160x64xf32, #tpu.memory_space<vmem>>, vector<16xf32>,
        tpu.vector_store %arg23[%swap3A_1508, %swap3A_1509], %add3A_1507 {strides = array<i32>} : memref<160x64xf32, #tpu.memory_space<vmem>>, vector<16xf32>,
        %add3A_1511 = arith.constant 10 : i32
        %add3A_1512 = arith.addi %mul3A_686, %add3A_1511 : i32
        %broadcast_in_dim3A_1513 = arith.constant 10 : i32
        %broadcast_in_dim3A_1514 = vector.broadcast %broadcast_in_dim3A_1513 : i32 to vector<16x1xi32>
        %gather3A_1515 = vector.shape_cast %broadcast_in_dim3A_1514 : vector<16x1xi32> to vector<16xi32>
        %gather3A_1516 = tpu.dynamic_gather %get3A_688[%gather3A_1515] in [0] : vector<16xf32>, vector<16xi32> -> vector<16xf32>
        %broadcast_in_dim3A_1517 = arith.constant 10 : i32
        %broadcast_in_dim3A_1518 = vector.broadcast %broadcast_in_dim3A_1517 : i32 to vector<16x1xi32>
        %gather3A_1519 = vector.shape_cast %broadcast_in_dim3A_1518 : vector<16x1xi32> to vector<16xi32>
        %gather3A_1520 = tpu.dynamic_gather %get3A_690[%gather3A_1519] in [0] : vector<16xf32>, vector<16xi32> -> vector<16xf32>
        %broadcast_in_dim3A_1521 = arith.constant 10 : i32
        %broadcast_in_dim3A_1522 = vector.broadcast %broadcast_in_dim3A_1521 : i32 to vector<16x1xi32>
        %gather3A_1523 = vector.shape_cast %broadcast_in_dim3A_1522 : vector<16x1xi32> to vector<16xi32>
        %gather3A_1524 = tpu.dynamic_gather %get3A_692[%gather3A_1523] in [0] : vector<16xf32>, vector<16xi32> -> vector<16xf32>
        %get3A_1525 = arith.index_cast %add3A_1512 : i32 to index
        %get3A_1526 = arith.constant 0 : index
        %get3A_1527 = tpu.vector_load %arg20[%get3A_1525, %get3A_1526] {strides = array<i32>} : memref<160x64xf32, #tpu.memory_space<vmem>>, vector<16xf32>,
        %mul3A_1528 = arith.mulf %get3A_1527, %gather3A_1516 : vector<16xf32>
        %get3A_1529 = arith.index_cast %add3A_1512 : i32 to index
        %get3A_1530 = arith.constant 0 : index
        %get3A_1531 = tpu.vector_load %arg21[%get3A_1529, %get3A_1530] {strides = array<i32>} : memref<160x64xf32, #tpu.memory_space<vmem>>, vector<16xf32>,
        %mul3A_1532 = arith.mulf %get3A_1531, %gather3A_1520 : vector<16xf32>
        %add3A_1533 = arith.addf %mul3A_1528, %mul3A_1532 : vector<16xf32>
        %get3A_1534 = arith.index_cast %add3A_1512 : i32 to index
        %get3A_1535 = arith.constant 0 : index
        %get3A_1536 = tpu.vector_load %arg22[%get3A_1534, %get3A_1535] {strides = array<i32>} : memref<160x64xf32, #tpu.memory_space<vmem>>, vector<16xf32>,
        %mul3A_1537 = arith.mulf %get3A_1536, %gather3A_1524 : vector<16xf32>
        %add3A_1538 = arith.addf %add3A_1533, %mul3A_1537 : vector<16xf32>
        %swap3A_1539 = arith.index_cast %add3A_1512 : i32 to index
        %swap3A_1540 = arith.constant 0 : index
        %swap3A_1541 = tpu.vector_load %arg23[%swap3A_1539, %swap3A_1540] {strides = array<i32>} : memref<160x64xf32, #tpu.memory_space<vmem>>, vector<16xf32>,
        tpu.vector_store %arg23[%swap3A_1539, %swap3A_1540], %add3A_1538 {strides = array<i32>} : memref<160x64xf32, #tpu.memory_space<vmem>>, vector<16xf32>,
        %get3A_1542 = arith.index_cast %add3A_1512 : i32 to index
        %get3A_1543 = arith.constant 16 : index
        %get3A_1544 = tpu.vector_load %arg20[%get3A_1542, %get3A_1543] {strides = array<i32>} : memref<160x64xf32, #tpu.memory_space<vmem>>, vector<16xf32>,
        %mul3A_1545 = arith.mulf %get3A_1544, %gather3A_1516 : vector<16xf32>
        %get3A_1546 = arith.index_cast %add3A_1512 : i32 to index
        %get3A_1547 = arith.constant 16 : index
        %get3A_1548 = tpu.vector_load %arg21[%get3A_1546, %get3A_1547] {strides = array<i32>} : memref<160x64xf32, #tpu.memory_space<vmem>>, vector<16xf32>,
        %mul3A_1549 = arith.mulf %get3A_1548, %gather3A_1520 : vector<16xf32>
        %add3A_1550 = arith.addf %mul3A_1545, %mul3A_1549 : vector<16xf32>
        %get3A_1551 = arith.index_cast %add3A_1512 : i32 to index
        %get3A_1552 = arith.constant 16 : index
        %get3A_1553 = tpu.vector_load %arg22[%get3A_1551, %get3A_1552] {strides = array<i32>} : memref<160x64xf32, #tpu.memory_space<vmem>>, vector<16xf32>,
        %mul3A_1554 = arith.mulf %get3A_1553, %gather3A_1524 : vector<16xf32>
        %add3A_1555 = arith.addf %add3A_1550, %mul3A_1554 : vector<16xf32>
        %swap3A_1556 = arith.index_cast %add3A_1512 : i32 to index
        %swap3A_1557 = arith.constant 16 : index
        %swap3A_1558 = tpu.vector_load %arg23[%swap3A_1556, %swap3A_1557] {strides = array<i32>} : memref<160x64xf32, #tpu.memory_space<vmem>>, vector<16xf32>,
        tpu.vector_store %arg23[%swap3A_1556, %swap3A_1557], %add3A_1555 {strides = array<i32>} : memref<160x64xf32, #tpu.memory_space<vmem>>, vector<16xf32>,
        %get3A_1559 = arith.index_cast %add3A_1512 : i32 to index
        %get3A_1560 = arith.constant 32 : index
        %get3A_1561 = tpu.vector_load %arg20[%get3A_1559, %get3A_1560] {strides = array<i32>} : memref<160x64xf32, #tpu.memory_space<vmem>>, vector<16xf32>,
        %mul3A_1562 = arith.mulf %get3A_1561, %gather3A_1516 : vector<16xf32>
        %get3A_1563 = arith.index_cast %add3A_1512 : i32 to index
        %get3A_1564 = arith.constant 32 : index
        %get3A_1565 = tpu.vector_load %arg21[%get3A_1563, %get3A_1564] {strides = array<i32>} : memref<160x64xf32, #tpu.memory_space<vmem>>, vector<16xf32>,
        %mul3A_1566 = arith.mulf %get3A_1565, %gather3A_1520 : vector<16xf32>
        %add3A_1567 = arith.addf %mul3A_1562, %mul3A_1566 : vector<16xf32>
        %get3A_1568 = arith.index_cast %add3A_1512 : i32 to index
        %get3A_1569 = arith.constant 32 : index
        %get3A_1570 = tpu.vector_load %arg22[%get3A_1568, %get3A_1569] {strides = array<i32>} : memref<160x64xf32, #tpu.memory_space<vmem>>, vector<16xf32>,
        %mul3A_1571 = arith.mulf %get3A_1570, %gather3A_1524 : vector<16xf32>
        %add3A_1572 = arith.addf %add3A_1567, %mul3A_1571 : vector<16xf32>
        %swap3A_1573 = arith.index_cast %add3A_1512 : i32 to index
        %swap3A_1574 = arith.constant 32 : index
        %swap3A_1575 = tpu.vector_load %arg23[%swap3A_1573, %swap3A_1574] {strides = array<i32>} : memref<160x64xf32, #tpu.memory_space<vmem>>, vector<16xf32>,
        tpu.vector_store %arg23[%swap3A_1573, %swap3A_1574], %add3A_1572 {strides = array<i32>} : memref<160x64xf32, #tpu.memory_space<vmem>>, vector<16xf32>,
        %get3A_1576 = arith.index_cast %add3A_1512 : i32 to index
        %get3A_1577 = arith.constant 48 : index
        %get3A_1578 = tpu.vector_load %arg20[%get3A_1576, %get3A_1577] {strides = array<i32>} : memref<160x64xf32, #tpu.memory_space<vmem>>, vector<16xf32>,
        %mul3A_1579 = arith.mulf %get3A_1578, %gather3A_1516 : vector<16xf32>
        %get3A_1580 = arith.index_cast %add3A_1512 : i32 to index
        %get3A_1581 = arith.constant 48 : index
        %get3A_1582 = tpu.vector_load %arg21[%get3A_1580, %get3A_1581] {strides = array<i32>} : memref<160x64xf32, #tpu.memory_space<vmem>>, vector<16xf32>,
        %mul3A_1583 = arith.mulf %get3A_1582, %gather3A_1520 : vector<16xf32>
        %add3A_1584 = arith.addf %mul3A_1579, %mul3A_1583 : vector<16xf32>
        %get3A_1585 = arith.index_cast %add3A_1512 : i32 to index
        %get3A_1586 = arith.constant 48 : index
        %get3A_1587 = tpu.vector_load %arg22[%get3A_1585, %get3A_1586] {strides = array<i32>} : memref<160x64xf32, #tpu.memory_space<vmem>>, vector<16xf32>,
        %mul3A_1588 = arith.mulf %get3A_1587, %gather3A_1524 : vector<16xf32>
        %add3A_1589 = arith.addf %add3A_1584, %mul3A_1588 : vector<16xf32>
        %swap3A_1590 = arith.index_cast %add3A_1512 : i32 to index
        %swap3A_1591 = arith.constant 48 : index
        %swap3A_1592 = tpu.vector_load %arg23[%swap3A_1590, %swap3A_1591] {strides = array<i32>} : memref<160x64xf32, #tpu.memory_space<vmem>>, vector<16xf32>,
        tpu.vector_store %arg23[%swap3A_1590, %swap3A_1591], %add3A_1589 {strides = array<i32>} : memref<160x64xf32, #tpu.memory_space<vmem>>, vector<16xf32>,
        %add3A_1593 = arith.constant 11 : i32
        %add3A_1594 = arith.addi %mul3A_686, %add3A_1593 : i32
        %broadcast_in_dim3A_1595 = arith.constant 11 : i32
        %broadcast_in_dim3A_1596 = vector.broadcast %broadcast_in_dim3A_1595 : i32 to vector<16x1xi32>
        %gather3A_1597 = vector.shape_cast %broadcast_in_dim3A_1596 : vector<16x1xi32> to vector<16xi32>
        %gather3A_1598 = tpu.dynamic_gather %get3A_688[%gather3A_1597] in [0] : vector<16xf32>, vector<16xi32> -> vector<16xf32>
        %broadcast_in_dim3A_1599 = arith.constant 11 : i32
        %broadcast_in_dim3A_1600 = vector.broadcast %broadcast_in_dim3A_1599 : i32 to vector<16x1xi32>
        %gather3A_1601 = vector.shape_cast %broadcast_in_dim3A_1600 : vector<16x1xi32> to vector<16xi32>
        %gather3A_1602 = tpu.dynamic_gather %get3A_690[%gather3A_1601] in [0] : vector<16xf32>, vector<16xi32> -> vector<16xf32>
        %broadcast_in_dim3A_1603 = arith.constant 11 : i32
        %broadcast_in_dim3A_1604 = vector.broadcast %broadcast_in_dim3A_1603 : i32 to vector<16x1xi32>
        %gather3A_1605 = vector.shape_cast %broadcast_in_dim3A_1604 : vector<16x1xi32> to vector<16xi32>
        %gather3A_1606 = tpu.dynamic_gather %get3A_692[%gather3A_1605] in [0] : vector<16xf32>, vector<16xi32> -> vector<16xf32>
        %get3A_1607 = arith.index_cast %add3A_1594 : i32 to index
        %get3A_1608 = arith.constant 0 : index
        %get3A_1609 = tpu.vector_load %arg20[%get3A_1607, %get3A_1608] {strides = array<i32>} : memref<160x64xf32, #tpu.memory_space<vmem>>, vector<16xf32>,
        %mul3A_1610 = arith.mulf %get3A_1609, %gather3A_1598 : vector<16xf32>
        %get3A_1611 = arith.index_cast %add3A_1594 : i32 to index
        %get3A_1612 = arith.constant 0 : index
        %get3A_1613 = tpu.vector_load %arg21[%get3A_1611, %get3A_1612] {strides = array<i32>} : memref<160x64xf32, #tpu.memory_space<vmem>>, vector<16xf32>,
        %mul3A_1614 = arith.mulf %get3A_1613, %gather3A_1602 : vector<16xf32>
        %add3A_1615 = arith.addf %mul3A_1610, %mul3A_1614 : vector<16xf32>
        %get3A_1616 = arith.index_cast %add3A_1594 : i32 to index
        %get3A_1617 = arith.constant 0 : index
        %get3A_1618 = tpu.vector_load %arg22[%get3A_1616, %get3A_1617] {strides = array<i32>} : memref<160x64xf32, #tpu.memory_space<vmem>>, vector<16xf32>,
        %mul3A_1619 = arith.mulf %get3A_1618, %gather3A_1606 : vector<16xf32>
        %add3A_1620 = arith.addf %add3A_1615, %mul3A_1619 : vector<16xf32>
        %swap3A_1621 = arith.index_cast %add3A_1594 : i32 to index
        %swap3A_1622 = arith.constant 0 : index
        %swap3A_1623 = tpu.vector_load %arg23[%swap3A_1621, %swap3A_1622] {strides = array<i32>} : memref<160x64xf32, #tpu.memory_space<vmem>>, vector<16xf32>,
        tpu.vector_store %arg23[%swap3A_1621, %swap3A_1622], %add3A_1620 {strides = array<i32>} : memref<160x64xf32, #tpu.memory_space<vmem>>, vector<16xf32>,
        %get3A_1624 = arith.index_cast %add3A_1594 : i32 to index
        %get3A_1625 = arith.constant 16 : index
        %get3A_1626 = tpu.vector_load %arg20[%get3A_1624, %get3A_1625] {strides = array<i32>} : memref<160x64xf32, #tpu.memory_space<vmem>>, vector<16xf32>,
        %mul3A_1627 = arith.mulf %get3A_1626, %gather3A_1598 : vector<16xf32>
        %get3A_1628 = arith.index_cast %add3A_1594 : i32 to index
        %get3A_1629 = arith.constant 16 : index
        %get3A_1630 = tpu.vector_load %arg21[%get3A_1628, %get3A_1629] {strides = array<i32>} : memref<160x64xf32, #tpu.memory_space<vmem>>, vector<16xf32>,
        %mul3A_1631 = arith.mulf %get3A_1630, %gather3A_1602 : vector<16xf32>
        %add3A_1632 = arith.addf %mul3A_1627, %mul3A_1631 : vector<16xf32>
        %get3A_1633 = arith.index_cast %add3A_1594 : i32 to index
        %get3A_1634 = arith.constant 16 : index
        %get3A_1635 = tpu.vector_load %arg22[%get3A_1633, %get3A_1634] {strides = array<i32>} : memref<160x64xf32, #tpu.memory_space<vmem>>, vector<16xf32>,
        %mul3A_1636 = arith.mulf %get3A_1635, %gather3A_1606 : vector<16xf32>
        %add3A_1637 = arith.addf %add3A_1632, %mul3A_1636 : vector<16xf32>
        %swap3A_1638 = arith.index_cast %add3A_1594 : i32 to index
        %swap3A_1639 = arith.constant 16 : index
        %swap3A_1640 = tpu.vector_load %arg23[%swap3A_1638, %swap3A_1639] {strides = array<i32>} : memref<160x64xf32, #tpu.memory_space<vmem>>, vector<16xf32>,
        tpu.vector_store %arg23[%swap3A_1638, %swap3A_1639], %add3A_1637 {strides = array<i32>} : memref<160x64xf32, #tpu.memory_space<vmem>>, vector<16xf32>,
        %get3A_1641 = arith.index_cast %add3A_1594 : i32 to index
        %get3A_1642 = arith.constant 32 : index
        %get3A_1643 = tpu.vector_load %arg20[%get3A_1641, %get3A_1642] {strides = array<i32>} : memref<160x64xf32, #tpu.memory_space<vmem>>, vector<16xf32>,
        %mul3A_1644 = arith.mulf %get3A_1643, %gather3A_1598 : vector<16xf32>
        %get3A_1645 = arith.index_cast %add3A_1594 : i32 to index
        %get3A_1646 = arith.constant 32 : index
        %get3A_1647 = tpu.vector_load %arg21[%get3A_1645, %get3A_1646] {strides = array<i32>} : memref<160x64xf32, #tpu.memory_space<vmem>>, vector<16xf32>,
        %mul3A_1648 = arith.mulf %get3A_1647, %gather3A_1602 : vector<16xf32>
        %add3A_1649 = arith.addf %mul3A_1644, %mul3A_1648 : vector<16xf32>
        %get3A_1650 = arith.index_cast %add3A_1594 : i32 to index
        %get3A_1651 = arith.constant 32 : index
        %get3A_1652 = tpu.vector_load %arg22[%get3A_1650, %get3A_1651] {strides = array<i32>} : memref<160x64xf32, #tpu.memory_space<vmem>>, vector<16xf32>,
        %mul3A_1653 = arith.mulf %get3A_1652, %gather3A_1606 : vector<16xf32>
        %add3A_1654 = arith.addf %add3A_1649, %mul3A_1653 : vector<16xf32>
        %swap3A_1655 = arith.index_cast %add3A_1594 : i32 to index
        %swap3A_1656 = arith.constant 32 : index
        %swap3A_1657 = tpu.vector_load %arg23[%swap3A_1655, %swap3A_1656] {strides = array<i32>} : memref<160x64xf32, #tpu.memory_space<vmem>>, vector<16xf32>,
        tpu.vector_store %arg23[%swap3A_1655, %swap3A_1656], %add3A_1654 {strides = array<i32>} : memref<160x64xf32, #tpu.memory_space<vmem>>, vector<16xf32>,
        %get3A_1658 = arith.index_cast %add3A_1594 : i32 to index
        %get3A_1659 = arith.constant 48 : index
        %get3A_1660 = tpu.vector_load %arg20[%get3A_1658, %get3A_1659] {strides = array<i32>} : memref<160x64xf32, #tpu.memory_space<vmem>>, vector<16xf32>,
        %mul3A_1661 = arith.mulf %get3A_1660, %gather3A_1598 : vector<16xf32>
        %get3A_1662 = arith.index_cast %add3A_1594 : i32 to index
        %get3A_1663 = arith.constant 48 : index
        %get3A_1664 = tpu.vector_load %arg21[%get3A_1662, %get3A_1663] {strides = array<i32>} : memref<160x64xf32, #tpu.memory_space<vmem>>, vector<16xf32>,
        %mul3A_1665 = arith.mulf %get3A_1664, %gather3A_1602 : vector<16xf32>
        %add3A_1666 = arith.addf %mul3A_1661, %mul3A_1665 : vector<16xf32>
        %get3A_1667 = arith.index_cast %add3A_1594 : i32 to index
        %get3A_1668 = arith.constant 48 : index
        %get3A_1669 = tpu.vector_load %arg22[%get3A_1667, %get3A_1668] {strides = array<i32>} : memref<160x64xf32, #tpu.memory_space<vmem>>, vector<16xf32>,
        %mul3A_1670 = arith.mulf %get3A_1669, %gather3A_1606 : vector<16xf32>
        %add3A_1671 = arith.addf %add3A_1666, %mul3A_1670 : vector<16xf32>
        %swap3A_1672 = arith.index_cast %add3A_1594 : i32 to index
        %swap3A_1673 = arith.constant 48 : index
        %swap3A_1674 = tpu.vector_load %arg23[%swap3A_1672, %swap3A_1673] {strides = array<i32>} : memref<160x64xf32, #tpu.memory_space<vmem>>, vector<16xf32>,
        tpu.vector_store %arg23[%swap3A_1672, %swap3A_1673], %add3A_1671 {strides = array<i32>} : memref<160x64xf32, #tpu.memory_space<vmem>>, vector<16xf32>,
        %add3A_1675 = arith.constant 12 : i32
        %add3A_1676 = arith.addi %mul3A_686, %add3A_1675 : i32
        %broadcast_in_dim3A_1677 = arith.constant 12 : i32
        %broadcast_in_dim3A_1678 = vector.broadcast %broadcast_in_dim3A_1677 : i32 to vector<16x1xi32>
        %gather3A_1679 = vector.shape_cast %broadcast_in_dim3A_1678 : vector<16x1xi32> to vector<16xi32>
        %gather3A_1680 = tpu.dynamic_gather %get3A_688[%gather3A_1679] in [0] : vector<16xf32>, vector<16xi32> -> vector<16xf32>
        %broadcast_in_dim3A_1681 = arith.constant 12 : i32
        %broadcast_in_dim3A_1682 = vector.broadcast %broadcast_in_dim3A_1681 : i32 to vector<16x1xi32>
        %gather3A_1683 = vector.shape_cast %broadcast_in_dim3A_1682 : vector<16x1xi32> to vector<16xi32>
        %gather3A_1684 = tpu.dynamic_gather %get3A_690[%gather3A_1683] in [0] : vector<16xf32>, vector<16xi32> -> vector<16xf32>
        %broadcast_in_dim3A_1685 = arith.constant 12 : i32
        %broadcast_in_dim3A_1686 = vector.broadcast %broadcast_in_dim3A_1685 : i32 to vector<16x1xi32>
        %gather3A_1687 = vector.shape_cast %broadcast_in_dim3A_1686 : vector<16x1xi32> to vector<16xi32>
        %gather3A_1688 = tpu.dynamic_gather %get3A_692[%gather3A_1687] in [0] : vector<16xf32>, vector<16xi32> -> vector<16xf32>
        %get3A_1689 = arith.index_cast %add3A_1676 : i32 to index
        %get3A_1690 = arith.constant 0 : index
        %get3A_1691 = tpu.vector_load %arg20[%get3A_1689, %get3A_1690] {strides = array<i32>} : memref<160x64xf32, #tpu.memory_space<vmem>>, vector<16xf32>,
        %mul3A_1692 = arith.mulf %get3A_1691, %gather3A_1680 : vector<16xf32>
        %get3A_1693 = arith.index_cast %add3A_1676 : i32 to index
        %get3A_1694 = arith.constant 0 : index
        %get3A_1695 = tpu.vector_load %arg21[%get3A_1693, %get3A_1694] {strides = array<i32>} : memref<160x64xf32, #tpu.memory_space<vmem>>, vector<16xf32>,
        %mul3A_1696 = arith.mulf %get3A_1695, %gather3A_1684 : vector<16xf32>
        %add3A_1697 = arith.addf %mul3A_1692, %mul3A_1696 : vector<16xf32>
        %get3A_1698 = arith.index_cast %add3A_1676 : i32 to index
        %get3A_1699 = arith.constant 0 : index
        %get3A_1700 = tpu.vector_load %arg22[%get3A_1698, %get3A_1699] {strides = array<i32>} : memref<160x64xf32, #tpu.memory_space<vmem>>, vector<16xf32>,
        %mul3A_1701 = arith.mulf %get3A_1700, %gather3A_1688 : vector<16xf32>
        %add3A_1702 = arith.addf %add3A_1697, %mul3A_1701 : vector<16xf32>
        %swap3A_1703 = arith.index_cast %add3A_1676 : i32 to index
        %swap3A_1704 = arith.constant 0 : index
        %swap3A_1705 = tpu.vector_load %arg23[%swap3A_1703, %swap3A_1704] {strides = array<i32>} : memref<160x64xf32, #tpu.memory_space<vmem>>, vector<16xf32>,
        tpu.vector_store %arg23[%swap3A_1703, %swap3A_1704], %add3A_1702 {strides = array<i32>} : memref<160x64xf32, #tpu.memory_space<vmem>>, vector<16xf32>,
        %get3A_1706 = arith.index_cast %add3A_1676 : i32 to index
        %get3A_1707 = arith.constant 16 : index
        %get3A_1708 = tpu.vector_load %arg20[%get3A_1706, %get3A_1707] {strides = array<i32>} : memref<160x64xf32, #tpu.memory_space<vmem>>, vector<16xf32>,
        %mul3A_1709 = arith.mulf %get3A_1708, %gather3A_1680 : vector<16xf32>
        %get3A_1710 = arith.index_cast %add3A_1676 : i32 to index
        %get3A_1711 = arith.constant 16 : index
        %get3A_1712 = tpu.vector_load %arg21[%get3A_1710, %get3A_1711] {strides = array<i32>} : memref<160x64xf32, #tpu.memory_space<vmem>>, vector<16xf32>,
        %mul3A_1713 = arith.mulf %get3A_1712, %gather3A_1684 : vector<16xf32>
        %add3A_1714 = arith.addf %mul3A_1709, %mul3A_1713 : vector<16xf32>
        %get3A_1715 = arith.index_cast %add3A_1676 : i32 to index
        %get3A_1716 = arith.constant 16 : index
        %get3A_1717 = tpu.vector_load %arg22[%get3A_1715, %get3A_1716] {strides = array<i32>} : memref<160x64xf32, #tpu.memory_space<vmem>>, vector<16xf32>,
        %mul3A_1718 = arith.mulf %get3A_1717, %gather3A_1688 : vector<16xf32>
        %add3A_1719 = arith.addf %add3A_1714, %mul3A_1718 : vector<16xf32>
        %swap3A_1720 = arith.index_cast %add3A_1676 : i32 to index
        %swap3A_1721 = arith.constant 16 : index
        %swap3A_1722 = tpu.vector_load %arg23[%swap3A_1720, %swap3A_1721] {strides = array<i32>} : memref<160x64xf32, #tpu.memory_space<vmem>>, vector<16xf32>,
        tpu.vector_store %arg23[%swap3A_1720, %swap3A_1721], %add3A_1719 {strides = array<i32>} : memref<160x64xf32, #tpu.memory_space<vmem>>, vector<16xf32>,
        %get3A_1723 = arith.index_cast %add3A_1676 : i32 to index
        %get3A_1724 = arith.constant 32 : index
        %get3A_1725 = tpu.vector_load %arg20[%get3A_1723, %get3A_1724] {strides = array<i32>} : memref<160x64xf32, #tpu.memory_space<vmem>>, vector<16xf32>,
        %mul3A_1726 = arith.mulf %get3A_1725, %gather3A_1680 : vector<16xf32>
        %get3A_1727 = arith.index_cast %add3A_1676 : i32 to index
        %get3A_1728 = arith.constant 32 : index
        %get3A_1729 = tpu.vector_load %arg21[%get3A_1727, %get3A_1728] {strides = array<i32>} : memref<160x64xf32, #tpu.memory_space<vmem>>, vector<16xf32>,
        %mul3A_1730 = arith.mulf %get3A_1729, %gather3A_1684 : vector<16xf32>
        %add3A_1731 = arith.addf %mul3A_1726, %mul3A_1730 : vector<16xf32>
        %get3A_1732 = arith.index_cast %add3A_1676 : i32 to index
        %get3A_1733 = arith.constant 32 : index
        %get3A_1734 = tpu.vector_load %arg22[%get3A_1732, %get3A_1733] {strides = array<i32>} : memref<160x64xf32, #tpu.memory_space<vmem>>, vector<16xf32>,
        %mul3A_1735 = arith.mulf %get3A_1734, %gather3A_1688 : vector<16xf32>
        %add3A_1736 = arith.addf %add3A_1731, %mul3A_1735 : vector<16xf32>
        %swap3A_1737 = arith.index_cast %add3A_1676 : i32 to index
        %swap3A_1738 = arith.constant 32 : index
        %swap3A_1739 = tpu.vector_load %arg23[%swap3A_1737, %swap3A_1738] {strides = array<i32>} : memref<160x64xf32, #tpu.memory_space<vmem>>, vector<16xf32>,
        tpu.vector_store %arg23[%swap3A_1737, %swap3A_1738], %add3A_1736 {strides = array<i32>} : memref<160x64xf32, #tpu.memory_space<vmem>>, vector<16xf32>,
        %get3A_1740 = arith.index_cast %add3A_1676 : i32 to index
        %get3A_1741 = arith.constant 48 : index
        %get3A_1742 = tpu.vector_load %arg20[%get3A_1740, %get3A_1741] {strides = array<i32>} : memref<160x64xf32, #tpu.memory_space<vmem>>, vector<16xf32>,
        %mul3A_1743 = arith.mulf %get3A_1742, %gather3A_1680 : vector<16xf32>
        %get3A_1744 = arith.index_cast %add3A_1676 : i32 to index
        %get3A_1745 = arith.constant 48 : index
        %get3A_1746 = tpu.vector_load %arg21[%get3A_1744, %get3A_1745] {strides = array<i32>} : memref<160x64xf32, #tpu.memory_space<vmem>>, vector<16xf32>,
        %mul3A_1747 = arith.mulf %get3A_1746, %gather3A_1684 : vector<16xf32>
        %add3A_1748 = arith.addf %mul3A_1743, %mul3A_1747 : vector<16xf32>
        %get3A_1749 = arith.index_cast %add3A_1676 : i32 to index
        %get3A_1750 = arith.constant 48 : index
        %get3A_1751 = tpu.vector_load %arg22[%get3A_1749, %get3A_1750] {strides = array<i32>} : memref<160x64xf32, #tpu.memory_space<vmem>>, vector<16xf32>,
        %mul3A_1752 = arith.mulf %get3A_1751, %gather3A_1688 : vector<16xf32>
        %add3A_1753 = arith.addf %add3A_1748, %mul3A_1752 : vector<16xf32>
        %swap3A_1754 = arith.index_cast %add3A_1676 : i32 to index
        %swap3A_1755 = arith.constant 48 : index
        %swap3A_1756 = tpu.vector_load %arg23[%swap3A_1754, %swap3A_1755] {strides = array<i32>} : memref<160x64xf32, #tpu.memory_space<vmem>>, vector<16xf32>,
        tpu.vector_store %arg23[%swap3A_1754, %swap3A_1755], %add3A_1753 {strides = array<i32>} : memref<160x64xf32, #tpu.memory_space<vmem>>, vector<16xf32>,
        %add3A_1757 = arith.constant 13 : i32
        %add3A_1758 = arith.addi %mul3A_686, %add3A_1757 : i32
        %broadcast_in_dim3A_1759 = arith.constant 13 : i32
        %broadcast_in_dim3A_1760 = vector.broadcast %broadcast_in_dim3A_1759 : i32 to vector<16x1xi32>
        %gather3A_1761 = vector.shape_cast %broadcast_in_dim3A_1760 : vector<16x1xi32> to vector<16xi32>
        %gather3A_1762 = tpu.dynamic_gather %get3A_688[%gather3A_1761] in [0] : vector<16xf32>, vector<16xi32> -> vector<16xf32>
        %broadcast_in_dim3A_1763 = arith.constant 13 : i32
        %broadcast_in_dim3A_1764 = vector.broadcast %broadcast_in_dim3A_1763 : i32 to vector<16x1xi32>
        %gather3A_1765 = vector.shape_cast %broadcast_in_dim3A_1764 : vector<16x1xi32> to vector<16xi32>
        %gather3A_1766 = tpu.dynamic_gather %get3A_690[%gather3A_1765] in [0] : vector<16xf32>, vector<16xi32> -> vector<16xf32>
        %broadcast_in_dim3A_1767 = arith.constant 13 : i32
        %broadcast_in_dim3A_1768 = vector.broadcast %broadcast_in_dim3A_1767 : i32 to vector<16x1xi32>
        %gather3A_1769 = vector.shape_cast %broadcast_in_dim3A_1768 : vector<16x1xi32> to vector<16xi32>
        %gather3A_1770 = tpu.dynamic_gather %get3A_692[%gather3A_1769] in [0] : vector<16xf32>, vector<16xi32> -> vector<16xf32>
        %get3A_1771 = arith.index_cast %add3A_1758 : i32 to index
        %get3A_1772 = arith.constant 0 : index
        %get3A_1773 = tpu.vector_load %arg20[%get3A_1771, %get3A_1772] {strides = array<i32>} : memref<160x64xf32, #tpu.memory_space<vmem>>, vector<16xf32>,
        %mul3A_1774 = arith.mulf %get3A_1773, %gather3A_1762 : vector<16xf32>
        %get3A_1775 = arith.index_cast %add3A_1758 : i32 to index
        %get3A_1776 = arith.constant 0 : index
        %get3A_1777 = tpu.vector_load %arg21[%get3A_1775, %get3A_1776] {strides = array<i32>} : memref<160x64xf32, #tpu.memory_space<vmem>>, vector<16xf32>,
        %mul3A_1778 = arith.mulf %get3A_1777, %gather3A_1766 : vector<16xf32>
        %add3A_1779 = arith.addf %mul3A_1774, %mul3A_1778 : vector<16xf32>
        %get3A_1780 = arith.index_cast %add3A_1758 : i32 to index
        %get3A_1781 = arith.constant 0 : index
        %get3A_1782 = tpu.vector_load %arg22[%get3A_1780, %get3A_1781] {strides = array<i32>} : memref<160x64xf32, #tpu.memory_space<vmem>>, vector<16xf32>,
        %mul3A_1783 = arith.mulf %get3A_1782, %gather3A_1770 : vector<16xf32>
        %add3A_1784 = arith.addf %add3A_1779, %mul3A_1783 : vector<16xf32>
        %swap3A_1785 = arith.index_cast %add3A_1758 : i32 to index
        %swap3A_1786 = arith.constant 0 : index
        %swap3A_1787 = tpu.vector_load %arg23[%swap3A_1785, %swap3A_1786] {strides = array<i32>} : memref<160x64xf32, #tpu.memory_space<vmem>>, vector<16xf32>,
        tpu.vector_store %arg23[%swap3A_1785, %swap3A_1786], %add3A_1784 {strides = array<i32>} : memref<160x64xf32, #tpu.memory_space<vmem>>, vector<16xf32>,
        %get3A_1788 = arith.index_cast %add3A_1758 : i32 to index
        %get3A_1789 = arith.constant 16 : index
        %get3A_1790 = tpu.vector_load %arg20[%get3A_1788, %get3A_1789] {strides = array<i32>} : memref<160x64xf32, #tpu.memory_space<vmem>>, vector<16xf32>,
        %mul3A_1791 = arith.mulf %get3A_1790, %gather3A_1762 : vector<16xf32>
        %get3A_1792 = arith.index_cast %add3A_1758 : i32 to index
        %get3A_1793 = arith.constant 16 : index
        %get3A_1794 = tpu.vector_load %arg21[%get3A_1792, %get3A_1793] {strides = array<i32>} : memref<160x64xf32, #tpu.memory_space<vmem>>, vector<16xf32>,
        %mul3A_1795 = arith.mulf %get3A_1794, %gather3A_1766 : vector<16xf32>
        %add3A_1796 = arith.addf %mul3A_1791, %mul3A_1795 : vector<16xf32>
        %get3A_1797 = arith.index_cast %add3A_1758 : i32 to index
        %get3A_1798 = arith.constant 16 : index
        %get3A_1799 = tpu.vector_load %arg22[%get3A_1797, %get3A_1798] {strides = array<i32>} : memref<160x64xf32, #tpu.memory_space<vmem>>, vector<16xf32>,
        %mul3A_1800 = arith.mulf %get3A_1799, %gather3A_1770 : vector<16xf32>
        %add3A_1801 = arith.addf %add3A_1796, %mul3A_1800 : vector<16xf32>
        %swap3A_1802 = arith.index_cast %add3A_1758 : i32 to index
        %swap3A_1803 = arith.constant 16 : index
        %swap3A_1804 = tpu.vector_load %arg23[%swap3A_1802, %swap3A_1803] {strides = array<i32>} : memref<160x64xf32, #tpu.memory_space<vmem>>, vector<16xf32>,
        tpu.vector_store %arg23[%swap3A_1802, %swap3A_1803], %add3A_1801 {strides = array<i32>} : memref<160x64xf32, #tpu.memory_space<vmem>>, vector<16xf32>,
        %get3A_1805 = arith.index_cast %add3A_1758 : i32 to index
        %get3A_1806 = arith.constant 32 : index
        %get3A_1807 = tpu.vector_load %arg20[%get3A_1805, %get3A_1806] {strides = array<i32>} : memref<160x64xf32, #tpu.memory_space<vmem>>, vector<16xf32>,
        %mul3A_1808 = arith.mulf %get3A_1807, %gather3A_1762 : vector<16xf32>
        %get3A_1809 = arith.index_cast %add3A_1758 : i32 to index
        %get3A_1810 = arith.constant 32 : index
        %get3A_1811 = tpu.vector_load %arg21[%get3A_1809, %get3A_1810] {strides = array<i32>} : memref<160x64xf32, #tpu.memory_space<vmem>>, vector<16xf32>,
        %mul3A_1812 = arith.mulf %get3A_1811, %gather3A_1766 : vector<16xf32>
        %add3A_1813 = arith.addf %mul3A_1808, %mul3A_1812 : vector<16xf32>
        %get3A_1814 = arith.index_cast %add3A_1758 : i32 to index
        %get3A_1815 = arith.constant 32 : index
        %get3A_1816 = tpu.vector_load %arg22[%get3A_1814, %get3A_1815] {strides = array<i32>} : memref<160x64xf32, #tpu.memory_space<vmem>>, vector<16xf32>,
        %mul3A_1817 = arith.mulf %get3A_1816, %gather3A_1770 : vector<16xf32>
        %add3A_1818 = arith.addf %add3A_1813, %mul3A_1817 : vector<16xf32>
        %swap3A_1819 = arith.index_cast %add3A_1758 : i32 to index
        %swap3A_1820 = arith.constant 32 : index
        %swap3A_1821 = tpu.vector_load %arg23[%swap3A_1819, %swap3A_1820] {strides = array<i32>} : memref<160x64xf32, #tpu.memory_space<vmem>>, vector<16xf32>,
        tpu.vector_store %arg23[%swap3A_1819, %swap3A_1820], %add3A_1818 {strides = array<i32>} : memref<160x64xf32, #tpu.memory_space<vmem>>, vector<16xf32>,
        %get3A_1822 = arith.index_cast %add3A_1758 : i32 to index
        %get3A_1823 = arith.constant 48 : index
        %get3A_1824 = tpu.vector_load %arg20[%get3A_1822, %get3A_1823] {strides = array<i32>} : memref<160x64xf32, #tpu.memory_space<vmem>>, vector<16xf32>,
        %mul3A_1825 = arith.mulf %get3A_1824, %gather3A_1762 : vector<16xf32>
        %get3A_1826 = arith.index_cast %add3A_1758 : i32 to index
        %get3A_1827 = arith.constant 48 : index
        %get3A_1828 = tpu.vector_load %arg21[%get3A_1826, %get3A_1827] {strides = array<i32>} : memref<160x64xf32, #tpu.memory_space<vmem>>, vector<16xf32>,
        %mul3A_1829 = arith.mulf %get3A_1828, %gather3A_1766 : vector<16xf32>
        %add3A_1830 = arith.addf %mul3A_1825, %mul3A_1829 : vector<16xf32>
        %get3A_1831 = arith.index_cast %add3A_1758 : i32 to index
        %get3A_1832 = arith.constant 48 : index
        %get3A_1833 = tpu.vector_load %arg22[%get3A_1831, %get3A_1832] {strides = array<i32>} : memref<160x64xf32, #tpu.memory_space<vmem>>, vector<16xf32>,
        %mul3A_1834 = arith.mulf %get3A_1833, %gather3A_1770 : vector<16xf32>
        %add3A_1835 = arith.addf %add3A_1830, %mul3A_1834 : vector<16xf32>
        %swap3A_1836 = arith.index_cast %add3A_1758 : i32 to index
        %swap3A_1837 = arith.constant 48 : index
        %swap3A_1838 = tpu.vector_load %arg23[%swap3A_1836, %swap3A_1837] {strides = array<i32>} : memref<160x64xf32, #tpu.memory_space<vmem>>, vector<16xf32>,
        tpu.vector_store %arg23[%swap3A_1836, %swap3A_1837], %add3A_1835 {strides = array<i32>} : memref<160x64xf32, #tpu.memory_space<vmem>>, vector<16xf32>,
        %add3A_1839 = arith.constant 14 : i32
        %add3A_1840 = arith.addi %mul3A_686, %add3A_1839 : i32
        %broadcast_in_dim3A_1841 = arith.constant 14 : i32
        %broadcast_in_dim3A_1842 = vector.broadcast %broadcast_in_dim3A_1841 : i32 to vector<16x1xi32>
        %gather3A_1843 = vector.shape_cast %broadcast_in_dim3A_1842 : vector<16x1xi32> to vector<16xi32>
        %gather3A_1844 = tpu.dynamic_gather %get3A_688[%gather3A_1843] in [0] : vector<16xf32>, vector<16xi32> -> vector<16xf32>
        %broadcast_in_dim3A_1845 = arith.constant 14 : i32
        %broadcast_in_dim3A_1846 = vector.broadcast %broadcast_in_dim3A_1845 : i32 to vector<16x1xi32>
        %gather3A_1847 = vector.shape_cast %broadcast_in_dim3A_1846 : vector<16x1xi32> to vector<16xi32>
        %gather3A_1848 = tpu.dynamic_gather %get3A_690[%gather3A_1847] in [0] : vector<16xf32>, vector<16xi32> -> vector<16xf32>
        %broadcast_in_dim3A_1849 = arith.constant 14 : i32
        %broadcast_in_dim3A_1850 = vector.broadcast %broadcast_in_dim3A_1849 : i32 to vector<16x1xi32>
        %gather3A_1851 = vector.shape_cast %broadcast_in_dim3A_1850 : vector<16x1xi32> to vector<16xi32>
        %gather3A_1852 = tpu.dynamic_gather %get3A_692[%gather3A_1851] in [0] : vector<16xf32>, vector<16xi32> -> vector<16xf32>
        %get3A_1853 = arith.index_cast %add3A_1840 : i32 to index
        %get3A_1854 = arith.constant 0 : index
        %get3A_1855 = tpu.vector_load %arg20[%get3A_1853, %get3A_1854] {strides = array<i32>} : memref<160x64xf32, #tpu.memory_space<vmem>>, vector<16xf32>,
        %mul3A_1856 = arith.mulf %get3A_1855, %gather3A_1844 : vector<16xf32>
        %get3A_1857 = arith.index_cast %add3A_1840 : i32 to index
        %get3A_1858 = arith.constant 0 : index
        %get3A_1859 = tpu.vector_load %arg21[%get3A_1857, %get3A_1858] {strides = array<i32>} : memref<160x64xf32, #tpu.memory_space<vmem>>, vector<16xf32>,
        %mul3A_1860 = arith.mulf %get3A_1859, %gather3A_1848 : vector<16xf32>
        %add3A_1861 = arith.addf %mul3A_1856, %mul3A_1860 : vector<16xf32>
        %get3A_1862 = arith.index_cast %add3A_1840 : i32 to index
        %get3A_1863 = arith.constant 0 : index
        %get3A_1864 = tpu.vector_load %arg22[%get3A_1862, %get3A_1863] {strides = array<i32>} : memref<160x64xf32, #tpu.memory_space<vmem>>, vector<16xf32>,
        %mul3A_1865 = arith.mulf %get3A_1864, %gather3A_1852 : vector<16xf32>
        %add3A_1866 = arith.addf %add3A_1861, %mul3A_1865 : vector<16xf32>
        %swap3A_1867 = arith.index_cast %add3A_1840 : i32 to index
        %swap3A_1868 = arith.constant 0 : index
        %swap3A_1869 = tpu.vector_load %arg23[%swap3A_1867, %swap3A_1868] {strides = array<i32>} : memref<160x64xf32, #tpu.memory_space<vmem>>, vector<16xf32>,
        tpu.vector_store %arg23[%swap3A_1867, %swap3A_1868], %add3A_1866 {strides = array<i32>} : memref<160x64xf32, #tpu.memory_space<vmem>>, vector<16xf32>,
        %get3A_1870 = arith.index_cast %add3A_1840 : i32 to index
        %get3A_1871 = arith.constant 16 : index
        %get3A_1872 = tpu.vector_load %arg20[%get3A_1870, %get3A_1871] {strides = array<i32>} : memref<160x64xf32, #tpu.memory_space<vmem>>, vector<16xf32>,
        %mul3A_1873 = arith.mulf %get3A_1872, %gather3A_1844 : vector<16xf32>
        %get3A_1874 = arith.index_cast %add3A_1840 : i32 to index
        %get3A_1875 = arith.constant 16 : index
        %get3A_1876 = tpu.vector_load %arg21[%get3A_1874, %get3A_1875] {strides = array<i32>} : memref<160x64xf32, #tpu.memory_space<vmem>>, vector<16xf32>,
        %mul3A_1877 = arith.mulf %get3A_1876, %gather3A_1848 : vector<16xf32>
        %add3A_1878 = arith.addf %mul3A_1873, %mul3A_1877 : vector<16xf32>
        %get3A_1879 = arith.index_cast %add3A_1840 : i32 to index
        %get3A_1880 = arith.constant 16 : index
        %get3A_1881 = tpu.vector_load %arg22[%get3A_1879, %get3A_1880] {strides = array<i32>} : memref<160x64xf32, #tpu.memory_space<vmem>>, vector<16xf32>,
        %mul3A_1882 = arith.mulf %get3A_1881, %gather3A_1852 : vector<16xf32>
        %add3A_1883 = arith.addf %add3A_1878, %mul3A_1882 : vector<16xf32>
        %swap3A_1884 = arith.index_cast %add3A_1840 : i32 to index
        %swap3A_1885 = arith.constant 16 : index
        %swap3A_1886 = tpu.vector_load %arg23[%swap3A_1884, %swap3A_1885] {strides = array<i32>} : memref<160x64xf32, #tpu.memory_space<vmem>>, vector<16xf32>,
        tpu.vector_store %arg23[%swap3A_1884, %swap3A_1885], %add3A_1883 {strides = array<i32>} : memref<160x64xf32, #tpu.memory_space<vmem>>, vector<16xf32>,
        %get3A_1887 = arith.index_cast %add3A_1840 : i32 to index
        %get3A_1888 = arith.constant 32 : index
        %get3A_1889 = tpu.vector_load %arg20[%get3A_1887, %get3A_1888] {strides = array<i32>} : memref<160x64xf32, #tpu.memory_space<vmem>>, vector<16xf32>,
        %mul3A_1890 = arith.mulf %get3A_1889, %gather3A_1844 : vector<16xf32>
        %get3A_1891 = arith.index_cast %add3A_1840 : i32 to index
        %get3A_1892 = arith.constant 32 : index
        %get3A_1893 = tpu.vector_load %arg21[%get3A_1891, %get3A_1892] {strides = array<i32>} : memref<160x64xf32, #tpu.memory_space<vmem>>, vector<16xf32>,
        %mul3A_1894 = arith.mulf %get3A_1893, %gather3A_1848 : vector<16xf32>
        %add3A_1895 = arith.addf %mul3A_1890, %mul3A_1894 : vector<16xf32>
        %get3A_1896 = arith.index_cast %add3A_1840 : i32 to index
        %get3A_1897 = arith.constant 32 : index
        %get3A_1898 = tpu.vector_load %arg22[%get3A_1896, %get3A_1897] {strides = array<i32>} : memref<160x64xf32, #tpu.memory_space<vmem>>, vector<16xf32>,
        %mul3A_1899 = arith.mulf %get3A_1898, %gather3A_1852 : vector<16xf32>
        %add3A_1900 = arith.addf %add3A_1895, %mul3A_1899 : vector<16xf32>
        %swap3A_1901 = arith.index_cast %add3A_1840 : i32 to index
        %swap3A_1902 = arith.constant 32 : index
        %swap3A_1903 = tpu.vector_load %arg23[%swap3A_1901, %swap3A_1902] {strides = array<i32>} : memref<160x64xf32, #tpu.memory_space<vmem>>, vector<16xf32>,
        tpu.vector_store %arg23[%swap3A_1901, %swap3A_1902], %add3A_1900 {strides = array<i32>} : memref<160x64xf32, #tpu.memory_space<vmem>>, vector<16xf32>,
        %get3A_1904 = arith.index_cast %add3A_1840 : i32 to index
        %get3A_1905 = arith.constant 48 : index
        %get3A_1906 = tpu.vector_load %arg20[%get3A_1904, %get3A_1905] {strides = array<i32>} : memref<160x64xf32, #tpu.memory_space<vmem>>, vector<16xf32>,
        %mul3A_1907 = arith.mulf %get3A_1906, %gather3A_1844 : vector<16xf32>
        %get3A_1908 = arith.index_cast %add3A_1840 : i32 to index
        %get3A_1909 = arith.constant 48 : index
        %get3A_1910 = tpu.vector_load %arg21[%get3A_1908, %get3A_1909] {strides = array<i32>} : memref<160x64xf32, #tpu.memory_space<vmem>>, vector<16xf32>,
        %mul3A_1911 = arith.mulf %get3A_1910, %gather3A_1848 : vector<16xf32>
        %add3A_1912 = arith.addf %mul3A_1907, %mul3A_1911 : vector<16xf32>
        %get3A_1913 = arith.index_cast %add3A_1840 : i32 to index
        %get3A_1914 = arith.constant 48 : index
        %get3A_1915 = tpu.vector_load %arg22[%get3A_1913, %get3A_1914] {strides = array<i32>} : memref<160x64xf32, #tpu.memory_space<vmem>>, vector<16xf32>,
        %mul3A_1916 = arith.mulf %get3A_1915, %gather3A_1852 : vector<16xf32>
        %add3A_1917 = arith.addf %add3A_1912, %mul3A_1916 : vector<16xf32>
        %swap3A_1918 = arith.index_cast %add3A_1840 : i32 to index
        %swap3A_1919 = arith.constant 48 : index
        %swap3A_1920 = tpu.vector_load %arg23[%swap3A_1918, %swap3A_1919] {strides = array<i32>} : memref<160x64xf32, #tpu.memory_space<vmem>>, vector<16xf32>,
        tpu.vector_store %arg23[%swap3A_1918, %swap3A_1919], %add3A_1917 {strides = array<i32>} : memref<160x64xf32, #tpu.memory_space<vmem>>, vector<16xf32>,
        %add3A_1921 = arith.constant 15 : i32
        %add3A_1922 = arith.addi %mul3A_686, %add3A_1921 : i32
        %broadcast_in_dim3A_1923 = arith.constant 15 : i32
        %broadcast_in_dim3A_1924 = vector.broadcast %broadcast_in_dim3A_1923 : i32 to vector<16x1xi32>
        %gather3A_1925 = vector.shape_cast %broadcast_in_dim3A_1924 : vector<16x1xi32> to vector<16xi32>
        %gather3A_1926 = tpu.dynamic_gather %get3A_688[%gather3A_1925] in [0] : vector<16xf32>, vector<16xi32> -> vector<16xf32>
        %broadcast_in_dim3A_1927 = arith.constant 15 : i32
        %broadcast_in_dim3A_1928 = vector.broadcast %broadcast_in_dim3A_1927 : i32 to vector<16x1xi32>
        %gather3A_1929 = vector.shape_cast %broadcast_in_dim3A_1928 : vector<16x1xi32> to vector<16xi32>
        %gather3A_1930 = tpu.dynamic_gather %get3A_690[%gather3A_1929] in [0] : vector<16xf32>, vector<16xi32> -> vector<16xf32>
        %broadcast_in_dim3A_1931 = arith.constant 15 : i32
        %broadcast_in_dim3A_1932 = vector.broadcast %broadcast_in_dim3A_1931 : i32 to vector<16x1xi32>
        %gather3A_1933 = vector.shape_cast %broadcast_in_dim3A_1932 : vector<16x1xi32> to vector<16xi32>
        %gather3A_1934 = tpu.dynamic_gather %get3A_692[%gather3A_1933] in [0] : vector<16xf32>, vector<16xi32> -> vector<16xf32>
        %get3A_1935 = arith.index_cast %add3A_1922 : i32 to index
        %get3A_1936 = arith.constant 0 : index
        %get3A_1937 = tpu.vector_load %arg20[%get3A_1935, %get3A_1936] {strides = array<i32>} : memref<160x64xf32, #tpu.memory_space<vmem>>, vector<16xf32>,
        %mul3A_1938 = arith.mulf %get3A_1937, %gather3A_1926 : vector<16xf32>
        %get3A_1939 = arith.index_cast %add3A_1922 : i32 to index
        %get3A_1940 = arith.constant 0 : index
        %get3A_1941 = tpu.vector_load %arg21[%get3A_1939, %get3A_1940] {strides = array<i32>} : memref<160x64xf32, #tpu.memory_space<vmem>>, vector<16xf32>,
        %mul3A_1942 = arith.mulf %get3A_1941, %gather3A_1930 : vector<16xf32>
        %add3A_1943 = arith.addf %mul3A_1938, %mul3A_1942 : vector<16xf32>
        %get3A_1944 = arith.index_cast %add3A_1922 : i32 to index
        %get3A_1945 = arith.constant 0 : index
        %get3A_1946 = tpu.vector_load %arg22[%get3A_1944, %get3A_1945] {strides = array<i32>} : memref<160x64xf32, #tpu.memory_space<vmem>>, vector<16xf32>,
        %mul3A_1947 = arith.mulf %get3A_1946, %gather3A_1934 : vector<16xf32>
        %add3A_1948 = arith.addf %add3A_1943, %mul3A_1947 : vector<16xf32>
        %swap3A_1949 = arith.index_cast %add3A_1922 : i32 to index
        %swap3A_1950 = arith.constant 0 : index
        %swap3A_1951 = tpu.vector_load %arg23[%swap3A_1949, %swap3A_1950] {strides = array<i32>} : memref<160x64xf32, #tpu.memory_space<vmem>>, vector<16xf32>,
        tpu.vector_store %arg23[%swap3A_1949, %swap3A_1950], %add3A_1948 {strides = array<i32>} : memref<160x64xf32, #tpu.memory_space<vmem>>, vector<16xf32>,
        %get3A_1952 = arith.index_cast %add3A_1922 : i32 to index
        %get3A_1953 = arith.constant 16 : index
        %get3A_1954 = tpu.vector_load %arg20[%get3A_1952, %get3A_1953] {strides = array<i32>} : memref<160x64xf32, #tpu.memory_space<vmem>>, vector<16xf32>,
        %mul3A_1955 = arith.mulf %get3A_1954, %gather3A_1926 : vector<16xf32>
        %get3A_1956 = arith.index_cast %add3A_1922 : i32 to index
        %get3A_1957 = arith.constant 16 : index
        %get3A_1958 = tpu.vector_load %arg21[%get3A_1956, %get3A_1957] {strides = array<i32>} : memref<160x64xf32, #tpu.memory_space<vmem>>, vector<16xf32>,
        %mul3A_1959 = arith.mulf %get3A_1958, %gather3A_1930 : vector<16xf32>
        %add3A_1960 = arith.addf %mul3A_1955, %mul3A_1959 : vector<16xf32>
        %get3A_1961 = arith.index_cast %add3A_1922 : i32 to index
        %get3A_1962 = arith.constant 16 : index
        %get3A_1963 = tpu.vector_load %arg22[%get3A_1961, %get3A_1962] {strides = array<i32>} : memref<160x64xf32, #tpu.memory_space<vmem>>, vector<16xf32>,
        %mul3A_1964 = arith.mulf %get3A_1963, %gather3A_1934 : vector<16xf32>
        %add3A_1965 = arith.addf %add3A_1960, %mul3A_1964 : vector<16xf32>
        %swap3A_1966 = arith.index_cast %add3A_1922 : i32 to index
        %swap3A_1967 = arith.constant 16 : index
        %swap3A_1968 = tpu.vector_load %arg23[%swap3A_1966, %swap3A_1967] {strides = array<i32>} : memref<160x64xf32, #tpu.memory_space<vmem>>, vector<16xf32>,
        tpu.vector_store %arg23[%swap3A_1966, %swap3A_1967], %add3A_1965 {strides = array<i32>} : memref<160x64xf32, #tpu.memory_space<vmem>>, vector<16xf32>,
        %get3A_1969 = arith.index_cast %add3A_1922 : i32 to index
        %get3A_1970 = arith.constant 32 : index
        %get3A_1971 = tpu.vector_load %arg20[%get3A_1969, %get3A_1970] {strides = array<i32>} : memref<160x64xf32, #tpu.memory_space<vmem>>, vector<16xf32>,
        %mul3A_1972 = arith.mulf %get3A_1971, %gather3A_1926 : vector<16xf32>
        %get3A_1973 = arith.index_cast %add3A_1922 : i32 to index
        %get3A_1974 = arith.constant 32 : index
        %get3A_1975 = tpu.vector_load %arg21[%get3A_1973, %get3A_1974] {strides = array<i32>} : memref<160x64xf32, #tpu.memory_space<vmem>>, vector<16xf32>,
        %mul3A_1976 = arith.mulf %get3A_1975, %gather3A_1930 : vector<16xf32>
        %add3A_1977 = arith.addf %mul3A_1972, %mul3A_1976 : vector<16xf32>
        %get3A_1978 = arith.index_cast %add3A_1922 : i32 to index
        %get3A_1979 = arith.constant 32 : index
        %get3A_1980 = tpu.vector_load %arg22[%get3A_1978, %get3A_1979] {strides = array<i32>} : memref<160x64xf32, #tpu.memory_space<vmem>>, vector<16xf32>,
        %mul3A_1981 = arith.mulf %get3A_1980, %gather3A_1934 : vector<16xf32>
        %add3A_1982 = arith.addf %add3A_1977, %mul3A_1981 : vector<16xf32>
        %swap3A_1983 = arith.index_cast %add3A_1922 : i32 to index
        %swap3A_1984 = arith.constant 32 : index
        %swap3A_1985 = tpu.vector_load %arg23[%swap3A_1983, %swap3A_1984] {strides = array<i32>} : memref<160x64xf32, #tpu.memory_space<vmem>>, vector<16xf32>,
        tpu.vector_store %arg23[%swap3A_1983, %swap3A_1984], %add3A_1982 {strides = array<i32>} : memref<160x64xf32, #tpu.memory_space<vmem>>, vector<16xf32>,
        %get3A_1986 = arith.index_cast %add3A_1922 : i32 to index
        %get3A_1987 = arith.constant 48 : index
        %get3A_1988 = tpu.vector_load %arg20[%get3A_1986, %get3A_1987] {strides = array<i32>} : memref<160x64xf32, #tpu.memory_space<vmem>>, vector<16xf32>,
        %mul3A_1989 = arith.mulf %get3A_1988, %gather3A_1926 : vector<16xf32>
        %get3A_1990 = arith.index_cast %add3A_1922 : i32 to index
        %get3A_1991 = arith.constant 48 : index
        %get3A_1992 = tpu.vector_load %arg21[%get3A_1990, %get3A_1991] {strides = array<i32>} : memref<160x64xf32, #tpu.memory_space<vmem>>, vector<16xf32>,
        %mul3A_1993 = arith.mulf %get3A_1992, %gather3A_1930 : vector<16xf32>
        %add3A_1994 = arith.addf %mul3A_1989, %mul3A_1993 : vector<16xf32>
        %get3A_1995 = arith.index_cast %add3A_1922 : i32 to index
        %get3A_1996 = arith.constant 48 : index
        %get3A_1997 = tpu.vector_load %arg22[%get3A_1995, %get3A_1996] {strides = array<i32>} : memref<160x64xf32, #tpu.memory_space<vmem>>, vector<16xf32>,
        %mul3A_1998 = arith.mulf %get3A_1997, %gather3A_1934 : vector<16xf32>
        %add3A_1999 = arith.addf %add3A_1994, %mul3A_1998 : vector<16xf32>
        %swap3A_2000 = arith.index_cast %add3A_1922 : i32 to index
        %swap3A_2001 = arith.constant 48 : index
        %swap3A_2002 = tpu.vector_load %arg23[%swap3A_2000, %swap3A_2001] {strides = array<i32>} : memref<160x64xf32, #tpu.memory_space<vmem>>, vector<16xf32>,
        tpu.vector_store %arg23[%swap3A_2000, %swap3A_2001], %add3A_1999 {strides = array<i32>} : memref<160x64xf32, #tpu.memory_space<vmem>>, vector<16xf32>,
      }
      %scan3A_619 = arith.constant 10 : i32
      %add3A_620 = arith.addi %mul3A_2, %mul3A_588 : i32
      %dma_start3A_621 = arith.constant 0 : i32
      %dma_start3A_622 = tpu.memref_slice %arg8[%add3A_620, %dma_start3A_621] : memref<204800x64xf32, #tpu.memory_space<hbm>> -> memref<160x64xf32, #tpu.memory_space<hbm>>
      %dma_start3A_623 = arith.constant 0 : i32
      %dma_start3A_624 = tpu.memref_slice %arg8[%add3A_620, %dma_start3A_623] : memref<204800x64xf32, #tpu.memory_space<hbm>> -> memref<160x64xf32, #tpu.memory_space<hbm>>
      tpu.enqueue_dma source(%arg23 : memref<160x64xf32, #tpu.memory_space<vmem>>) target(%dma_start3A_624 : memref<160x64xf32, #tpu.memory_space<hbm>>) target_semaphore(%arg40 : memref<!tpu.dma_semaphore, #tpu.memory_space<semaphore_mem>>)
      %add3A_625 = arith.constant 2 : i32
      %add3A_626 = arith.addi %add3A_586, %add3A_625 : i32
      %lt3A_627 = arith.constant 40 : i32
      %lt3A_628 = arith.cmpi slt, %add3A_626, %lt3A_627 : i32
      %convert_element_type3A_629 = arith.extui %lt3A_628 : i1 to i32
      %cond3A_630 = arith.constant 0 : i32
      %cond3A_631 = arith.cmpi ne, %convert_element_type3A_629, %cond3A_630 : i32
      scf.if %cond3A_631 {
        %dma_start3A_684 = arith.constant 0 : i32
        %dma_start3A_685 = tpu.memref_slice %arg3[%dma_start3A_684] : memref<3000000xi32, #tpu.memory_space<hbm>> -> memref<3000000xi32, #tpu.memory_space<hbm>>
        tpu.enqueue_indirect_dma source(%dma_start3A_685 : memref<3000000xi32, #tpu.memory_space<hbm>>) target(%arg14 : memref<160xi32, #tpu.memory_space<vmem>>) offsets(%arg10 : memref<160xi32, #tpu.memory_space<vmem>>) semaphore(%arg38 : memref<!tpu.dma_semaphore, #tpu.memory_space<semaphore_mem>>)
        %dma_start3A_686 = arith.constant 0 : i32
        %dma_start3A_687 = tpu.memref_slice %arg4[%dma_start3A_686] : memref<1000000xf32, #tpu.memory_space<hbm>> -> memref<1000000xf32, #tpu.memory_space<hbm>>
        tpu.enqueue_indirect_dma source(%dma_start3A_687 : memref<1000000xf32, #tpu.memory_space<hbm>>) target(%arg17 : memref<160xf32, #tpu.memory_space<vmem>>) offsets(%arg13 : memref<160xi32, #tpu.memory_space<vmem>>) semaphore(%arg38 : memref<!tpu.dma_semaphore, #tpu.memory_space<semaphore_mem>>)
        %dma_start3A_688 = arith.constant 0 : i32
        %dma_start3A_689 = tpu.memref_slice %arg3[%dma_start3A_688] : memref<3000000xi32, #tpu.memory_space<hbm>> -> memref<3000000xi32, #tpu.memory_space<hbm>>
        tpu.enqueue_indirect_dma source(%dma_start3A_689 : memref<3000000xi32, #tpu.memory_space<hbm>>) target(%arg15 : memref<160xi32, #tpu.memory_space<vmem>>) offsets(%arg11 : memref<160xi32, #tpu.memory_space<vmem>>) semaphore(%arg38 : memref<!tpu.dma_semaphore, #tpu.memory_space<semaphore_mem>>)
        %dma_start3A_690 = arith.constant 0 : i32
        %dma_start3A_691 = tpu.memref_slice %arg5[%dma_start3A_690] : memref<1000000xf32, #tpu.memory_space<hbm>> -> memref<1000000xf32, #tpu.memory_space<hbm>>
        tpu.enqueue_indirect_dma source(%dma_start3A_691 : memref<1000000xf32, #tpu.memory_space<hbm>>) target(%arg18 : memref<160xf32, #tpu.memory_space<vmem>>) offsets(%arg13 : memref<160xi32, #tpu.memory_space<vmem>>) semaphore(%arg38 : memref<!tpu.dma_semaphore, #tpu.memory_space<semaphore_mem>>)
        %dma_start3A_692 = arith.constant 0 : i32
        %dma_start3A_693 = tpu.memref_slice %arg3[%dma_start3A_692] : memref<3000000xi32, #tpu.memory_space<hbm>> -> memref<3000000xi32, #tpu.memory_space<hbm>>
        tpu.enqueue_indirect_dma source(%dma_start3A_693 : memref<3000000xi32, #tpu.memory_space<hbm>>) target(%arg16 : memref<160xi32, #tpu.memory_space<vmem>>) offsets(%arg12 : memref<160xi32, #tpu.memory_space<vmem>>) semaphore(%arg38 : memref<!tpu.dma_semaphore, #tpu.memory_space<semaphore_mem>>)
        %dma_start3A_694 = arith.constant 0 : i32
        %dma_start3A_695 = tpu.memref_slice %arg6[%dma_start3A_694] : memref<1000000xf32, #tpu.memory_space<hbm>> -> memref<1000000xf32, #tpu.memory_space<hbm>>
        tpu.enqueue_indirect_dma source(%dma_start3A_695 : memref<1000000xf32, #tpu.memory_space<hbm>>) target(%arg19 : memref<160xf32, #tpu.memory_space<vmem>>) offsets(%arg13 : memref<160xi32, #tpu.memory_space<vmem>>) semaphore(%arg38 : memref<!tpu.dma_semaphore, #tpu.memory_space<semaphore_mem>>)
      } else {
      }
      %mul3A_632 = arith.constant 2 : i32
      %mul3A_633 = arith.muli %mul3A_632, %scan3A_582 : i32
      %add3A_634 = arith.constant 1 : i32
      %add3A_635 = arith.addi %mul3A_633, %add3A_634 : i32
      %mul3A_636 = arith.constant 160 : i32
      %mul3A_637 = arith.muli %add3A_635, %mul3A_636 : i32
      %ge3A_638 = arith.constant 2 : i32
      %ge3A_639 = arith.cmpi sge, %add3A_635, %ge3A_638 : i32
      %convert_element_type3A_640 = arith.extui %ge3A_639 : i1 to i32
      %cond3A_641 = arith.constant 0 : i32
      %cond3A_642 = arith.cmpi ne, %convert_element_type3A_640, %cond3A_641 : i32
      scf.if %cond3A_642 {
        %add3A_684 = arith.addi %mul3A_2, %mul3A_637 : i32
        %sub3A_685 = arith.constant 320 : i32
        %sub3A_686 = arith.subi %add3A_684, %sub3A_685 : i32
        %dma_wait3A_687 = arith.constant 0 : i32
        %dma_wait3A_688 = tpu.memref_slice %arg8[%sub3A_686, %dma_wait3A_687] : memref<204800x64xf32, #tpu.memory_space<hbm>> -> memref<160x64xf32, #tpu.memory_space<hbm>>
        %dma_wait3A_689 = arith.constant 0 : i32
        %dma_wait3A_690 = tpu.memref_slice %arg8[%sub3A_686, %dma_wait3A_689] : memref<204800x64xf32, #tpu.memory_space<hbm>> -> memref<160x64xf32, #tpu.memory_space<hbm>>
        tpu.wait_dma2 semaphore(%arg40 : memref<!tpu.dma_semaphore, #tpu.memory_space<semaphore_mem>>) src(%arg37 : memref<160x64xf32, #tpu.memory_space<vmem>>) dst(%dma_wait3A_690 : memref<160x64xf32, #tpu.memory_space<hbm>>)
      } else {
      }
      %dma_wait3A_643 = arith.constant 0 : i32
      %dma_wait3A_644 = arith.constant 0 : i32
      %dma_wait3A_645 = tpu.memref_slice %arg7[%dma_wait3A_643, %dma_wait3A_644] : memref<100001x64xf32, #tpu.memory_space<hbm>> -> memref<100001x64xf32, #tpu.memory_space<hbm>>
      tpu.wait_indirect_dma semaphore(%arg39 : memref<!tpu.dma_semaphore, #tpu.memory_space<semaphore_mem>>) src(%dma_wait3A_645 : memref<100001x64xf32, #tpu.memory_space<hbm>>) dst(%arg34 : memref<160x64xf32, #tpu.memory_space<vmem>>)
      %dma_wait3A_646 = arith.constant 0 : i32
      %dma_wait3A_647 = arith.constant 0 : i32
      %dma_wait3A_648 = tpu.memref_slice %arg7[%dma_wait3A_646, %dma_wait3A_647] : memref<100001x64xf32, #tpu.memory_space<hbm>> -> memref<100001x64xf32, #tpu.memory_space<hbm>>
      tpu.wait_indirect_dma semaphore(%arg39 : memref<!tpu.dma_semaphore, #tpu.memory_space<semaphore_mem>>) src(%dma_wait3A_648 : memref<100001x64xf32, #tpu.memory_space<hbm>>) dst(%arg35 : memref<160x64xf32, #tpu.memory_space<vmem>>)
      %dma_wait3A_649 = arith.constant 0 : i32
      %dma_wait3A_650 = arith.constant 0 : i32
      %dma_wait3A_651 = tpu.memref_slice %arg7[%dma_wait3A_649, %dma_wait3A_650] : memref<100001x64xf32, #tpu.memory_space<hbm>> -> memref<100001x64xf32, #tpu.memory_space<hbm>>
      tpu.wait_indirect_dma semaphore(%arg39 : memref<!tpu.dma_semaphore, #tpu.memory_space<semaphore_mem>>) src(%dma_wait3A_651 : memref<100001x64xf32, #tpu.memory_space<hbm>>) dst(%arg36 : memref<160x64xf32, #tpu.memory_space<vmem>>)
      %add3A_652 = arith.constant 1 : i32
      %add3A_653 = arith.addi %add3A_635, %add3A_652 : i32
      %lt3A_654 = arith.constant 40 : i32
      %lt3A_655 = arith.cmpi slt, %add3A_653, %lt3A_654 : i32
      %convert_element_type3A_656 = arith.extui %lt3A_655 : i1 to i32
      %cond3A_657 = arith.constant 0 : i32
      %cond3A_658 = arith.cmpi ne, %convert_element_type3A_656, %cond3A_657 : i32
      scf.if %cond3A_658 {
        %dma_wait3A_684 = arith.constant 0 : i32
        %dma_wait3A_685 = tpu.memref_slice %arg3[%dma_wait3A_684] : memref<3000000xi32, #tpu.memory_space<hbm>> -> memref<3000000xi32, #tpu.memory_space<hbm>>
        tpu.wait_indirect_dma semaphore(%arg38 : memref<!tpu.dma_semaphore, #tpu.memory_space<semaphore_mem>>) src(%dma_wait3A_685 : memref<3000000xi32, #tpu.memory_space<hbm>>) dst(%arg14 : memref<160xi32, #tpu.memory_space<vmem>>)
        %dma_wait3A_686 = arith.constant 0 : i32
        %dma_wait3A_687 = tpu.memref_slice %arg4[%dma_wait3A_686] : memref<1000000xf32, #tpu.memory_space<hbm>> -> memref<1000000xf32, #tpu.memory_space<hbm>>
        tpu.wait_indirect_dma semaphore(%arg38 : memref<!tpu.dma_semaphore, #tpu.memory_space<semaphore_mem>>) src(%dma_wait3A_687 : memref<1000000xf32, #tpu.memory_space<hbm>>) dst(%arg17 : memref<160xf32, #tpu.memory_space<vmem>>)
        %dma_wait3A_688 = arith.constant 0 : i32
        %dma_wait3A_689 = tpu.memref_slice %arg3[%dma_wait3A_688] : memref<3000000xi32, #tpu.memory_space<hbm>> -> memref<3000000xi32, #tpu.memory_space<hbm>>
        tpu.wait_indirect_dma semaphore(%arg38 : memref<!tpu.dma_semaphore, #tpu.memory_space<semaphore_mem>>) src(%dma_wait3A_689 : memref<3000000xi32, #tpu.memory_space<hbm>>) dst(%arg15 : memref<160xi32, #tpu.memory_space<vmem>>)
        %dma_wait3A_690 = arith.constant 0 : i32
        %dma_wait3A_691 = tpu.memref_slice %arg5[%dma_wait3A_690] : memref<1000000xf32, #tpu.memory_space<hbm>> -> memref<1000000xf32, #tpu.memory_space<hbm>>
        tpu.wait_indirect_dma semaphore(%arg38 : memref<!tpu.dma_semaphore, #tpu.memory_space<semaphore_mem>>) src(%dma_wait3A_691 : memref<1000000xf32, #tpu.memory_space<hbm>>) dst(%arg18 : memref<160xf32, #tpu.memory_space<vmem>>)
        %dma_wait3A_692 = arith.constant 0 : i32
        %dma_wait3A_693 = tpu.memref_slice %arg3[%dma_wait3A_692] : memref<3000000xi32, #tpu.memory_space<hbm>> -> memref<3000000xi32, #tpu.memory_space<hbm>>
        tpu.wait_indirect_dma semaphore(%arg38 : memref<!tpu.dma_semaphore, #tpu.memory_space<semaphore_mem>>) src(%dma_wait3A_693 : memref<3000000xi32, #tpu.memory_space<hbm>>) dst(%arg16 : memref<160xi32, #tpu.memory_space<vmem>>)
        %dma_wait3A_694 = arith.constant 0 : i32
        %dma_wait3A_695 = tpu.memref_slice %arg6[%dma_wait3A_694] : memref<1000000xf32, #tpu.memory_space<hbm>> -> memref<1000000xf32, #tpu.memory_space<hbm>>
        tpu.wait_indirect_dma semaphore(%arg38 : memref<!tpu.dma_semaphore, #tpu.memory_space<semaphore_mem>>) src(%dma_wait3A_695 : memref<1000000xf32, #tpu.memory_space<hbm>>) dst(%arg19 : memref<160xf32, #tpu.memory_space<vmem>>)
        %dma_start3A_696 = arith.constant 0 : i32
        %dma_start3A_697 = arith.constant 0 : i32
        %dma_start3A_698 = tpu.memref_slice %arg7[%dma_start3A_696, %dma_start3A_697] : memref<100001x64xf32, #tpu.memory_space<hbm>> -> memref<100001x64xf32, #tpu.memory_space<hbm>>
        tpu.enqueue_indirect_dma source(%dma_start3A_698 : memref<100001x64xf32, #tpu.memory_space<hbm>>) target(%arg20 : memref<160x64xf32, #tpu.memory_space<vmem>>) offsets(%arg14 : memref<160xi32, #tpu.memory_space<vmem>>) semaphore(%arg39 : memref<!tpu.dma_semaphore, #tpu.memory_space<semaphore_mem>>)
        %dma_start3A_699 = arith.constant 0 : i32
        %dma_start3A_700 = arith.constant 0 : i32
        %dma_start3A_701 = tpu.memref_slice %arg7[%dma_start3A_699, %dma_start3A_700] : memref<100001x64xf32, #tpu.memory_space<hbm>> -> memref<100001x64xf32, #tpu.memory_space<hbm>>
        tpu.enqueue_indirect_dma source(%dma_start3A_701 : memref<100001x64xf32, #tpu.memory_space<hbm>>) target(%arg21 : memref<160x64xf32, #tpu.memory_space<vmem>>) offsets(%arg15 : memref<160xi32, #tpu.memory_space<vmem>>) semaphore(%arg39 : memref<!tpu.dma_semaphore, #tpu.memory_space<semaphore_mem>>)
        %dma_start3A_702 = arith.constant 0 : i32
        %dma_start3A_703 = arith.constant 0 : i32
        %dma_start3A_704 = tpu.memref_slice %arg7[%dma_start3A_702, %dma_start3A_703] : memref<100001x64xf32, #tpu.memory_space<hbm>> -> memref<100001x64xf32, #tpu.memory_space<hbm>>
        tpu.enqueue_indirect_dma source(%dma_start3A_704 : memref<100001x64xf32, #tpu.memory_space<hbm>>) target(%arg22 : memref<160x64xf32, #tpu.memory_space<vmem>>) offsets(%arg16 : memref<160xi32, #tpu.memory_space<vmem>>) semaphore(%arg39 : memref<!tpu.dma_semaphore, #tpu.memory_space<semaphore_mem>>)
      } else {
      }
      %add3A_659 = arith.constant 2 : i32
      %add3A_660 = arith.addi %add3A_635, %add3A_659 : i32
      %lt3A_661 = arith.constant 40 : i32
      %lt3A_662 = arith.cmpi slt, %add3A_660, %lt3A_661 : i32
      %convert_element_type3A_663 = arith.extui %lt3A_662 : i1 to i32
      %cond3A_664 = arith.constant 0 : i32
      %cond3A_665 = arith.cmpi ne, %convert_element_type3A_663, %cond3A_664 : i32
      scf.if %cond3A_665 {
        %add3A_684 = arith.constant 320 : i32
        %add3A_685 = arith.addi %mul3A_637, %add3A_684 : i32
        %add3A_686 = arith.constant 0 : i32
        %add3A_687 = arith.addi %add3A_685, %add3A_686 : i32
        %get3A_688 = arith.index_cast %add3A_687 : i32 to index
        %get3A_689 = tpu.vector_load %arg9[%get3A_688] {strides = array<i32>} : memref<6400xi32, #tpu.memory_space<vmem>>, vector<16xi32>,
        %swap3A_690 = arith.constant 0 : index
        %swap3A_691 = tpu.vector_load %arg24[%swap3A_690] {strides = array<i32>} : memref<160xi32, #tpu.memory_space<vmem>>, vector<16xi32>,
        tpu.vector_store %arg24[%swap3A_690], %get3A_689 {strides = array<i32>} : memref<160xi32, #tpu.memory_space<vmem>>, vector<16xi32>,
        %add3A_692 = arith.constant 1000000 : i32
        %add3A_693 = vector.broadcast %add3A_692 : i32 to vector<16xi32>
        %add3A_694 = arith.addi %get3A_689, %add3A_693 : vector<16xi32>
        %swap3A_695 = arith.constant 0 : index
        %swap3A_696 = tpu.vector_load %arg25[%swap3A_695] {strides = array<i32>} : memref<160xi32, #tpu.memory_space<vmem>>, vector<16xi32>,
        tpu.vector_store %arg25[%swap3A_695], %add3A_694 {strides = array<i32>} : memref<160xi32, #tpu.memory_space<vmem>>, vector<16xi32>,
        %add3A_697 = arith.constant 2000000 : i32
        %add3A_698 = vector.broadcast %add3A_697 : i32 to vector<16xi32>
        %add3A_699 = arith.addi %get3A_689, %add3A_698 : vector<16xi32>
        %swap3A_700 = arith.constant 0 : index
        %swap3A_701 = tpu.vector_load %arg26[%swap3A_700] {strides = array<i32>} : memref<160xi32, #tpu.memory_space<vmem>>, vector<16xi32>,
        tpu.vector_store %arg26[%swap3A_700], %add3A_699 {strides = array<i32>} : memref<160xi32, #tpu.memory_space<vmem>>, vector<16xi32>,
        %add3A_702 = arith.constant 3 : i32
        %add3A_703 = vector.broadcast %add3A_702 : i32 to vector<16xi32>
        %add3A_704 = arith.addi %get3A_689, %add3A_703 : vector<16xi32>
        %ge3A_705 = arith.constant 1000000 : i32
        %ge3A_706 = vector.broadcast %ge3A_705 : i32 to vector<16xi32>
        %ge3A_707 = arith.cmpi sge, %add3A_704, %ge3A_706 : vector<16xi32>
        %sub3A_708 = arith.constant 1000000 : i32
        %sub3A_709 = vector.broadcast %sub3A_708 : i32 to vector<16xi32>
        %sub3A_710 = arith.subi %add3A_704, %sub3A_709 : vector<16xi32>
        %select_n3A_711 = arith.select %ge3A_707, %sub3A_710, %add3A_704 : vector<16xi1>, vector<16xi32>
        %swap3A_712 = arith.constant 0 : index
        %swap3A_713 = tpu.vector_load %arg27[%swap3A_712] {strides = array<i32>} : memref<160xi32, #tpu.memory_space<vmem>>, vector<16xi32>,
        tpu.vector_store %arg27[%swap3A_712], %select_n3A_711 {strides = array<i32>} : memref<160xi32, #tpu.memory_space<vmem>>, vector<16xi32>,
        %add3A_714 = arith.constant 16 : i32
        %add3A_715 = arith.addi %add3A_685, %add3A_714 : i32
        %get3A_716 = arith.index_cast %add3A_715 : i32 to index
        %get3A_717 = tpu.vector_load %arg9[%get3A_716] {strides = array<i32>} : memref<6400xi32, #tpu.memory_space<vmem>>, vector<16xi32>,
        %swap3A_718 = arith.constant 16 : index
        %swap3A_719 = tpu.vector_load %arg24[%swap3A_718] {strides = array<i32>} : memref<160xi32, #tpu.memory_space<vmem>>, vector<16xi32>,
        tpu.vector_store %arg24[%swap3A_718], %get3A_717 {strides = array<i32>} : memref<160xi32, #tpu.memory_space<vmem>>, vector<16xi32>,
        %add3A_720 = arith.constant 1000000 : i32
        %add3A_721 = vector.broadcast %add3A_720 : i32 to vector<16xi32>
        %add3A_722 = arith.addi %get3A_717, %add3A_721 : vector<16xi32>
        %swap3A_723 = arith.constant 16 : index
        %swap3A_724 = tpu.vector_load %arg25[%swap3A_723] {strides = array<i32>} : memref<160xi32, #tpu.memory_space<vmem>>, vector<16xi32>,
        tpu.vector_store %arg25[%swap3A_723], %add3A_722 {strides = array<i32>} : memref<160xi32, #tpu.memory_space<vmem>>, vector<16xi32>,
        %add3A_725 = arith.constant 2000000 : i32
        %add3A_726 = vector.broadcast %add3A_725 : i32 to vector<16xi32>
        %add3A_727 = arith.addi %get3A_717, %add3A_726 : vector<16xi32>
        %swap3A_728 = arith.constant 16 : index
        %swap3A_729 = tpu.vector_load %arg26[%swap3A_728] {strides = array<i32>} : memref<160xi32, #tpu.memory_space<vmem>>, vector<16xi32>,
        tpu.vector_store %arg26[%swap3A_728], %add3A_727 {strides = array<i32>} : memref<160xi32, #tpu.memory_space<vmem>>, vector<16xi32>,
        %add3A_730 = arith.constant 3 : i32
        %add3A_731 = vector.broadcast %add3A_730 : i32 to vector<16xi32>
        %add3A_732 = arith.addi %get3A_717, %add3A_731 : vector<16xi32>
        %ge3A_733 = arith.constant 1000000 : i32
        %ge3A_734 = vector.broadcast %ge3A_733 : i32 to vector<16xi32>
        %ge3A_735 = arith.cmpi sge, %add3A_732, %ge3A_734 : vector<16xi32>
        %sub3A_736 = arith.constant 1000000 : i32
        %sub3A_737 = vector.broadcast %sub3A_736 : i32 to vector<16xi32>
        %sub3A_738 = arith.subi %add3A_732, %sub3A_737 : vector<16xi32>
        %select_n3A_739 = arith.select %ge3A_735, %sub3A_738, %add3A_732 : vector<16xi1>, vector<16xi32>
        %swap3A_740 = arith.constant 16 : index
        %swap3A_741 = tpu.vector_load %arg27[%swap3A_740] {strides = array<i32>} : memref<160xi32, #tpu.memory_space<vmem>>, vector<16xi32>,
        tpu.vector_store %arg27[%swap3A_740], %select_n3A_739 {strides = array<i32>} : memref<160xi32, #tpu.memory_space<vmem>>, vector<16xi32>,
        %add3A_742 = arith.constant 32 : i32
        %add3A_743 = arith.addi %add3A_685, %add3A_742 : i32
        %get3A_744 = arith.index_cast %add3A_743 : i32 to index
        %get3A_745 = tpu.vector_load %arg9[%get3A_744] {strides = array<i32>} : memref<6400xi32, #tpu.memory_space<vmem>>, vector<16xi32>,
        %swap3A_746 = arith.constant 32 : index
        %swap3A_747 = tpu.vector_load %arg24[%swap3A_746] {strides = array<i32>} : memref<160xi32, #tpu.memory_space<vmem>>, vector<16xi32>,
        tpu.vector_store %arg24[%swap3A_746], %get3A_745 {strides = array<i32>} : memref<160xi32, #tpu.memory_space<vmem>>, vector<16xi32>,
        %add3A_748 = arith.constant 1000000 : i32
        %add3A_749 = vector.broadcast %add3A_748 : i32 to vector<16xi32>
        %add3A_750 = arith.addi %get3A_745, %add3A_749 : vector<16xi32>
        %swap3A_751 = arith.constant 32 : index
        %swap3A_752 = tpu.vector_load %arg25[%swap3A_751] {strides = array<i32>} : memref<160xi32, #tpu.memory_space<vmem>>, vector<16xi32>,
        tpu.vector_store %arg25[%swap3A_751], %add3A_750 {strides = array<i32>} : memref<160xi32, #tpu.memory_space<vmem>>, vector<16xi32>,
        %add3A_753 = arith.constant 2000000 : i32
        %add3A_754 = vector.broadcast %add3A_753 : i32 to vector<16xi32>
        %add3A_755 = arith.addi %get3A_745, %add3A_754 : vector<16xi32>
        %swap3A_756 = arith.constant 32 : index
        %swap3A_757 = tpu.vector_load %arg26[%swap3A_756] {strides = array<i32>} : memref<160xi32, #tpu.memory_space<vmem>>, vector<16xi32>,
        tpu.vector_store %arg26[%swap3A_756], %add3A_755 {strides = array<i32>} : memref<160xi32, #tpu.memory_space<vmem>>, vector<16xi32>,
        %add3A_758 = arith.constant 3 : i32
        %add3A_759 = vector.broadcast %add3A_758 : i32 to vector<16xi32>
        %add3A_760 = arith.addi %get3A_745, %add3A_759 : vector<16xi32>
        %ge3A_761 = arith.constant 1000000 : i32
        %ge3A_762 = vector.broadcast %ge3A_761 : i32 to vector<16xi32>
        %ge3A_763 = arith.cmpi sge, %add3A_760, %ge3A_762 : vector<16xi32>
        %sub3A_764 = arith.constant 1000000 : i32
        %sub3A_765 = vector.broadcast %sub3A_764 : i32 to vector<16xi32>
        %sub3A_766 = arith.subi %add3A_760, %sub3A_765 : vector<16xi32>
        %select_n3A_767 = arith.select %ge3A_763, %sub3A_766, %add3A_760 : vector<16xi1>, vector<16xi32>
        %swap3A_768 = arith.constant 32 : index
        %swap3A_769 = tpu.vector_load %arg27[%swap3A_768] {strides = array<i32>} : memref<160xi32, #tpu.memory_space<vmem>>, vector<16xi32>,
        tpu.vector_store %arg27[%swap3A_768], %select_n3A_767 {strides = array<i32>} : memref<160xi32, #tpu.memory_space<vmem>>, vector<16xi32>,
        %add3A_770 = arith.constant 48 : i32
        %add3A_771 = arith.addi %add3A_685, %add3A_770 : i32
        %get3A_772 = arith.index_cast %add3A_771 : i32 to index
        %get3A_773 = tpu.vector_load %arg9[%get3A_772] {strides = array<i32>} : memref<6400xi32, #tpu.memory_space<vmem>>, vector<16xi32>,
        %swap3A_774 = arith.constant 48 : index
        %swap3A_775 = tpu.vector_load %arg24[%swap3A_774] {strides = array<i32>} : memref<160xi32, #tpu.memory_space<vmem>>, vector<16xi32>,
        tpu.vector_store %arg24[%swap3A_774], %get3A_773 {strides = array<i32>} : memref<160xi32, #tpu.memory_space<vmem>>, vector<16xi32>,
        %add3A_776 = arith.constant 1000000 : i32
        %add3A_777 = vector.broadcast %add3A_776 : i32 to vector<16xi32>
        %add3A_778 = arith.addi %get3A_773, %add3A_777 : vector<16xi32>
        %swap3A_779 = arith.constant 48 : index
        %swap3A_780 = tpu.vector_load %arg25[%swap3A_779] {strides = array<i32>} : memref<160xi32, #tpu.memory_space<vmem>>, vector<16xi32>,
        tpu.vector_store %arg25[%swap3A_779], %add3A_778 {strides = array<i32>} : memref<160xi32, #tpu.memory_space<vmem>>, vector<16xi32>,
        %add3A_781 = arith.constant 2000000 : i32
        %add3A_782 = vector.broadcast %add3A_781 : i32 to vector<16xi32>
        %add3A_783 = arith.addi %get3A_773, %add3A_782 : vector<16xi32>
        %swap3A_784 = arith.constant 48 : index
        %swap3A_785 = tpu.vector_load %arg26[%swap3A_784] {strides = array<i32>} : memref<160xi32, #tpu.memory_space<vmem>>, vector<16xi32>,
        tpu.vector_store %arg26[%swap3A_784], %add3A_783 {strides = array<i32>} : memref<160xi32, #tpu.memory_space<vmem>>, vector<16xi32>,
        %add3A_786 = arith.constant 3 : i32
        %add3A_787 = vector.broadcast %add3A_786 : i32 to vector<16xi32>
        %add3A_788 = arith.addi %get3A_773, %add3A_787 : vector<16xi32>
        %ge3A_789 = arith.constant 1000000 : i32
        %ge3A_790 = vector.broadcast %ge3A_789 : i32 to vector<16xi32>
        %ge3A_791 = arith.cmpi sge, %add3A_788, %ge3A_790 : vector<16xi32>
        %sub3A_792 = arith.constant 1000000 : i32
        %sub3A_793 = vector.broadcast %sub3A_792 : i32 to vector<16xi32>
        %sub3A_794 = arith.subi %add3A_788, %sub3A_793 : vector<16xi32>
        %select_n3A_795 = arith.select %ge3A_791, %sub3A_794, %add3A_788 : vector<16xi1>, vector<16xi32>
        %swap3A_796 = arith.constant 48 : index
        %swap3A_797 = tpu.vector_load %arg27[%swap3A_796] {strides = array<i32>} : memref<160xi32, #tpu.memory_space<vmem>>, vector<16xi32>,
        tpu.vector_store %arg27[%swap3A_796], %select_n3A_795 {strides = array<i32>} : memref<160xi32, #tpu.memory_space<vmem>>, vector<16xi32>,
        %add3A_798 = arith.constant 64 : i32
        %add3A_799 = arith.addi %add3A_685, %add3A_798 : i32
        %get3A_800 = arith.index_cast %add3A_799 : i32 to index
        %get3A_801 = tpu.vector_load %arg9[%get3A_800] {strides = array<i32>} : memref<6400xi32, #tpu.memory_space<vmem>>, vector<16xi32>,
        %swap3A_802 = arith.constant 64 : index
        %swap3A_803 = tpu.vector_load %arg24[%swap3A_802] {strides = array<i32>} : memref<160xi32, #tpu.memory_space<vmem>>, vector<16xi32>,
        tpu.vector_store %arg24[%swap3A_802], %get3A_801 {strides = array<i32>} : memref<160xi32, #tpu.memory_space<vmem>>, vector<16xi32>,
        %add3A_804 = arith.constant 1000000 : i32
        %add3A_805 = vector.broadcast %add3A_804 : i32 to vector<16xi32>
        %add3A_806 = arith.addi %get3A_801, %add3A_805 : vector<16xi32>
        %swap3A_807 = arith.constant 64 : index
        %swap3A_808 = tpu.vector_load %arg25[%swap3A_807] {strides = array<i32>} : memref<160xi32, #tpu.memory_space<vmem>>, vector<16xi32>,
        tpu.vector_store %arg25[%swap3A_807], %add3A_806 {strides = array<i32>} : memref<160xi32, #tpu.memory_space<vmem>>, vector<16xi32>,
        %add3A_809 = arith.constant 2000000 : i32
        %add3A_810 = vector.broadcast %add3A_809 : i32 to vector<16xi32>
        %add3A_811 = arith.addi %get3A_801, %add3A_810 : vector<16xi32>
        %swap3A_812 = arith.constant 64 : index
        %swap3A_813 = tpu.vector_load %arg26[%swap3A_812] {strides = array<i32>} : memref<160xi32, #tpu.memory_space<vmem>>, vector<16xi32>,
        tpu.vector_store %arg26[%swap3A_812], %add3A_811 {strides = array<i32>} : memref<160xi32, #tpu.memory_space<vmem>>, vector<16xi32>,
        %add3A_814 = arith.constant 3 : i32
        %add3A_815 = vector.broadcast %add3A_814 : i32 to vector<16xi32>
        %add3A_816 = arith.addi %get3A_801, %add3A_815 : vector<16xi32>
        %ge3A_817 = arith.constant 1000000 : i32
        %ge3A_818 = vector.broadcast %ge3A_817 : i32 to vector<16xi32>
        %ge3A_819 = arith.cmpi sge, %add3A_816, %ge3A_818 : vector<16xi32>
        %sub3A_820 = arith.constant 1000000 : i32
        %sub3A_821 = vector.broadcast %sub3A_820 : i32 to vector<16xi32>
        %sub3A_822 = arith.subi %add3A_816, %sub3A_821 : vector<16xi32>
        %select_n3A_823 = arith.select %ge3A_819, %sub3A_822, %add3A_816 : vector<16xi1>, vector<16xi32>
        %swap3A_824 = arith.constant 64 : index
        %swap3A_825 = tpu.vector_load %arg27[%swap3A_824] {strides = array<i32>} : memref<160xi32, #tpu.memory_space<vmem>>, vector<16xi32>,
        tpu.vector_store %arg27[%swap3A_824], %select_n3A_823 {strides = array<i32>} : memref<160xi32, #tpu.memory_space<vmem>>, vector<16xi32>,
        %add3A_826 = arith.constant 80 : i32
        %add3A_827 = arith.addi %add3A_685, %add3A_826 : i32
        %get3A_828 = arith.index_cast %add3A_827 : i32 to index
        %get3A_829 = tpu.vector_load %arg9[%get3A_828] {strides = array<i32>} : memref<6400xi32, #tpu.memory_space<vmem>>, vector<16xi32>,
        %swap3A_830 = arith.constant 80 : index
        %swap3A_831 = tpu.vector_load %arg24[%swap3A_830] {strides = array<i32>} : memref<160xi32, #tpu.memory_space<vmem>>, vector<16xi32>,
        tpu.vector_store %arg24[%swap3A_830], %get3A_829 {strides = array<i32>} : memref<160xi32, #tpu.memory_space<vmem>>, vector<16xi32>,
        %add3A_832 = arith.constant 1000000 : i32
        %add3A_833 = vector.broadcast %add3A_832 : i32 to vector<16xi32>
        %add3A_834 = arith.addi %get3A_829, %add3A_833 : vector<16xi32>
        %swap3A_835 = arith.constant 80 : index
        %swap3A_836 = tpu.vector_load %arg25[%swap3A_835] {strides = array<i32>} : memref<160xi32, #tpu.memory_space<vmem>>, vector<16xi32>,
        tpu.vector_store %arg25[%swap3A_835], %add3A_834 {strides = array<i32>} : memref<160xi32, #tpu.memory_space<vmem>>, vector<16xi32>,
        %add3A_837 = arith.constant 2000000 : i32
        %add3A_838 = vector.broadcast %add3A_837 : i32 to vector<16xi32>
        %add3A_839 = arith.addi %get3A_829, %add3A_838 : vector<16xi32>
        %swap3A_840 = arith.constant 80 : index
        %swap3A_841 = tpu.vector_load %arg26[%swap3A_840] {strides = array<i32>} : memref<160xi32, #tpu.memory_space<vmem>>, vector<16xi32>,
        tpu.vector_store %arg26[%swap3A_840], %add3A_839 {strides = array<i32>} : memref<160xi32, #tpu.memory_space<vmem>>, vector<16xi32>,
        %add3A_842 = arith.constant 3 : i32
        %add3A_843 = vector.broadcast %add3A_842 : i32 to vector<16xi32>
        %add3A_844 = arith.addi %get3A_829, %add3A_843 : vector<16xi32>
        %ge3A_845 = arith.constant 1000000 : i32
        %ge3A_846 = vector.broadcast %ge3A_845 : i32 to vector<16xi32>
        %ge3A_847 = arith.cmpi sge, %add3A_844, %ge3A_846 : vector<16xi32>
        %sub3A_848 = arith.constant 1000000 : i32
        %sub3A_849 = vector.broadcast %sub3A_848 : i32 to vector<16xi32>
        %sub3A_850 = arith.subi %add3A_844, %sub3A_849 : vector<16xi32>
        %select_n3A_851 = arith.select %ge3A_847, %sub3A_850, %add3A_844 : vector<16xi1>, vector<16xi32>
        %swap3A_852 = arith.constant 80 : index
        %swap3A_853 = tpu.vector_load %arg27[%swap3A_852] {strides = array<i32>} : memref<160xi32, #tpu.memory_space<vmem>>, vector<16xi32>,
        tpu.vector_store %arg27[%swap3A_852], %select_n3A_851 {strides = array<i32>} : memref<160xi32, #tpu.memory_space<vmem>>, vector<16xi32>,
        %add3A_854 = arith.constant 96 : i32
        %add3A_855 = arith.addi %add3A_685, %add3A_854 : i32
        %get3A_856 = arith.index_cast %add3A_855 : i32 to index
        %get3A_857 = tpu.vector_load %arg9[%get3A_856] {strides = array<i32>} : memref<6400xi32, #tpu.memory_space<vmem>>, vector<16xi32>,
        %swap3A_858 = arith.constant 96 : index
        %swap3A_859 = tpu.vector_load %arg24[%swap3A_858] {strides = array<i32>} : memref<160xi32, #tpu.memory_space<vmem>>, vector<16xi32>,
        tpu.vector_store %arg24[%swap3A_858], %get3A_857 {strides = array<i32>} : memref<160xi32, #tpu.memory_space<vmem>>, vector<16xi32>,
        %add3A_860 = arith.constant 1000000 : i32
        %add3A_861 = vector.broadcast %add3A_860 : i32 to vector<16xi32>
        %add3A_862 = arith.addi %get3A_857, %add3A_861 : vector<16xi32>
        %swap3A_863 = arith.constant 96 : index
        %swap3A_864 = tpu.vector_load %arg25[%swap3A_863] {strides = array<i32>} : memref<160xi32, #tpu.memory_space<vmem>>, vector<16xi32>,
        tpu.vector_store %arg25[%swap3A_863], %add3A_862 {strides = array<i32>} : memref<160xi32, #tpu.memory_space<vmem>>, vector<16xi32>,
        %add3A_865 = arith.constant 2000000 : i32
        %add3A_866 = vector.broadcast %add3A_865 : i32 to vector<16xi32>
        %add3A_867 = arith.addi %get3A_857, %add3A_866 : vector<16xi32>
        %swap3A_868 = arith.constant 96 : index
        %swap3A_869 = tpu.vector_load %arg26[%swap3A_868] {strides = array<i32>} : memref<160xi32, #tpu.memory_space<vmem>>, vector<16xi32>,
        tpu.vector_store %arg26[%swap3A_868], %add3A_867 {strides = array<i32>} : memref<160xi32, #tpu.memory_space<vmem>>, vector<16xi32>,
        %add3A_870 = arith.constant 3 : i32
        %add3A_871 = vector.broadcast %add3A_870 : i32 to vector<16xi32>
        %add3A_872 = arith.addi %get3A_857, %add3A_871 : vector<16xi32>
        %ge3A_873 = arith.constant 1000000 : i32
        %ge3A_874 = vector.broadcast %ge3A_873 : i32 to vector<16xi32>
        %ge3A_875 = arith.cmpi sge, %add3A_872, %ge3A_874 : vector<16xi32>
        %sub3A_876 = arith.constant 1000000 : i32
        %sub3A_877 = vector.broadcast %sub3A_876 : i32 to vector<16xi32>
        %sub3A_878 = arith.subi %add3A_872, %sub3A_877 : vector<16xi32>
        %select_n3A_879 = arith.select %ge3A_875, %sub3A_878, %add3A_872 : vector<16xi1>, vector<16xi32>
        %swap3A_880 = arith.constant 96 : index
        %swap3A_881 = tpu.vector_load %arg27[%swap3A_880] {strides = array<i32>} : memref<160xi32, #tpu.memory_space<vmem>>, vector<16xi32>,
        tpu.vector_store %arg27[%swap3A_880], %select_n3A_879 {strides = array<i32>} : memref<160xi32, #tpu.memory_space<vmem>>, vector<16xi32>,
        %add3A_882 = arith.constant 112 : i32
        %add3A_883 = arith.addi %add3A_685, %add3A_882 : i32
        %get3A_884 = arith.index_cast %add3A_883 : i32 to index
        %get3A_885 = tpu.vector_load %arg9[%get3A_884] {strides = array<i32>} : memref<6400xi32, #tpu.memory_space<vmem>>, vector<16xi32>,
        %swap3A_886 = arith.constant 112 : index
        %swap3A_887 = tpu.vector_load %arg24[%swap3A_886] {strides = array<i32>} : memref<160xi32, #tpu.memory_space<vmem>>, vector<16xi32>,
        tpu.vector_store %arg24[%swap3A_886], %get3A_885 {strides = array<i32>} : memref<160xi32, #tpu.memory_space<vmem>>, vector<16xi32>,
        %add3A_888 = arith.constant 1000000 : i32
        %add3A_889 = vector.broadcast %add3A_888 : i32 to vector<16xi32>
        %add3A_890 = arith.addi %get3A_885, %add3A_889 : vector<16xi32>
        %swap3A_891 = arith.constant 112 : index
        %swap3A_892 = tpu.vector_load %arg25[%swap3A_891] {strides = array<i32>} : memref<160xi32, #tpu.memory_space<vmem>>, vector<16xi32>,
        tpu.vector_store %arg25[%swap3A_891], %add3A_890 {strides = array<i32>} : memref<160xi32, #tpu.memory_space<vmem>>, vector<16xi32>,
        %add3A_893 = arith.constant 2000000 : i32
        %add3A_894 = vector.broadcast %add3A_893 : i32 to vector<16xi32>
        %add3A_895 = arith.addi %get3A_885, %add3A_894 : vector<16xi32>
        %swap3A_896 = arith.constant 112 : index
        %swap3A_897 = tpu.vector_load %arg26[%swap3A_896] {strides = array<i32>} : memref<160xi32, #tpu.memory_space<vmem>>, vector<16xi32>,
        tpu.vector_store %arg26[%swap3A_896], %add3A_895 {strides = array<i32>} : memref<160xi32, #tpu.memory_space<vmem>>, vector<16xi32>,
        %add3A_898 = arith.constant 3 : i32
        %add3A_899 = vector.broadcast %add3A_898 : i32 to vector<16xi32>
        %add3A_900 = arith.addi %get3A_885, %add3A_899 : vector<16xi32>
        %ge3A_901 = arith.constant 1000000 : i32
        %ge3A_902 = vector.broadcast %ge3A_901 : i32 to vector<16xi32>
        %ge3A_903 = arith.cmpi sge, %add3A_900, %ge3A_902 : vector<16xi32>
        %sub3A_904 = arith.constant 1000000 : i32
        %sub3A_905 = vector.broadcast %sub3A_904 : i32 to vector<16xi32>
        %sub3A_906 = arith.subi %add3A_900, %sub3A_905 : vector<16xi32>
        %select_n3A_907 = arith.select %ge3A_903, %sub3A_906, %add3A_900 : vector<16xi1>, vector<16xi32>
        %swap3A_908 = arith.constant 112 : index
        %swap3A_909 = tpu.vector_load %arg27[%swap3A_908] {strides = array<i32>} : memref<160xi32, #tpu.memory_space<vmem>>, vector<16xi32>,
        tpu.vector_store %arg27[%swap3A_908], %select_n3A_907 {strides = array<i32>} : memref<160xi32, #tpu.memory_space<vmem>>, vector<16xi32>,
        %add3A_910 = arith.constant 128 : i32
        %add3A_911 = arith.addi %add3A_685, %add3A_910 : i32
        %get3A_912 = arith.index_cast %add3A_911 : i32 to index
        %get3A_913 = tpu.vector_load %arg9[%get3A_912] {strides = array<i32>} : memref<6400xi32, #tpu.memory_space<vmem>>, vector<16xi32>,
        %swap3A_914 = arith.constant 128 : index
        %swap3A_915 = tpu.vector_load %arg24[%swap3A_914] {strides = array<i32>} : memref<160xi32, #tpu.memory_space<vmem>>, vector<16xi32>,
        tpu.vector_store %arg24[%swap3A_914], %get3A_913 {strides = array<i32>} : memref<160xi32, #tpu.memory_space<vmem>>, vector<16xi32>,
        %add3A_916 = arith.constant 1000000 : i32
        %add3A_917 = vector.broadcast %add3A_916 : i32 to vector<16xi32>
        %add3A_918 = arith.addi %get3A_913, %add3A_917 : vector<16xi32>
        %swap3A_919 = arith.constant 128 : index
        %swap3A_920 = tpu.vector_load %arg25[%swap3A_919] {strides = array<i32>} : memref<160xi32, #tpu.memory_space<vmem>>, vector<16xi32>,
        tpu.vector_store %arg25[%swap3A_919], %add3A_918 {strides = array<i32>} : memref<160xi32, #tpu.memory_space<vmem>>, vector<16xi32>,
        %add3A_921 = arith.constant 2000000 : i32
        %add3A_922 = vector.broadcast %add3A_921 : i32 to vector<16xi32>
        %add3A_923 = arith.addi %get3A_913, %add3A_922 : vector<16xi32>
        %swap3A_924 = arith.constant 128 : index
        %swap3A_925 = tpu.vector_load %arg26[%swap3A_924] {strides = array<i32>} : memref<160xi32, #tpu.memory_space<vmem>>, vector<16xi32>,
        tpu.vector_store %arg26[%swap3A_924], %add3A_923 {strides = array<i32>} : memref<160xi32, #tpu.memory_space<vmem>>, vector<16xi32>,
        %add3A_926 = arith.constant 3 : i32
        %add3A_927 = vector.broadcast %add3A_926 : i32 to vector<16xi32>
        %add3A_928 = arith.addi %get3A_913, %add3A_927 : vector<16xi32>
        %ge3A_929 = arith.constant 1000000 : i32
        %ge3A_930 = vector.broadcast %ge3A_929 : i32 to vector<16xi32>
        %ge3A_931 = arith.cmpi sge, %add3A_928, %ge3A_930 : vector<16xi32>
        %sub3A_932 = arith.constant 1000000 : i32
        %sub3A_933 = vector.broadcast %sub3A_932 : i32 to vector<16xi32>
        %sub3A_934 = arith.subi %add3A_928, %sub3A_933 : vector<16xi32>
        %select_n3A_935 = arith.select %ge3A_931, %sub3A_934, %add3A_928 : vector<16xi1>, vector<16xi32>
        %swap3A_936 = arith.constant 128 : index
        %swap3A_937 = tpu.vector_load %arg27[%swap3A_936] {strides = array<i32>} : memref<160xi32, #tpu.memory_space<vmem>>, vector<16xi32>,
        tpu.vector_store %arg27[%swap3A_936], %select_n3A_935 {strides = array<i32>} : memref<160xi32, #tpu.memory_space<vmem>>, vector<16xi32>,
        %add3A_938 = arith.constant 144 : i32
        %add3A_939 = arith.addi %add3A_685, %add3A_938 : i32
        %get3A_940 = arith.index_cast %add3A_939 : i32 to index
        %get3A_941 = tpu.vector_load %arg9[%get3A_940] {strides = array<i32>} : memref<6400xi32, #tpu.memory_space<vmem>>, vector<16xi32>,
        %swap3A_942 = arith.constant 144 : index
        %swap3A_943 = tpu.vector_load %arg24[%swap3A_942] {strides = array<i32>} : memref<160xi32, #tpu.memory_space<vmem>>, vector<16xi32>,
        tpu.vector_store %arg24[%swap3A_942], %get3A_941 {strides = array<i32>} : memref<160xi32, #tpu.memory_space<vmem>>, vector<16xi32>,
        %add3A_944 = arith.constant 1000000 : i32
        %add3A_945 = vector.broadcast %add3A_944 : i32 to vector<16xi32>
        %add3A_946 = arith.addi %get3A_941, %add3A_945 : vector<16xi32>
        %swap3A_947 = arith.constant 144 : index
        %swap3A_948 = tpu.vector_load %arg25[%swap3A_947] {strides = array<i32>} : memref<160xi32, #tpu.memory_space<vmem>>, vector<16xi32>,
        tpu.vector_store %arg25[%swap3A_947], %add3A_946 {strides = array<i32>} : memref<160xi32, #tpu.memory_space<vmem>>, vector<16xi32>,
        %add3A_949 = arith.constant 2000000 : i32
        %add3A_950 = vector.broadcast %add3A_949 : i32 to vector<16xi32>
        %add3A_951 = arith.addi %get3A_941, %add3A_950 : vector<16xi32>
        %swap3A_952 = arith.constant 144 : index
        %swap3A_953 = tpu.vector_load %arg26[%swap3A_952] {strides = array<i32>} : memref<160xi32, #tpu.memory_space<vmem>>, vector<16xi32>,
        tpu.vector_store %arg26[%swap3A_952], %add3A_951 {strides = array<i32>} : memref<160xi32, #tpu.memory_space<vmem>>, vector<16xi32>,
        %add3A_954 = arith.constant 3 : i32
        %add3A_955 = vector.broadcast %add3A_954 : i32 to vector<16xi32>
        %add3A_956 = arith.addi %get3A_941, %add3A_955 : vector<16xi32>
        %ge3A_957 = arith.constant 1000000 : i32
        %ge3A_958 = vector.broadcast %ge3A_957 : i32 to vector<16xi32>
        %ge3A_959 = arith.cmpi sge, %add3A_956, %ge3A_958 : vector<16xi32>
        %sub3A_960 = arith.constant 1000000 : i32
        %sub3A_961 = vector.broadcast %sub3A_960 : i32 to vector<16xi32>
        %sub3A_962 = arith.subi %add3A_956, %sub3A_961 : vector<16xi32>
        %select_n3A_963 = arith.select %ge3A_959, %sub3A_962, %add3A_956 : vector<16xi1>, vector<16xi32>
        %swap3A_964 = arith.constant 144 : index
        %swap3A_965 = tpu.vector_load %arg27[%swap3A_964] {strides = array<i32>} : memref<160xi32, #tpu.memory_space<vmem>>, vector<16xi32>,
        tpu.vector_store %arg27[%swap3A_964], %select_n3A_963 {strides = array<i32>} : memref<160xi32, #tpu.memory_space<vmem>>, vector<16xi32>,
      } else {
      }
      %scan3A_666 = arith.constant 0 : i32
      %scan3A_667 = arith.constant 0 : i32
      %scan3A_668 = arith.constant 10 : i32
      %scan3A_669 = arith.addi %scan3A_667, %scan3A_668 : i32
      %scan3A_670 = arith.constant 1 : i32
      scf.for %scan3A_684 = %scan3A_667 to %scan3A_669 step %scan3A_670  : i32 {
        %mul3A_685 = arith.constant 16 : i32
        %mul3A_686 = arith.muli %scan3A_684, %mul3A_685 : i32
        %get3A_687 = arith.index_cast %mul3A_686 : i32 to index
        %get3A_688 = tpu.vector_load %arg31[%get3A_687] {strides = array<i32>} : memref<160xf32, #tpu.memory_space<vmem>>, vector<16xf32>,
        %get3A_689 = arith.index_cast %mul3A_686 : i32 to index
        %get3A_690 = tpu.vector_load %arg32[%get3A_689] {strides = array<i32>} : memref<160xf32, #tpu.memory_space<vmem>>, vector<16xf32>,
        %get3A_691 = arith.index_cast %mul3A_686 : i32 to index
        %get3A_692 = tpu.vector_load %arg33[%get3A_691] {strides = array<i32>} : memref<160xf32, #tpu.memory_space<vmem>>, vector<16xf32>,
        %add3A_693 = arith.constant 0 : i32
        %add3A_694 = arith.addi %mul3A_686, %add3A_693 : i32
        %broadcast_in_dim3A = arith.constant 0 : i32
        %broadcast_in_dim3A_695 = vector.broadcast %broadcast_in_dim3A : i32 to vector<16x1xi32>
        %gather3A = vector.shape_cast %broadcast_in_dim3A_695 : vector<16x1xi32> to vector<16xi32>
        %gather3A_696 = tpu.dynamic_gather %get3A_688[%gather3A] in [0] : vector<16xf32>, vector<16xi32> -> vector<16xf32>
        %broadcast_in_dim3A_697 = arith.constant 0 : i32
        %broadcast_in_dim3A_698 = vector.broadcast %broadcast_in_dim3A_697 : i32 to vector<16x1xi32>
        %gather3A_699 = vector.shape_cast %broadcast_in_dim3A_698 : vector<16x1xi32> to vector<16xi32>
        %gather3A_700 = tpu.dynamic_gather %get3A_690[%gather3A_699] in [0] : vector<16xf32>, vector<16xi32> -> vector<16xf32>
        %broadcast_in_dim3A_701 = arith.constant 0 : i32
        %broadcast_in_dim3A_702 = vector.broadcast %broadcast_in_dim3A_701 : i32 to vector<16x1xi32>
        %gather3A_703 = vector.shape_cast %broadcast_in_dim3A_702 : vector<16x1xi32> to vector<16xi32>
        %gather3A_704 = tpu.dynamic_gather %get3A_692[%gather3A_703] in [0] : vector<16xf32>, vector<16xi32> -> vector<16xf32>
        %get3A_705 = arith.index_cast %add3A_694 : i32 to index
        %get3A_706 = arith.constant 0 : index
        %get3A_707 = tpu.vector_load %arg34[%get3A_705, %get3A_706] {strides = array<i32>} : memref<160x64xf32, #tpu.memory_space<vmem>>, vector<16xf32>,
        %mul3A_708 = arith.mulf %get3A_707, %gather3A_696 : vector<16xf32>
        %get3A_709 = arith.index_cast %add3A_694 : i32 to index
        %get3A_710 = arith.constant 0 : index
        %get3A_711 = tpu.vector_load %arg35[%get3A_709, %get3A_710] {strides = array<i32>} : memref<160x64xf32, #tpu.memory_space<vmem>>, vector<16xf32>,
        %mul3A_712 = arith.mulf %get3A_711, %gather3A_700 : vector<16xf32>
        %add3A_713 = arith.addf %mul3A_708, %mul3A_712 : vector<16xf32>
        %get3A_714 = arith.index_cast %add3A_694 : i32 to index
        %get3A_715 = arith.constant 0 : index
        %get3A_716 = tpu.vector_load %arg36[%get3A_714, %get3A_715] {strides = array<i32>} : memref<160x64xf32, #tpu.memory_space<vmem>>, vector<16xf32>,
        %mul3A_717 = arith.mulf %get3A_716, %gather3A_704 : vector<16xf32>
        %add3A_718 = arith.addf %add3A_713, %mul3A_717 : vector<16xf32>
        %swap3A_719 = arith.index_cast %add3A_694 : i32 to index
        %swap3A_720 = arith.constant 0 : index
        %swap3A_721 = tpu.vector_load %arg37[%swap3A_719, %swap3A_720] {strides = array<i32>} : memref<160x64xf32, #tpu.memory_space<vmem>>, vector<16xf32>,
        tpu.vector_store %arg37[%swap3A_719, %swap3A_720], %add3A_718 {strides = array<i32>} : memref<160x64xf32, #tpu.memory_space<vmem>>, vector<16xf32>,
        %get3A_722 = arith.index_cast %add3A_694 : i32 to index
        %get3A_723 = arith.constant 16 : index
        %get3A_724 = tpu.vector_load %arg34[%get3A_722, %get3A_723] {strides = array<i32>} : memref<160x64xf32, #tpu.memory_space<vmem>>, vector<16xf32>,
        %mul3A_725 = arith.mulf %get3A_724, %gather3A_696 : vector<16xf32>
        %get3A_726 = arith.index_cast %add3A_694 : i32 to index
        %get3A_727 = arith.constant 16 : index
        %get3A_728 = tpu.vector_load %arg35[%get3A_726, %get3A_727] {strides = array<i32>} : memref<160x64xf32, #tpu.memory_space<vmem>>, vector<16xf32>,
        %mul3A_729 = arith.mulf %get3A_728, %gather3A_700 : vector<16xf32>
        %add3A_730 = arith.addf %mul3A_725, %mul3A_729 : vector<16xf32>
        %get3A_731 = arith.index_cast %add3A_694 : i32 to index
        %get3A_732 = arith.constant 16 : index
        %get3A_733 = tpu.vector_load %arg36[%get3A_731, %get3A_732] {strides = array<i32>} : memref<160x64xf32, #tpu.memory_space<vmem>>, vector<16xf32>,
        %mul3A_734 = arith.mulf %get3A_733, %gather3A_704 : vector<16xf32>
        %add3A_735 = arith.addf %add3A_730, %mul3A_734 : vector<16xf32>
        %swap3A_736 = arith.index_cast %add3A_694 : i32 to index
        %swap3A_737 = arith.constant 16 : index
        %swap3A_738 = tpu.vector_load %arg37[%swap3A_736, %swap3A_737] {strides = array<i32>} : memref<160x64xf32, #tpu.memory_space<vmem>>, vector<16xf32>,
        tpu.vector_store %arg37[%swap3A_736, %swap3A_737], %add3A_735 {strides = array<i32>} : memref<160x64xf32, #tpu.memory_space<vmem>>, vector<16xf32>,
        %get3A_739 = arith.index_cast %add3A_694 : i32 to index
        %get3A_740 = arith.constant 32 : index
        %get3A_741 = tpu.vector_load %arg34[%get3A_739, %get3A_740] {strides = array<i32>} : memref<160x64xf32, #tpu.memory_space<vmem>>, vector<16xf32>,
        %mul3A_742 = arith.mulf %get3A_741, %gather3A_696 : vector<16xf32>
        %get3A_743 = arith.index_cast %add3A_694 : i32 to index
        %get3A_744 = arith.constant 32 : index
        %get3A_745 = tpu.vector_load %arg35[%get3A_743, %get3A_744] {strides = array<i32>} : memref<160x64xf32, #tpu.memory_space<vmem>>, vector<16xf32>,
        %mul3A_746 = arith.mulf %get3A_745, %gather3A_700 : vector<16xf32>
        %add3A_747 = arith.addf %mul3A_742, %mul3A_746 : vector<16xf32>
        %get3A_748 = arith.index_cast %add3A_694 : i32 to index
        %get3A_749 = arith.constant 32 : index
        %get3A_750 = tpu.vector_load %arg36[%get3A_748, %get3A_749] {strides = array<i32>} : memref<160x64xf32, #tpu.memory_space<vmem>>, vector<16xf32>,
        %mul3A_751 = arith.mulf %get3A_750, %gather3A_704 : vector<16xf32>
        %add3A_752 = arith.addf %add3A_747, %mul3A_751 : vector<16xf32>
        %swap3A_753 = arith.index_cast %add3A_694 : i32 to index
        %swap3A_754 = arith.constant 32 : index
        %swap3A_755 = tpu.vector_load %arg37[%swap3A_753, %swap3A_754] {strides = array<i32>} : memref<160x64xf32, #tpu.memory_space<vmem>>, vector<16xf32>,
        tpu.vector_store %arg37[%swap3A_753, %swap3A_754], %add3A_752 {strides = array<i32>} : memref<160x64xf32, #tpu.memory_space<vmem>>, vector<16xf32>,
        %get3A_756 = arith.index_cast %add3A_694 : i32 to index
        %get3A_757 = arith.constant 48 : index
        %get3A_758 = tpu.vector_load %arg34[%get3A_756, %get3A_757] {strides = array<i32>} : memref<160x64xf32, #tpu.memory_space<vmem>>, vector<16xf32>,
        %mul3A_759 = arith.mulf %get3A_758, %gather3A_696 : vector<16xf32>
        %get3A_760 = arith.index_cast %add3A_694 : i32 to index
        %get3A_761 = arith.constant 48 : index
        %get3A_762 = tpu.vector_load %arg35[%get3A_760, %get3A_761] {strides = array<i32>} : memref<160x64xf32, #tpu.memory_space<vmem>>, vector<16xf32>,
        %mul3A_763 = arith.mulf %get3A_762, %gather3A_700 : vector<16xf32>
        %add3A_764 = arith.addf %mul3A_759, %mul3A_763 : vector<16xf32>
        %get3A_765 = arith.index_cast %add3A_694 : i32 to index
        %get3A_766 = arith.constant 48 : index
        %get3A_767 = tpu.vector_load %arg36[%get3A_765, %get3A_766] {strides = array<i32>} : memref<160x64xf32, #tpu.memory_space<vmem>>, vector<16xf32>,
        %mul3A_768 = arith.mulf %get3A_767, %gather3A_704 : vector<16xf32>
        %add3A_769 = arith.addf %add3A_764, %mul3A_768 : vector<16xf32>
        %swap3A_770 = arith.index_cast %add3A_694 : i32 to index
        %swap3A_771 = arith.constant 48 : index
        %swap3A_772 = tpu.vector_load %arg37[%swap3A_770, %swap3A_771] {strides = array<i32>} : memref<160x64xf32, #tpu.memory_space<vmem>>, vector<16xf32>,
        tpu.vector_store %arg37[%swap3A_770, %swap3A_771], %add3A_769 {strides = array<i32>} : memref<160x64xf32, #tpu.memory_space<vmem>>, vector<16xf32>,
        %add3A_773 = arith.constant 1 : i32
        %add3A_774 = arith.addi %mul3A_686, %add3A_773 : i32
        %broadcast_in_dim3A_775 = arith.constant 1 : i32
        %broadcast_in_dim3A_776 = vector.broadcast %broadcast_in_dim3A_775 : i32 to vector<16x1xi32>
        %gather3A_777 = vector.shape_cast %broadcast_in_dim3A_776 : vector<16x1xi32> to vector<16xi32>
        %gather3A_778 = tpu.dynamic_gather %get3A_688[%gather3A_777] in [0] : vector<16xf32>, vector<16xi32> -> vector<16xf32>
        %broadcast_in_dim3A_779 = arith.constant 1 : i32
        %broadcast_in_dim3A_780 = vector.broadcast %broadcast_in_dim3A_779 : i32 to vector<16x1xi32>
        %gather3A_781 = vector.shape_cast %broadcast_in_dim3A_780 : vector<16x1xi32> to vector<16xi32>
        %gather3A_782 = tpu.dynamic_gather %get3A_690[%gather3A_781] in [0] : vector<16xf32>, vector<16xi32> -> vector<16xf32>
        %broadcast_in_dim3A_783 = arith.constant 1 : i32
        %broadcast_in_dim3A_784 = vector.broadcast %broadcast_in_dim3A_783 : i32 to vector<16x1xi32>
        %gather3A_785 = vector.shape_cast %broadcast_in_dim3A_784 : vector<16x1xi32> to vector<16xi32>
        %gather3A_786 = tpu.dynamic_gather %get3A_692[%gather3A_785] in [0] : vector<16xf32>, vector<16xi32> -> vector<16xf32>
        %get3A_787 = arith.index_cast %add3A_774 : i32 to index
        %get3A_788 = arith.constant 0 : index
        %get3A_789 = tpu.vector_load %arg34[%get3A_787, %get3A_788] {strides = array<i32>} : memref<160x64xf32, #tpu.memory_space<vmem>>, vector<16xf32>,
        %mul3A_790 = arith.mulf %get3A_789, %gather3A_778 : vector<16xf32>
        %get3A_791 = arith.index_cast %add3A_774 : i32 to index
        %get3A_792 = arith.constant 0 : index
        %get3A_793 = tpu.vector_load %arg35[%get3A_791, %get3A_792] {strides = array<i32>} : memref<160x64xf32, #tpu.memory_space<vmem>>, vector<16xf32>,
        %mul3A_794 = arith.mulf %get3A_793, %gather3A_782 : vector<16xf32>
        %add3A_795 = arith.addf %mul3A_790, %mul3A_794 : vector<16xf32>
        %get3A_796 = arith.index_cast %add3A_774 : i32 to index
        %get3A_797 = arith.constant 0 : index
        %get3A_798 = tpu.vector_load %arg36[%get3A_796, %get3A_797] {strides = array<i32>} : memref<160x64xf32, #tpu.memory_space<vmem>>, vector<16xf32>,
        %mul3A_799 = arith.mulf %get3A_798, %gather3A_786 : vector<16xf32>
        %add3A_800 = arith.addf %add3A_795, %mul3A_799 : vector<16xf32>
        %swap3A_801 = arith.index_cast %add3A_774 : i32 to index
        %swap3A_802 = arith.constant 0 : index
        %swap3A_803 = tpu.vector_load %arg37[%swap3A_801, %swap3A_802] {strides = array<i32>} : memref<160x64xf32, #tpu.memory_space<vmem>>, vector<16xf32>,
        tpu.vector_store %arg37[%swap3A_801, %swap3A_802], %add3A_800 {strides = array<i32>} : memref<160x64xf32, #tpu.memory_space<vmem>>, vector<16xf32>,
        %get3A_804 = arith.index_cast %add3A_774 : i32 to index
        %get3A_805 = arith.constant 16 : index
        %get3A_806 = tpu.vector_load %arg34[%get3A_804, %get3A_805] {strides = array<i32>} : memref<160x64xf32, #tpu.memory_space<vmem>>, vector<16xf32>,
        %mul3A_807 = arith.mulf %get3A_806, %gather3A_778 : vector<16xf32>
        %get3A_808 = arith.index_cast %add3A_774 : i32 to index
        %get3A_809 = arith.constant 16 : index
        %get3A_810 = tpu.vector_load %arg35[%get3A_808, %get3A_809] {strides = array<i32>} : memref<160x64xf32, #tpu.memory_space<vmem>>, vector<16xf32>,
        %mul3A_811 = arith.mulf %get3A_810, %gather3A_782 : vector<16xf32>
        %add3A_812 = arith.addf %mul3A_807, %mul3A_811 : vector<16xf32>
        %get3A_813 = arith.index_cast %add3A_774 : i32 to index
        %get3A_814 = arith.constant 16 : index
        %get3A_815 = tpu.vector_load %arg36[%get3A_813, %get3A_814] {strides = array<i32>} : memref<160x64xf32, #tpu.memory_space<vmem>>, vector<16xf32>,
        %mul3A_816 = arith.mulf %get3A_815, %gather3A_786 : vector<16xf32>
        %add3A_817 = arith.addf %add3A_812, %mul3A_816 : vector<16xf32>
        %swap3A_818 = arith.index_cast %add3A_774 : i32 to index
        %swap3A_819 = arith.constant 16 : index
        %swap3A_820 = tpu.vector_load %arg37[%swap3A_818, %swap3A_819] {strides = array<i32>} : memref<160x64xf32, #tpu.memory_space<vmem>>, vector<16xf32>,
        tpu.vector_store %arg37[%swap3A_818, %swap3A_819], %add3A_817 {strides = array<i32>} : memref<160x64xf32, #tpu.memory_space<vmem>>, vector<16xf32>,
        %get3A_821 = arith.index_cast %add3A_774 : i32 to index
        %get3A_822 = arith.constant 32 : index
        %get3A_823 = tpu.vector_load %arg34[%get3A_821, %get3A_822] {strides = array<i32>} : memref<160x64xf32, #tpu.memory_space<vmem>>, vector<16xf32>,
        %mul3A_824 = arith.mulf %get3A_823, %gather3A_778 : vector<16xf32>
        %get3A_825 = arith.index_cast %add3A_774 : i32 to index
        %get3A_826 = arith.constant 32 : index
        %get3A_827 = tpu.vector_load %arg35[%get3A_825, %get3A_826] {strides = array<i32>} : memref<160x64xf32, #tpu.memory_space<vmem>>, vector<16xf32>,
        %mul3A_828 = arith.mulf %get3A_827, %gather3A_782 : vector<16xf32>
        %add3A_829 = arith.addf %mul3A_824, %mul3A_828 : vector<16xf32>
        %get3A_830 = arith.index_cast %add3A_774 : i32 to index
        %get3A_831 = arith.constant 32 : index
        %get3A_832 = tpu.vector_load %arg36[%get3A_830, %get3A_831] {strides = array<i32>} : memref<160x64xf32, #tpu.memory_space<vmem>>, vector<16xf32>,
        %mul3A_833 = arith.mulf %get3A_832, %gather3A_786 : vector<16xf32>
        %add3A_834 = arith.addf %add3A_829, %mul3A_833 : vector<16xf32>
        %swap3A_835 = arith.index_cast %add3A_774 : i32 to index
        %swap3A_836 = arith.constant 32 : index
        %swap3A_837 = tpu.vector_load %arg37[%swap3A_835, %swap3A_836] {strides = array<i32>} : memref<160x64xf32, #tpu.memory_space<vmem>>, vector<16xf32>,
        tpu.vector_store %arg37[%swap3A_835, %swap3A_836], %add3A_834 {strides = array<i32>} : memref<160x64xf32, #tpu.memory_space<vmem>>, vector<16xf32>,
        %get3A_838 = arith.index_cast %add3A_774 : i32 to index
        %get3A_839 = arith.constant 48 : index
        %get3A_840 = tpu.vector_load %arg34[%get3A_838, %get3A_839] {strides = array<i32>} : memref<160x64xf32, #tpu.memory_space<vmem>>, vector<16xf32>,
        %mul3A_841 = arith.mulf %get3A_840, %gather3A_778 : vector<16xf32>
        %get3A_842 = arith.index_cast %add3A_774 : i32 to index
        %get3A_843 = arith.constant 48 : index
        %get3A_844 = tpu.vector_load %arg35[%get3A_842, %get3A_843] {strides = array<i32>} : memref<160x64xf32, #tpu.memory_space<vmem>>, vector<16xf32>,
        %mul3A_845 = arith.mulf %get3A_844, %gather3A_782 : vector<16xf32>
        %add3A_846 = arith.addf %mul3A_841, %mul3A_845 : vector<16xf32>
        %get3A_847 = arith.index_cast %add3A_774 : i32 to index
        %get3A_848 = arith.constant 48 : index
        %get3A_849 = tpu.vector_load %arg36[%get3A_847, %get3A_848] {strides = array<i32>} : memref<160x64xf32, #tpu.memory_space<vmem>>, vector<16xf32>,
        %mul3A_850 = arith.mulf %get3A_849, %gather3A_786 : vector<16xf32>
        %add3A_851 = arith.addf %add3A_846, %mul3A_850 : vector<16xf32>
        %swap3A_852 = arith.index_cast %add3A_774 : i32 to index
        %swap3A_853 = arith.constant 48 : index
        %swap3A_854 = tpu.vector_load %arg37[%swap3A_852, %swap3A_853] {strides = array<i32>} : memref<160x64xf32, #tpu.memory_space<vmem>>, vector<16xf32>,
        tpu.vector_store %arg37[%swap3A_852, %swap3A_853], %add3A_851 {strides = array<i32>} : memref<160x64xf32, #tpu.memory_space<vmem>>, vector<16xf32>,
        %add3A_855 = arith.constant 2 : i32
        %add3A_856 = arith.addi %mul3A_686, %add3A_855 : i32
        %broadcast_in_dim3A_857 = arith.constant 2 : i32
        %broadcast_in_dim3A_858 = vector.broadcast %broadcast_in_dim3A_857 : i32 to vector<16x1xi32>
        %gather3A_859 = vector.shape_cast %broadcast_in_dim3A_858 : vector<16x1xi32> to vector<16xi32>
        %gather3A_860 = tpu.dynamic_gather %get3A_688[%gather3A_859] in [0] : vector<16xf32>, vector<16xi32> -> vector<16xf32>
        %broadcast_in_dim3A_861 = arith.constant 2 : i32
        %broadcast_in_dim3A_862 = vector.broadcast %broadcast_in_dim3A_861 : i32 to vector<16x1xi32>
        %gather3A_863 = vector.shape_cast %broadcast_in_dim3A_862 : vector<16x1xi32> to vector<16xi32>
        %gather3A_864 = tpu.dynamic_gather %get3A_690[%gather3A_863] in [0] : vector<16xf32>, vector<16xi32> -> vector<16xf32>
        %broadcast_in_dim3A_865 = arith.constant 2 : i32
        %broadcast_in_dim3A_866 = vector.broadcast %broadcast_in_dim3A_865 : i32 to vector<16x1xi32>
        %gather3A_867 = vector.shape_cast %broadcast_in_dim3A_866 : vector<16x1xi32> to vector<16xi32>
        %gather3A_868 = tpu.dynamic_gather %get3A_692[%gather3A_867] in [0] : vector<16xf32>, vector<16xi32> -> vector<16xf32>
        %get3A_869 = arith.index_cast %add3A_856 : i32 to index
        %get3A_870 = arith.constant 0 : index
        %get3A_871 = tpu.vector_load %arg34[%get3A_869, %get3A_870] {strides = array<i32>} : memref<160x64xf32, #tpu.memory_space<vmem>>, vector<16xf32>,
        %mul3A_872 = arith.mulf %get3A_871, %gather3A_860 : vector<16xf32>
        %get3A_873 = arith.index_cast %add3A_856 : i32 to index
        %get3A_874 = arith.constant 0 : index
        %get3A_875 = tpu.vector_load %arg35[%get3A_873, %get3A_874] {strides = array<i32>} : memref<160x64xf32, #tpu.memory_space<vmem>>, vector<16xf32>,
        %mul3A_876 = arith.mulf %get3A_875, %gather3A_864 : vector<16xf32>
        %add3A_877 = arith.addf %mul3A_872, %mul3A_876 : vector<16xf32>
        %get3A_878 = arith.index_cast %add3A_856 : i32 to index
        %get3A_879 = arith.constant 0 : index
        %get3A_880 = tpu.vector_load %arg36[%get3A_878, %get3A_879] {strides = array<i32>} : memref<160x64xf32, #tpu.memory_space<vmem>>, vector<16xf32>,
        %mul3A_881 = arith.mulf %get3A_880, %gather3A_868 : vector<16xf32>
        %add3A_882 = arith.addf %add3A_877, %mul3A_881 : vector<16xf32>
        %swap3A_883 = arith.index_cast %add3A_856 : i32 to index
        %swap3A_884 = arith.constant 0 : index
        %swap3A_885 = tpu.vector_load %arg37[%swap3A_883, %swap3A_884] {strides = array<i32>} : memref<160x64xf32, #tpu.memory_space<vmem>>, vector<16xf32>,
        tpu.vector_store %arg37[%swap3A_883, %swap3A_884], %add3A_882 {strides = array<i32>} : memref<160x64xf32, #tpu.memory_space<vmem>>, vector<16xf32>,
        %get3A_886 = arith.index_cast %add3A_856 : i32 to index
        %get3A_887 = arith.constant 16 : index
        %get3A_888 = tpu.vector_load %arg34[%get3A_886, %get3A_887] {strides = array<i32>} : memref<160x64xf32, #tpu.memory_space<vmem>>, vector<16xf32>,
        %mul3A_889 = arith.mulf %get3A_888, %gather3A_860 : vector<16xf32>
        %get3A_890 = arith.index_cast %add3A_856 : i32 to index
        %get3A_891 = arith.constant 16 : index
        %get3A_892 = tpu.vector_load %arg35[%get3A_890, %get3A_891] {strides = array<i32>} : memref<160x64xf32, #tpu.memory_space<vmem>>, vector<16xf32>,
        %mul3A_893 = arith.mulf %get3A_892, %gather3A_864 : vector<16xf32>
        %add3A_894 = arith.addf %mul3A_889, %mul3A_893 : vector<16xf32>
        %get3A_895 = arith.index_cast %add3A_856 : i32 to index
        %get3A_896 = arith.constant 16 : index
        %get3A_897 = tpu.vector_load %arg36[%get3A_895, %get3A_896] {strides = array<i32>} : memref<160x64xf32, #tpu.memory_space<vmem>>, vector<16xf32>,
        %mul3A_898 = arith.mulf %get3A_897, %gather3A_868 : vector<16xf32>
        %add3A_899 = arith.addf %add3A_894, %mul3A_898 : vector<16xf32>
        %swap3A_900 = arith.index_cast %add3A_856 : i32 to index
        %swap3A_901 = arith.constant 16 : index
        %swap3A_902 = tpu.vector_load %arg37[%swap3A_900, %swap3A_901] {strides = array<i32>} : memref<160x64xf32, #tpu.memory_space<vmem>>, vector<16xf32>,
        tpu.vector_store %arg37[%swap3A_900, %swap3A_901], %add3A_899 {strides = array<i32>} : memref<160x64xf32, #tpu.memory_space<vmem>>, vector<16xf32>,
        %get3A_903 = arith.index_cast %add3A_856 : i32 to index
        %get3A_904 = arith.constant 32 : index
        %get3A_905 = tpu.vector_load %arg34[%get3A_903, %get3A_904] {strides = array<i32>} : memref<160x64xf32, #tpu.memory_space<vmem>>, vector<16xf32>,
        %mul3A_906 = arith.mulf %get3A_905, %gather3A_860 : vector<16xf32>
        %get3A_907 = arith.index_cast %add3A_856 : i32 to index
        %get3A_908 = arith.constant 32 : index
        %get3A_909 = tpu.vector_load %arg35[%get3A_907, %get3A_908] {strides = array<i32>} : memref<160x64xf32, #tpu.memory_space<vmem>>, vector<16xf32>,
        %mul3A_910 = arith.mulf %get3A_909, %gather3A_864 : vector<16xf32>
        %add3A_911 = arith.addf %mul3A_906, %mul3A_910 : vector<16xf32>
        %get3A_912 = arith.index_cast %add3A_856 : i32 to index
        %get3A_913 = arith.constant 32 : index
        %get3A_914 = tpu.vector_load %arg36[%get3A_912, %get3A_913] {strides = array<i32>} : memref<160x64xf32, #tpu.memory_space<vmem>>, vector<16xf32>,
        %mul3A_915 = arith.mulf %get3A_914, %gather3A_868 : vector<16xf32>
        %add3A_916 = arith.addf %add3A_911, %mul3A_915 : vector<16xf32>
        %swap3A_917 = arith.index_cast %add3A_856 : i32 to index
        %swap3A_918 = arith.constant 32 : index
        %swap3A_919 = tpu.vector_load %arg37[%swap3A_917, %swap3A_918] {strides = array<i32>} : memref<160x64xf32, #tpu.memory_space<vmem>>, vector<16xf32>,
        tpu.vector_store %arg37[%swap3A_917, %swap3A_918], %add3A_916 {strides = array<i32>} : memref<160x64xf32, #tpu.memory_space<vmem>>, vector<16xf32>,
        %get3A_920 = arith.index_cast %add3A_856 : i32 to index
        %get3A_921 = arith.constant 48 : index
        %get3A_922 = tpu.vector_load %arg34[%get3A_920, %get3A_921] {strides = array<i32>} : memref<160x64xf32, #tpu.memory_space<vmem>>, vector<16xf32>,
        %mul3A_923 = arith.mulf %get3A_922, %gather3A_860 : vector<16xf32>
        %get3A_924 = arith.index_cast %add3A_856 : i32 to index
        %get3A_925 = arith.constant 48 : index
        %get3A_926 = tpu.vector_load %arg35[%get3A_924, %get3A_925] {strides = array<i32>} : memref<160x64xf32, #tpu.memory_space<vmem>>, vector<16xf32>,
        %mul3A_927 = arith.mulf %get3A_926, %gather3A_864 : vector<16xf32>
        %add3A_928 = arith.addf %mul3A_923, %mul3A_927 : vector<16xf32>
        %get3A_929 = arith.index_cast %add3A_856 : i32 to index
        %get3A_930 = arith.constant 48 : index
        %get3A_931 = tpu.vector_load %arg36[%get3A_929, %get3A_930] {strides = array<i32>} : memref<160x64xf32, #tpu.memory_space<vmem>>, vector<16xf32>,
        %mul3A_932 = arith.mulf %get3A_931, %gather3A_868 : vector<16xf32>
        %add3A_933 = arith.addf %add3A_928, %mul3A_932 : vector<16xf32>
        %swap3A_934 = arith.index_cast %add3A_856 : i32 to index
        %swap3A_935 = arith.constant 48 : index
        %swap3A_936 = tpu.vector_load %arg37[%swap3A_934, %swap3A_935] {strides = array<i32>} : memref<160x64xf32, #tpu.memory_space<vmem>>, vector<16xf32>,
        tpu.vector_store %arg37[%swap3A_934, %swap3A_935], %add3A_933 {strides = array<i32>} : memref<160x64xf32, #tpu.memory_space<vmem>>, vector<16xf32>,
        %add3A_937 = arith.constant 3 : i32
        %add3A_938 = arith.addi %mul3A_686, %add3A_937 : i32
        %broadcast_in_dim3A_939 = arith.constant 3 : i32
        %broadcast_in_dim3A_940 = vector.broadcast %broadcast_in_dim3A_939 : i32 to vector<16x1xi32>
        %gather3A_941 = vector.shape_cast %broadcast_in_dim3A_940 : vector<16x1xi32> to vector<16xi32>
        %gather3A_942 = tpu.dynamic_gather %get3A_688[%gather3A_941] in [0] : vector<16xf32>, vector<16xi32> -> vector<16xf32>
        %broadcast_in_dim3A_943 = arith.constant 3 : i32
        %broadcast_in_dim3A_944 = vector.broadcast %broadcast_in_dim3A_943 : i32 to vector<16x1xi32>
        %gather3A_945 = vector.shape_cast %broadcast_in_dim3A_944 : vector<16x1xi32> to vector<16xi32>
        %gather3A_946 = tpu.dynamic_gather %get3A_690[%gather3A_945] in [0] : vector<16xf32>, vector<16xi32> -> vector<16xf32>
        %broadcast_in_dim3A_947 = arith.constant 3 : i32
        %broadcast_in_dim3A_948 = vector.broadcast %broadcast_in_dim3A_947 : i32 to vector<16x1xi32>
        %gather3A_949 = vector.shape_cast %broadcast_in_dim3A_948 : vector<16x1xi32> to vector<16xi32>
        %gather3A_950 = tpu.dynamic_gather %get3A_692[%gather3A_949] in [0] : vector<16xf32>, vector<16xi32> -> vector<16xf32>
        %get3A_951 = arith.index_cast %add3A_938 : i32 to index
        %get3A_952 = arith.constant 0 : index
        %get3A_953 = tpu.vector_load %arg34[%get3A_951, %get3A_952] {strides = array<i32>} : memref<160x64xf32, #tpu.memory_space<vmem>>, vector<16xf32>,
        %mul3A_954 = arith.mulf %get3A_953, %gather3A_942 : vector<16xf32>
        %get3A_955 = arith.index_cast %add3A_938 : i32 to index
        %get3A_956 = arith.constant 0 : index
        %get3A_957 = tpu.vector_load %arg35[%get3A_955, %get3A_956] {strides = array<i32>} : memref<160x64xf32, #tpu.memory_space<vmem>>, vector<16xf32>,
        %mul3A_958 = arith.mulf %get3A_957, %gather3A_946 : vector<16xf32>
        %add3A_959 = arith.addf %mul3A_954, %mul3A_958 : vector<16xf32>
        %get3A_960 = arith.index_cast %add3A_938 : i32 to index
        %get3A_961 = arith.constant 0 : index
        %get3A_962 = tpu.vector_load %arg36[%get3A_960, %get3A_961] {strides = array<i32>} : memref<160x64xf32, #tpu.memory_space<vmem>>, vector<16xf32>,
        %mul3A_963 = arith.mulf %get3A_962, %gather3A_950 : vector<16xf32>
        %add3A_964 = arith.addf %add3A_959, %mul3A_963 : vector<16xf32>
        %swap3A_965 = arith.index_cast %add3A_938 : i32 to index
        %swap3A_966 = arith.constant 0 : index
        %swap3A_967 = tpu.vector_load %arg37[%swap3A_965, %swap3A_966] {strides = array<i32>} : memref<160x64xf32, #tpu.memory_space<vmem>>, vector<16xf32>,
        tpu.vector_store %arg37[%swap3A_965, %swap3A_966], %add3A_964 {strides = array<i32>} : memref<160x64xf32, #tpu.memory_space<vmem>>, vector<16xf32>,
        %get3A_968 = arith.index_cast %add3A_938 : i32 to index
        %get3A_969 = arith.constant 16 : index
        %get3A_970 = tpu.vector_load %arg34[%get3A_968, %get3A_969] {strides = array<i32>} : memref<160x64xf32, #tpu.memory_space<vmem>>, vector<16xf32>,
        %mul3A_971 = arith.mulf %get3A_970, %gather3A_942 : vector<16xf32>
        %get3A_972 = arith.index_cast %add3A_938 : i32 to index
        %get3A_973 = arith.constant 16 : index
        %get3A_974 = tpu.vector_load %arg35[%get3A_972, %get3A_973] {strides = array<i32>} : memref<160x64xf32, #tpu.memory_space<vmem>>, vector<16xf32>,
        %mul3A_975 = arith.mulf %get3A_974, %gather3A_946 : vector<16xf32>
        %add3A_976 = arith.addf %mul3A_971, %mul3A_975 : vector<16xf32>
        %get3A_977 = arith.index_cast %add3A_938 : i32 to index
        %get3A_978 = arith.constant 16 : index
        %get3A_979 = tpu.vector_load %arg36[%get3A_977, %get3A_978] {strides = array<i32>} : memref<160x64xf32, #tpu.memory_space<vmem>>, vector<16xf32>,
        %mul3A_980 = arith.mulf %get3A_979, %gather3A_950 : vector<16xf32>
        %add3A_981 = arith.addf %add3A_976, %mul3A_980 : vector<16xf32>
        %swap3A_982 = arith.index_cast %add3A_938 : i32 to index
        %swap3A_983 = arith.constant 16 : index
        %swap3A_984 = tpu.vector_load %arg37[%swap3A_982, %swap3A_983] {strides = array<i32>} : memref<160x64xf32, #tpu.memory_space<vmem>>, vector<16xf32>,
        tpu.vector_store %arg37[%swap3A_982, %swap3A_983], %add3A_981 {strides = array<i32>} : memref<160x64xf32, #tpu.memory_space<vmem>>, vector<16xf32>,
        %get3A_985 = arith.index_cast %add3A_938 : i32 to index
        %get3A_986 = arith.constant 32 : index
        %get3A_987 = tpu.vector_load %arg34[%get3A_985, %get3A_986] {strides = array<i32>} : memref<160x64xf32, #tpu.memory_space<vmem>>, vector<16xf32>,
        %mul3A_988 = arith.mulf %get3A_987, %gather3A_942 : vector<16xf32>
        %get3A_989 = arith.index_cast %add3A_938 : i32 to index
        %get3A_990 = arith.constant 32 : index
        %get3A_991 = tpu.vector_load %arg35[%get3A_989, %get3A_990] {strides = array<i32>} : memref<160x64xf32, #tpu.memory_space<vmem>>, vector<16xf32>,
        %mul3A_992 = arith.mulf %get3A_991, %gather3A_946 : vector<16xf32>
        %add3A_993 = arith.addf %mul3A_988, %mul3A_992 : vector<16xf32>
        %get3A_994 = arith.index_cast %add3A_938 : i32 to index
        %get3A_995 = arith.constant 32 : index
        %get3A_996 = tpu.vector_load %arg36[%get3A_994, %get3A_995] {strides = array<i32>} : memref<160x64xf32, #tpu.memory_space<vmem>>, vector<16xf32>,
        %mul3A_997 = arith.mulf %get3A_996, %gather3A_950 : vector<16xf32>
        %add3A_998 = arith.addf %add3A_993, %mul3A_997 : vector<16xf32>
        %swap3A_999 = arith.index_cast %add3A_938 : i32 to index
        %swap3A_1000 = arith.constant 32 : index
        %swap3A_1001 = tpu.vector_load %arg37[%swap3A_999, %swap3A_1000] {strides = array<i32>} : memref<160x64xf32, #tpu.memory_space<vmem>>, vector<16xf32>,
        tpu.vector_store %arg37[%swap3A_999, %swap3A_1000], %add3A_998 {strides = array<i32>} : memref<160x64xf32, #tpu.memory_space<vmem>>, vector<16xf32>,
        %get3A_1002 = arith.index_cast %add3A_938 : i32 to index
        %get3A_1003 = arith.constant 48 : index
        %get3A_1004 = tpu.vector_load %arg34[%get3A_1002, %get3A_1003] {strides = array<i32>} : memref<160x64xf32, #tpu.memory_space<vmem>>, vector<16xf32>,
        %mul3A_1005 = arith.mulf %get3A_1004, %gather3A_942 : vector<16xf32>
        %get3A_1006 = arith.index_cast %add3A_938 : i32 to index
        %get3A_1007 = arith.constant 48 : index
        %get3A_1008 = tpu.vector_load %arg35[%get3A_1006, %get3A_1007] {strides = array<i32>} : memref<160x64xf32, #tpu.memory_space<vmem>>, vector<16xf32>,
        %mul3A_1009 = arith.mulf %get3A_1008, %gather3A_946 : vector<16xf32>
        %add3A_1010 = arith.addf %mul3A_1005, %mul3A_1009 : vector<16xf32>
        %get3A_1011 = arith.index_cast %add3A_938 : i32 to index
        %get3A_1012 = arith.constant 48 : index
        %get3A_1013 = tpu.vector_load %arg36[%get3A_1011, %get3A_1012] {strides = array<i32>} : memref<160x64xf32, #tpu.memory_space<vmem>>, vector<16xf32>,
        %mul3A_1014 = arith.mulf %get3A_1013, %gather3A_950 : vector<16xf32>
        %add3A_1015 = arith.addf %add3A_1010, %mul3A_1014 : vector<16xf32>
        %swap3A_1016 = arith.index_cast %add3A_938 : i32 to index
        %swap3A_1017 = arith.constant 48 : index
        %swap3A_1018 = tpu.vector_load %arg37[%swap3A_1016, %swap3A_1017] {strides = array<i32>} : memref<160x64xf32, #tpu.memory_space<vmem>>, vector<16xf32>,
        tpu.vector_store %arg37[%swap3A_1016, %swap3A_1017], %add3A_1015 {strides = array<i32>} : memref<160x64xf32, #tpu.memory_space<vmem>>, vector<16xf32>,
        %add3A_1019 = arith.constant 4 : i32
        %add3A_1020 = arith.addi %mul3A_686, %add3A_1019 : i32
        %broadcast_in_dim3A_1021 = arith.constant 4 : i32
        %broadcast_in_dim3A_1022 = vector.broadcast %broadcast_in_dim3A_1021 : i32 to vector<16x1xi32>
        %gather3A_1023 = vector.shape_cast %broadcast_in_dim3A_1022 : vector<16x1xi32> to vector<16xi32>
        %gather3A_1024 = tpu.dynamic_gather %get3A_688[%gather3A_1023] in [0] : vector<16xf32>, vector<16xi32> -> vector<16xf32>
        %broadcast_in_dim3A_1025 = arith.constant 4 : i32
        %broadcast_in_dim3A_1026 = vector.broadcast %broadcast_in_dim3A_1025 : i32 to vector<16x1xi32>
        %gather3A_1027 = vector.shape_cast %broadcast_in_dim3A_1026 : vector<16x1xi32> to vector<16xi32>
        %gather3A_1028 = tpu.dynamic_gather %get3A_690[%gather3A_1027] in [0] : vector<16xf32>, vector<16xi32> -> vector<16xf32>
        %broadcast_in_dim3A_1029 = arith.constant 4 : i32
        %broadcast_in_dim3A_1030 = vector.broadcast %broadcast_in_dim3A_1029 : i32 to vector<16x1xi32>
        %gather3A_1031 = vector.shape_cast %broadcast_in_dim3A_1030 : vector<16x1xi32> to vector<16xi32>
        %gather3A_1032 = tpu.dynamic_gather %get3A_692[%gather3A_1031] in [0] : vector<16xf32>, vector<16xi32> -> vector<16xf32>
        %get3A_1033 = arith.index_cast %add3A_1020 : i32 to index
        %get3A_1034 = arith.constant 0 : index
        %get3A_1035 = tpu.vector_load %arg34[%get3A_1033, %get3A_1034] {strides = array<i32>} : memref<160x64xf32, #tpu.memory_space<vmem>>, vector<16xf32>,
        %mul3A_1036 = arith.mulf %get3A_1035, %gather3A_1024 : vector<16xf32>
        %get3A_1037 = arith.index_cast %add3A_1020 : i32 to index
        %get3A_1038 = arith.constant 0 : index
        %get3A_1039 = tpu.vector_load %arg35[%get3A_1037, %get3A_1038] {strides = array<i32>} : memref<160x64xf32, #tpu.memory_space<vmem>>, vector<16xf32>,
        %mul3A_1040 = arith.mulf %get3A_1039, %gather3A_1028 : vector<16xf32>
        %add3A_1041 = arith.addf %mul3A_1036, %mul3A_1040 : vector<16xf32>
        %get3A_1042 = arith.index_cast %add3A_1020 : i32 to index
        %get3A_1043 = arith.constant 0 : index
        %get3A_1044 = tpu.vector_load %arg36[%get3A_1042, %get3A_1043] {strides = array<i32>} : memref<160x64xf32, #tpu.memory_space<vmem>>, vector<16xf32>,
        %mul3A_1045 = arith.mulf %get3A_1044, %gather3A_1032 : vector<16xf32>
        %add3A_1046 = arith.addf %add3A_1041, %mul3A_1045 : vector<16xf32>
        %swap3A_1047 = arith.index_cast %add3A_1020 : i32 to index
        %swap3A_1048 = arith.constant 0 : index
        %swap3A_1049 = tpu.vector_load %arg37[%swap3A_1047, %swap3A_1048] {strides = array<i32>} : memref<160x64xf32, #tpu.memory_space<vmem>>, vector<16xf32>,
        tpu.vector_store %arg37[%swap3A_1047, %swap3A_1048], %add3A_1046 {strides = array<i32>} : memref<160x64xf32, #tpu.memory_space<vmem>>, vector<16xf32>,
        %get3A_1050 = arith.index_cast %add3A_1020 : i32 to index
        %get3A_1051 = arith.constant 16 : index
        %get3A_1052 = tpu.vector_load %arg34[%get3A_1050, %get3A_1051] {strides = array<i32>} : memref<160x64xf32, #tpu.memory_space<vmem>>, vector<16xf32>,
        %mul3A_1053 = arith.mulf %get3A_1052, %gather3A_1024 : vector<16xf32>
        %get3A_1054 = arith.index_cast %add3A_1020 : i32 to index
        %get3A_1055 = arith.constant 16 : index
        %get3A_1056 = tpu.vector_load %arg35[%get3A_1054, %get3A_1055] {strides = array<i32>} : memref<160x64xf32, #tpu.memory_space<vmem>>, vector<16xf32>,
        %mul3A_1057 = arith.mulf %get3A_1056, %gather3A_1028 : vector<16xf32>
        %add3A_1058 = arith.addf %mul3A_1053, %mul3A_1057 : vector<16xf32>
        %get3A_1059 = arith.index_cast %add3A_1020 : i32 to index
        %get3A_1060 = arith.constant 16 : index
        %get3A_1061 = tpu.vector_load %arg36[%get3A_1059, %get3A_1060] {strides = array<i32>} : memref<160x64xf32, #tpu.memory_space<vmem>>, vector<16xf32>,
        %mul3A_1062 = arith.mulf %get3A_1061, %gather3A_1032 : vector<16xf32>
        %add3A_1063 = arith.addf %add3A_1058, %mul3A_1062 : vector<16xf32>
        %swap3A_1064 = arith.index_cast %add3A_1020 : i32 to index
        %swap3A_1065 = arith.constant 16 : index
        %swap3A_1066 = tpu.vector_load %arg37[%swap3A_1064, %swap3A_1065] {strides = array<i32>} : memref<160x64xf32, #tpu.memory_space<vmem>>, vector<16xf32>,
        tpu.vector_store %arg37[%swap3A_1064, %swap3A_1065], %add3A_1063 {strides = array<i32>} : memref<160x64xf32, #tpu.memory_space<vmem>>, vector<16xf32>,
        %get3A_1067 = arith.index_cast %add3A_1020 : i32 to index
        %get3A_1068 = arith.constant 32 : index
        %get3A_1069 = tpu.vector_load %arg34[%get3A_1067, %get3A_1068] {strides = array<i32>} : memref<160x64xf32, #tpu.memory_space<vmem>>, vector<16xf32>,
        %mul3A_1070 = arith.mulf %get3A_1069, %gather3A_1024 : vector<16xf32>
        %get3A_1071 = arith.index_cast %add3A_1020 : i32 to index
        %get3A_1072 = arith.constant 32 : index
        %get3A_1073 = tpu.vector_load %arg35[%get3A_1071, %get3A_1072] {strides = array<i32>} : memref<160x64xf32, #tpu.memory_space<vmem>>, vector<16xf32>,
        %mul3A_1074 = arith.mulf %get3A_1073, %gather3A_1028 : vector<16xf32>
        %add3A_1075 = arith.addf %mul3A_1070, %mul3A_1074 : vector<16xf32>
        %get3A_1076 = arith.index_cast %add3A_1020 : i32 to index
        %get3A_1077 = arith.constant 32 : index
        %get3A_1078 = tpu.vector_load %arg36[%get3A_1076, %get3A_1077] {strides = array<i32>} : memref<160x64xf32, #tpu.memory_space<vmem>>, vector<16xf32>,
        %mul3A_1079 = arith.mulf %get3A_1078, %gather3A_1032 : vector<16xf32>
        %add3A_1080 = arith.addf %add3A_1075, %mul3A_1079 : vector<16xf32>
        %swap3A_1081 = arith.index_cast %add3A_1020 : i32 to index
        %swap3A_1082 = arith.constant 32 : index
        %swap3A_1083 = tpu.vector_load %arg37[%swap3A_1081, %swap3A_1082] {strides = array<i32>} : memref<160x64xf32, #tpu.memory_space<vmem>>, vector<16xf32>,
        tpu.vector_store %arg37[%swap3A_1081, %swap3A_1082], %add3A_1080 {strides = array<i32>} : memref<160x64xf32, #tpu.memory_space<vmem>>, vector<16xf32>,
        %get3A_1084 = arith.index_cast %add3A_1020 : i32 to index
        %get3A_1085 = arith.constant 48 : index
        %get3A_1086 = tpu.vector_load %arg34[%get3A_1084, %get3A_1085] {strides = array<i32>} : memref<160x64xf32, #tpu.memory_space<vmem>>, vector<16xf32>,
        %mul3A_1087 = arith.mulf %get3A_1086, %gather3A_1024 : vector<16xf32>
        %get3A_1088 = arith.index_cast %add3A_1020 : i32 to index
        %get3A_1089 = arith.constant 48 : index
        %get3A_1090 = tpu.vector_load %arg35[%get3A_1088, %get3A_1089] {strides = array<i32>} : memref<160x64xf32, #tpu.memory_space<vmem>>, vector<16xf32>,
        %mul3A_1091 = arith.mulf %get3A_1090, %gather3A_1028 : vector<16xf32>
        %add3A_1092 = arith.addf %mul3A_1087, %mul3A_1091 : vector<16xf32>
        %get3A_1093 = arith.index_cast %add3A_1020 : i32 to index
        %get3A_1094 = arith.constant 48 : index
        %get3A_1095 = tpu.vector_load %arg36[%get3A_1093, %get3A_1094] {strides = array<i32>} : memref<160x64xf32, #tpu.memory_space<vmem>>, vector<16xf32>,
        %mul3A_1096 = arith.mulf %get3A_1095, %gather3A_1032 : vector<16xf32>
        %add3A_1097 = arith.addf %add3A_1092, %mul3A_1096 : vector<16xf32>
        %swap3A_1098 = arith.index_cast %add3A_1020 : i32 to index
        %swap3A_1099 = arith.constant 48 : index
        %swap3A_1100 = tpu.vector_load %arg37[%swap3A_1098, %swap3A_1099] {strides = array<i32>} : memref<160x64xf32, #tpu.memory_space<vmem>>, vector<16xf32>,
        tpu.vector_store %arg37[%swap3A_1098, %swap3A_1099], %add3A_1097 {strides = array<i32>} : memref<160x64xf32, #tpu.memory_space<vmem>>, vector<16xf32>,
        %add3A_1101 = arith.constant 5 : i32
        %add3A_1102 = arith.addi %mul3A_686, %add3A_1101 : i32
        %broadcast_in_dim3A_1103 = arith.constant 5 : i32
        %broadcast_in_dim3A_1104 = vector.broadcast %broadcast_in_dim3A_1103 : i32 to vector<16x1xi32>
        %gather3A_1105 = vector.shape_cast %broadcast_in_dim3A_1104 : vector<16x1xi32> to vector<16xi32>
        %gather3A_1106 = tpu.dynamic_gather %get3A_688[%gather3A_1105] in [0] : vector<16xf32>, vector<16xi32> -> vector<16xf32>
        %broadcast_in_dim3A_1107 = arith.constant 5 : i32
        %broadcast_in_dim3A_1108 = vector.broadcast %broadcast_in_dim3A_1107 : i32 to vector<16x1xi32>
        %gather3A_1109 = vector.shape_cast %broadcast_in_dim3A_1108 : vector<16x1xi32> to vector<16xi32>
        %gather3A_1110 = tpu.dynamic_gather %get3A_690[%gather3A_1109] in [0] : vector<16xf32>, vector<16xi32> -> vector<16xf32>
        %broadcast_in_dim3A_1111 = arith.constant 5 : i32
        %broadcast_in_dim3A_1112 = vector.broadcast %broadcast_in_dim3A_1111 : i32 to vector<16x1xi32>
        %gather3A_1113 = vector.shape_cast %broadcast_in_dim3A_1112 : vector<16x1xi32> to vector<16xi32>
        %gather3A_1114 = tpu.dynamic_gather %get3A_692[%gather3A_1113] in [0] : vector<16xf32>, vector<16xi32> -> vector<16xf32>
        %get3A_1115 = arith.index_cast %add3A_1102 : i32 to index
        %get3A_1116 = arith.constant 0 : index
        %get3A_1117 = tpu.vector_load %arg34[%get3A_1115, %get3A_1116] {strides = array<i32>} : memref<160x64xf32, #tpu.memory_space<vmem>>, vector<16xf32>,
        %mul3A_1118 = arith.mulf %get3A_1117, %gather3A_1106 : vector<16xf32>
        %get3A_1119 = arith.index_cast %add3A_1102 : i32 to index
        %get3A_1120 = arith.constant 0 : index
        %get3A_1121 = tpu.vector_load %arg35[%get3A_1119, %get3A_1120] {strides = array<i32>} : memref<160x64xf32, #tpu.memory_space<vmem>>, vector<16xf32>,
        %mul3A_1122 = arith.mulf %get3A_1121, %gather3A_1110 : vector<16xf32>
        %add3A_1123 = arith.addf %mul3A_1118, %mul3A_1122 : vector<16xf32>
        %get3A_1124 = arith.index_cast %add3A_1102 : i32 to index
        %get3A_1125 = arith.constant 0 : index
        %get3A_1126 = tpu.vector_load %arg36[%get3A_1124, %get3A_1125] {strides = array<i32>} : memref<160x64xf32, #tpu.memory_space<vmem>>, vector<16xf32>,
        %mul3A_1127 = arith.mulf %get3A_1126, %gather3A_1114 : vector<16xf32>
        %add3A_1128 = arith.addf %add3A_1123, %mul3A_1127 : vector<16xf32>
        %swap3A_1129 = arith.index_cast %add3A_1102 : i32 to index
        %swap3A_1130 = arith.constant 0 : index
        %swap3A_1131 = tpu.vector_load %arg37[%swap3A_1129, %swap3A_1130] {strides = array<i32>} : memref<160x64xf32, #tpu.memory_space<vmem>>, vector<16xf32>,
        tpu.vector_store %arg37[%swap3A_1129, %swap3A_1130], %add3A_1128 {strides = array<i32>} : memref<160x64xf32, #tpu.memory_space<vmem>>, vector<16xf32>,
        %get3A_1132 = arith.index_cast %add3A_1102 : i32 to index
        %get3A_1133 = arith.constant 16 : index
        %get3A_1134 = tpu.vector_load %arg34[%get3A_1132, %get3A_1133] {strides = array<i32>} : memref<160x64xf32, #tpu.memory_space<vmem>>, vector<16xf32>,
        %mul3A_1135 = arith.mulf %get3A_1134, %gather3A_1106 : vector<16xf32>
        %get3A_1136 = arith.index_cast %add3A_1102 : i32 to index
        %get3A_1137 = arith.constant 16 : index
        %get3A_1138 = tpu.vector_load %arg35[%get3A_1136, %get3A_1137] {strides = array<i32>} : memref<160x64xf32, #tpu.memory_space<vmem>>, vector<16xf32>,
        %mul3A_1139 = arith.mulf %get3A_1138, %gather3A_1110 : vector<16xf32>
        %add3A_1140 = arith.addf %mul3A_1135, %mul3A_1139 : vector<16xf32>
        %get3A_1141 = arith.index_cast %add3A_1102 : i32 to index
        %get3A_1142 = arith.constant 16 : index
        %get3A_1143 = tpu.vector_load %arg36[%get3A_1141, %get3A_1142] {strides = array<i32>} : memref<160x64xf32, #tpu.memory_space<vmem>>, vector<16xf32>,
        %mul3A_1144 = arith.mulf %get3A_1143, %gather3A_1114 : vector<16xf32>
        %add3A_1145 = arith.addf %add3A_1140, %mul3A_1144 : vector<16xf32>
        %swap3A_1146 = arith.index_cast %add3A_1102 : i32 to index
        %swap3A_1147 = arith.constant 16 : index
        %swap3A_1148 = tpu.vector_load %arg37[%swap3A_1146, %swap3A_1147] {strides = array<i32>} : memref<160x64xf32, #tpu.memory_space<vmem>>, vector<16xf32>,
        tpu.vector_store %arg37[%swap3A_1146, %swap3A_1147], %add3A_1145 {strides = array<i32>} : memref<160x64xf32, #tpu.memory_space<vmem>>, vector<16xf32>,
        %get3A_1149 = arith.index_cast %add3A_1102 : i32 to index
        %get3A_1150 = arith.constant 32 : index
        %get3A_1151 = tpu.vector_load %arg34[%get3A_1149, %get3A_1150] {strides = array<i32>} : memref<160x64xf32, #tpu.memory_space<vmem>>, vector<16xf32>,
        %mul3A_1152 = arith.mulf %get3A_1151, %gather3A_1106 : vector<16xf32>
        %get3A_1153 = arith.index_cast %add3A_1102 : i32 to index
        %get3A_1154 = arith.constant 32 : index
        %get3A_1155 = tpu.vector_load %arg35[%get3A_1153, %get3A_1154] {strides = array<i32>} : memref<160x64xf32, #tpu.memory_space<vmem>>, vector<16xf32>,
        %mul3A_1156 = arith.mulf %get3A_1155, %gather3A_1110 : vector<16xf32>
        %add3A_1157 = arith.addf %mul3A_1152, %mul3A_1156 : vector<16xf32>
        %get3A_1158 = arith.index_cast %add3A_1102 : i32 to index
        %get3A_1159 = arith.constant 32 : index
        %get3A_1160 = tpu.vector_load %arg36[%get3A_1158, %get3A_1159] {strides = array<i32>} : memref<160x64xf32, #tpu.memory_space<vmem>>, vector<16xf32>,
        %mul3A_1161 = arith.mulf %get3A_1160, %gather3A_1114 : vector<16xf32>
        %add3A_1162 = arith.addf %add3A_1157, %mul3A_1161 : vector<16xf32>
        %swap3A_1163 = arith.index_cast %add3A_1102 : i32 to index
        %swap3A_1164 = arith.constant 32 : index
        %swap3A_1165 = tpu.vector_load %arg37[%swap3A_1163, %swap3A_1164] {strides = array<i32>} : memref<160x64xf32, #tpu.memory_space<vmem>>, vector<16xf32>,
        tpu.vector_store %arg37[%swap3A_1163, %swap3A_1164], %add3A_1162 {strides = array<i32>} : memref<160x64xf32, #tpu.memory_space<vmem>>, vector<16xf32>,
        %get3A_1166 = arith.index_cast %add3A_1102 : i32 to index
        %get3A_1167 = arith.constant 48 : index
        %get3A_1168 = tpu.vector_load %arg34[%get3A_1166, %get3A_1167] {strides = array<i32>} : memref<160x64xf32, #tpu.memory_space<vmem>>, vector<16xf32>,
        %mul3A_1169 = arith.mulf %get3A_1168, %gather3A_1106 : vector<16xf32>
        %get3A_1170 = arith.index_cast %add3A_1102 : i32 to index
        %get3A_1171 = arith.constant 48 : index
        %get3A_1172 = tpu.vector_load %arg35[%get3A_1170, %get3A_1171] {strides = array<i32>} : memref<160x64xf32, #tpu.memory_space<vmem>>, vector<16xf32>,
        %mul3A_1173 = arith.mulf %get3A_1172, %gather3A_1110 : vector<16xf32>
        %add3A_1174 = arith.addf %mul3A_1169, %mul3A_1173 : vector<16xf32>
        %get3A_1175 = arith.index_cast %add3A_1102 : i32 to index
        %get3A_1176 = arith.constant 48 : index
        %get3A_1177 = tpu.vector_load %arg36[%get3A_1175, %get3A_1176] {strides = array<i32>} : memref<160x64xf32, #tpu.memory_space<vmem>>, vector<16xf32>,
        %mul3A_1178 = arith.mulf %get3A_1177, %gather3A_1114 : vector<16xf32>
        %add3A_1179 = arith.addf %add3A_1174, %mul3A_1178 : vector<16xf32>
        %swap3A_1180 = arith.index_cast %add3A_1102 : i32 to index
        %swap3A_1181 = arith.constant 48 : index
        %swap3A_1182 = tpu.vector_load %arg37[%swap3A_1180, %swap3A_1181] {strides = array<i32>} : memref<160x64xf32, #tpu.memory_space<vmem>>, vector<16xf32>,
        tpu.vector_store %arg37[%swap3A_1180, %swap3A_1181], %add3A_1179 {strides = array<i32>} : memref<160x64xf32, #tpu.memory_space<vmem>>, vector<16xf32>,
        %add3A_1183 = arith.constant 6 : i32
        %add3A_1184 = arith.addi %mul3A_686, %add3A_1183 : i32
        %broadcast_in_dim3A_1185 = arith.constant 6 : i32
        %broadcast_in_dim3A_1186 = vector.broadcast %broadcast_in_dim3A_1185 : i32 to vector<16x1xi32>
        %gather3A_1187 = vector.shape_cast %broadcast_in_dim3A_1186 : vector<16x1xi32> to vector<16xi32>
        %gather3A_1188 = tpu.dynamic_gather %get3A_688[%gather3A_1187] in [0] : vector<16xf32>, vector<16xi32> -> vector<16xf32>
        %broadcast_in_dim3A_1189 = arith.constant 6 : i32
        %broadcast_in_dim3A_1190 = vector.broadcast %broadcast_in_dim3A_1189 : i32 to vector<16x1xi32>
        %gather3A_1191 = vector.shape_cast %broadcast_in_dim3A_1190 : vector<16x1xi32> to vector<16xi32>
        %gather3A_1192 = tpu.dynamic_gather %get3A_690[%gather3A_1191] in [0] : vector<16xf32>, vector<16xi32> -> vector<16xf32>
        %broadcast_in_dim3A_1193 = arith.constant 6 : i32
        %broadcast_in_dim3A_1194 = vector.broadcast %broadcast_in_dim3A_1193 : i32 to vector<16x1xi32>
        %gather3A_1195 = vector.shape_cast %broadcast_in_dim3A_1194 : vector<16x1xi32> to vector<16xi32>
        %gather3A_1196 = tpu.dynamic_gather %get3A_692[%gather3A_1195] in [0] : vector<16xf32>, vector<16xi32> -> vector<16xf32>
        %get3A_1197 = arith.index_cast %add3A_1184 : i32 to index
        %get3A_1198 = arith.constant 0 : index
        %get3A_1199 = tpu.vector_load %arg34[%get3A_1197, %get3A_1198] {strides = array<i32>} : memref<160x64xf32, #tpu.memory_space<vmem>>, vector<16xf32>,
        %mul3A_1200 = arith.mulf %get3A_1199, %gather3A_1188 : vector<16xf32>
        %get3A_1201 = arith.index_cast %add3A_1184 : i32 to index
        %get3A_1202 = arith.constant 0 : index
        %get3A_1203 = tpu.vector_load %arg35[%get3A_1201, %get3A_1202] {strides = array<i32>} : memref<160x64xf32, #tpu.memory_space<vmem>>, vector<16xf32>,
        %mul3A_1204 = arith.mulf %get3A_1203, %gather3A_1192 : vector<16xf32>
        %add3A_1205 = arith.addf %mul3A_1200, %mul3A_1204 : vector<16xf32>
        %get3A_1206 = arith.index_cast %add3A_1184 : i32 to index
        %get3A_1207 = arith.constant 0 : index
        %get3A_1208 = tpu.vector_load %arg36[%get3A_1206, %get3A_1207] {strides = array<i32>} : memref<160x64xf32, #tpu.memory_space<vmem>>, vector<16xf32>,
        %mul3A_1209 = arith.mulf %get3A_1208, %gather3A_1196 : vector<16xf32>
        %add3A_1210 = arith.addf %add3A_1205, %mul3A_1209 : vector<16xf32>
        %swap3A_1211 = arith.index_cast %add3A_1184 : i32 to index
        %swap3A_1212 = arith.constant 0 : index
        %swap3A_1213 = tpu.vector_load %arg37[%swap3A_1211, %swap3A_1212] {strides = array<i32>} : memref<160x64xf32, #tpu.memory_space<vmem>>, vector<16xf32>,
        tpu.vector_store %arg37[%swap3A_1211, %swap3A_1212], %add3A_1210 {strides = array<i32>} : memref<160x64xf32, #tpu.memory_space<vmem>>, vector<16xf32>,
        %get3A_1214 = arith.index_cast %add3A_1184 : i32 to index
        %get3A_1215 = arith.constant 16 : index
        %get3A_1216 = tpu.vector_load %arg34[%get3A_1214, %get3A_1215] {strides = array<i32>} : memref<160x64xf32, #tpu.memory_space<vmem>>, vector<16xf32>,
        %mul3A_1217 = arith.mulf %get3A_1216, %gather3A_1188 : vector<16xf32>
        %get3A_1218 = arith.index_cast %add3A_1184 : i32 to index
        %get3A_1219 = arith.constant 16 : index
        %get3A_1220 = tpu.vector_load %arg35[%get3A_1218, %get3A_1219] {strides = array<i32>} : memref<160x64xf32, #tpu.memory_space<vmem>>, vector<16xf32>,
        %mul3A_1221 = arith.mulf %get3A_1220, %gather3A_1192 : vector<16xf32>
        %add3A_1222 = arith.addf %mul3A_1217, %mul3A_1221 : vector<16xf32>
        %get3A_1223 = arith.index_cast %add3A_1184 : i32 to index
        %get3A_1224 = arith.constant 16 : index
        %get3A_1225 = tpu.vector_load %arg36[%get3A_1223, %get3A_1224] {strides = array<i32>} : memref<160x64xf32, #tpu.memory_space<vmem>>, vector<16xf32>,
        %mul3A_1226 = arith.mulf %get3A_1225, %gather3A_1196 : vector<16xf32>
        %add3A_1227 = arith.addf %add3A_1222, %mul3A_1226 : vector<16xf32>
        %swap3A_1228 = arith.index_cast %add3A_1184 : i32 to index
        %swap3A_1229 = arith.constant 16 : index
        %swap3A_1230 = tpu.vector_load %arg37[%swap3A_1228, %swap3A_1229] {strides = array<i32>} : memref<160x64xf32, #tpu.memory_space<vmem>>, vector<16xf32>,
        tpu.vector_store %arg37[%swap3A_1228, %swap3A_1229], %add3A_1227 {strides = array<i32>} : memref<160x64xf32, #tpu.memory_space<vmem>>, vector<16xf32>,
        %get3A_1231 = arith.index_cast %add3A_1184 : i32 to index
        %get3A_1232 = arith.constant 32 : index
        %get3A_1233 = tpu.vector_load %arg34[%get3A_1231, %get3A_1232] {strides = array<i32>} : memref<160x64xf32, #tpu.memory_space<vmem>>, vector<16xf32>,
        %mul3A_1234 = arith.mulf %get3A_1233, %gather3A_1188 : vector<16xf32>
        %get3A_1235 = arith.index_cast %add3A_1184 : i32 to index
        %get3A_1236 = arith.constant 32 : index
        %get3A_1237 = tpu.vector_load %arg35[%get3A_1235, %get3A_1236] {strides = array<i32>} : memref<160x64xf32, #tpu.memory_space<vmem>>, vector<16xf32>,
        %mul3A_1238 = arith.mulf %get3A_1237, %gather3A_1192 : vector<16xf32>
        %add3A_1239 = arith.addf %mul3A_1234, %mul3A_1238 : vector<16xf32>
        %get3A_1240 = arith.index_cast %add3A_1184 : i32 to index
        %get3A_1241 = arith.constant 32 : index
        %get3A_1242 = tpu.vector_load %arg36[%get3A_1240, %get3A_1241] {strides = array<i32>} : memref<160x64xf32, #tpu.memory_space<vmem>>, vector<16xf32>,
        %mul3A_1243 = arith.mulf %get3A_1242, %gather3A_1196 : vector<16xf32>
        %add3A_1244 = arith.addf %add3A_1239, %mul3A_1243 : vector<16xf32>
        %swap3A_1245 = arith.index_cast %add3A_1184 : i32 to index
        %swap3A_1246 = arith.constant 32 : index
        %swap3A_1247 = tpu.vector_load %arg37[%swap3A_1245, %swap3A_1246] {strides = array<i32>} : memref<160x64xf32, #tpu.memory_space<vmem>>, vector<16xf32>,
        tpu.vector_store %arg37[%swap3A_1245, %swap3A_1246], %add3A_1244 {strides = array<i32>} : memref<160x64xf32, #tpu.memory_space<vmem>>, vector<16xf32>,
        %get3A_1248 = arith.index_cast %add3A_1184 : i32 to index
        %get3A_1249 = arith.constant 48 : index
        %get3A_1250 = tpu.vector_load %arg34[%get3A_1248, %get3A_1249] {strides = array<i32>} : memref<160x64xf32, #tpu.memory_space<vmem>>, vector<16xf32>,
        %mul3A_1251 = arith.mulf %get3A_1250, %gather3A_1188 : vector<16xf32>
        %get3A_1252 = arith.index_cast %add3A_1184 : i32 to index
        %get3A_1253 = arith.constant 48 : index
        %get3A_1254 = tpu.vector_load %arg35[%get3A_1252, %get3A_1253] {strides = array<i32>} : memref<160x64xf32, #tpu.memory_space<vmem>>, vector<16xf32>,
        %mul3A_1255 = arith.mulf %get3A_1254, %gather3A_1192 : vector<16xf32>
        %add3A_1256 = arith.addf %mul3A_1251, %mul3A_1255 : vector<16xf32>
        %get3A_1257 = arith.index_cast %add3A_1184 : i32 to index
        %get3A_1258 = arith.constant 48 : index
        %get3A_1259 = tpu.vector_load %arg36[%get3A_1257, %get3A_1258] {strides = array<i32>} : memref<160x64xf32, #tpu.memory_space<vmem>>, vector<16xf32>,
        %mul3A_1260 = arith.mulf %get3A_1259, %gather3A_1196 : vector<16xf32>
        %add3A_1261 = arith.addf %add3A_1256, %mul3A_1260 : vector<16xf32>
        %swap3A_1262 = arith.index_cast %add3A_1184 : i32 to index
        %swap3A_1263 = arith.constant 48 : index
        %swap3A_1264 = tpu.vector_load %arg37[%swap3A_1262, %swap3A_1263] {strides = array<i32>} : memref<160x64xf32, #tpu.memory_space<vmem>>, vector<16xf32>,
        tpu.vector_store %arg37[%swap3A_1262, %swap3A_1263], %add3A_1261 {strides = array<i32>} : memref<160x64xf32, #tpu.memory_space<vmem>>, vector<16xf32>,
        %add3A_1265 = arith.constant 7 : i32
        %add3A_1266 = arith.addi %mul3A_686, %add3A_1265 : i32
        %broadcast_in_dim3A_1267 = arith.constant 7 : i32
        %broadcast_in_dim3A_1268 = vector.broadcast %broadcast_in_dim3A_1267 : i32 to vector<16x1xi32>
        %gather3A_1269 = vector.shape_cast %broadcast_in_dim3A_1268 : vector<16x1xi32> to vector<16xi32>
        %gather3A_1270 = tpu.dynamic_gather %get3A_688[%gather3A_1269] in [0] : vector<16xf32>, vector<16xi32> -> vector<16xf32>
        %broadcast_in_dim3A_1271 = arith.constant 7 : i32
        %broadcast_in_dim3A_1272 = vector.broadcast %broadcast_in_dim3A_1271 : i32 to vector<16x1xi32>
        %gather3A_1273 = vector.shape_cast %broadcast_in_dim3A_1272 : vector<16x1xi32> to vector<16xi32>
        %gather3A_1274 = tpu.dynamic_gather %get3A_690[%gather3A_1273] in [0] : vector<16xf32>, vector<16xi32> -> vector<16xf32>
        %broadcast_in_dim3A_1275 = arith.constant 7 : i32
        %broadcast_in_dim3A_1276 = vector.broadcast %broadcast_in_dim3A_1275 : i32 to vector<16x1xi32>
        %gather3A_1277 = vector.shape_cast %broadcast_in_dim3A_1276 : vector<16x1xi32> to vector<16xi32>
        %gather3A_1278 = tpu.dynamic_gather %get3A_692[%gather3A_1277] in [0] : vector<16xf32>, vector<16xi32> -> vector<16xf32>
        %get3A_1279 = arith.index_cast %add3A_1266 : i32 to index
        %get3A_1280 = arith.constant 0 : index
        %get3A_1281 = tpu.vector_load %arg34[%get3A_1279, %get3A_1280] {strides = array<i32>} : memref<160x64xf32, #tpu.memory_space<vmem>>, vector<16xf32>,
        %mul3A_1282 = arith.mulf %get3A_1281, %gather3A_1270 : vector<16xf32>
        %get3A_1283 = arith.index_cast %add3A_1266 : i32 to index
        %get3A_1284 = arith.constant 0 : index
        %get3A_1285 = tpu.vector_load %arg35[%get3A_1283, %get3A_1284] {strides = array<i32>} : memref<160x64xf32, #tpu.memory_space<vmem>>, vector<16xf32>,
        %mul3A_1286 = arith.mulf %get3A_1285, %gather3A_1274 : vector<16xf32>
        %add3A_1287 = arith.addf %mul3A_1282, %mul3A_1286 : vector<16xf32>
        %get3A_1288 = arith.index_cast %add3A_1266 : i32 to index
        %get3A_1289 = arith.constant 0 : index
        %get3A_1290 = tpu.vector_load %arg36[%get3A_1288, %get3A_1289] {strides = array<i32>} : memref<160x64xf32, #tpu.memory_space<vmem>>, vector<16xf32>,
        %mul3A_1291 = arith.mulf %get3A_1290, %gather3A_1278 : vector<16xf32>
        %add3A_1292 = arith.addf %add3A_1287, %mul3A_1291 : vector<16xf32>
        %swap3A_1293 = arith.index_cast %add3A_1266 : i32 to index
        %swap3A_1294 = arith.constant 0 : index
        %swap3A_1295 = tpu.vector_load %arg37[%swap3A_1293, %swap3A_1294] {strides = array<i32>} : memref<160x64xf32, #tpu.memory_space<vmem>>, vector<16xf32>,
        tpu.vector_store %arg37[%swap3A_1293, %swap3A_1294], %add3A_1292 {strides = array<i32>} : memref<160x64xf32, #tpu.memory_space<vmem>>, vector<16xf32>,
        %get3A_1296 = arith.index_cast %add3A_1266 : i32 to index
        %get3A_1297 = arith.constant 16 : index
        %get3A_1298 = tpu.vector_load %arg34[%get3A_1296, %get3A_1297] {strides = array<i32>} : memref<160x64xf32, #tpu.memory_space<vmem>>, vector<16xf32>,
        %mul3A_1299 = arith.mulf %get3A_1298, %gather3A_1270 : vector<16xf32>
        %get3A_1300 = arith.index_cast %add3A_1266 : i32 to index
        %get3A_1301 = arith.constant 16 : index
        %get3A_1302 = tpu.vector_load %arg35[%get3A_1300, %get3A_1301] {strides = array<i32>} : memref<160x64xf32, #tpu.memory_space<vmem>>, vector<16xf32>,
        %mul3A_1303 = arith.mulf %get3A_1302, %gather3A_1274 : vector<16xf32>
        %add3A_1304 = arith.addf %mul3A_1299, %mul3A_1303 : vector<16xf32>
        %get3A_1305 = arith.index_cast %add3A_1266 : i32 to index
        %get3A_1306 = arith.constant 16 : index
        %get3A_1307 = tpu.vector_load %arg36[%get3A_1305, %get3A_1306] {strides = array<i32>} : memref<160x64xf32, #tpu.memory_space<vmem>>, vector<16xf32>,
        %mul3A_1308 = arith.mulf %get3A_1307, %gather3A_1278 : vector<16xf32>
        %add3A_1309 = arith.addf %add3A_1304, %mul3A_1308 : vector<16xf32>
        %swap3A_1310 = arith.index_cast %add3A_1266 : i32 to index
        %swap3A_1311 = arith.constant 16 : index
        %swap3A_1312 = tpu.vector_load %arg37[%swap3A_1310, %swap3A_1311] {strides = array<i32>} : memref<160x64xf32, #tpu.memory_space<vmem>>, vector<16xf32>,
        tpu.vector_store %arg37[%swap3A_1310, %swap3A_1311], %add3A_1309 {strides = array<i32>} : memref<160x64xf32, #tpu.memory_space<vmem>>, vector<16xf32>,
        %get3A_1313 = arith.index_cast %add3A_1266 : i32 to index
        %get3A_1314 = arith.constant 32 : index
        %get3A_1315 = tpu.vector_load %arg34[%get3A_1313, %get3A_1314] {strides = array<i32>} : memref<160x64xf32, #tpu.memory_space<vmem>>, vector<16xf32>,
        %mul3A_1316 = arith.mulf %get3A_1315, %gather3A_1270 : vector<16xf32>
        %get3A_1317 = arith.index_cast %add3A_1266 : i32 to index
        %get3A_1318 = arith.constant 32 : index
        %get3A_1319 = tpu.vector_load %arg35[%get3A_1317, %get3A_1318] {strides = array<i32>} : memref<160x64xf32, #tpu.memory_space<vmem>>, vector<16xf32>,
        %mul3A_1320 = arith.mulf %get3A_1319, %gather3A_1274 : vector<16xf32>
        %add3A_1321 = arith.addf %mul3A_1316, %mul3A_1320 : vector<16xf32>
        %get3A_1322 = arith.index_cast %add3A_1266 : i32 to index
        %get3A_1323 = arith.constant 32 : index
        %get3A_1324 = tpu.vector_load %arg36[%get3A_1322, %get3A_1323] {strides = array<i32>} : memref<160x64xf32, #tpu.memory_space<vmem>>, vector<16xf32>,
        %mul3A_1325 = arith.mulf %get3A_1324, %gather3A_1278 : vector<16xf32>
        %add3A_1326 = arith.addf %add3A_1321, %mul3A_1325 : vector<16xf32>
        %swap3A_1327 = arith.index_cast %add3A_1266 : i32 to index
        %swap3A_1328 = arith.constant 32 : index
        %swap3A_1329 = tpu.vector_load %arg37[%swap3A_1327, %swap3A_1328] {strides = array<i32>} : memref<160x64xf32, #tpu.memory_space<vmem>>, vector<16xf32>,
        tpu.vector_store %arg37[%swap3A_1327, %swap3A_1328], %add3A_1326 {strides = array<i32>} : memref<160x64xf32, #tpu.memory_space<vmem>>, vector<16xf32>,
        %get3A_1330 = arith.index_cast %add3A_1266 : i32 to index
        %get3A_1331 = arith.constant 48 : index
        %get3A_1332 = tpu.vector_load %arg34[%get3A_1330, %get3A_1331] {strides = array<i32>} : memref<160x64xf32, #tpu.memory_space<vmem>>, vector<16xf32>,
        %mul3A_1333 = arith.mulf %get3A_1332, %gather3A_1270 : vector<16xf32>
        %get3A_1334 = arith.index_cast %add3A_1266 : i32 to index
        %get3A_1335 = arith.constant 48 : index
        %get3A_1336 = tpu.vector_load %arg35[%get3A_1334, %get3A_1335] {strides = array<i32>} : memref<160x64xf32, #tpu.memory_space<vmem>>, vector<16xf32>,
        %mul3A_1337 = arith.mulf %get3A_1336, %gather3A_1274 : vector<16xf32>
        %add3A_1338 = arith.addf %mul3A_1333, %mul3A_1337 : vector<16xf32>
        %get3A_1339 = arith.index_cast %add3A_1266 : i32 to index
        %get3A_1340 = arith.constant 48 : index
        %get3A_1341 = tpu.vector_load %arg36[%get3A_1339, %get3A_1340] {strides = array<i32>} : memref<160x64xf32, #tpu.memory_space<vmem>>, vector<16xf32>,
        %mul3A_1342 = arith.mulf %get3A_1341, %gather3A_1278 : vector<16xf32>
        %add3A_1343 = arith.addf %add3A_1338, %mul3A_1342 : vector<16xf32>
        %swap3A_1344 = arith.index_cast %add3A_1266 : i32 to index
        %swap3A_1345 = arith.constant 48 : index
        %swap3A_1346 = tpu.vector_load %arg37[%swap3A_1344, %swap3A_1345] {strides = array<i32>} : memref<160x64xf32, #tpu.memory_space<vmem>>, vector<16xf32>,
        tpu.vector_store %arg37[%swap3A_1344, %swap3A_1345], %add3A_1343 {strides = array<i32>} : memref<160x64xf32, #tpu.memory_space<vmem>>, vector<16xf32>,
        %add3A_1347 = arith.constant 8 : i32
        %add3A_1348 = arith.addi %mul3A_686, %add3A_1347 : i32
        %broadcast_in_dim3A_1349 = arith.constant 8 : i32
        %broadcast_in_dim3A_1350 = vector.broadcast %broadcast_in_dim3A_1349 : i32 to vector<16x1xi32>
        %gather3A_1351 = vector.shape_cast %broadcast_in_dim3A_1350 : vector<16x1xi32> to vector<16xi32>
        %gather3A_1352 = tpu.dynamic_gather %get3A_688[%gather3A_1351] in [0] : vector<16xf32>, vector<16xi32> -> vector<16xf32>
        %broadcast_in_dim3A_1353 = arith.constant 8 : i32
        %broadcast_in_dim3A_1354 = vector.broadcast %broadcast_in_dim3A_1353 : i32 to vector<16x1xi32>
        %gather3A_1355 = vector.shape_cast %broadcast_in_dim3A_1354 : vector<16x1xi32> to vector<16xi32>
        %gather3A_1356 = tpu.dynamic_gather %get3A_690[%gather3A_1355] in [0] : vector<16xf32>, vector<16xi32> -> vector<16xf32>
        %broadcast_in_dim3A_1357 = arith.constant 8 : i32
        %broadcast_in_dim3A_1358 = vector.broadcast %broadcast_in_dim3A_1357 : i32 to vector<16x1xi32>
        %gather3A_1359 = vector.shape_cast %broadcast_in_dim3A_1358 : vector<16x1xi32> to vector<16xi32>
        %gather3A_1360 = tpu.dynamic_gather %get3A_692[%gather3A_1359] in [0] : vector<16xf32>, vector<16xi32> -> vector<16xf32>
        %get3A_1361 = arith.index_cast %add3A_1348 : i32 to index
        %get3A_1362 = arith.constant 0 : index
        %get3A_1363 = tpu.vector_load %arg34[%get3A_1361, %get3A_1362] {strides = array<i32>} : memref<160x64xf32, #tpu.memory_space<vmem>>, vector<16xf32>,
        %mul3A_1364 = arith.mulf %get3A_1363, %gather3A_1352 : vector<16xf32>
        %get3A_1365 = arith.index_cast %add3A_1348 : i32 to index
        %get3A_1366 = arith.constant 0 : index
        %get3A_1367 = tpu.vector_load %arg35[%get3A_1365, %get3A_1366] {strides = array<i32>} : memref<160x64xf32, #tpu.memory_space<vmem>>, vector<16xf32>,
        %mul3A_1368 = arith.mulf %get3A_1367, %gather3A_1356 : vector<16xf32>
        %add3A_1369 = arith.addf %mul3A_1364, %mul3A_1368 : vector<16xf32>
        %get3A_1370 = arith.index_cast %add3A_1348 : i32 to index
        %get3A_1371 = arith.constant 0 : index
        %get3A_1372 = tpu.vector_load %arg36[%get3A_1370, %get3A_1371] {strides = array<i32>} : memref<160x64xf32, #tpu.memory_space<vmem>>, vector<16xf32>,
        %mul3A_1373 = arith.mulf %get3A_1372, %gather3A_1360 : vector<16xf32>
        %add3A_1374 = arith.addf %add3A_1369, %mul3A_1373 : vector<16xf32>
        %swap3A_1375 = arith.index_cast %add3A_1348 : i32 to index
        %swap3A_1376 = arith.constant 0 : index
        %swap3A_1377 = tpu.vector_load %arg37[%swap3A_1375, %swap3A_1376] {strides = array<i32>} : memref<160x64xf32, #tpu.memory_space<vmem>>, vector<16xf32>,
        tpu.vector_store %arg37[%swap3A_1375, %swap3A_1376], %add3A_1374 {strides = array<i32>} : memref<160x64xf32, #tpu.memory_space<vmem>>, vector<16xf32>,
        %get3A_1378 = arith.index_cast %add3A_1348 : i32 to index
        %get3A_1379 = arith.constant 16 : index
        %get3A_1380 = tpu.vector_load %arg34[%get3A_1378, %get3A_1379] {strides = array<i32>} : memref<160x64xf32, #tpu.memory_space<vmem>>, vector<16xf32>,
        %mul3A_1381 = arith.mulf %get3A_1380, %gather3A_1352 : vector<16xf32>
        %get3A_1382 = arith.index_cast %add3A_1348 : i32 to index
        %get3A_1383 = arith.constant 16 : index
        %get3A_1384 = tpu.vector_load %arg35[%get3A_1382, %get3A_1383] {strides = array<i32>} : memref<160x64xf32, #tpu.memory_space<vmem>>, vector<16xf32>,
        %mul3A_1385 = arith.mulf %get3A_1384, %gather3A_1356 : vector<16xf32>
        %add3A_1386 = arith.addf %mul3A_1381, %mul3A_1385 : vector<16xf32>
        %get3A_1387 = arith.index_cast %add3A_1348 : i32 to index
        %get3A_1388 = arith.constant 16 : index
        %get3A_1389 = tpu.vector_load %arg36[%get3A_1387, %get3A_1388] {strides = array<i32>} : memref<160x64xf32, #tpu.memory_space<vmem>>, vector<16xf32>,
        %mul3A_1390 = arith.mulf %get3A_1389, %gather3A_1360 : vector<16xf32>
        %add3A_1391 = arith.addf %add3A_1386, %mul3A_1390 : vector<16xf32>
        %swap3A_1392 = arith.index_cast %add3A_1348 : i32 to index
        %swap3A_1393 = arith.constant 16 : index
        %swap3A_1394 = tpu.vector_load %arg37[%swap3A_1392, %swap3A_1393] {strides = array<i32>} : memref<160x64xf32, #tpu.memory_space<vmem>>, vector<16xf32>,
        tpu.vector_store %arg37[%swap3A_1392, %swap3A_1393], %add3A_1391 {strides = array<i32>} : memref<160x64xf32, #tpu.memory_space<vmem>>, vector<16xf32>,
        %get3A_1395 = arith.index_cast %add3A_1348 : i32 to index
        %get3A_1396 = arith.constant 32 : index
        %get3A_1397 = tpu.vector_load %arg34[%get3A_1395, %get3A_1396] {strides = array<i32>} : memref<160x64xf32, #tpu.memory_space<vmem>>, vector<16xf32>,
        %mul3A_1398 = arith.mulf %get3A_1397, %gather3A_1352 : vector<16xf32>
        %get3A_1399 = arith.index_cast %add3A_1348 : i32 to index
        %get3A_1400 = arith.constant 32 : index
        %get3A_1401 = tpu.vector_load %arg35[%get3A_1399, %get3A_1400] {strides = array<i32>} : memref<160x64xf32, #tpu.memory_space<vmem>>, vector<16xf32>,
        %mul3A_1402 = arith.mulf %get3A_1401, %gather3A_1356 : vector<16xf32>
        %add3A_1403 = arith.addf %mul3A_1398, %mul3A_1402 : vector<16xf32>
        %get3A_1404 = arith.index_cast %add3A_1348 : i32 to index
        %get3A_1405 = arith.constant 32 : index
        %get3A_1406 = tpu.vector_load %arg36[%get3A_1404, %get3A_1405] {strides = array<i32>} : memref<160x64xf32, #tpu.memory_space<vmem>>, vector<16xf32>,
        %mul3A_1407 = arith.mulf %get3A_1406, %gather3A_1360 : vector<16xf32>
        %add3A_1408 = arith.addf %add3A_1403, %mul3A_1407 : vector<16xf32>
        %swap3A_1409 = arith.index_cast %add3A_1348 : i32 to index
        %swap3A_1410 = arith.constant 32 : index
        %swap3A_1411 = tpu.vector_load %arg37[%swap3A_1409, %swap3A_1410] {strides = array<i32>} : memref<160x64xf32, #tpu.memory_space<vmem>>, vector<16xf32>,
        tpu.vector_store %arg37[%swap3A_1409, %swap3A_1410], %add3A_1408 {strides = array<i32>} : memref<160x64xf32, #tpu.memory_space<vmem>>, vector<16xf32>,
        %get3A_1412 = arith.index_cast %add3A_1348 : i32 to index
        %get3A_1413 = arith.constant 48 : index
        %get3A_1414 = tpu.vector_load %arg34[%get3A_1412, %get3A_1413] {strides = array<i32>} : memref<160x64xf32, #tpu.memory_space<vmem>>, vector<16xf32>,
        %mul3A_1415 = arith.mulf %get3A_1414, %gather3A_1352 : vector<16xf32>
        %get3A_1416 = arith.index_cast %add3A_1348 : i32 to index
        %get3A_1417 = arith.constant 48 : index
        %get3A_1418 = tpu.vector_load %arg35[%get3A_1416, %get3A_1417] {strides = array<i32>} : memref<160x64xf32, #tpu.memory_space<vmem>>, vector<16xf32>,
        %mul3A_1419 = arith.mulf %get3A_1418, %gather3A_1356 : vector<16xf32>
        %add3A_1420 = arith.addf %mul3A_1415, %mul3A_1419 : vector<16xf32>
        %get3A_1421 = arith.index_cast %add3A_1348 : i32 to index
        %get3A_1422 = arith.constant 48 : index
        %get3A_1423 = tpu.vector_load %arg36[%get3A_1421, %get3A_1422] {strides = array<i32>} : memref<160x64xf32, #tpu.memory_space<vmem>>, vector<16xf32>,
        %mul3A_1424 = arith.mulf %get3A_1423, %gather3A_1360 : vector<16xf32>
        %add3A_1425 = arith.addf %add3A_1420, %mul3A_1424 : vector<16xf32>
        %swap3A_1426 = arith.index_cast %add3A_1348 : i32 to index
        %swap3A_1427 = arith.constant 48 : index
        %swap3A_1428 = tpu.vector_load %arg37[%swap3A_1426, %swap3A_1427] {strides = array<i32>} : memref<160x64xf32, #tpu.memory_space<vmem>>, vector<16xf32>,
        tpu.vector_store %arg37[%swap3A_1426, %swap3A_1427], %add3A_1425 {strides = array<i32>} : memref<160x64xf32, #tpu.memory_space<vmem>>, vector<16xf32>,
        %add3A_1429 = arith.constant 9 : i32
        %add3A_1430 = arith.addi %mul3A_686, %add3A_1429 : i32
        %broadcast_in_dim3A_1431 = arith.constant 9 : i32
        %broadcast_in_dim3A_1432 = vector.broadcast %broadcast_in_dim3A_1431 : i32 to vector<16x1xi32>
        %gather3A_1433 = vector.shape_cast %broadcast_in_dim3A_1432 : vector<16x1xi32> to vector<16xi32>
        %gather3A_1434 = tpu.dynamic_gather %get3A_688[%gather3A_1433] in [0] : vector<16xf32>, vector<16xi32> -> vector<16xf32>
        %broadcast_in_dim3A_1435 = arith.constant 9 : i32
        %broadcast_in_dim3A_1436 = vector.broadcast %broadcast_in_dim3A_1435 : i32 to vector<16x1xi32>
        %gather3A_1437 = vector.shape_cast %broadcast_in_dim3A_1436 : vector<16x1xi32> to vector<16xi32>
        %gather3A_1438 = tpu.dynamic_gather %get3A_690[%gather3A_1437] in [0] : vector<16xf32>, vector<16xi32> -> vector<16xf32>
        %broadcast_in_dim3A_1439 = arith.constant 9 : i32
        %broadcast_in_dim3A_1440 = vector.broadcast %broadcast_in_dim3A_1439 : i32 to vector<16x1xi32>
        %gather3A_1441 = vector.shape_cast %broadcast_in_dim3A_1440 : vector<16x1xi32> to vector<16xi32>
        %gather3A_1442 = tpu.dynamic_gather %get3A_692[%gather3A_1441] in [0] : vector<16xf32>, vector<16xi32> -> vector<16xf32>
        %get3A_1443 = arith.index_cast %add3A_1430 : i32 to index
        %get3A_1444 = arith.constant 0 : index
        %get3A_1445 = tpu.vector_load %arg34[%get3A_1443, %get3A_1444] {strides = array<i32>} : memref<160x64xf32, #tpu.memory_space<vmem>>, vector<16xf32>,
        %mul3A_1446 = arith.mulf %get3A_1445, %gather3A_1434 : vector<16xf32>
        %get3A_1447 = arith.index_cast %add3A_1430 : i32 to index
        %get3A_1448 = arith.constant 0 : index
        %get3A_1449 = tpu.vector_load %arg35[%get3A_1447, %get3A_1448] {strides = array<i32>} : memref<160x64xf32, #tpu.memory_space<vmem>>, vector<16xf32>,
        %mul3A_1450 = arith.mulf %get3A_1449, %gather3A_1438 : vector<16xf32>
        %add3A_1451 = arith.addf %mul3A_1446, %mul3A_1450 : vector<16xf32>
        %get3A_1452 = arith.index_cast %add3A_1430 : i32 to index
        %get3A_1453 = arith.constant 0 : index
        %get3A_1454 = tpu.vector_load %arg36[%get3A_1452, %get3A_1453] {strides = array<i32>} : memref<160x64xf32, #tpu.memory_space<vmem>>, vector<16xf32>,
        %mul3A_1455 = arith.mulf %get3A_1454, %gather3A_1442 : vector<16xf32>
        %add3A_1456 = arith.addf %add3A_1451, %mul3A_1455 : vector<16xf32>
        %swap3A_1457 = arith.index_cast %add3A_1430 : i32 to index
        %swap3A_1458 = arith.constant 0 : index
        %swap3A_1459 = tpu.vector_load %arg37[%swap3A_1457, %swap3A_1458] {strides = array<i32>} : memref<160x64xf32, #tpu.memory_space<vmem>>, vector<16xf32>,
        tpu.vector_store %arg37[%swap3A_1457, %swap3A_1458], %add3A_1456 {strides = array<i32>} : memref<160x64xf32, #tpu.memory_space<vmem>>, vector<16xf32>,
        %get3A_1460 = arith.index_cast %add3A_1430 : i32 to index
        %get3A_1461 = arith.constant 16 : index
        %get3A_1462 = tpu.vector_load %arg34[%get3A_1460, %get3A_1461] {strides = array<i32>} : memref<160x64xf32, #tpu.memory_space<vmem>>, vector<16xf32>,
        %mul3A_1463 = arith.mulf %get3A_1462, %gather3A_1434 : vector<16xf32>
        %get3A_1464 = arith.index_cast %add3A_1430 : i32 to index
        %get3A_1465 = arith.constant 16 : index
        %get3A_1466 = tpu.vector_load %arg35[%get3A_1464, %get3A_1465] {strides = array<i32>} : memref<160x64xf32, #tpu.memory_space<vmem>>, vector<16xf32>,
        %mul3A_1467 = arith.mulf %get3A_1466, %gather3A_1438 : vector<16xf32>
        %add3A_1468 = arith.addf %mul3A_1463, %mul3A_1467 : vector<16xf32>
        %get3A_1469 = arith.index_cast %add3A_1430 : i32 to index
        %get3A_1470 = arith.constant 16 : index
        %get3A_1471 = tpu.vector_load %arg36[%get3A_1469, %get3A_1470] {strides = array<i32>} : memref<160x64xf32, #tpu.memory_space<vmem>>, vector<16xf32>,
        %mul3A_1472 = arith.mulf %get3A_1471, %gather3A_1442 : vector<16xf32>
        %add3A_1473 = arith.addf %add3A_1468, %mul3A_1472 : vector<16xf32>
        %swap3A_1474 = arith.index_cast %add3A_1430 : i32 to index
        %swap3A_1475 = arith.constant 16 : index
        %swap3A_1476 = tpu.vector_load %arg37[%swap3A_1474, %swap3A_1475] {strides = array<i32>} : memref<160x64xf32, #tpu.memory_space<vmem>>, vector<16xf32>,
        tpu.vector_store %arg37[%swap3A_1474, %swap3A_1475], %add3A_1473 {strides = array<i32>} : memref<160x64xf32, #tpu.memory_space<vmem>>, vector<16xf32>,
        %get3A_1477 = arith.index_cast %add3A_1430 : i32 to index
        %get3A_1478 = arith.constant 32 : index
        %get3A_1479 = tpu.vector_load %arg34[%get3A_1477, %get3A_1478] {strides = array<i32>} : memref<160x64xf32, #tpu.memory_space<vmem>>, vector<16xf32>,
        %mul3A_1480 = arith.mulf %get3A_1479, %gather3A_1434 : vector<16xf32>
        %get3A_1481 = arith.index_cast %add3A_1430 : i32 to index
        %get3A_1482 = arith.constant 32 : index
        %get3A_1483 = tpu.vector_load %arg35[%get3A_1481, %get3A_1482] {strides = array<i32>} : memref<160x64xf32, #tpu.memory_space<vmem>>, vector<16xf32>,
        %mul3A_1484 = arith.mulf %get3A_1483, %gather3A_1438 : vector<16xf32>
        %add3A_1485 = arith.addf %mul3A_1480, %mul3A_1484 : vector<16xf32>
        %get3A_1486 = arith.index_cast %add3A_1430 : i32 to index
        %get3A_1487 = arith.constant 32 : index
        %get3A_1488 = tpu.vector_load %arg36[%get3A_1486, %get3A_1487] {strides = array<i32>} : memref<160x64xf32, #tpu.memory_space<vmem>>, vector<16xf32>,
        %mul3A_1489 = arith.mulf %get3A_1488, %gather3A_1442 : vector<16xf32>
        %add3A_1490 = arith.addf %add3A_1485, %mul3A_1489 : vector<16xf32>
        %swap3A_1491 = arith.index_cast %add3A_1430 : i32 to index
        %swap3A_1492 = arith.constant 32 : index
        %swap3A_1493 = tpu.vector_load %arg37[%swap3A_1491, %swap3A_1492] {strides = array<i32>} : memref<160x64xf32, #tpu.memory_space<vmem>>, vector<16xf32>,
        tpu.vector_store %arg37[%swap3A_1491, %swap3A_1492], %add3A_1490 {strides = array<i32>} : memref<160x64xf32, #tpu.memory_space<vmem>>, vector<16xf32>,
        %get3A_1494 = arith.index_cast %add3A_1430 : i32 to index
        %get3A_1495 = arith.constant 48 : index
        %get3A_1496 = tpu.vector_load %arg34[%get3A_1494, %get3A_1495] {strides = array<i32>} : memref<160x64xf32, #tpu.memory_space<vmem>>, vector<16xf32>,
        %mul3A_1497 = arith.mulf %get3A_1496, %gather3A_1434 : vector<16xf32>
        %get3A_1498 = arith.index_cast %add3A_1430 : i32 to index
        %get3A_1499 = arith.constant 48 : index
        %get3A_1500 = tpu.vector_load %arg35[%get3A_1498, %get3A_1499] {strides = array<i32>} : memref<160x64xf32, #tpu.memory_space<vmem>>, vector<16xf32>,
        %mul3A_1501 = arith.mulf %get3A_1500, %gather3A_1438 : vector<16xf32>
        %add3A_1502 = arith.addf %mul3A_1497, %mul3A_1501 : vector<16xf32>
        %get3A_1503 = arith.index_cast %add3A_1430 : i32 to index
        %get3A_1504 = arith.constant 48 : index
        %get3A_1505 = tpu.vector_load %arg36[%get3A_1503, %get3A_1504] {strides = array<i32>} : memref<160x64xf32, #tpu.memory_space<vmem>>, vector<16xf32>,
        %mul3A_1506 = arith.mulf %get3A_1505, %gather3A_1442 : vector<16xf32>
        %add3A_1507 = arith.addf %add3A_1502, %mul3A_1506 : vector<16xf32>
        %swap3A_1508 = arith.index_cast %add3A_1430 : i32 to index
        %swap3A_1509 = arith.constant 48 : index
        %swap3A_1510 = tpu.vector_load %arg37[%swap3A_1508, %swap3A_1509] {strides = array<i32>} : memref<160x64xf32, #tpu.memory_space<vmem>>, vector<16xf32>,
        tpu.vector_store %arg37[%swap3A_1508, %swap3A_1509], %add3A_1507 {strides = array<i32>} : memref<160x64xf32, #tpu.memory_space<vmem>>, vector<16xf32>,
        %add3A_1511 = arith.constant 10 : i32
        %add3A_1512 = arith.addi %mul3A_686, %add3A_1511 : i32
        %broadcast_in_dim3A_1513 = arith.constant 10 : i32
        %broadcast_in_dim3A_1514 = vector.broadcast %broadcast_in_dim3A_1513 : i32 to vector<16x1xi32>
        %gather3A_1515 = vector.shape_cast %broadcast_in_dim3A_1514 : vector<16x1xi32> to vector<16xi32>
        %gather3A_1516 = tpu.dynamic_gather %get3A_688[%gather3A_1515] in [0] : vector<16xf32>, vector<16xi32> -> vector<16xf32>
        %broadcast_in_dim3A_1517 = arith.constant 10 : i32
        %broadcast_in_dim3A_1518 = vector.broadcast %broadcast_in_dim3A_1517 : i32 to vector<16x1xi32>
        %gather3A_1519 = vector.shape_cast %broadcast_in_dim3A_1518 : vector<16x1xi32> to vector<16xi32>
        %gather3A_1520 = tpu.dynamic_gather %get3A_690[%gather3A_1519] in [0] : vector<16xf32>, vector<16xi32> -> vector<16xf32>
        %broadcast_in_dim3A_1521 = arith.constant 10 : i32
        %broadcast_in_dim3A_1522 = vector.broadcast %broadcast_in_dim3A_1521 : i32 to vector<16x1xi32>
        %gather3A_1523 = vector.shape_cast %broadcast_in_dim3A_1522 : vector<16x1xi32> to vector<16xi32>
        %gather3A_1524 = tpu.dynamic_gather %get3A_692[%gather3A_1523] in [0] : vector<16xf32>, vector<16xi32> -> vector<16xf32>
        %get3A_1525 = arith.index_cast %add3A_1512 : i32 to index
        %get3A_1526 = arith.constant 0 : index
        %get3A_1527 = tpu.vector_load %arg34[%get3A_1525, %get3A_1526] {strides = array<i32>} : memref<160x64xf32, #tpu.memory_space<vmem>>, vector<16xf32>,
        %mul3A_1528 = arith.mulf %get3A_1527, %gather3A_1516 : vector<16xf32>
        %get3A_1529 = arith.index_cast %add3A_1512 : i32 to index
        %get3A_1530 = arith.constant 0 : index
        %get3A_1531 = tpu.vector_load %arg35[%get3A_1529, %get3A_1530] {strides = array<i32>} : memref<160x64xf32, #tpu.memory_space<vmem>>, vector<16xf32>,
        %mul3A_1532 = arith.mulf %get3A_1531, %gather3A_1520 : vector<16xf32>
        %add3A_1533 = arith.addf %mul3A_1528, %mul3A_1532 : vector<16xf32>
        %get3A_1534 = arith.index_cast %add3A_1512 : i32 to index
        %get3A_1535 = arith.constant 0 : index
        %get3A_1536 = tpu.vector_load %arg36[%get3A_1534, %get3A_1535] {strides = array<i32>} : memref<160x64xf32, #tpu.memory_space<vmem>>, vector<16xf32>,
        %mul3A_1537 = arith.mulf %get3A_1536, %gather3A_1524 : vector<16xf32>
        %add3A_1538 = arith.addf %add3A_1533, %mul3A_1537 : vector<16xf32>
        %swap3A_1539 = arith.index_cast %add3A_1512 : i32 to index
        %swap3A_1540 = arith.constant 0 : index
        %swap3A_1541 = tpu.vector_load %arg37[%swap3A_1539, %swap3A_1540] {strides = array<i32>} : memref<160x64xf32, #tpu.memory_space<vmem>>, vector<16xf32>,
        tpu.vector_store %arg37[%swap3A_1539, %swap3A_1540], %add3A_1538 {strides = array<i32>} : memref<160x64xf32, #tpu.memory_space<vmem>>, vector<16xf32>,
        %get3A_1542 = arith.index_cast %add3A_1512 : i32 to index
        %get3A_1543 = arith.constant 16 : index
        %get3A_1544 = tpu.vector_load %arg34[%get3A_1542, %get3A_1543] {strides = array<i32>} : memref<160x64xf32, #tpu.memory_space<vmem>>, vector<16xf32>,
        %mul3A_1545 = arith.mulf %get3A_1544, %gather3A_1516 : vector<16xf32>
        %get3A_1546 = arith.index_cast %add3A_1512 : i32 to index
        %get3A_1547 = arith.constant 16 : index
        %get3A_1548 = tpu.vector_load %arg35[%get3A_1546, %get3A_1547] {strides = array<i32>} : memref<160x64xf32, #tpu.memory_space<vmem>>, vector<16xf32>,
        %mul3A_1549 = arith.mulf %get3A_1548, %gather3A_1520 : vector<16xf32>
        %add3A_1550 = arith.addf %mul3A_1545, %mul3A_1549 : vector<16xf32>
        %get3A_1551 = arith.index_cast %add3A_1512 : i32 to index
        %get3A_1552 = arith.constant 16 : index
        %get3A_1553 = tpu.vector_load %arg36[%get3A_1551, %get3A_1552] {strides = array<i32>} : memref<160x64xf32, #tpu.memory_space<vmem>>, vector<16xf32>,
        %mul3A_1554 = arith.mulf %get3A_1553, %gather3A_1524 : vector<16xf32>
        %add3A_1555 = arith.addf %add3A_1550, %mul3A_1554 : vector<16xf32>
        %swap3A_1556 = arith.index_cast %add3A_1512 : i32 to index
        %swap3A_1557 = arith.constant 16 : index
        %swap3A_1558 = tpu.vector_load %arg37[%swap3A_1556, %swap3A_1557] {strides = array<i32>} : memref<160x64xf32, #tpu.memory_space<vmem>>, vector<16xf32>,
        tpu.vector_store %arg37[%swap3A_1556, %swap3A_1557], %add3A_1555 {strides = array<i32>} : memref<160x64xf32, #tpu.memory_space<vmem>>, vector<16xf32>,
        %get3A_1559 = arith.index_cast %add3A_1512 : i32 to index
        %get3A_1560 = arith.constant 32 : index
        %get3A_1561 = tpu.vector_load %arg34[%get3A_1559, %get3A_1560] {strides = array<i32>} : memref<160x64xf32, #tpu.memory_space<vmem>>, vector<16xf32>,
        %mul3A_1562 = arith.mulf %get3A_1561, %gather3A_1516 : vector<16xf32>
        %get3A_1563 = arith.index_cast %add3A_1512 : i32 to index
        %get3A_1564 = arith.constant 32 : index
        %get3A_1565 = tpu.vector_load %arg35[%get3A_1563, %get3A_1564] {strides = array<i32>} : memref<160x64xf32, #tpu.memory_space<vmem>>, vector<16xf32>,
        %mul3A_1566 = arith.mulf %get3A_1565, %gather3A_1520 : vector<16xf32>
        %add3A_1567 = arith.addf %mul3A_1562, %mul3A_1566 : vector<16xf32>
        %get3A_1568 = arith.index_cast %add3A_1512 : i32 to index
        %get3A_1569 = arith.constant 32 : index
        %get3A_1570 = tpu.vector_load %arg36[%get3A_1568, %get3A_1569] {strides = array<i32>} : memref<160x64xf32, #tpu.memory_space<vmem>>, vector<16xf32>,
        %mul3A_1571 = arith.mulf %get3A_1570, %gather3A_1524 : vector<16xf32>
        %add3A_1572 = arith.addf %add3A_1567, %mul3A_1571 : vector<16xf32>
        %swap3A_1573 = arith.index_cast %add3A_1512 : i32 to index
        %swap3A_1574 = arith.constant 32 : index
        %swap3A_1575 = tpu.vector_load %arg37[%swap3A_1573, %swap3A_1574] {strides = array<i32>} : memref<160x64xf32, #tpu.memory_space<vmem>>, vector<16xf32>,
        tpu.vector_store %arg37[%swap3A_1573, %swap3A_1574], %add3A_1572 {strides = array<i32>} : memref<160x64xf32, #tpu.memory_space<vmem>>, vector<16xf32>,
        %get3A_1576 = arith.index_cast %add3A_1512 : i32 to index
        %get3A_1577 = arith.constant 48 : index
        %get3A_1578 = tpu.vector_load %arg34[%get3A_1576, %get3A_1577] {strides = array<i32>} : memref<160x64xf32, #tpu.memory_space<vmem>>, vector<16xf32>,
        %mul3A_1579 = arith.mulf %get3A_1578, %gather3A_1516 : vector<16xf32>
        %get3A_1580 = arith.index_cast %add3A_1512 : i32 to index
        %get3A_1581 = arith.constant 48 : index
        %get3A_1582 = tpu.vector_load %arg35[%get3A_1580, %get3A_1581] {strides = array<i32>} : memref<160x64xf32, #tpu.memory_space<vmem>>, vector<16xf32>,
        %mul3A_1583 = arith.mulf %get3A_1582, %gather3A_1520 : vector<16xf32>
        %add3A_1584 = arith.addf %mul3A_1579, %mul3A_1583 : vector<16xf32>
        %get3A_1585 = arith.index_cast %add3A_1512 : i32 to index
        %get3A_1586 = arith.constant 48 : index
        %get3A_1587 = tpu.vector_load %arg36[%get3A_1585, %get3A_1586] {strides = array<i32>} : memref<160x64xf32, #tpu.memory_space<vmem>>, vector<16xf32>,
        %mul3A_1588 = arith.mulf %get3A_1587, %gather3A_1524 : vector<16xf32>
        %add3A_1589 = arith.addf %add3A_1584, %mul3A_1588 : vector<16xf32>
        %swap3A_1590 = arith.index_cast %add3A_1512 : i32 to index
        %swap3A_1591 = arith.constant 48 : index
        %swap3A_1592 = tpu.vector_load %arg37[%swap3A_1590, %swap3A_1591] {strides = array<i32>} : memref<160x64xf32, #tpu.memory_space<vmem>>, vector<16xf32>,
        tpu.vector_store %arg37[%swap3A_1590, %swap3A_1591], %add3A_1589 {strides = array<i32>} : memref<160x64xf32, #tpu.memory_space<vmem>>, vector<16xf32>,
        %add3A_1593 = arith.constant 11 : i32
        %add3A_1594 = arith.addi %mul3A_686, %add3A_1593 : i32
        %broadcast_in_dim3A_1595 = arith.constant 11 : i32
        %broadcast_in_dim3A_1596 = vector.broadcast %broadcast_in_dim3A_1595 : i32 to vector<16x1xi32>
        %gather3A_1597 = vector.shape_cast %broadcast_in_dim3A_1596 : vector<16x1xi32> to vector<16xi32>
        %gather3A_1598 = tpu.dynamic_gather %get3A_688[%gather3A_1597] in [0] : vector<16xf32>, vector<16xi32> -> vector<16xf32>
        %broadcast_in_dim3A_1599 = arith.constant 11 : i32
        %broadcast_in_dim3A_1600 = vector.broadcast %broadcast_in_dim3A_1599 : i32 to vector<16x1xi32>
        %gather3A_1601 = vector.shape_cast %broadcast_in_dim3A_1600 : vector<16x1xi32> to vector<16xi32>
        %gather3A_1602 = tpu.dynamic_gather %get3A_690[%gather3A_1601] in [0] : vector<16xf32>, vector<16xi32> -> vector<16xf32>
        %broadcast_in_dim3A_1603 = arith.constant 11 : i32
        %broadcast_in_dim3A_1604 = vector.broadcast %broadcast_in_dim3A_1603 : i32 to vector<16x1xi32>
        %gather3A_1605 = vector.shape_cast %broadcast_in_dim3A_1604 : vector<16x1xi32> to vector<16xi32>
        %gather3A_1606 = tpu.dynamic_gather %get3A_692[%gather3A_1605] in [0] : vector<16xf32>, vector<16xi32> -> vector<16xf32>
        %get3A_1607 = arith.index_cast %add3A_1594 : i32 to index
        %get3A_1608 = arith.constant 0 : index
        %get3A_1609 = tpu.vector_load %arg34[%get3A_1607, %get3A_1608] {strides = array<i32>} : memref<160x64xf32, #tpu.memory_space<vmem>>, vector<16xf32>,
        %mul3A_1610 = arith.mulf %get3A_1609, %gather3A_1598 : vector<16xf32>
        %get3A_1611 = arith.index_cast %add3A_1594 : i32 to index
        %get3A_1612 = arith.constant 0 : index
        %get3A_1613 = tpu.vector_load %arg35[%get3A_1611, %get3A_1612] {strides = array<i32>} : memref<160x64xf32, #tpu.memory_space<vmem>>, vector<16xf32>,
        %mul3A_1614 = arith.mulf %get3A_1613, %gather3A_1602 : vector<16xf32>
        %add3A_1615 = arith.addf %mul3A_1610, %mul3A_1614 : vector<16xf32>
        %get3A_1616 = arith.index_cast %add3A_1594 : i32 to index
        %get3A_1617 = arith.constant 0 : index
        %get3A_1618 = tpu.vector_load %arg36[%get3A_1616, %get3A_1617] {strides = array<i32>} : memref<160x64xf32, #tpu.memory_space<vmem>>, vector<16xf32>,
        %mul3A_1619 = arith.mulf %get3A_1618, %gather3A_1606 : vector<16xf32>
        %add3A_1620 = arith.addf %add3A_1615, %mul3A_1619 : vector<16xf32>
        %swap3A_1621 = arith.index_cast %add3A_1594 : i32 to index
        %swap3A_1622 = arith.constant 0 : index
        %swap3A_1623 = tpu.vector_load %arg37[%swap3A_1621, %swap3A_1622] {strides = array<i32>} : memref<160x64xf32, #tpu.memory_space<vmem>>, vector<16xf32>,
        tpu.vector_store %arg37[%swap3A_1621, %swap3A_1622], %add3A_1620 {strides = array<i32>} : memref<160x64xf32, #tpu.memory_space<vmem>>, vector<16xf32>,
        %get3A_1624 = arith.index_cast %add3A_1594 : i32 to index
        %get3A_1625 = arith.constant 16 : index
        %get3A_1626 = tpu.vector_load %arg34[%get3A_1624, %get3A_1625] {strides = array<i32>} : memref<160x64xf32, #tpu.memory_space<vmem>>, vector<16xf32>,
        %mul3A_1627 = arith.mulf %get3A_1626, %gather3A_1598 : vector<16xf32>
        %get3A_1628 = arith.index_cast %add3A_1594 : i32 to index
        %get3A_1629 = arith.constant 16 : index
        %get3A_1630 = tpu.vector_load %arg35[%get3A_1628, %get3A_1629] {strides = array<i32>} : memref<160x64xf32, #tpu.memory_space<vmem>>, vector<16xf32>,
        %mul3A_1631 = arith.mulf %get3A_1630, %gather3A_1602 : vector<16xf32>
        %add3A_1632 = arith.addf %mul3A_1627, %mul3A_1631 : vector<16xf32>
        %get3A_1633 = arith.index_cast %add3A_1594 : i32 to index
        %get3A_1634 = arith.constant 16 : index
        %get3A_1635 = tpu.vector_load %arg36[%get3A_1633, %get3A_1634] {strides = array<i32>} : memref<160x64xf32, #tpu.memory_space<vmem>>, vector<16xf32>,
        %mul3A_1636 = arith.mulf %get3A_1635, %gather3A_1606 : vector<16xf32>
        %add3A_1637 = arith.addf %add3A_1632, %mul3A_1636 : vector<16xf32>
        %swap3A_1638 = arith.index_cast %add3A_1594 : i32 to index
        %swap3A_1639 = arith.constant 16 : index
        %swap3A_1640 = tpu.vector_load %arg37[%swap3A_1638, %swap3A_1639] {strides = array<i32>} : memref<160x64xf32, #tpu.memory_space<vmem>>, vector<16xf32>,
        tpu.vector_store %arg37[%swap3A_1638, %swap3A_1639], %add3A_1637 {strides = array<i32>} : memref<160x64xf32, #tpu.memory_space<vmem>>, vector<16xf32>,
        %get3A_1641 = arith.index_cast %add3A_1594 : i32 to index
        %get3A_1642 = arith.constant 32 : index
        %get3A_1643 = tpu.vector_load %arg34[%get3A_1641, %get3A_1642] {strides = array<i32>} : memref<160x64xf32, #tpu.memory_space<vmem>>, vector<16xf32>,
        %mul3A_1644 = arith.mulf %get3A_1643, %gather3A_1598 : vector<16xf32>
        %get3A_1645 = arith.index_cast %add3A_1594 : i32 to index
        %get3A_1646 = arith.constant 32 : index
        %get3A_1647 = tpu.vector_load %arg35[%get3A_1645, %get3A_1646] {strides = array<i32>} : memref<160x64xf32, #tpu.memory_space<vmem>>, vector<16xf32>,
        %mul3A_1648 = arith.mulf %get3A_1647, %gather3A_1602 : vector<16xf32>
        %add3A_1649 = arith.addf %mul3A_1644, %mul3A_1648 : vector<16xf32>
        %get3A_1650 = arith.index_cast %add3A_1594 : i32 to index
        %get3A_1651 = arith.constant 32 : index
        %get3A_1652 = tpu.vector_load %arg36[%get3A_1650, %get3A_1651] {strides = array<i32>} : memref<160x64xf32, #tpu.memory_space<vmem>>, vector<16xf32>,
        %mul3A_1653 = arith.mulf %get3A_1652, %gather3A_1606 : vector<16xf32>
        %add3A_1654 = arith.addf %add3A_1649, %mul3A_1653 : vector<16xf32>
        %swap3A_1655 = arith.index_cast %add3A_1594 : i32 to index
        %swap3A_1656 = arith.constant 32 : index
        %swap3A_1657 = tpu.vector_load %arg37[%swap3A_1655, %swap3A_1656] {strides = array<i32>} : memref<160x64xf32, #tpu.memory_space<vmem>>, vector<16xf32>,
        tpu.vector_store %arg37[%swap3A_1655, %swap3A_1656], %add3A_1654 {strides = array<i32>} : memref<160x64xf32, #tpu.memory_space<vmem>>, vector<16xf32>,
        %get3A_1658 = arith.index_cast %add3A_1594 : i32 to index
        %get3A_1659 = arith.constant 48 : index
        %get3A_1660 = tpu.vector_load %arg34[%get3A_1658, %get3A_1659] {strides = array<i32>} : memref<160x64xf32, #tpu.memory_space<vmem>>, vector<16xf32>,
        %mul3A_1661 = arith.mulf %get3A_1660, %gather3A_1598 : vector<16xf32>
        %get3A_1662 = arith.index_cast %add3A_1594 : i32 to index
        %get3A_1663 = arith.constant 48 : index
        %get3A_1664 = tpu.vector_load %arg35[%get3A_1662, %get3A_1663] {strides = array<i32>} : memref<160x64xf32, #tpu.memory_space<vmem>>, vector<16xf32>,
        %mul3A_1665 = arith.mulf %get3A_1664, %gather3A_1602 : vector<16xf32>
        %add3A_1666 = arith.addf %mul3A_1661, %mul3A_1665 : vector<16xf32>
        %get3A_1667 = arith.index_cast %add3A_1594 : i32 to index
        %get3A_1668 = arith.constant 48 : index
        %get3A_1669 = tpu.vector_load %arg36[%get3A_1667, %get3A_1668] {strides = array<i32>} : memref<160x64xf32, #tpu.memory_space<vmem>>, vector<16xf32>,
        %mul3A_1670 = arith.mulf %get3A_1669, %gather3A_1606 : vector<16xf32>
        %add3A_1671 = arith.addf %add3A_1666, %mul3A_1670 : vector<16xf32>
        %swap3A_1672 = arith.index_cast %add3A_1594 : i32 to index
        %swap3A_1673 = arith.constant 48 : index
        %swap3A_1674 = tpu.vector_load %arg37[%swap3A_1672, %swap3A_1673] {strides = array<i32>} : memref<160x64xf32, #tpu.memory_space<vmem>>, vector<16xf32>,
        tpu.vector_store %arg37[%swap3A_1672, %swap3A_1673], %add3A_1671 {strides = array<i32>} : memref<160x64xf32, #tpu.memory_space<vmem>>, vector<16xf32>,
        %add3A_1675 = arith.constant 12 : i32
        %add3A_1676 = arith.addi %mul3A_686, %add3A_1675 : i32
        %broadcast_in_dim3A_1677 = arith.constant 12 : i32
        %broadcast_in_dim3A_1678 = vector.broadcast %broadcast_in_dim3A_1677 : i32 to vector<16x1xi32>
        %gather3A_1679 = vector.shape_cast %broadcast_in_dim3A_1678 : vector<16x1xi32> to vector<16xi32>
        %gather3A_1680 = tpu.dynamic_gather %get3A_688[%gather3A_1679] in [0] : vector<16xf32>, vector<16xi32> -> vector<16xf32>
        %broadcast_in_dim3A_1681 = arith.constant 12 : i32
        %broadcast_in_dim3A_1682 = vector.broadcast %broadcast_in_dim3A_1681 : i32 to vector<16x1xi32>
        %gather3A_1683 = vector.shape_cast %broadcast_in_dim3A_1682 : vector<16x1xi32> to vector<16xi32>
        %gather3A_1684 = tpu.dynamic_gather %get3A_690[%gather3A_1683] in [0] : vector<16xf32>, vector<16xi32> -> vector<16xf32>
        %broadcast_in_dim3A_1685 = arith.constant 12 : i32
        %broadcast_in_dim3A_1686 = vector.broadcast %broadcast_in_dim3A_1685 : i32 to vector<16x1xi32>
        %gather3A_1687 = vector.shape_cast %broadcast_in_dim3A_1686 : vector<16x1xi32> to vector<16xi32>
        %gather3A_1688 = tpu.dynamic_gather %get3A_692[%gather3A_1687] in [0] : vector<16xf32>, vector<16xi32> -> vector<16xf32>
        %get3A_1689 = arith.index_cast %add3A_1676 : i32 to index
        %get3A_1690 = arith.constant 0 : index
        %get3A_1691 = tpu.vector_load %arg34[%get3A_1689, %get3A_1690] {strides = array<i32>} : memref<160x64xf32, #tpu.memory_space<vmem>>, vector<16xf32>,
        %mul3A_1692 = arith.mulf %get3A_1691, %gather3A_1680 : vector<16xf32>
        %get3A_1693 = arith.index_cast %add3A_1676 : i32 to index
        %get3A_1694 = arith.constant 0 : index
        %get3A_1695 = tpu.vector_load %arg35[%get3A_1693, %get3A_1694] {strides = array<i32>} : memref<160x64xf32, #tpu.memory_space<vmem>>, vector<16xf32>,
        %mul3A_1696 = arith.mulf %get3A_1695, %gather3A_1684 : vector<16xf32>
        %add3A_1697 = arith.addf %mul3A_1692, %mul3A_1696 : vector<16xf32>
        %get3A_1698 = arith.index_cast %add3A_1676 : i32 to index
        %get3A_1699 = arith.constant 0 : index
        %get3A_1700 = tpu.vector_load %arg36[%get3A_1698, %get3A_1699] {strides = array<i32>} : memref<160x64xf32, #tpu.memory_space<vmem>>, vector<16xf32>,
        %mul3A_1701 = arith.mulf %get3A_1700, %gather3A_1688 : vector<16xf32>
        %add3A_1702 = arith.addf %add3A_1697, %mul3A_1701 : vector<16xf32>
        %swap3A_1703 = arith.index_cast %add3A_1676 : i32 to index
        %swap3A_1704 = arith.constant 0 : index
        %swap3A_1705 = tpu.vector_load %arg37[%swap3A_1703, %swap3A_1704] {strides = array<i32>} : memref<160x64xf32, #tpu.memory_space<vmem>>, vector<16xf32>,
        tpu.vector_store %arg37[%swap3A_1703, %swap3A_1704], %add3A_1702 {strides = array<i32>} : memref<160x64xf32, #tpu.memory_space<vmem>>, vector<16xf32>,
        %get3A_1706 = arith.index_cast %add3A_1676 : i32 to index
        %get3A_1707 = arith.constant 16 : index
        %get3A_1708 = tpu.vector_load %arg34[%get3A_1706, %get3A_1707] {strides = array<i32>} : memref<160x64xf32, #tpu.memory_space<vmem>>, vector<16xf32>,
        %mul3A_1709 = arith.mulf %get3A_1708, %gather3A_1680 : vector<16xf32>
        %get3A_1710 = arith.index_cast %add3A_1676 : i32 to index
        %get3A_1711 = arith.constant 16 : index
        %get3A_1712 = tpu.vector_load %arg35[%get3A_1710, %get3A_1711] {strides = array<i32>} : memref<160x64xf32, #tpu.memory_space<vmem>>, vector<16xf32>,
        %mul3A_1713 = arith.mulf %get3A_1712, %gather3A_1684 : vector<16xf32>
        %add3A_1714 = arith.addf %mul3A_1709, %mul3A_1713 : vector<16xf32>
        %get3A_1715 = arith.index_cast %add3A_1676 : i32 to index
        %get3A_1716 = arith.constant 16 : index
        %get3A_1717 = tpu.vector_load %arg36[%get3A_1715, %get3A_1716] {strides = array<i32>} : memref<160x64xf32, #tpu.memory_space<vmem>>, vector<16xf32>,
        %mul3A_1718 = arith.mulf %get3A_1717, %gather3A_1688 : vector<16xf32>
        %add3A_1719 = arith.addf %add3A_1714, %mul3A_1718 : vector<16xf32>
        %swap3A_1720 = arith.index_cast %add3A_1676 : i32 to index
        %swap3A_1721 = arith.constant 16 : index
        %swap3A_1722 = tpu.vector_load %arg37[%swap3A_1720, %swap3A_1721] {strides = array<i32>} : memref<160x64xf32, #tpu.memory_space<vmem>>, vector<16xf32>,
        tpu.vector_store %arg37[%swap3A_1720, %swap3A_1721], %add3A_1719 {strides = array<i32>} : memref<160x64xf32, #tpu.memory_space<vmem>>, vector<16xf32>,
        %get3A_1723 = arith.index_cast %add3A_1676 : i32 to index
        %get3A_1724 = arith.constant 32 : index
        %get3A_1725 = tpu.vector_load %arg34[%get3A_1723, %get3A_1724] {strides = array<i32>} : memref<160x64xf32, #tpu.memory_space<vmem>>, vector<16xf32>,
        %mul3A_1726 = arith.mulf %get3A_1725, %gather3A_1680 : vector<16xf32>
        %get3A_1727 = arith.index_cast %add3A_1676 : i32 to index
        %get3A_1728 = arith.constant 32 : index
        %get3A_1729 = tpu.vector_load %arg35[%get3A_1727, %get3A_1728] {strides = array<i32>} : memref<160x64xf32, #tpu.memory_space<vmem>>, vector<16xf32>,
        %mul3A_1730 = arith.mulf %get3A_1729, %gather3A_1684 : vector<16xf32>
        %add3A_1731 = arith.addf %mul3A_1726, %mul3A_1730 : vector<16xf32>
        %get3A_1732 = arith.index_cast %add3A_1676 : i32 to index
        %get3A_1733 = arith.constant 32 : index
        %get3A_1734 = tpu.vector_load %arg36[%get3A_1732, %get3A_1733] {strides = array<i32>} : memref<160x64xf32, #tpu.memory_space<vmem>>, vector<16xf32>,
        %mul3A_1735 = arith.mulf %get3A_1734, %gather3A_1688 : vector<16xf32>
        %add3A_1736 = arith.addf %add3A_1731, %mul3A_1735 : vector<16xf32>
        %swap3A_1737 = arith.index_cast %add3A_1676 : i32 to index
        %swap3A_1738 = arith.constant 32 : index
        %swap3A_1739 = tpu.vector_load %arg37[%swap3A_1737, %swap3A_1738] {strides = array<i32>} : memref<160x64xf32, #tpu.memory_space<vmem>>, vector<16xf32>,
        tpu.vector_store %arg37[%swap3A_1737, %swap3A_1738], %add3A_1736 {strides = array<i32>} : memref<160x64xf32, #tpu.memory_space<vmem>>, vector<16xf32>,
        %get3A_1740 = arith.index_cast %add3A_1676 : i32 to index
        %get3A_1741 = arith.constant 48 : index
        %get3A_1742 = tpu.vector_load %arg34[%get3A_1740, %get3A_1741] {strides = array<i32>} : memref<160x64xf32, #tpu.memory_space<vmem>>, vector<16xf32>,
        %mul3A_1743 = arith.mulf %get3A_1742, %gather3A_1680 : vector<16xf32>
        %get3A_1744 = arith.index_cast %add3A_1676 : i32 to index
        %get3A_1745 = arith.constant 48 : index
        %get3A_1746 = tpu.vector_load %arg35[%get3A_1744, %get3A_1745] {strides = array<i32>} : memref<160x64xf32, #tpu.memory_space<vmem>>, vector<16xf32>,
        %mul3A_1747 = arith.mulf %get3A_1746, %gather3A_1684 : vector<16xf32>
        %add3A_1748 = arith.addf %mul3A_1743, %mul3A_1747 : vector<16xf32>
        %get3A_1749 = arith.index_cast %add3A_1676 : i32 to index
        %get3A_1750 = arith.constant 48 : index
        %get3A_1751 = tpu.vector_load %arg36[%get3A_1749, %get3A_1750] {strides = array<i32>} : memref<160x64xf32, #tpu.memory_space<vmem>>, vector<16xf32>,
        %mul3A_1752 = arith.mulf %get3A_1751, %gather3A_1688 : vector<16xf32>
        %add3A_1753 = arith.addf %add3A_1748, %mul3A_1752 : vector<16xf32>
        %swap3A_1754 = arith.index_cast %add3A_1676 : i32 to index
        %swap3A_1755 = arith.constant 48 : index
        %swap3A_1756 = tpu.vector_load %arg37[%swap3A_1754, %swap3A_1755] {strides = array<i32>} : memref<160x64xf32, #tpu.memory_space<vmem>>, vector<16xf32>,
        tpu.vector_store %arg37[%swap3A_1754, %swap3A_1755], %add3A_1753 {strides = array<i32>} : memref<160x64xf32, #tpu.memory_space<vmem>>, vector<16xf32>,
        %add3A_1757 = arith.constant 13 : i32
        %add3A_1758 = arith.addi %mul3A_686, %add3A_1757 : i32
        %broadcast_in_dim3A_1759 = arith.constant 13 : i32
        %broadcast_in_dim3A_1760 = vector.broadcast %broadcast_in_dim3A_1759 : i32 to vector<16x1xi32>
        %gather3A_1761 = vector.shape_cast %broadcast_in_dim3A_1760 : vector<16x1xi32> to vector<16xi32>
        %gather3A_1762 = tpu.dynamic_gather %get3A_688[%gather3A_1761] in [0] : vector<16xf32>, vector<16xi32> -> vector<16xf32>
        %broadcast_in_dim3A_1763 = arith.constant 13 : i32
        %broadcast_in_dim3A_1764 = vector.broadcast %broadcast_in_dim3A_1763 : i32 to vector<16x1xi32>
        %gather3A_1765 = vector.shape_cast %broadcast_in_dim3A_1764 : vector<16x1xi32> to vector<16xi32>
        %gather3A_1766 = tpu.dynamic_gather %get3A_690[%gather3A_1765] in [0] : vector<16xf32>, vector<16xi32> -> vector<16xf32>
        %broadcast_in_dim3A_1767 = arith.constant 13 : i32
        %broadcast_in_dim3A_1768 = vector.broadcast %broadcast_in_dim3A_1767 : i32 to vector<16x1xi32>
        %gather3A_1769 = vector.shape_cast %broadcast_in_dim3A_1768 : vector<16x1xi32> to vector<16xi32>
        %gather3A_1770 = tpu.dynamic_gather %get3A_692[%gather3A_1769] in [0] : vector<16xf32>, vector<16xi32> -> vector<16xf32>
        %get3A_1771 = arith.index_cast %add3A_1758 : i32 to index
        %get3A_1772 = arith.constant 0 : index
        %get3A_1773 = tpu.vector_load %arg34[%get3A_1771, %get3A_1772] {strides = array<i32>} : memref<160x64xf32, #tpu.memory_space<vmem>>, vector<16xf32>,
        %mul3A_1774 = arith.mulf %get3A_1773, %gather3A_1762 : vector<16xf32>
        %get3A_1775 = arith.index_cast %add3A_1758 : i32 to index
        %get3A_1776 = arith.constant 0 : index
        %get3A_1777 = tpu.vector_load %arg35[%get3A_1775, %get3A_1776] {strides = array<i32>} : memref<160x64xf32, #tpu.memory_space<vmem>>, vector<16xf32>,
        %mul3A_1778 = arith.mulf %get3A_1777, %gather3A_1766 : vector<16xf32>
        %add3A_1779 = arith.addf %mul3A_1774, %mul3A_1778 : vector<16xf32>
        %get3A_1780 = arith.index_cast %add3A_1758 : i32 to index
        %get3A_1781 = arith.constant 0 : index
        %get3A_1782 = tpu.vector_load %arg36[%get3A_1780, %get3A_1781] {strides = array<i32>} : memref<160x64xf32, #tpu.memory_space<vmem>>, vector<16xf32>,
        %mul3A_1783 = arith.mulf %get3A_1782, %gather3A_1770 : vector<16xf32>
        %add3A_1784 = arith.addf %add3A_1779, %mul3A_1783 : vector<16xf32>
        %swap3A_1785 = arith.index_cast %add3A_1758 : i32 to index
        %swap3A_1786 = arith.constant 0 : index
        %swap3A_1787 = tpu.vector_load %arg37[%swap3A_1785, %swap3A_1786] {strides = array<i32>} : memref<160x64xf32, #tpu.memory_space<vmem>>, vector<16xf32>,
        tpu.vector_store %arg37[%swap3A_1785, %swap3A_1786], %add3A_1784 {strides = array<i32>} : memref<160x64xf32, #tpu.memory_space<vmem>>, vector<16xf32>,
        %get3A_1788 = arith.index_cast %add3A_1758 : i32 to index
        %get3A_1789 = arith.constant 16 : index
        %get3A_1790 = tpu.vector_load %arg34[%get3A_1788, %get3A_1789] {strides = array<i32>} : memref<160x64xf32, #tpu.memory_space<vmem>>, vector<16xf32>,
        %mul3A_1791 = arith.mulf %get3A_1790, %gather3A_1762 : vector<16xf32>
        %get3A_1792 = arith.index_cast %add3A_1758 : i32 to index
        %get3A_1793 = arith.constant 16 : index
        %get3A_1794 = tpu.vector_load %arg35[%get3A_1792, %get3A_1793] {strides = array<i32>} : memref<160x64xf32, #tpu.memory_space<vmem>>, vector<16xf32>,
        %mul3A_1795 = arith.mulf %get3A_1794, %gather3A_1766 : vector<16xf32>
        %add3A_1796 = arith.addf %mul3A_1791, %mul3A_1795 : vector<16xf32>
        %get3A_1797 = arith.index_cast %add3A_1758 : i32 to index
        %get3A_1798 = arith.constant 16 : index
        %get3A_1799 = tpu.vector_load %arg36[%get3A_1797, %get3A_1798] {strides = array<i32>} : memref<160x64xf32, #tpu.memory_space<vmem>>, vector<16xf32>,
        %mul3A_1800 = arith.mulf %get3A_1799, %gather3A_1770 : vector<16xf32>
        %add3A_1801 = arith.addf %add3A_1796, %mul3A_1800 : vector<16xf32>
        %swap3A_1802 = arith.index_cast %add3A_1758 : i32 to index
        %swap3A_1803 = arith.constant 16 : index
        %swap3A_1804 = tpu.vector_load %arg37[%swap3A_1802, %swap3A_1803] {strides = array<i32>} : memref<160x64xf32, #tpu.memory_space<vmem>>, vector<16xf32>,
        tpu.vector_store %arg37[%swap3A_1802, %swap3A_1803], %add3A_1801 {strides = array<i32>} : memref<160x64xf32, #tpu.memory_space<vmem>>, vector<16xf32>,
        %get3A_1805 = arith.index_cast %add3A_1758 : i32 to index
        %get3A_1806 = arith.constant 32 : index
        %get3A_1807 = tpu.vector_load %arg34[%get3A_1805, %get3A_1806] {strides = array<i32>} : memref<160x64xf32, #tpu.memory_space<vmem>>, vector<16xf32>,
        %mul3A_1808 = arith.mulf %get3A_1807, %gather3A_1762 : vector<16xf32>
        %get3A_1809 = arith.index_cast %add3A_1758 : i32 to index
        %get3A_1810 = arith.constant 32 : index
        %get3A_1811 = tpu.vector_load %arg35[%get3A_1809, %get3A_1810] {strides = array<i32>} : memref<160x64xf32, #tpu.memory_space<vmem>>, vector<16xf32>,
        %mul3A_1812 = arith.mulf %get3A_1811, %gather3A_1766 : vector<16xf32>
        %add3A_1813 = arith.addf %mul3A_1808, %mul3A_1812 : vector<16xf32>
        %get3A_1814 = arith.index_cast %add3A_1758 : i32 to index
        %get3A_1815 = arith.constant 32 : index
        %get3A_1816 = tpu.vector_load %arg36[%get3A_1814, %get3A_1815] {strides = array<i32>} : memref<160x64xf32, #tpu.memory_space<vmem>>, vector<16xf32>,
        %mul3A_1817 = arith.mulf %get3A_1816, %gather3A_1770 : vector<16xf32>
        %add3A_1818 = arith.addf %add3A_1813, %mul3A_1817 : vector<16xf32>
        %swap3A_1819 = arith.index_cast %add3A_1758 : i32 to index
        %swap3A_1820 = arith.constant 32 : index
        %swap3A_1821 = tpu.vector_load %arg37[%swap3A_1819, %swap3A_1820] {strides = array<i32>} : memref<160x64xf32, #tpu.memory_space<vmem>>, vector<16xf32>,
        tpu.vector_store %arg37[%swap3A_1819, %swap3A_1820], %add3A_1818 {strides = array<i32>} : memref<160x64xf32, #tpu.memory_space<vmem>>, vector<16xf32>,
        %get3A_1822 = arith.index_cast %add3A_1758 : i32 to index
        %get3A_1823 = arith.constant 48 : index
        %get3A_1824 = tpu.vector_load %arg34[%get3A_1822, %get3A_1823] {strides = array<i32>} : memref<160x64xf32, #tpu.memory_space<vmem>>, vector<16xf32>,
        %mul3A_1825 = arith.mulf %get3A_1824, %gather3A_1762 : vector<16xf32>
        %get3A_1826 = arith.index_cast %add3A_1758 : i32 to index
        %get3A_1827 = arith.constant 48 : index
        %get3A_1828 = tpu.vector_load %arg35[%get3A_1826, %get3A_1827] {strides = array<i32>} : memref<160x64xf32, #tpu.memory_space<vmem>>, vector<16xf32>,
        %mul3A_1829 = arith.mulf %get3A_1828, %gather3A_1766 : vector<16xf32>
        %add3A_1830 = arith.addf %mul3A_1825, %mul3A_1829 : vector<16xf32>
        %get3A_1831 = arith.index_cast %add3A_1758 : i32 to index
        %get3A_1832 = arith.constant 48 : index
        %get3A_1833 = tpu.vector_load %arg36[%get3A_1831, %get3A_1832] {strides = array<i32>} : memref<160x64xf32, #tpu.memory_space<vmem>>, vector<16xf32>,
        %mul3A_1834 = arith.mulf %get3A_1833, %gather3A_1770 : vector<16xf32>
        %add3A_1835 = arith.addf %add3A_1830, %mul3A_1834 : vector<16xf32>
        %swap3A_1836 = arith.index_cast %add3A_1758 : i32 to index
        %swap3A_1837 = arith.constant 48 : index
        %swap3A_1838 = tpu.vector_load %arg37[%swap3A_1836, %swap3A_1837] {strides = array<i32>} : memref<160x64xf32, #tpu.memory_space<vmem>>, vector<16xf32>,
        tpu.vector_store %arg37[%swap3A_1836, %swap3A_1837], %add3A_1835 {strides = array<i32>} : memref<160x64xf32, #tpu.memory_space<vmem>>, vector<16xf32>,
        %add3A_1839 = arith.constant 14 : i32
        %add3A_1840 = arith.addi %mul3A_686, %add3A_1839 : i32
        %broadcast_in_dim3A_1841 = arith.constant 14 : i32
        %broadcast_in_dim3A_1842 = vector.broadcast %broadcast_in_dim3A_1841 : i32 to vector<16x1xi32>
        %gather3A_1843 = vector.shape_cast %broadcast_in_dim3A_1842 : vector<16x1xi32> to vector<16xi32>
        %gather3A_1844 = tpu.dynamic_gather %get3A_688[%gather3A_1843] in [0] : vector<16xf32>, vector<16xi32> -> vector<16xf32>
        %broadcast_in_dim3A_1845 = arith.constant 14 : i32
        %broadcast_in_dim3A_1846 = vector.broadcast %broadcast_in_dim3A_1845 : i32 to vector<16x1xi32>
        %gather3A_1847 = vector.shape_cast %broadcast_in_dim3A_1846 : vector<16x1xi32> to vector<16xi32>
        %gather3A_1848 = tpu.dynamic_gather %get3A_690[%gather3A_1847] in [0] : vector<16xf32>, vector<16xi32> -> vector<16xf32>
        %broadcast_in_dim3A_1849 = arith.constant 14 : i32
        %broadcast_in_dim3A_1850 = vector.broadcast %broadcast_in_dim3A_1849 : i32 to vector<16x1xi32>
        %gather3A_1851 = vector.shape_cast %broadcast_in_dim3A_1850 : vector<16x1xi32> to vector<16xi32>
        %gather3A_1852 = tpu.dynamic_gather %get3A_692[%gather3A_1851] in [0] : vector<16xf32>, vector<16xi32> -> vector<16xf32>
        %get3A_1853 = arith.index_cast %add3A_1840 : i32 to index
        %get3A_1854 = arith.constant 0 : index
        %get3A_1855 = tpu.vector_load %arg34[%get3A_1853, %get3A_1854] {strides = array<i32>} : memref<160x64xf32, #tpu.memory_space<vmem>>, vector<16xf32>,
        %mul3A_1856 = arith.mulf %get3A_1855, %gather3A_1844 : vector<16xf32>
        %get3A_1857 = arith.index_cast %add3A_1840 : i32 to index
        %get3A_1858 = arith.constant 0 : index
        %get3A_1859 = tpu.vector_load %arg35[%get3A_1857, %get3A_1858] {strides = array<i32>} : memref<160x64xf32, #tpu.memory_space<vmem>>, vector<16xf32>,
        %mul3A_1860 = arith.mulf %get3A_1859, %gather3A_1848 : vector<16xf32>
        %add3A_1861 = arith.addf %mul3A_1856, %mul3A_1860 : vector<16xf32>
        %get3A_1862 = arith.index_cast %add3A_1840 : i32 to index
        %get3A_1863 = arith.constant 0 : index
        %get3A_1864 = tpu.vector_load %arg36[%get3A_1862, %get3A_1863] {strides = array<i32>} : memref<160x64xf32, #tpu.memory_space<vmem>>, vector<16xf32>,
        %mul3A_1865 = arith.mulf %get3A_1864, %gather3A_1852 : vector<16xf32>
        %add3A_1866 = arith.addf %add3A_1861, %mul3A_1865 : vector<16xf32>
        %swap3A_1867 = arith.index_cast %add3A_1840 : i32 to index
        %swap3A_1868 = arith.constant 0 : index
        %swap3A_1869 = tpu.vector_load %arg37[%swap3A_1867, %swap3A_1868] {strides = array<i32>} : memref<160x64xf32, #tpu.memory_space<vmem>>, vector<16xf32>,
        tpu.vector_store %arg37[%swap3A_1867, %swap3A_1868], %add3A_1866 {strides = array<i32>} : memref<160x64xf32, #tpu.memory_space<vmem>>, vector<16xf32>,
        %get3A_1870 = arith.index_cast %add3A_1840 : i32 to index
        %get3A_1871 = arith.constant 16 : index
        %get3A_1872 = tpu.vector_load %arg34[%get3A_1870, %get3A_1871] {strides = array<i32>} : memref<160x64xf32, #tpu.memory_space<vmem>>, vector<16xf32>,
        %mul3A_1873 = arith.mulf %get3A_1872, %gather3A_1844 : vector<16xf32>
        %get3A_1874 = arith.index_cast %add3A_1840 : i32 to index
        %get3A_1875 = arith.constant 16 : index
        %get3A_1876 = tpu.vector_load %arg35[%get3A_1874, %get3A_1875] {strides = array<i32>} : memref<160x64xf32, #tpu.memory_space<vmem>>, vector<16xf32>,
        %mul3A_1877 = arith.mulf %get3A_1876, %gather3A_1848 : vector<16xf32>
        %add3A_1878 = arith.addf %mul3A_1873, %mul3A_1877 : vector<16xf32>
        %get3A_1879 = arith.index_cast %add3A_1840 : i32 to index
        %get3A_1880 = arith.constant 16 : index
        %get3A_1881 = tpu.vector_load %arg36[%get3A_1879, %get3A_1880] {strides = array<i32>} : memref<160x64xf32, #tpu.memory_space<vmem>>, vector<16xf32>,
        %mul3A_1882 = arith.mulf %get3A_1881, %gather3A_1852 : vector<16xf32>
        %add3A_1883 = arith.addf %add3A_1878, %mul3A_1882 : vector<16xf32>
        %swap3A_1884 = arith.index_cast %add3A_1840 : i32 to index
        %swap3A_1885 = arith.constant 16 : index
        %swap3A_1886 = tpu.vector_load %arg37[%swap3A_1884, %swap3A_1885] {strides = array<i32>} : memref<160x64xf32, #tpu.memory_space<vmem>>, vector<16xf32>,
        tpu.vector_store %arg37[%swap3A_1884, %swap3A_1885], %add3A_1883 {strides = array<i32>} : memref<160x64xf32, #tpu.memory_space<vmem>>, vector<16xf32>,
        %get3A_1887 = arith.index_cast %add3A_1840 : i32 to index
        %get3A_1888 = arith.constant 32 : index
        %get3A_1889 = tpu.vector_load %arg34[%get3A_1887, %get3A_1888] {strides = array<i32>} : memref<160x64xf32, #tpu.memory_space<vmem>>, vector<16xf32>,
        %mul3A_1890 = arith.mulf %get3A_1889, %gather3A_1844 : vector<16xf32>
        %get3A_1891 = arith.index_cast %add3A_1840 : i32 to index
        %get3A_1892 = arith.constant 32 : index
        %get3A_1893 = tpu.vector_load %arg35[%get3A_1891, %get3A_1892] {strides = array<i32>} : memref<160x64xf32, #tpu.memory_space<vmem>>, vector<16xf32>,
        %mul3A_1894 = arith.mulf %get3A_1893, %gather3A_1848 : vector<16xf32>
        %add3A_1895 = arith.addf %mul3A_1890, %mul3A_1894 : vector<16xf32>
        %get3A_1896 = arith.index_cast %add3A_1840 : i32 to index
        %get3A_1897 = arith.constant 32 : index
        %get3A_1898 = tpu.vector_load %arg36[%get3A_1896, %get3A_1897] {strides = array<i32>} : memref<160x64xf32, #tpu.memory_space<vmem>>, vector<16xf32>,
        %mul3A_1899 = arith.mulf %get3A_1898, %gather3A_1852 : vector<16xf32>
        %add3A_1900 = arith.addf %add3A_1895, %mul3A_1899 : vector<16xf32>
        %swap3A_1901 = arith.index_cast %add3A_1840 : i32 to index
        %swap3A_1902 = arith.constant 32 : index
        %swap3A_1903 = tpu.vector_load %arg37[%swap3A_1901, %swap3A_1902] {strides = array<i32>} : memref<160x64xf32, #tpu.memory_space<vmem>>, vector<16xf32>,
        tpu.vector_store %arg37[%swap3A_1901, %swap3A_1902], %add3A_1900 {strides = array<i32>} : memref<160x64xf32, #tpu.memory_space<vmem>>, vector<16xf32>,
        %get3A_1904 = arith.index_cast %add3A_1840 : i32 to index
        %get3A_1905 = arith.constant 48 : index
        %get3A_1906 = tpu.vector_load %arg34[%get3A_1904, %get3A_1905] {strides = array<i32>} : memref<160x64xf32, #tpu.memory_space<vmem>>, vector<16xf32>,
        %mul3A_1907 = arith.mulf %get3A_1906, %gather3A_1844 : vector<16xf32>
        %get3A_1908 = arith.index_cast %add3A_1840 : i32 to index
        %get3A_1909 = arith.constant 48 : index
        %get3A_1910 = tpu.vector_load %arg35[%get3A_1908, %get3A_1909] {strides = array<i32>} : memref<160x64xf32, #tpu.memory_space<vmem>>, vector<16xf32>,
        %mul3A_1911 = arith.mulf %get3A_1910, %gather3A_1848 : vector<16xf32>
        %add3A_1912 = arith.addf %mul3A_1907, %mul3A_1911 : vector<16xf32>
        %get3A_1913 = arith.index_cast %add3A_1840 : i32 to index
        %get3A_1914 = arith.constant 48 : index
        %get3A_1915 = tpu.vector_load %arg36[%get3A_1913, %get3A_1914] {strides = array<i32>} : memref<160x64xf32, #tpu.memory_space<vmem>>, vector<16xf32>,
        %mul3A_1916 = arith.mulf %get3A_1915, %gather3A_1852 : vector<16xf32>
        %add3A_1917 = arith.addf %add3A_1912, %mul3A_1916 : vector<16xf32>
        %swap3A_1918 = arith.index_cast %add3A_1840 : i32 to index
        %swap3A_1919 = arith.constant 48 : index
        %swap3A_1920 = tpu.vector_load %arg37[%swap3A_1918, %swap3A_1919] {strides = array<i32>} : memref<160x64xf32, #tpu.memory_space<vmem>>, vector<16xf32>,
        tpu.vector_store %arg37[%swap3A_1918, %swap3A_1919], %add3A_1917 {strides = array<i32>} : memref<160x64xf32, #tpu.memory_space<vmem>>, vector<16xf32>,
        %add3A_1921 = arith.constant 15 : i32
        %add3A_1922 = arith.addi %mul3A_686, %add3A_1921 : i32
        %broadcast_in_dim3A_1923 = arith.constant 15 : i32
        %broadcast_in_dim3A_1924 = vector.broadcast %broadcast_in_dim3A_1923 : i32 to vector<16x1xi32>
        %gather3A_1925 = vector.shape_cast %broadcast_in_dim3A_1924 : vector<16x1xi32> to vector<16xi32>
        %gather3A_1926 = tpu.dynamic_gather %get3A_688[%gather3A_1925] in [0] : vector<16xf32>, vector<16xi32> -> vector<16xf32>
        %broadcast_in_dim3A_1927 = arith.constant 15 : i32
        %broadcast_in_dim3A_1928 = vector.broadcast %broadcast_in_dim3A_1927 : i32 to vector<16x1xi32>
        %gather3A_1929 = vector.shape_cast %broadcast_in_dim3A_1928 : vector<16x1xi32> to vector<16xi32>
        %gather3A_1930 = tpu.dynamic_gather %get3A_690[%gather3A_1929] in [0] : vector<16xf32>, vector<16xi32> -> vector<16xf32>
        %broadcast_in_dim3A_1931 = arith.constant 15 : i32
        %broadcast_in_dim3A_1932 = vector.broadcast %broadcast_in_dim3A_1931 : i32 to vector<16x1xi32>
        %gather3A_1933 = vector.shape_cast %broadcast_in_dim3A_1932 : vector<16x1xi32> to vector<16xi32>
        %gather3A_1934 = tpu.dynamic_gather %get3A_692[%gather3A_1933] in [0] : vector<16xf32>, vector<16xi32> -> vector<16xf32>
        %get3A_1935 = arith.index_cast %add3A_1922 : i32 to index
        %get3A_1936 = arith.constant 0 : index
        %get3A_1937 = tpu.vector_load %arg34[%get3A_1935, %get3A_1936] {strides = array<i32>} : memref<160x64xf32, #tpu.memory_space<vmem>>, vector<16xf32>,
        %mul3A_1938 = arith.mulf %get3A_1937, %gather3A_1926 : vector<16xf32>
        %get3A_1939 = arith.index_cast %add3A_1922 : i32 to index
        %get3A_1940 = arith.constant 0 : index
        %get3A_1941 = tpu.vector_load %arg35[%get3A_1939, %get3A_1940] {strides = array<i32>} : memref<160x64xf32, #tpu.memory_space<vmem>>, vector<16xf32>,
        %mul3A_1942 = arith.mulf %get3A_1941, %gather3A_1930 : vector<16xf32>
        %add3A_1943 = arith.addf %mul3A_1938, %mul3A_1942 : vector<16xf32>
        %get3A_1944 = arith.index_cast %add3A_1922 : i32 to index
        %get3A_1945 = arith.constant 0 : index
        %get3A_1946 = tpu.vector_load %arg36[%get3A_1944, %get3A_1945] {strides = array<i32>} : memref<160x64xf32, #tpu.memory_space<vmem>>, vector<16xf32>,
        %mul3A_1947 = arith.mulf %get3A_1946, %gather3A_1934 : vector<16xf32>
        %add3A_1948 = arith.addf %add3A_1943, %mul3A_1947 : vector<16xf32>
        %swap3A_1949 = arith.index_cast %add3A_1922 : i32 to index
        %swap3A_1950 = arith.constant 0 : index
        %swap3A_1951 = tpu.vector_load %arg37[%swap3A_1949, %swap3A_1950] {strides = array<i32>} : memref<160x64xf32, #tpu.memory_space<vmem>>, vector<16xf32>,
        tpu.vector_store %arg37[%swap3A_1949, %swap3A_1950], %add3A_1948 {strides = array<i32>} : memref<160x64xf32, #tpu.memory_space<vmem>>, vector<16xf32>,
        %get3A_1952 = arith.index_cast %add3A_1922 : i32 to index
        %get3A_1953 = arith.constant 16 : index
        %get3A_1954 = tpu.vector_load %arg34[%get3A_1952, %get3A_1953] {strides = array<i32>} : memref<160x64xf32, #tpu.memory_space<vmem>>, vector<16xf32>,
        %mul3A_1955 = arith.mulf %get3A_1954, %gather3A_1926 : vector<16xf32>
        %get3A_1956 = arith.index_cast %add3A_1922 : i32 to index
        %get3A_1957 = arith.constant 16 : index
        %get3A_1958 = tpu.vector_load %arg35[%get3A_1956, %get3A_1957] {strides = array<i32>} : memref<160x64xf32, #tpu.memory_space<vmem>>, vector<16xf32>,
        %mul3A_1959 = arith.mulf %get3A_1958, %gather3A_1930 : vector<16xf32>
        %add3A_1960 = arith.addf %mul3A_1955, %mul3A_1959 : vector<16xf32>
        %get3A_1961 = arith.index_cast %add3A_1922 : i32 to index
        %get3A_1962 = arith.constant 16 : index
        %get3A_1963 = tpu.vector_load %arg36[%get3A_1961, %get3A_1962] {strides = array<i32>} : memref<160x64xf32, #tpu.memory_space<vmem>>, vector<16xf32>,
        %mul3A_1964 = arith.mulf %get3A_1963, %gather3A_1934 : vector<16xf32>
        %add3A_1965 = arith.addf %add3A_1960, %mul3A_1964 : vector<16xf32>
        %swap3A_1966 = arith.index_cast %add3A_1922 : i32 to index
        %swap3A_1967 = arith.constant 16 : index
        %swap3A_1968 = tpu.vector_load %arg37[%swap3A_1966, %swap3A_1967] {strides = array<i32>} : memref<160x64xf32, #tpu.memory_space<vmem>>, vector<16xf32>,
        tpu.vector_store %arg37[%swap3A_1966, %swap3A_1967], %add3A_1965 {strides = array<i32>} : memref<160x64xf32, #tpu.memory_space<vmem>>, vector<16xf32>,
        %get3A_1969 = arith.index_cast %add3A_1922 : i32 to index
        %get3A_1970 = arith.constant 32 : index
        %get3A_1971 = tpu.vector_load %arg34[%get3A_1969, %get3A_1970] {strides = array<i32>} : memref<160x64xf32, #tpu.memory_space<vmem>>, vector<16xf32>,
        %mul3A_1972 = arith.mulf %get3A_1971, %gather3A_1926 : vector<16xf32>
        %get3A_1973 = arith.index_cast %add3A_1922 : i32 to index
        %get3A_1974 = arith.constant 32 : index
        %get3A_1975 = tpu.vector_load %arg35[%get3A_1973, %get3A_1974] {strides = array<i32>} : memref<160x64xf32, #tpu.memory_space<vmem>>, vector<16xf32>,
        %mul3A_1976 = arith.mulf %get3A_1975, %gather3A_1930 : vector<16xf32>
        %add3A_1977 = arith.addf %mul3A_1972, %mul3A_1976 : vector<16xf32>
        %get3A_1978 = arith.index_cast %add3A_1922 : i32 to index
        %get3A_1979 = arith.constant 32 : index
        %get3A_1980 = tpu.vector_load %arg36[%get3A_1978, %get3A_1979] {strides = array<i32>} : memref<160x64xf32, #tpu.memory_space<vmem>>, vector<16xf32>,
        %mul3A_1981 = arith.mulf %get3A_1980, %gather3A_1934 : vector<16xf32>
        %add3A_1982 = arith.addf %add3A_1977, %mul3A_1981 : vector<16xf32>
        %swap3A_1983 = arith.index_cast %add3A_1922 : i32 to index
        %swap3A_1984 = arith.constant 32 : index
        %swap3A_1985 = tpu.vector_load %arg37[%swap3A_1983, %swap3A_1984] {strides = array<i32>} : memref<160x64xf32, #tpu.memory_space<vmem>>, vector<16xf32>,
        tpu.vector_store %arg37[%swap3A_1983, %swap3A_1984], %add3A_1982 {strides = array<i32>} : memref<160x64xf32, #tpu.memory_space<vmem>>, vector<16xf32>,
        %get3A_1986 = arith.index_cast %add3A_1922 : i32 to index
        %get3A_1987 = arith.constant 48 : index
        %get3A_1988 = tpu.vector_load %arg34[%get3A_1986, %get3A_1987] {strides = array<i32>} : memref<160x64xf32, #tpu.memory_space<vmem>>, vector<16xf32>,
        %mul3A_1989 = arith.mulf %get3A_1988, %gather3A_1926 : vector<16xf32>
        %get3A_1990 = arith.index_cast %add3A_1922 : i32 to index
        %get3A_1991 = arith.constant 48 : index
        %get3A_1992 = tpu.vector_load %arg35[%get3A_1990, %get3A_1991] {strides = array<i32>} : memref<160x64xf32, #tpu.memory_space<vmem>>, vector<16xf32>,
        %mul3A_1993 = arith.mulf %get3A_1992, %gather3A_1930 : vector<16xf32>
        %add3A_1994 = arith.addf %mul3A_1989, %mul3A_1993 : vector<16xf32>
        %get3A_1995 = arith.index_cast %add3A_1922 : i32 to index
        %get3A_1996 = arith.constant 48 : index
        %get3A_1997 = tpu.vector_load %arg36[%get3A_1995, %get3A_1996] {strides = array<i32>} : memref<160x64xf32, #tpu.memory_space<vmem>>, vector<16xf32>,
        %mul3A_1998 = arith.mulf %get3A_1997, %gather3A_1934 : vector<16xf32>
        %add3A_1999 = arith.addf %add3A_1994, %mul3A_1998 : vector<16xf32>
        %swap3A_2000 = arith.index_cast %add3A_1922 : i32 to index
        %swap3A_2001 = arith.constant 48 : index
        %swap3A_2002 = tpu.vector_load %arg37[%swap3A_2000, %swap3A_2001] {strides = array<i32>} : memref<160x64xf32, #tpu.memory_space<vmem>>, vector<16xf32>,
        tpu.vector_store %arg37[%swap3A_2000, %swap3A_2001], %add3A_1999 {strides = array<i32>} : memref<160x64xf32, #tpu.memory_space<vmem>>, vector<16xf32>,
      }
      %scan3A_671 = arith.constant 10 : i32
      %add3A_672 = arith.addi %mul3A_2, %mul3A_637 : i32
      %dma_start3A_673 = arith.constant 0 : i32
      %dma_start3A_674 = tpu.memref_slice %arg8[%add3A_672, %dma_start3A_673] : memref<204800x64xf32, #tpu.memory_space<hbm>> -> memref<160x64xf32, #tpu.memory_space<hbm>>
      %dma_start3A_675 = arith.constant 0 : i32
      %dma_start3A_676 = tpu.memref_slice %arg8[%add3A_672, %dma_start3A_675] : memref<204800x64xf32, #tpu.memory_space<hbm>> -> memref<160x64xf32, #tpu.memory_space<hbm>>
      tpu.enqueue_dma source(%arg37 : memref<160x64xf32, #tpu.memory_space<vmem>>) target(%dma_start3A_676 : memref<160x64xf32, #tpu.memory_space<hbm>>) target_semaphore(%arg40 : memref<!tpu.dma_semaphore, #tpu.memory_space<semaphore_mem>>)
      %add3A_677 = arith.constant 2 : i32
      %add3A_678 = arith.addi %add3A_635, %add3A_677 : i32
      %lt3A_679 = arith.constant 40 : i32
      %lt3A_680 = arith.cmpi slt, %add3A_678, %lt3A_679 : i32
      %convert_element_type3A_681 = arith.extui %lt3A_680 : i1 to i32
      %cond3A_682 = arith.constant 0 : i32
      %cond3A_683 = arith.cmpi ne, %convert_element_type3A_681, %cond3A_682 : i32
      scf.if %cond3A_683 {
        %dma_start3A_684 = arith.constant 0 : i32
        %dma_start3A_685 = tpu.memref_slice %arg3[%dma_start3A_684] : memref<3000000xi32, #tpu.memory_space<hbm>> -> memref<3000000xi32, #tpu.memory_space<hbm>>
        tpu.enqueue_indirect_dma source(%dma_start3A_685 : memref<3000000xi32, #tpu.memory_space<hbm>>) target(%arg28 : memref<160xi32, #tpu.memory_space<vmem>>) offsets(%arg24 : memref<160xi32, #tpu.memory_space<vmem>>) semaphore(%arg38 : memref<!tpu.dma_semaphore, #tpu.memory_space<semaphore_mem>>)
        %dma_start3A_686 = arith.constant 0 : i32
        %dma_start3A_687 = tpu.memref_slice %arg4[%dma_start3A_686] : memref<1000000xf32, #tpu.memory_space<hbm>> -> memref<1000000xf32, #tpu.memory_space<hbm>>
        tpu.enqueue_indirect_dma source(%dma_start3A_687 : memref<1000000xf32, #tpu.memory_space<hbm>>) target(%arg31 : memref<160xf32, #tpu.memory_space<vmem>>) offsets(%arg27 : memref<160xi32, #tpu.memory_space<vmem>>) semaphore(%arg38 : memref<!tpu.dma_semaphore, #tpu.memory_space<semaphore_mem>>)
        %dma_start3A_688 = arith.constant 0 : i32
        %dma_start3A_689 = tpu.memref_slice %arg3[%dma_start3A_688] : memref<3000000xi32, #tpu.memory_space<hbm>> -> memref<3000000xi32, #tpu.memory_space<hbm>>
        tpu.enqueue_indirect_dma source(%dma_start3A_689 : memref<3000000xi32, #tpu.memory_space<hbm>>) target(%arg29 : memref<160xi32, #tpu.memory_space<vmem>>) offsets(%arg25 : memref<160xi32, #tpu.memory_space<vmem>>) semaphore(%arg38 : memref<!tpu.dma_semaphore, #tpu.memory_space<semaphore_mem>>)
        %dma_start3A_690 = arith.constant 0 : i32
        %dma_start3A_691 = tpu.memref_slice %arg5[%dma_start3A_690] : memref<1000000xf32, #tpu.memory_space<hbm>> -> memref<1000000xf32, #tpu.memory_space<hbm>>
        tpu.enqueue_indirect_dma source(%dma_start3A_691 : memref<1000000xf32, #tpu.memory_space<hbm>>) target(%arg32 : memref<160xf32, #tpu.memory_space<vmem>>) offsets(%arg27 : memref<160xi32, #tpu.memory_space<vmem>>) semaphore(%arg38 : memref<!tpu.dma_semaphore, #tpu.memory_space<semaphore_mem>>)
        %dma_start3A_692 = arith.constant 0 : i32
        %dma_start3A_693 = tpu.memref_slice %arg3[%dma_start3A_692] : memref<3000000xi32, #tpu.memory_space<hbm>> -> memref<3000000xi32, #tpu.memory_space<hbm>>
        tpu.enqueue_indirect_dma source(%dma_start3A_693 : memref<3000000xi32, #tpu.memory_space<hbm>>) target(%arg30 : memref<160xi32, #tpu.memory_space<vmem>>) offsets(%arg26 : memref<160xi32, #tpu.memory_space<vmem>>) semaphore(%arg38 : memref<!tpu.dma_semaphore, #tpu.memory_space<semaphore_mem>>)
        %dma_start3A_694 = arith.constant 0 : i32
        %dma_start3A_695 = tpu.memref_slice %arg6[%dma_start3A_694] : memref<1000000xf32, #tpu.memory_space<hbm>> -> memref<1000000xf32, #tpu.memory_space<hbm>>
        tpu.enqueue_indirect_dma source(%dma_start3A_695 : memref<1000000xf32, #tpu.memory_space<hbm>>) target(%arg33 : memref<160xf32, #tpu.memory_space<vmem>>) offsets(%arg27 : memref<160xi32, #tpu.memory_space<vmem>>) semaphore(%arg38 : memref<!tpu.dma_semaphore, #tpu.memory_space<semaphore_mem>>)
      } else {
      }
    }
    %scan3A_565 = arith.constant 20 : i32
    %add3A_566 = arith.constant 6400 : i32
    %add3A_567 = arith.addi %mul3A_2, %add3A_566 : i32
    %sub3A_568 = arith.constant 320 : i32
    %sub3A_569 = arith.subi %add3A_567, %sub3A_568 : i32
    %dma_wait3A_570 = arith.constant 0 : i32
    %dma_wait3A_571 = tpu.memref_slice %arg8[%sub3A_569, %dma_wait3A_570] : memref<204800x64xf32, #tpu.memory_space<hbm>> -> memref<160x64xf32, #tpu.memory_space<hbm>>
    %dma_wait3A_572 = arith.constant 0 : i32
    %dma_wait3A_573 = tpu.memref_slice %arg8[%sub3A_569, %dma_wait3A_572] : memref<204800x64xf32, #tpu.memory_space<hbm>> -> memref<160x64xf32, #tpu.memory_space<hbm>>
    tpu.wait_dma2 semaphore(%arg40 : memref<!tpu.dma_semaphore, #tpu.memory_space<semaphore_mem>>) src(%arg23 : memref<160x64xf32, #tpu.memory_space<vmem>>) dst(%dma_wait3A_573 : memref<160x64xf32, #tpu.memory_space<hbm>>)
    %add3A_574 = arith.constant 6400 : i32
    %add3A_575 = arith.addi %mul3A_2, %add3A_574 : i32
    %sub3A_576 = arith.constant 160 : i32
    %sub3A_577 = arith.subi %add3A_575, %sub3A_576 : i32
    %dma_wait3A_578 = arith.constant 0 : i32
    %dma_wait3A_579 = tpu.memref_slice %arg8[%sub3A_577, %dma_wait3A_578] : memref<204800x64xf32, #tpu.memory_space<hbm>> -> memref<160x64xf32, #tpu.memory_space<hbm>>
    %dma_wait3A_580 = arith.constant 0 : i32
    %dma_wait3A_581 = tpu.memref_slice %arg8[%sub3A_577, %dma_wait3A_580] : memref<204800x64xf32, #tpu.memory_space<hbm>> -> memref<160x64xf32, #tpu.memory_space<hbm>>
    tpu.wait_dma2 semaphore(%arg40 : memref<!tpu.dma_semaphore, #tpu.memory_space<semaphore_mem>>) src(%arg37 : memref<160x64xf32, #tpu.memory_space<vmem>>) dst(%dma_wait3A_581 : memref<160x64xf32, #tpu.memory_space<hbm>>)
    return
  }
}

</mosaic_0001>

<sc_bundles>
// kernel: kernel.3.cloned.1.call-start
scs
__scs_entry_jumppad:
0x0: {  	(pc) =	sbr.rel $0x88, $3  }
0x1: {  	(tag) =	ssettag $0x0;
	lr =	simm.s32 $0x1  }
0x2: {  	[smem:$0x3F9D] =	sst lr;
	_ =	strace $0xD0000000  }
0x3: {  	_ = 	snop  }
0x4: {  	_ = 	snop  }
0x5: {  	_ = 	snop  }
0x6: {  	_ = 	snop  }
0x7: {  	_ = 	snop  }
__scs_overlays_trampoline_lowered:
0x8: {  	[smem:$0x3FAC] =	sst s0  }
0x9: {  	[smem:$0x3FAD] =	sst s1  }
0xa: {  	[smem:$0x3FAE] =	sst s2  }
0xb: {  	[smem:$0x3FAF] =	sst s3  }
0xc: {  	[smem:$0x3FB0] =	sst s4  }
0xd: {  	[smem:$0x3FB1] =	sst s5  }
0xe: {  	[smem:$0x3FB2] =	sst s6  }
0xf: {  	[smem:$0x3FB3] =	sst s7  }
0x10: {  	[smem:$0x3FB4] =	sst s8  }
0x11: {  	[smem:$0x3FB5] =	sst s9;
	s0 =	simm.s32 @!p0 $0x0  }
0x12: {  	s1 =	sld [smem:$0x3F9B];
	s0 =	simm.s32 @p0 $0x1  }
0x13: {  	[smem:$0x3FB6] =	sst s0;
	s0 =	simm.s32 @!p1 $0x0  }
0x14: {  	s2 =	sld [smem:$0x3F9A];
	s0 =	simm.s32 @p1 $0x1  }
0x15: {  	[smem:$0x3FB7] =	sst s0;
	s0 =	simm.s32 @!p2 $0x0  }
0x16: {  	s3 =	sld [smem:$0x3FDB];
	s0 =	simm.s32 @p2 $0x1  }
0x17: {  	s4 =	simm.s32 $0x1BF5;
	[smem:$0x3FB9] =	sst s0  }
0x18: {  	s0 =	sld [smem:$0x3F9C];
	_ =	swait.ge [sflag:s4], $0x0  }
0x19: {  	s7 =	sld [smem:$0x3F9D]  }
0x1a: {  	s8 =	sadd.s32 $0xFFFFE003, lr  }
0x1b: {  	s9 =	sadd.s32 $0xFFFFFEF7, lr;
	s5 =	simm.s32 $0xFFFFFFFF;
	p2 =	slt.u32 s8, $0xFFFFF086  }
0x1c: {  	p1 =	slt.u32 s9, $0xF7A;
	s5 =	simm.s32 @!p2 $0x0  }
0x1d: {  	s5 =	simm.s32 @p1 $0x1;
	p0 =	seq.s32 s7, s2  }
0x1e: {  	s7 =	smul.u32 @!p0 $0xF7A, s2;
	p2 =	seq.s32 @!p0 s5, $0x0  }
0x1f: {  	s9 =	smul.u32 $0xF7A, s1;
	s8 =	simm.s32 @!p0 $0x1BF5;
	p2 =	por !p2, p0  }
0x20: {  	[sflag:s8] =	ssyncset.s32 @!p0 $0xFFFFF086;
	s6 =	sadd.s32 @!p0 s3, s7;
	s7 =	simm.s32 @!p0 $0x108  }
0x21: {  	s3 =	sadd.s32 s3, s9;
	s6 =	sadd.s32 @!p0 $0x88, s6;
	s7 =	simm.s32 @p2 $0x1082  }
0x22: {  	[simem:s7], [sflag:s8] =	dma.local @!p0 [hbm:s6], $0xF7A  }
0x23: {  	s9 =	sor.u32 $0xD0000000, s2;
	s6 =	simm.s32 $0x108;
	_ =	swait.ge @!p0 [sflag:s8], $0x0  }
0x24: {  	s3 =	sadd.s32 $0x88, s3;
	s6 =	simm.s32 @!p1 $0x1082;
	[sflag:s4] =	ssyncset.s32 $0xFFFFF086  }
0x25: {  	[simem:s6], [sflag:s4] =	dma.local [hbm:s3], $0xF7A  }
0x26: {  	[smem:$0x3F9D] =	sst s1;
	(tag) =	ssettag s2;
	_ =	strace s9  }
0x27: {  	s1 =	sld [smem:$0x3FAD]  }
0x28: {  	s2 =	sld [smem:$0x3FAE]  }
0x29: {  	s4 =	sld [smem:$0x3FB0]  }
0x2a: {  	p0 =	seq.s32 s5, $0x0;
	s5 =	sld [smem:$0x3FB1]  }
0x2b: {  	s6 =	sld [smem:$0x3FB2]  }
0x2c: {  	s7 =	sld [smem:$0x3FB3]  }
0x2d: {  	s3 =	simm.s32 $0x108;
	s8 =	sld [smem:$0x3FB4]  }
0x2e: {  	s3 =	simm.s32 @!p0 $0x1082;
	s9 =	sld [smem:$0x3FB5]  }
0x2f: {  	lr =	sadd.s32 s0, s3;
	s0 =	sld [smem:$0x3FAC]  }
0x30: {  	s3 =	sld [smem:$0x3FAF]  }
0x31: {  	[smem:$0x3FB8] =	sst s10  }
0x32: {  	s10 =	sld [smem:$0x3FB6];
	_ =	sdelay $0x3  }
0x33: {  	p0 =	seq.s32 s10, $0x1;
	s10 =	sld [smem:$0x3FB8];
	_ =	sdelay $0x3  }
0x34: {  	[smem:$0x3FB8] =	sst s10  }
0x35: {  	s10 =	sld [smem:$0x3FB7];
	_ =	sdelay $0x3  }
0x36: {  	p1 =	seq.s32 s10, $0x1;
	s10 =	sld [smem:$0x3FB8];
	_ =	sdelay $0x3  }
0x37: {  	[smem:$0x3FB8] =	sst s10  }
0x38: {  	s10 =	sld [smem:$0x3FB9]  }
0x39: {  	_ = 	snop;
	(pc) =	sbr.ind lr, $3  }
0x3a: {  	_ = 	snop  }
0x3b: {  	_ = 	snop  }
0x3c: {  	p2 =	seq.s32 s10, $0x1;
	s10 =	sld [smem:$0x3FB8]  }
0x3d: {  	_ =	shalt  }
0x3e: {  	_ =	shalt  }
0x3f: {  	_ =	shalt  }
0x40: {  	_ =	shalt  }
0x41: {  	_ =	shalt  }
0x42: {  	_ =	shalt  }
0x43: {  	_ =	shalt  }
0x44: {  	_ =	shalt  }
0x45: {  	_ =	shalt  }
0x46: {  	_ =	shalt  }
0x47: {  	_ =	shalt  }
0x48: {  	_ =	shalt  }
0x49: {  	_ =	shalt  }
0x4a: {  	_ =	shalt  }
0x4b: {  	_ =	shalt  }
0x4c: {  	_ =	shalt  }
0x4d: {  	_ =	shalt  }
0x4e: {  	_ =	shalt  }
0x4f: {  	_ =	shalt  }
0x50: {  	_ =	shalt  }
0x51: {  	_ =	shalt  }
0x52: {  	_ =	shalt  }
0x53: {  	_ =	shalt  }
0x54: {  	_ =	shalt  }
0x55: {  	_ =	shalt  }
0x56: {  	_ =	shalt  }
0x57: {  	_ =	shalt  }
0x58: {  	_ =	shalt  }
0x59: {  	_ =	shalt  }
0x5a: {  	_ =	shalt  }
0x5b: {  	_ =	shalt  }
0x5c: {  	_ =	shalt  }
0x5d: {  	_ =	shalt  }
0x5e: {  	_ =	shalt  }
0x5f: {  	_ =	shalt  }
0x60: {  	_ =	shalt  }
0x61: {  	_ =	shalt  }
0x62: {  	_ =	shalt  }
0x63: {  	_ =	shalt  }
0x64: {  	_ =	shalt  }
0x65: {  	_ =	shalt  }
0x66: {  	_ =	shalt  }
0x67: {  	_ =	shalt  }
0x68: {  	_ =	shalt  }
0x69: {  	_ =	shalt  }
0x6a: {  	_ =	shalt  }
0x6b: {  	_ =	shalt  }
0x6c: {  	_ =	shalt  }
0x6d: {  	_ =	shalt  }
0x6e: {  	_ =	shalt  }
0x6f: {  	_ =	shalt  }
0x70: {  	_ =	shalt  }
0x71: {  	_ =	shalt  }
0x72: {  	_ =	shalt  }
0x73: {  	_ =	shalt  }
0x74: {  	_ =	shalt  }
0x75: {  	_ =	shalt  }
0x76: {  	_ =	shalt  }
0x77: {  	_ =	shalt  }
0x78: {  	_ =	shalt  }
0x79: {  	_ =	shalt  }
0x7a: {  	_ =	shalt  }
0x7b: {  	_ =	shalt  }
0x7c: {  	_ =	shalt  }
0x7d: {  	_ =	shalt  }
0x7e: {  	_ =	shalt  }
0x7f: {  	_ =	shalt  }
0x80: {  	_ =	shalt  }
0x81: {  	_ =	shalt  }
0x82: {  	_ =	shalt  }
0x83: {  	_ =	shalt  }
0x84: {  	_ =	shalt  }
0x85: {  	_ =	shalt  }
0x86: {  	_ =	shalt  }
0x87: {  	_ =	shalt  }
.Lfunc_end0:
.L_simem_size_0:
called_computation.1_lowered:
.L_overlay_start_0:
0x88: {  	s2 =	sld [smem:$0x3FD9]  }
0x89: {  	s3 =	sld [smem:$0x3FFE];
	_ =	sdelay $0x1  }
0x8a: {  	s1 =	srdreg.scid  }
0x8b: {  	s0 =	sand.u32 $0x1, s1  }
0x8c: {  	s17 =	sshll.u32 s0, $0xA;
	s2 =	sadd.s32 s3, s2  }
0x8d: {  	s2 =	sadd.s32 s2, s17  }
0x8e: {  	[smem:$0x3FC4] =	sst s2  }
0x8f: {  	_ = 	snop  }
0x90: {  	s2 =	sld [smem:$0x3FD0];
	(tm) =	ssettm $0x1  }
0x91: {  	s18 =	sld [smem:$0x3FFB];
	_ =	sdelay $0x3  }
0x92: {  	_ =	strace s18  }
0x93: {  	s3 =	sld [smem:$0x3FFC];
	_ =	sdelay $0x3  }
0x94: {  	_ =	strace s3  }
0x95: {  	s3 =	sld [smem:$0x3FFD];
	_ =	sdelay $0x3  }
0x96: {  	_ =	strace s3  }
0x97: {  	_ =	strace $0x8FFFFFFF  }
0x98: {  	s19 =	sld [smem:$0x3FDB];
	_ =	sdelay $0x1  }
0x99: {  	s4 =	simm.s32 $_scs_section_size  }
0x9a: {  	s5 =	simm.s32 $_size__tile_overlayer_lowered;
	s6 =	simm.s32 $_tile_overlayer_lowered  }
0x9b: {  	s22 =	simm.s32 $0x1BFF;
	s21 =	sshll.u32 s6, $0x1;
	s3 =	sadd.s32 s4, s19  }
0x9c: {  	s7 =	simm.s32 $0x0;
	s20 =	sshll.u32 s5, $0x1;
	s5 =	sadd.s32 s21, s3  }
0x9d: {  	[timem:s7], [sflag:s22] =	dma.local [hbm:s5], s20  }
0x9e: {  	_ =	swait.ge [sflag:s22], s20  }
0x9f: {  	s4 =	ssub.s32 $0x0, s20;
	[sflag:s22] =	ssyncset.done $0x0  }
0xa0: {  	[sflag:s22] =	ssyncadd.s32 s4;
	_ =	sdelay $0x1  }
0xa1: {  	s23 =	simm.s32 $0x1B8B  }
0xa2: {  	_ =	swait.ge [sflag:s23], $0x1  }
0xa3: {  	[sflag:s23] =	ssyncset.done $0x0  }
0xa4: {  	s25 =	simm.s32 $0x1B8E;
	s24 =	sld [smem:$0x3FFE];
	[sflag:s23] =	ssyncadd.s32 $0xFFFFFFFF  }
0xa5: {  	s26 =	simm.s32 $execute0_lowered;
	[smem:$0x3FD2] =	sst s25  }
0xa6: {  	s5 =	sshll.u32 s26, $0x1;
	_ =	strace $0x80000046;
	[dreg:$0x1] =	wrdreg $0xFFFFFFFF  }
0xa7: {  	s28 =	simm.s32 $_size_execute0_lowered;
	s3 =	sadd.s32 s3, s5;
	[dreg:$0x0] =	wrdreg $0x0  }
0xa8: {  	s5 =	sshll.u32 s28, $0x1;
	[dreg:$0x2] =	wrdreg s3  }
0xa9: {  	[dreg:$0x3] =	wrdreg s5  }
0xaa: {  	[dreg:$0x4] =	wrdreg $0xC0  }
0xab: {  	_ =	task [dreg:s7], $0x5FFFF  }
0xac: {  	[dreg:$0x1] =	wrdreg $0xFFFFFFFF  }
0xad: {  	[dreg:$0x0] =	wrdreg $0x60  }
0xae: {  	[dreg:$0x2] =	wrdreg s24  }
0xaf: {  	[dreg:$0x3] =	wrdreg s2  }
0xb0: {  	[dreg:$0x4] =	wrdreg $0x9  }
0xb1: {  	_ =	task.clear_ibuf [dreg:s7], $0x5FFFF;
	_ =	strace $0x90000046  }
0xb2: {  	s29 =	simm.s32 $0x9;
	_ =	strace $0x80000048  }
0xb3: {  	_ =	swait.ge [sflag:s29], $0x1  }
0xb4: {  	[sflag:s29] =	ssyncadd.s32 $0xFFFFFFFF  }
0xb5: {  	_ =	strace $0x90000048  }
0xb6: {  	_ =	sfence  }
0xb7: {  	s30 =	sld [smem:$0x0];
	_ =	sdelay $0x2  }
0xb8: {  	s31 =	sshll.u32 s1, $0xD;
	s1 =	sshrl.u32 s1, $0x2  }
0xb9: {  	s3 =	sand.u32 $0x4000, s31;
	s1 =	sadd.s32 s1, s30  }
0xba: {  	s0 =	sor.u32 s3, s0;
	s1 =	sshll.u32 s1, $0x11  }
0xbb: {  	s0 =	sor.u32 s1, s0  }
0xbc: {  	s0 =	sadd.s32 $0x8F2B, s0  }
0xbd: {  	[sflag:s0] =	ssyncadd.remote.s32 $0x1  }
0xbe: {  	_ =	sfence.sel $0xFFFF  }
0xbf: {  	[dreg:$0x0] =	wrdreg $0xFFFFFFFF;
	(pc) =	sbr.abs _section_cstart, $3  }
0xc0: {  	[dreg:$0x1] =	wrdreg $0xFFFFFFFF  }
0xc1: {  	_ =	task.clear_ibuf [dreg:s7], $0x2FFFF;
	_ =	strace $0x9FFFFFFF  }
0xc2: {  	(tm) =	ssettm $0x7FFFFFFF  }
0xc3: {  	_ =	shalt  }
tec
execute0_lowered:
.L_overlay_start_1:
0x0: {  	(tag) =	ssettag $0x1  }
0x1: {  	s0 =	srdreg.scid;
	s2 =	stileid.u32  }
0x2: {  	s1 =	rddreg [dreg:$0x0];
	s13 =	simm.s32 $0xA0;
	s25 =	simm.s32 $0xC1C0  }
0x3: {  	s26 =	simm.s32 $0xC120;
	s29 =	simm.s32 $0xBFE0;
	s30 =	simm.s32 $0xC260  }
0x4: {  	s31 =	simm.s32 $0xC440;
	s14 =	simm.s32 $0xC4E0;
	s17 =	simm.s32 $0x1  }
0x5: {  	s23 =	simm.s32 $0x2;
	s12 =	simm.s32 $0x11580;
	s16 =	simm.s32 $0x9740  }
0x6: {  	s18 =	simm.s32 $0x13D80;
	s20 =	simm.s32 $0x3;
	s19 =	simm.s32 $0x0  }
0x7: {  	s0 =	sand.u32 $0x1, s0;
	s3 =	sshll.u32 s2, $0x1;
	s2 =	rddreg [dreg:$0x1]  }
0x8: {  	s6 =	sadd.s32 $0xA0800, s1;
	s7 =	sadd.s32 $0x81E00, s1;
	s8 =	sadd.s32 $0x63400, s1  }
0x9: {  	s9 =	sadd.s32 $0xBF200, s1;
	s4 =	sor.u32 s0, s3;
	s3 =	simm.s32 $0x0  }
0xa: {  	s0 =	ssub.s32 $0x2, s0;
	s4 =	smul.u32 $0x1900, s4;
	[smem:$0x7FF] =	sst s3  }
.Ltmp0:
0xb: {  	s11 =	sshrl.u32 s0, $0x1;
	_ =	strace $0x80000047;
	(pc) =	sbr.rel .LBB2_1-.Ltmp0, $4  }
0xc: {  	s0 =	ssub.s32 s0, s11;
	s11 =	simm.s32 $0xED80;
	s5 =	sshrl.u32 s4, $0x3  }
0xd: {  	s0 =	smax.u32 s0, $0x1;
	s10 =	sadd.s32 s5, s1;
	s5 =	sadd.s32 $0x7A00, s1  }
0xe: {  	[dreg:$0x4] =	wrdreg s0;
	s1 =	simm.s32 $0xC080;
	s28 =	sadd.s32 $0x1600, s10  }
0xf: {  	s0 =	simm.s32 $0xC300;
	s10 =	simm.s32 $0xC580;
	[dreg:$0x3] =	wrdreg s28  }
.LBB2_14:
0x10: {  	_ =	swait.ge [sflag:s20], $0x2800  }
0x11: {  	[sflag:s20] =	ssyncset.done $0x0  }
0x12: {  	[sflag:s20] =	ssyncadd.s32 $0xFFFFD800  }
0x13: {  	_ =	swait.ge [sflag:s20], $0x2800  }
0x14: {  	s19 =	rddreg [dreg:$0x5]  }
0x15: {  	s15 =	rddreg [dreg:$0x4];
	s19 =	sadd.s32 $0x1, s19  }
0x16: {  	p0 =	sne.s32 s19, s15  }
.Ltmp1:
0x17: {  	_ = 	snop;
	(pc) =	sbr.rel @!p0 .LBB2_15-.Ltmp1, $3  }
0x18: {  	_ =	sdelay $0x1  }
0x19: {  	[sflag:s20] =	ssyncset.done $0x0  }
0x1a: {  	[sflag:s20] =	ssyncadd.s32 $0xFFFFD800  }
.LBB2_1:
0x1b: {  	[dreg:$0x5] =	wrdreg s19  }
0x1c: {  	s15 =	rddreg [dreg:$0x3];
	s22 =	simm.s32 $0x4  }
0x1d: {  	[tilespmem:s3], [sflag:$0x4] =	stream.linear.gather [hbm4b:s15+s3], $0x1900, $0x38;
	[tilespmem:$0x16580] =	vst v63  }
0x1e: {  	_ =	swait.ge [sflag:s22], $0x1900  }
0x1f: {  	[sflag:s22] =	ssyncset.done $0x0  }
0x20: {  	[sflag:s22] =	ssyncadd.s32 $0xFFFFE700  }
0x21: {  	v0 =	vld [tilespmem:$0x0]  }
0x22: {  	v1 =	vld [tilespmem:$0x10]  }
0x23: {  	v45 =	vld [tilespmem:$0x20]  }
0x24: {  	v49 =	vld [tilespmem:$0x30]  }
0x25: {  	v53 =	vld [tilespmem:$0x40]  }
0x26: {  	v57 =	vld [tilespmem:$0x50];
	[tilespmem:$0x1900] =	vst v0  }
0x27: {  	v61 =	vld [tilespmem:$0x60];
	[tilespmem:$0x1910] =	vst v1  }
0x28: {  	v7 =	vld [tilespmem:$0x70];
	[tilespmem:$0x1920] =	vst v45  }
0x29: {  	v11 =	vld [tilespmem:$0x80];
	[tilespmem:$0x1930] =	vst v49  }
0x2a: {  	v15 =	vld [tilespmem:$0x90];
	[tilespmem:$0x1940] =	vst v53  }
0x2b: {  	[tilespmem:$0x1950] =	vst v57  }
0x2c: {  	[tilespmem:$0x1960] =	vst v61  }
0x2d: {  	[tilespmem:$0x1970] =	vst v7  }
0x2e: {  	[tilespmem:$0x1980] =	vst v11  }
0x2f: {  	v2 =	vadd.s32 $0xF4240, v0;
	[tilespmem:$0x1990] =	vst v15  }
0x30: {  	v44 =	vadd.s32 $0x1E8480, v0;
	[tilespmem:$0x19A0] =	vst v2  }
0x31: {  	v46 =	vadd.s32 $0xF4240, v1;
	[tilespmem:$0x1A40] =	vst v44  }
0x32: {  	v48 =	vadd.s32 $0x1E8480, v1;
	[tilespmem:$0x19B0] =	vst v46  }
0x33: {  	v50 =	vadd.s32 $0xF4240, v45;
	[tilespmem:$0x1A50] =	vst v48  }
0x34: {  	v52 =	vadd.s32 $0x1E8480, v45;
	[tilespmem:$0x19C0] =	vst v50  }
0x35: {  	v54 =	vadd.s32 $0xF4240, v49;
	[tilespmem:$0x1A60] =	vst v52  }
0x36: {  	v56 =	vadd.s32 $0x1E8480, v49;
	[tilespmem:$0x19D0] =	vst v54  }
0x37: {  	v58 =	vadd.s32 $0xF4240, v53;
	[tilespmem:$0x1A70] =	vst v56  }
0x38: {  	v60 =	vadd.s32 $0x1E8480, v53;
	[tilespmem:$0x19E0] =	vst v58  }
0x39: {  	v62 =	vadd.s32 $0xF4240, v57;
	[tilespmem:$0x1A80] =	vst v60  }
0x3a: {  	v6 =	vadd.s32 $0x1E8480, v57;
	[tilespmem:$0x19F0] =	vst v62  }
0x3b: {  	v8 =	vadd.s32 $0xF4240, v61;
	[tilespmem:$0x1A90] =	vst v6  }
0x3c: {  	v10 =	vadd.s32 $0x1E8480, v61;
	[tilespmem:$0x1A00] =	vst v8  }
0x3d: {  	v3 =	vadd.s32 $0x3, v0;
	v0 =	vadd.s32 $0xFFF0BDC3, v0;
	v12 =	vadd.s32 $0xF4240, v7;
	[tilespmem:$0x1AA0] =	vst v10  }
0x3e: {  	v47 =	vadd.s32 $0x3, v1;
	v1 =	vadd.s32 $0xFFF0BDC3, v1;
	v14 =	vadd.s32 $0x1E8480, v7;
	[tilespmem:$0x1A10] =	vst v12  }
0x3f: {  	v51 =	vadd.s32 $0x3, v45;
	v55 =	vadd.s32 $0x3, v49;
	v16 =	vadd.s32 $0xF4240, v11;
	[tilespmem:$0x1AB0] =	vst v14  }
0x40: {  	v59 =	vadd.s32 $0x3, v53;
	v63 =	vadd.s32 $0x3, v57;
	v18 =	vadd.s32 $0x1E8480, v11;
	[tilespmem:$0x1A20] =	vst v16  }
0x41: {  	v9 =	vadd.s32 $0x3, v61;
	v13 =	vadd.s32 $0x3, v7;
	v19 =	vadd.s32 $0xF4240, v15;
	[tilespmem:$0x1AC0] =	vst v18  }
0x42: {  	v17 =	vadd.s32 $0x3, v11;
	v21 =	vadd.s32 $0x1E8480, v15;
	vm0 =	vgt.s32 v3, $0xF423F;
	[tilespmem:$0x1A30] =	vst v19  }
0x43: {  	v20 =	vadd.s32 $0x3, v15;
	vm9 =	vgt.s32 v47, $0xF423F;
	[tilespmem:$0x1AD0] =	vst v21;
	v0 =	vsel vm0, v0, v3  }
0x44: {  	vm10 =	vgt.s32 v51, $0xF423F;
	v1 =	vsel vm9, v1, v47;
	[tilespmem:$0x1AE0] =	vst v0;
	v0 =	vadd.s32 $0xFFF0BDC3, v45  }
0x45: {  	vm11 =	vgt.s32 v55, $0xF423F;
	[tilespmem:$0x1AF0] =	vst v1;
	v1 =	vadd.s32 $0xFFF0BDC3, v49;
	v0 =	vsel vm10, v0, v51  }
0x46: {  	vm12 =	vgt.s32 v59, $0xF423F;
	v1 =	vsel vm11, v1, v55;
	[tilespmem:$0x1B00] =	vst v0;
	v0 =	vadd.s32 $0xFFF0BDC3, v53  }
0x47: {  	vm13 =	vgt.s32 v63, $0xF423F;
	[tilespmem:$0x1B10] =	vst v1;
	v1 =	vadd.s32 $0xFFF0BDC3, v57;
	v0 =	vsel vm12, v0, v59  }
0x48: {  	vm14 =	vgt.s32 v9, $0xF423F;
	v1 =	vsel vm13, v1, v63;
	[tilespmem:$0x1B20] =	vst v0;
	v0 =	vadd.s32 $0xFFF0BDC3, v61  }
0x49: {  	vm15 =	vgt.s32 v13, $0xF423F;
	[tilespmem:$0x1B30] =	vst v1;
	v1 =	vadd.s32 $0xFFF0BDC3, v7;
	v0 =	vsel vm14, v0, v9  }
0x4a: {  	vm4 =	vgt.s32 v17, $0xF423F;
	v1 =	vsel vm15, v1, v13;
	[tilespmem:$0x1B40] =	vst v0;
	v0 =	vadd.s32 $0xFFF0BDC3, v11  }
0x4b: {  	vm5 =	vgt.s32 v20, $0xF423F;
	[tilespmem:$0x1B50] =	vst v1;
	v1 =	vadd.s32 $0xFFF0BDC3, v15;
	v0 =	vsel vm4, v0, v17  }
0x4c: {  	v22 =	vsel vm5, v1, v20;
	[tilespmem:$0x1B60] =	vst v0  }
0x4d: {  	s24 =	simm.s32 $0x1900;
	s19 =	simm.s32 $0x1B80;
	[tilespmem:$0x1B70] =	vst v22  }
0x4e: {  	[tilespmem:s19], [sflag:$0x1] =	stream.indirect.gather [hbm4b:s5+s13], $0x1, s24, s13, $0xb8;
	[tilespmem:$0x16580] =	vst v63  }
0x4f: {  	s21 =	simm.s32 $0x1D60;
	s15 =	simm.s32 $0x1AE0  }
0x50: {  	[tilespmem:s21], [sflag:$0x1] =	stream.indirect.gather [hbm4b:s6+s13], $0x1, s15, s13, $0xb8;
	[tilespmem:$0x16580] =	vst v63  }
0x51: {  	s28 =	simm.s32 $0x19A0;
	s22 =	simm.s32 $0x1C20  }
0x52: {  	[tilespmem:s22], [sflag:$0x1] =	stream.indirect.gather [hbm4b:s5+s13], $0x1, s28, s13, $0xb8;
	[tilespmem:$0x16580] =	vst v63  }
0x53: {  	s24 =	simm.s32 $0x1E00  }
0x54: {  	[tilespmem:s24], [sflag:$0x1] =	stream.indirect.gather [hbm4b:s7+s13], $0x1, s15, s13, $0xb8;
	[tilespmem:$0x16580] =	vst v63  }
0x55: {  	s28 =	simm.s32 $0x1A40;
	s24 =	simm.s32 $0x1CC0  }
0x56: {  	[tilespmem:s24], [sflag:$0x1] =	stream.indirect.gather [hbm4b:s5+s13], $0x1, s28, s13, $0xb8;
	[tilespmem:$0x16580] =	vst v63  }
0x57: {  	s28 =	simm.s32 $0x1EA0  }
0x58: {  	[tilespmem:s28], [sflag:$0x1] =	stream.indirect.gather [hbm4b:s8+s13], $0x1, s15, s13, $0xb8;
	[tilespmem:$0x16580] =	vst v63  }
0x59: {  	v23 =	vld [tilespmem:$0xA0]  }
0x5a: {  	v24 =	vld [tilespmem:$0xB0]  }
0x5b: {  	v28 =	vld [tilespmem:$0xC0]  }
0x5c: {  	v32 =	vld [tilespmem:$0xD0]  }
0x5d: {  	v36 =	vld [tilespmem:$0xE0]  }
0x5e: {  	v40 =	vld [tilespmem:$0xF0];
	[tilespmem:$0xBF40] =	vst v23  }
0x5f: {  	v44 =	vld [tilespmem:$0x100];
	[tilespmem:$0xBF50] =	vst v24  }
0x60: {  	v48 =	vld [tilespmem:$0x110];
	[tilespmem:$0xBF60] =	vst v28  }
0x61: {  	v52 =	vld [tilespmem:$0x120];
	[tilespmem:$0xBF70] =	vst v32  }
0x62: {  	v56 =	vld [tilespmem:$0x130];
	[tilespmem:$0xBF80] =	vst v36  }
0x63: {  	[tilespmem:$0xBF90] =	vst v40  }
0x64: {  	[tilespmem:$0xBFA0] =	vst v44  }
0x65: {  	[tilespmem:$0xBFB0] =	vst v48  }
0x66: {  	[tilespmem:$0xBFC0] =	vst v52  }
0x67: {  	v25 =	vadd.s32 $0xF4240, v23;
	[tilespmem:$0xBFD0] =	vst v56  }
0x68: {  	v27 =	vadd.s32 $0x1E8480, v23;
	[tilespmem:$0xBFE0] =	vst v25  }
0x69: {  	v29 =	vadd.s32 $0xF4240, v24;
	[tilespmem:$0xC080] =	vst v27  }
0x6a: {  	v31 =	vadd.s32 $0x1E8480, v24;
	[tilespmem:$0xBFF0] =	vst v29  }
0x6b: {  	v33 =	vadd.s32 $0xF4240, v28;
	[tilespmem:$0xC090] =	vst v31  }
0x6c: {  	v35 =	vadd.s32 $0x1E8480, v28;
	[tilespmem:$0xC000] =	vst v33  }
0x6d: {  	v37 =	vadd.s32 $0xF4240, v32;
	[tilespmem:$0xC0A0] =	vst v35  }
0x6e: {  	v39 =	vadd.s32 $0x1E8480, v32;
	[tilespmem:$0xC010] =	vst v37  }
0x6f: {  	v41 =	vadd.s32 $0xF4240, v36;
	[tilespmem:$0xC0B0] =	vst v39  }
0x70: {  	v43 =	vadd.s32 $0x1E8480, v36;
	[tilespmem:$0xC020] =	vst v41  }
0x71: {  	v45 =	vadd.s32 $0xF4240, v40;
	[tilespmem:$0xC0C0] =	vst v43  }
0x72: {  	v47 =	vadd.s32 $0x1E8480, v40;
	[tilespmem:$0xC030] =	vst v45  }
0x73: {  	v49 =	vadd.s32 $0xF4240, v44;
	[tilespmem:$0xC0D0] =	vst v47  }
0x74: {  	v51 =	vadd.s32 $0x1E8480, v44;
	[tilespmem:$0xC040] =	vst v49  }
0x75: {  	v26 =	vadd.s32 $0x3, v23;
	v0 =	vadd.s32 $0xFFF0BDC3, v23;
	v53 =	vadd.s32 $0xF4240, v48;
	[tilespmem:$0xC0E0] =	vst v51  }
0x76: {  	v30 =	vadd.s32 $0x3, v24;
	v1 =	vadd.s32 $0xFFF0BDC3, v24;
	v55 =	vadd.s32 $0x1E8480, v48;
	[tilespmem:$0xC050] =	vst v53  }
0x77: {  	v34 =	vadd.s32 $0x3, v28;
	v38 =	vadd.s32 $0x3, v32;
	v57 =	vadd.s32 $0xF4240, v52;
	[tilespmem:$0xC0F0] =	vst v55  }
0x78: {  	v42 =	vadd.s32 $0x3, v36;
	v46 =	vadd.s32 $0x3, v40;
	v59 =	vadd.s32 $0x1E8480, v52;
	[tilespmem:$0xC060] =	vst v57  }
0x79: {  	v50 =	vadd.s32 $0x3, v44;
	v54 =	vadd.s32 $0x3, v48;
	v60 =	vadd.s32 $0xF4240, v56;
	[tilespmem:$0xC100] =	vst v59  }
0x7a: {  	v58 =	vadd.s32 $0x3, v52;
	v62 =	vadd.s32 $0x1E8480, v56;
	vm6 =	vgt.s32 v26, $0xF423F;
	[tilespmem:$0xC070] =	vst v60  }
0x7b: {  	v61 =	vadd.s32 $0x3, v56;
	vm7 =	vgt.s32 v30, $0xF423F;
	[tilespmem:$0xC110] =	vst v62;
	v0 =	vsel vm6, v0, v26  }
0x7c: {  	vm8 =	vgt.s32 v34, $0xF423F;
	v1 =	vsel vm7, v1, v30;
	[tilespmem:$0xC120] =	vst v0;
	v0 =	vadd.s32 $0xFFF0BDC3, v28  }
0x7d: {  	vm9 =	vgt.s32 v38, $0xF423F;
	[tilespmem:$0xC130] =	vst v1;
	v1 =	vadd.s32 $0xFFF0BDC3, v32;
	v0 =	vsel vm8, v0, v34  }
0x7e: {  	vm10 =	vgt.s32 v42, $0xF423F;
	v1 =	vsel vm9, v1, v38;
	[tilespmem:$0xC140] =	vst v0;
	v0 =	vadd.s32 $0xFFF0BDC3, v36  }
0x7f: {  	vm11 =	vgt.s32 v46, $0xF423F;
	[tilespmem:$0xC150] =	vst v1;
	v1 =	vadd.s32 $0xFFF0BDC3, v40;
	v0 =	vsel vm10, v0, v42  }
0x80: {  	vm12 =	vgt.s32 v50, $0xF423F;
	v1 =	vsel vm11, v1, v46;
	[tilespmem:$0xC160] =	vst v0;
	v0 =	vadd.s32 $0xFFF0BDC3, v44  }
0x81: {  	vm13 =	vgt.s32 v54, $0xF423F;
	[tilespmem:$0xC170] =	vst v1;
	v1 =	vadd.s32 $0xFFF0BDC3, v48;
	v0 =	vsel vm12, v0, v50  }
0x82: {  	vm14 =	vgt.s32 v58, $0xF423F;
	v1 =	vsel vm13, v1, v54;
	[tilespmem:$0xC180] =	vst v0;
	v0 =	vadd.s32 $0xFFF0BDC3, v52  }
0x83: {  	vm15 =	vgt.s32 v61, $0xF423F;
	[tilespmem:$0xC190] =	vst v1;
	v1 =	vadd.s32 $0xFFF0BDC3, v56;
	v0 =	vsel vm14, v0, v58  }
0x84: {  	v63 =	vsel vm15, v1, v61;
	[tilespmem:$0xC1A0] =	vst v0  }
0x85: {  	s28 =	simm.s32 $0xBF40;
	[tilespmem:$0xC1B0] =	vst v63  }
0x86: {  	[tilespmem:s25], [sflag:$0x1] =	stream.indirect.gather [hbm4b:s5+s13], $0x1, s28, s13, $0xb8;
	[tilespmem:$0x16580] =	vst v63  }
0x87: {  	s21 =	simm.s32 $0xC3A0  }
0x88: {  	[tilespmem:s21], [sflag:$0x1] =	stream.indirect.gather [hbm4b:s6+s13], $0x1, s26, s13, $0xb8;
	[tilespmem:$0x16580] =	vst v63  }
0x89: {  	_ = 	snop  }
0x8a: {  	[tilespmem:s30], [sflag:$0x1] =	stream.indirect.gather [hbm4b:s5+s13], $0x1, s29, s13, $0xb8;
	[tilespmem:$0x16580] =	vst v63  }
0x8b: {  	_ = 	snop  }
0x8c: {  	[tilespmem:s31], [sflag:$0x1] =	stream.indirect.gather [hbm4b:s7+s13], $0x1, s26, s13, $0xb8;
	[tilespmem:$0x16580] =	vst v63  }
0x8d: {  	_ = 	snop  }
0x8e: {  	[tilespmem:s0], [sflag:$0x1] =	stream.indirect.gather [hbm4b:s5+s13], $0x1, s1, s13, $0xb8;
	[tilespmem:$0x16580] =	vst v63  }
0x8f: {  	_ = 	snop  }
0x90: {  	[tilespmem:s14], [sflag:$0x1] =	stream.indirect.gather [hbm4b:s8+s13], $0x1, s26, s13, $0xb8;
	[tilespmem:$0x16580] =	vst v63  }
0x91: {  	_ =	swait.ge [sflag:s17], $0xA0  }
0x92: {  	[sflag:s17] =	ssyncset.done $0x0  }
0x93: {  	[sflag:s17] =	ssyncadd.s32 $0xFFFFFF60  }
0x94: {  	_ =	swait.ge [sflag:s17], $0xA0  }
0x95: {  	[sflag:s17] =	ssyncset.done $0x0  }
0x96: {  	[sflag:s17] =	ssyncadd.s32 $0xFFFFFF60  }
0x97: {  	_ =	swait.ge [sflag:s17], $0xA0  }
0x98: {  	[sflag:s17] =	ssyncset.done $0x0  }
0x99: {  	[sflag:s17] =	ssyncadd.s32 $0xFFFFFF60  }
0x9a: {  	_ =	swait.ge [sflag:s17], $0xA0  }
0x9b: {  	[sflag:s17] =	ssyncset.done $0x0  }
0x9c: {  	[sflag:s17] =	ssyncadd.s32 $0xFFFFFF60  }
0x9d: {  	_ =	swait.ge [sflag:s17], $0xA0  }
0x9e: {  	[sflag:s17] =	ssyncset.done $0x0  }
0x9f: {  	[sflag:s17] =	ssyncadd.s32 $0xFFFFFF60  }
0xa0: {  	_ =	swait.ge [sflag:s17], $0xA0  }
0xa1: {  	[sflag:s17] =	ssyncset.done $0x0  }
0xa2: {  	s28 =	simm.s32 $0x1F40;
	[sflag:s17] =	ssyncadd.s32 $0xFFFFFF60  }
0xa3: {  	[tilespmem:s28], [sflag:$0x2] =	stream.indirect.gather [hbm4b:s9+s13], $0x40, s19, s13, $0xb8;
	[tilespmem:$0x16580] =	vst v63  }
0xa4: {  	s21 =	simm.s32 $0x4740  }
0xa5: {  	[tilespmem:s21], [sflag:$0x2] =	stream.indirect.gather [hbm4b:s9+s13], $0x40, s22, s13, $0xb8;
	[tilespmem:$0x16580] =	vst v63  }
0xa6: {  	s28 =	simm.s32 $0x6F40;
	s21 =	simm.s32 $0x0  }
0xa7: {  	[tilespmem:s28], [sflag:$0x2] =	stream.indirect.gather [hbm4b:s9+s13], $0x40, s24, s13, $0xb8;
	[tilespmem:$0x16580] =	vst v63  }
.LBB2_2:
0xa8: {  	p0 =	seq.s32 s21, $0x0  }
0xa9: {  	s15 =	simm.s32 @!p0 $0x3  }
0xaa: {  	_ =	swait.ge @!p0 [sflag:s15], $0x2800  }
0xab: {  	[sflag:s15] =	ssyncset.done @!p0 $0x0  }
0xac: {  	[sflag:s15] =	ssyncadd.s32 @!p0 $0xFFFFD800  }
0xad: {  	_ =	swait.ge [sflag:s23], $0x2800  }
0xae: {  	[sflag:s23] =	ssyncset.done $0x0  }
0xaf: {  	[sflag:s23] =	ssyncadd.s32 $0xFFFFD800  }
0xb0: {  	_ =	swait.ge [sflag:s23], $0x2800  }
0xb1: {  	[sflag:s23] =	ssyncset.done $0x0  }
0xb2: {  	[sflag:s23] =	ssyncadd.s32 $0xFFFFD800  }
0xb3: {  	_ =	swait.ge [sflag:s23], $0x2800  }
0xb4: {  	[sflag:s23] =	ssyncset.done $0x0  }
0xb5: {  	[sflag:s23] =	ssyncadd.s32 $0xFFFFD800  }
0xb6: {  	_ =	swait.ge [sflag:s17], $0xA0  }
0xb7: {  	[sflag:s17] =	ssyncset.done $0x0  }
0xb8: {  	[sflag:s17] =	ssyncadd.s32 $0xFFFFFF60  }
0xb9: {  	_ =	swait.ge [sflag:s17], $0xA0  }
0xba: {  	[sflag:s17] =	ssyncset.done $0x0  }
0xbb: {  	[sflag:s17] =	ssyncadd.s32 $0xFFFFFF60  }
0xbc: {  	_ =	swait.ge [sflag:s17], $0xA0  }
0xbd: {  	[sflag:s17] =	ssyncset.done $0x0  }
0xbe: {  	[sflag:s17] =	ssyncadd.s32 $0xFFFFFF60  }
0xbf: {  	_ =	swait.ge [sflag:s17], $0xA0  }
0xc0: {  	[sflag:s17] =	ssyncset.done $0x0  }
0xc1: {  	[sflag:s17] =	ssyncadd.s32 $0xFFFFFF60  }
0xc2: {  	_ =	swait.ge [sflag:s17], $0xA0  }
0xc3: {  	[sflag:s17] =	ssyncset.done $0x0  }
0xc4: {  	[sflag:s17] =	ssyncadd.s32 $0xFFFFFF60  }
0xc5: {  	_ =	swait.ge [sflag:s17], $0xA0  }
0xc6: {  	[sflag:s17] =	ssyncset.done $0x0  }
0xc7: {  	p0 =	seq.s32 s21, $0x13;
	[sflag:s17] =	ssyncadd.s32 $0xFFFFFF60  }
0xc8: {  	[tilespmem:s10], [sflag:$0x2] =	stream.indirect.gather [hbm4b:s9+s13], $0x40, s25, s13, $0xb8;
	[tilespmem:$0x16580] =	vst v63  }
.Ltmp2:
0xc9: {  	_ = 	snop;
	(pc) =	sbr.rel @p0 .LBB2_4-.Ltmp2, $4  }
0xca: {  	_ = 	snop  }
0xcb: {  	[tilespmem:s11], [sflag:$0x2] =	stream.indirect.gather [hbm4b:s9+s13], $0x40, s30, s13, $0xb8;
	[tilespmem:$0x16580] =	vst v63  }
0xcc: {  	s15 =	smul.u32 $0x140, s21  }
0xcd: {  	[tilespmem:s12], [sflag:$0x2] =	stream.indirect.gather [hbm4b:s9+s13], $0x40, s0, s13, $0xb8;
	[tilespmem:$0x16580] =	vst v63  }
0xce: {  	v0 =	vld [tilespmem:s15+$0x140];
	_ =	sdelay $0x4  }
0xcf: {  	[tilespmem:$0x1900] =	vst v0;
	v1 =	vadd.s32 $0xF4240, v0;
	v2 =	vadd.s32 $0x3, v0  }
0xd0: {  	v36 =	vadd.s32 $0x1E8480, v0;
	v0 =	vadd.s32 $0xFFF0BDC3, v0;
	[tilespmem:$0x19A0] =	vst v1;
	vm0 =	vgt.s32 v2, $0xF423F  }
0xd1: {  	[tilespmem:$0x1A40] =	vst v36;
	v0 =	vsel vm0, v0, v2  }
0xd2: {  	[tilespmem:$0x1AE0] =	vst v0  }
0xd3: {  	v0 =	vld [tilespmem:s15+$0x150];
	_ =	sdelay $0x4  }
0xd4: {  	[tilespmem:$0x1910] =	vst v0;
	v37 =	vadd.s32 $0xF4240, v0;
	v38 =	vadd.s32 $0x3, v0  }
0xd5: {  	v39 =	vadd.s32 $0x1E8480, v0;
	v0 =	vadd.s32 $0xFFF0BDC3, v0;
	[tilespmem:$0x19B0] =	vst v37;
	vm7 =	vgt.s32 v38, $0xF423F  }
0xd6: {  	[tilespmem:$0x1A50] =	vst v39;
	v0 =	vsel vm7, v0, v38  }
0xd7: {  	[tilespmem:$0x1AF0] =	vst v0  }
0xd8: {  	v0 =	vld [tilespmem:s15+$0x160];
	_ =	sdelay $0x4  }
0xd9: {  	[tilespmem:$0x1920] =	vst v0;
	v40 =	vadd.s32 $0xF4240, v0;
	v41 =	vadd.s32 $0x3, v0  }
0xda: {  	v42 =	vadd.s32 $0x1E8480, v0;
	v0 =	vadd.s32 $0xFFF0BDC3, v0;
	[tilespmem:$0x19C0] =	vst v40;
	vm8 =	vgt.s32 v41, $0xF423F  }
0xdb: {  	[tilespmem:$0x1A60] =	vst v42;
	v0 =	vsel vm8, v0, v41  }
0xdc: {  	[tilespmem:$0x1B00] =	vst v0  }
0xdd: {  	v0 =	vld [tilespmem:s15+$0x170];
	_ =	sdelay $0x4  }
0xde: {  	[tilespmem:$0x1930] =	vst v0;
	v43 =	vadd.s32 $0xF4240, v0;
	v44 =	vadd.s32 $0x3, v0  }
0xdf: {  	v45 =	vadd.s32 $0x1E8480, v0;
	v0 =	vadd.s32 $0xFFF0BDC3, v0;
	[tilespmem:$0x19D0] =	vst v43;
	vm9 =	vgt.s32 v44, $0xF423F  }
0xe0: {  	[tilespmem:$0x1A70] =	vst v45;
	v0 =	vsel vm9, v0, v44  }
0xe1: {  	[tilespmem:$0x1B10] =	vst v0  }
0xe2: {  	v0 =	vld [tilespmem:s15+$0x180];
	_ =	sdelay $0x4  }
0xe3: {  	[tilespmem:$0x1940] =	vst v0;
	v46 =	vadd.s32 $0xF4240, v0;
	v47 =	vadd.s32 $0x3, v0  }
0xe4: {  	v48 =	vadd.s32 $0x1E8480, v0;
	v0 =	vadd.s32 $0xFFF0BDC3, v0;
	[tilespmem:$0x19E0] =	vst v46;
	vm10 =	vgt.s32 v47, $0xF423F  }
0xe5: {  	[tilespmem:$0x1A80] =	vst v48;
	v0 =	vsel vm10, v0, v47  }
0xe6: {  	[tilespmem:$0x1B20] =	vst v0  }
0xe7: {  	v0 =	vld [tilespmem:s15+$0x190];
	_ =	sdelay $0x4  }
0xe8: {  	[tilespmem:$0x1950] =	vst v0;
	v49 =	vadd.s32 $0xF4240, v0;
	v50 =	vadd.s32 $0x3, v0  }
0xe9: {  	v51 =	vadd.s32 $0x1E8480, v0;
	v0 =	vadd.s32 $0xFFF0BDC3, v0;
	[tilespmem:$0x19F0] =	vst v49;
	vm11 =	vgt.s32 v50, $0xF423F  }
0xea: {  	[tilespmem:$0x1A90] =	vst v51;
	v0 =	vsel vm11, v0, v50  }
0xeb: {  	[tilespmem:$0x1B30] =	vst v0  }
0xec: {  	v0 =	vld [tilespmem:s15+$0x1A0];
	_ =	sdelay $0x4  }
0xed: {  	[tilespmem:$0x1960] =	vst v0;
	v52 =	vadd.s32 $0xF4240, v0;
	v53 =	vadd.s32 $0x3, v0  }
0xee: {  	v54 =	vadd.s32 $0x1E8480, v0;
	v0 =	vadd.s32 $0xFFF0BDC3, v0;
	[tilespmem:$0x1A00] =	vst v52;
	vm12 =	vgt.s32 v53, $0xF423F  }
0xef: {  	[tilespmem:$0x1AA0] =	vst v54;
	v0 =	vsel vm12, v0, v53  }
0xf0: {  	[tilespmem:$0x1B40] =	vst v0  }
0xf1: {  	v0 =	vld [tilespmem:s15+$0x1B0];
	_ =	sdelay $0x4  }
0xf2: {  	[tilespmem:$0x1970] =	vst v0;
	v55 =	vadd.s32 $0xF4240, v0;
	v56 =	vadd.s32 $0x3, v0  }
0xf3: {  	v57 =	vadd.s32 $0x1E8480, v0;
	v0 =	vadd.s32 $0xFFF0BDC3, v0;
	[tilespmem:$0x1A10] =	vst v55;
	vm13 =	vgt.s32 v56, $0xF423F  }
0xf4: {  	[tilespmem:$0x1AB0] =	vst v57;
	v0 =	vsel vm13, v0, v56  }
0xf5: {  	[tilespmem:$0x1B50] =	vst v0  }
0xf6: {  	v0 =	vld [tilespmem:s15+$0x1C0];
	_ =	sdelay $0x4  }
0xf7: {  	[tilespmem:$0x1980] =	vst v0;
	v58 =	vadd.s32 $0xF4240, v0;
	v59 =	vadd.s32 $0x3, v0  }
0xf8: {  	v60 =	vadd.s32 $0x1E8480, v0;
	v0 =	vadd.s32 $0xFFF0BDC3, v0;
	[tilespmem:$0x1A20] =	vst v58;
	vm14 =	vgt.s32 v59, $0xF423F  }
0xf9: {  	[tilespmem:$0x1AC0] =	vst v60;
	v0 =	vsel vm14, v0, v59  }
0xfa: {  	[tilespmem:$0x1B60] =	vst v0  }
0xfb: {  	v0 =	vld [tilespmem:s15+$0x1D0];
	_ =	sdelay $0x4  }
0xfc: {  	[tilespmem:$0x1990] =	vst v0;
	v61 =	vadd.s32 $0xF4240, v0;
	v62 =	vadd.s32 $0x3, v0  }
0xfd: {  	v63 =	vadd.s32 $0x1E8480, v0;
	v0 =	vadd.s32 $0xFFF0BDC3, v0;
	[tilespmem:$0x1A30] =	vst v61;
	vm15 =	vgt.s32 v62, $0xF423F  }
0xfe: {  	[tilespmem:$0x1AD0] =	vst v63;
	v0 =	vsel vm15, v0, v62  }
0xff: {  	[tilespmem:$0x1B70] =	vst v0  }
.LBB2_4:
0x100: {  	s19 =	simm.s32 $0x0  }
.LBB2_5:
0x101: {  	s28 =	sshll.u32 s19, $0xA  }
0x102: {  	v62 =	vld [tilespmem:s28+$0x7070];
	_ =	sdelay $0x4  }
0x103: {  	[tilespmem:$0x1FD30] =	vst v62;
	v62 =	vld [tilespmem:s28+$0x2080];
	_ =	sdelay $0x4  }
0x104: {  	s22 =	sshll.u32 s19, $0x4;
	[tilespmem:$0x1FD40] =	vst v62;
	v62 =	vld [tilespmem:s28+$0x4880]  }
0x105: {  	v17 =	vld [tilespmem:s22+$0x1D60]  }
0x106: {  	v18 =	vld [tilespmem:s22+$0x1E00]  }
0x107: {  	v16 =	vld [tilespmem:s22+$0x1EA0]  }
0x108: {  	v20 =	vld [tilespmem:s28+$0x1F40]  }
0x109: {  	[tilespmem:$0x1FD50] =	vst v62;
	v62 =	vld [tilespmem:s28+$0x7080]  }
0x10a: {  	v21 =	vld [tilespmem:s28+$0x4740]  }
0x10b: {  	v23 =	vld [tilespmem:s28+$0x6F40]  }
0x10c: {  	v24 =	vld [tilespmem:s28+$0x1F50]  }
0x10d: {  	v25 =	vld [tilespmem:s28+$0x4750]  }
0x10e: {  	[tilespmem:$0x1FDA0] =	vst v62;
	v62 =	vld [tilespmem:s28+$0x2090]  }
0x10f: {  	v28 =	vld [tilespmem:s28+$0x6F50]  }
0x110: {  	v30 =	vld [tilespmem:s28+$0x1F60]  }
0x111: {  	v32 =	vld [tilespmem:s28+$0x4760]  }
0x112: {  	v40 =	vld [tilespmem:s28+$0x6F60]  }
0x113: {  	[tilespmem:$0x1FD60] =	vst v62;
	v62 =	vld [tilespmem:s28+$0x4890]  }
0x114: {  	v39 =	vld [tilespmem:s28+$0x1F70]  }
0x115: {  	v54 =	vld [tilespmem:s28+$0x4770]  }
0x116: {  	v55 =	vld [tilespmem:s28+$0x6F70]  }
0x117: {  	v56 =	vld [tilespmem:s28+$0x1F80]  }
0x118: {  	[tilespmem:$0x1FD70] =	vst v62;
	v62 =	vld [tilespmem:s28+$0x7090]  }
0x119: {  	v59 =	vld [tilespmem:s28+$0x4780]  }
0x11a: {  	v63 =	vld [tilespmem:s28+$0x6F80]  }
0x11b: {  	v4 =	vld [tilespmem:s28+$0x1F90]  }
0x11c: {  	v3 =	vld [tilespmem:s28+$0x4790]  }
0x11d: {  	[tilespmem:$0x1FDB0] =	vst v62;
	v62 =	vld [tilespmem:s28+$0x20A0]  }
0x11e: {  	v8 =	vld [tilespmem:s28+$0x6F90]  }
0x11f: {  	v6 =	vld [tilespmem:s28+$0x1FA0]  }
0x120: {  	v9 =	vld [tilespmem:s28+$0x47A0]  }
0x121: {  	v11 =	vld [tilespmem:s28+$0x6FA0]  }
0x122: {  	[tilespmem:$0x1FD80] =	vst v62;
	v62 =	vld [tilespmem:s28+$0x48A0]  }
0x123: {  	v5 =	vld [tilespmem:s28+$0x1FB0]  }
0x124: {  	v7 =	vld [tilespmem:s28+$0x47B0]  }
0x125: {  	v10 =	vld [tilespmem:s28+$0x6FB0]  }
0x126: {  	v12 =	vld [tilespmem:s28+$0x1FC0]  }
0x127: {  	[tilespmem:$0x1FDC0] =	vst v62;
	v62 =	vld [tilespmem:s28+$0x70A0]  }
0x128: {  	v13 =	vld [tilespmem:s28+$0x47C0]  }
0x129: {  	v31 =	vld [tilespmem:s28+$0x6FC0]  }
0x12a: {  	v14 =	vld [tilespmem:s28+$0x1FD0]  }
0x12b: {  	v22 =	vld [tilespmem:s28+$0x47D0]  }
0x12c: {  	[tilespmem:$0x1FDE0] =	vst v62;
	v62 =	vld [tilespmem:s28+$0x20B0]  }
0x12d: {  	v29 =	vld [tilespmem:s28+$0x6FD0]  }
0x12e: {  	v19 =	vld [tilespmem:s28+$0x1FE0]  }
0x12f: {  	v27 =	vld [tilespmem:s28+$0x47E0]  }
0x130: {  	v33 =	vld [tilespmem:s28+$0x6FE0]  }
0x131: {  	[tilespmem:$0x1FD90] =	vst v62;
	v62 =	vld [tilespmem:s28+$0x48B0]  }
0x132: {  	v15 =	vld [tilespmem:s28+$0x1FF0]  }
0x133: {  	v26 =	vld [tilespmem:s28+$0x47F0]  }
0x134: {  	v35 =	vld [tilespmem:s28+$0x6FF0]  }
0x135: {  	v34 =	vld [tilespmem:s28+$0x2000]  }
0x136: {  	[tilespmem:$0x1FDD0] =	vst v62;
	v62 =	vld [tilespmem:s28+$0x70B0]  }
0x137: {  	v36 =	vld [tilespmem:s28+$0x4800]  }
0x138: {  	v43 =	vld [tilespmem:s28+$0x7000]  }
0x139: {  	v38 =	vld [tilespmem:s28+$0x2010]  }
0x13a: {  	v37 =	vld [tilespmem:s28+$0x4810]  }
0x13b: {  	[tilespmem:$0x1FDF0] =	vst v62;
	v62 =	vld [tilespmem:s28+$0x48C0]  }
0x13c: {  	v41 =	vld [tilespmem:s28+$0x7010]  }
0x13d: {  	v42 =	vld [tilespmem:s28+$0x2020]  }
0x13e: {  	v46 =	vld [tilespmem:s28+$0x4820]  }
0x13f: {  	v47 =	vld [tilespmem:s28+$0x7020]  }
0x140: {  	[tilespmem:$0x1FE10] =	vst v62;
	v62 =	vld [tilespmem:s28+$0x70C0]  }
0x141: {  	v44 =	vld [tilespmem:s28+$0x2030]  }
0x142: {  	v45 =	vld [tilespmem:s28+$0x4830]  }
0x143: {  	v48 =	vld [tilespmem:s28+$0x7030]  }
0x144: {  	v49 =	vld [tilespmem:s28+$0x2040]  }
0x145: {  	[tilespmem:$0x1FE40] =	vst v62;
	v62 =	vld [tilespmem:s28+$0x20D0]  }
0x146: {  	v0 =	vld [tilespmem:s28+$0x4860]  }
0x147: {  	v1 =	vld [tilespmem:s28+$0x20C0]  }
0x148: {  	v50 =	vld [tilespmem:s28+$0x4840]  }
0x149: {  	v58 =	vld [tilespmem:s28+$0x7040]  }
0x14a: {  	[tilespmem:$0x1FE20] =	vst v62;
	v62 =	vld [tilespmem:s28+$0x48D0]  }
0x14b: {  	v2 =	vimm.s32 $0x0;
	v52 =	vld [tilespmem:s28+$0x2050];
	[tilespmem:$0x1FD10] =	vst v0  }
0x14c: {  	v51 =	vld [tilespmem:s28+$0x4850];
	v0 =	vperm.xlane v17, v2;
	[tilespmem:$0x1FE00] =	vst v1;
	v1 =	vperm.xlane v18, v2  }
0x14d: {  	v61 =	vld [tilespmem:s28+$0x7050];
	v2 =	vperm.xlane v16, v2  }
0x14e: {  	v60 =	vld [tilespmem:s28+$0x7060];
	v20 =	vmul.f32 v20, v0;
	v21 =	vmul.f32 v21, v1  }
0x14f: {  	v24 =	vmul.f32 v24, v0;
	v25 =	vmul.f32 v25, v1;
	[tilespmem:$0x1FE30] =	vst v62;
	v62 =	vld [tilespmem:s28+$0x70D0]  }
0x150: {  	v57 =	vld [tilespmem:s28+$0x2060];
	v20 =	vadd.f32 v21, v20  }
0x151: {  	v53 =	vld [tilespmem:s28+$0x2070];
	v21 =	vmul.f32 v23, v2;
	v23 =	vadd.f32 v25, v24;
	v24 =	vmul.f32 v28, v2  }
0x152: {  	v25 =	vmul.f32 v30, v0;
	v30 =	vld [tilespmem:s28+$0x70E0]  }
0x153: {  	[tilespmem:$0x1FD20] =	vst v60;
	v60 =	vld [tilespmem:s28+$0x4870];
	v0 =	vmul.f32 v39, v0;
	v28 =	vadd.f32 v24, v23  }
0x154: {  	v39 =	vmul.f32 v32, v1;
	v1 =	vmul.f32 v54, v1;
	v20 =	vadd.f32 v21, v20;
	[tilespmem:$0x1FE50] =	vst v62;
	v62 =	vld [tilespmem:s28+$0x20E0]  }
0x155: {  	v32 =	vmul.f32 v40, v2;
	v40 =	vmul.f32 v55, v2;
	v54 =	vld [tilespmem:s28+$0x48F0];
	[tilespmem:$0x1FED0] =	vst v28;
	v28 =	vimm.s32 $0x1  }
0x156: {  	v0 =	vadd.f32 v1, v0;
	[tilespmem:$0x1FEC0] =	vst v20;
	v20 =	vadd.f32 v39, v25;
	v39 =	vld [tilespmem:s28+$0x20F0];
	v21 =	vperm.xlane v17, v28  }
0x157: {  	v55 =	vimm.s32 $0x2;
	[tilespmem:$0x1FE80] =	vst v30;
	v24 =	vperm.xlane v18, v28;
	v30 =	vld [tilespmem:s28+$0x70F0]  }
0x158: {  	v0 =	vadd.f32 v40, v0;
	v23 =	vperm.xlane v16, v28;
	v28 =	vld [tilespmem:s28+$0x4910];
	v2 =	vmul.f32 v56, v21  }
0x159: {  	v20 =	vadd.f32 v32, v20;
	v32 =	vmul.f32 v4, v21;
	v40 =	vmul.f32 v3, v24;
	[tilespmem:$0x1FE60] =	vst v62;
	v62 =	vld [tilespmem:s28+$0x48E0]  }
0x15a: {  	[tilespmem:$0x1FEF0] =	vst v0;
	v56 =	vld [tilespmem:s28+$0x2100];
	v1 =	vmul.f32 v5, v21;
	v5 =	vperm.xlane v18, v55  }
0x15b: {  	[tilespmem:$0x1FEE0] =	vst v20;
	v20 =	vmul.f32 v8, v23;
	v0 =	vadd.f32 v40, v32;
	v40 =	vld [tilespmem:s28+$0x2110]  }
0x15c: {  	[tilespmem:$0x1FE90] =	vst v30;
	v30 =	vmul.f32 v13, v5;
	v13 =	vld [tilespmem:s28+$0x7120]  }
0x15d: {  	v32 =	vmul.f32 v7, v24;
	v7 =	vld [tilespmem:s28+$0x2160];
	v0 =	vadd.f32 v20, v0  }
0x15e: {  	v20 =	vmul.f32 v11, v23;
	v11 =	vld [tilespmem:s28+$0x2180];
	[tilespmem:$0x1FE70] =	vst v62;
	v62 =	vmul.f32 v59, v24  }
0x15f: {  	v4 =	vperm.xlane v16, v55;
	[tilespmem:$0x1FF10] =	vst v0;
	v0 =	vperm.xlane v17, v55;
	v55 =	vld [tilespmem:s28+$0x4920]  }
0x160: {  	v2 =	vadd.f32 v62, v2;
	v62 =	vmul.f32 v63, v23;
	v63 =	vmul.f32 v6, v21;
	v21 =	vld [tilespmem:s28+$0x7100]  }
0x161: {  	[tilespmem:$0x1FEB0] =	vst v13;
	v13 =	vld [tilespmem:s28+$0x4950]  }
0x162: {  	v25 =	vmul.f32 v9, v24;
	v59 =	vld [tilespmem:s28+$0x4900];
	v2 =	vadd.f32 v62, v2  }
0x163: {  	v24 =	vld [tilespmem:s28+$0x2120]  }
0x164: {  	v1 =	vadd.f32 v32, v1;
	v32 =	vmul.f32 v14, v0;
	[tilespmem:$0x1FF00] =	vst v2;
	v2 =	vadd.f32 v25, v63;
	v63 =	vld [tilespmem:s28+$0x7110]  }
0x165: {  	v62 =	vmul.f32 v22, v5;
	[tilespmem:$0x1FEA0] =	vst v21;
	v21 =	vmul.f32 v10, v23;
	v10 =	vld [tilespmem:$0x1FD30]  }
0x166: {  	v25 =	vmul.f32 v26, v5;
	v23 =	vmul.f32 v12, v0;
	v2 =	vadd.f32 v20, v2;
	v20 =	vld [tilespmem:s28+$0x2130]  }
0x167: {  	v26 =	vimm.s32 $0x3;
	v12 =	vmul.f32 v19, v0;
	v1 =	vadd.f32 v21, v1;
	v21 =	vld [tilespmem:s28+$0x4930]  }
0x168: {  	v19 =	vmul.f32 v27, v5;
	v5 =	vperm.xlane v17, v26;
	v3 =	vadd.f32 v30, v23;
	v30 =	vld [tilespmem:s28+$0x2140]  }
0x169: {  	v14 =	vmul.f32 v31, v4;
	v0 =	vmul.f32 v15, v0;
	v23 =	vld [tilespmem:s28+$0x4940]  }
0x16a: {  	v15 =	vmul.f32 v29, v4;
	v29 =	vmul.f32 v34, v5;
	v34 =	vld [tilespmem:s28+$0x7140]  }
0x16b: {  	v27 =	vmul.f32 v33, v4;
	v4 =	vmul.f32 v35, v4;
	v6 =	vadd.f32 v19, v12;
	v12 =	vld [tilespmem:s28+$0x2150];
	[tilespmem:$0x1FF20] =	vst v2  }
0x16c: {  	v0 =	vadd.f32 v25, v0;
	v2 =	vperm.xlane v18, v26;
	[tilespmem:$0x1FF30] =	vst v1;
	v1 =	vadd.f32 v62, v32;
	v32 =	vld [tilespmem:s28+$0x7130]  }
0x16d: {  	v9 =	vperm.xlane v16, v26;
	v19 =	vmul.f32 v42, v5;
	v3 =	vadd.f32 v14, v3;
	v14 =	vld [tilespmem:s28+$0x4960]  }
0x16e: {  	v0 =	vadd.f32 v4, v0;
	v4 =	vld [tilespmem:s28+$0x4970];
	v31 =	vmul.f32 v36, v2;
	v37 =	vmul.f32 v37, v2  }
0x16f: {  	v25 =	vmul.f32 v46, v2;
	v26 =	vmul.f32 v45, v2;
	v2 =	vld [tilespmem:s28+$0x21B0]  }
0x170: {  	v22 =	vmul.f32 v44, v5;
	[tilespmem:$0x1FF40] =	vst v3;
	v3 =	vld [tilespmem:s28+$0x2170]  }
0x171: {  	v36 =	vmul.f32 v38, v5;
	v1 =	vadd.f32 v15, v1;
	v5 =	vadd.f32 v25, v19;
	v25 =	vld [tilespmem:s28+$0x7180]  }
0x172: {  	v33 =	vmul.f32 v47, v9;
	v19 =	vld [tilespmem:s28+$0x2190]  }
0x173: {  	v62 =	vmul.f32 v43, v9;
	v38 =	vadd.f32 v31, v29;
	[tilespmem:$0x1FF50] =	vst v1;
	v1 =	vadd.f32 v27, v6;
	v27 =	vld [tilespmem:s28+$0x7150]  }
0x174: {  	v29 =	vimm.s32 $0x4;
	v42 =	vadd.f32 v33, v5;
	v5 =	vld [tilespmem:s28+$0x7170]  }
0x175: {  	[tilespmem:$0x1FF70] =	vst v0;
	v35 =	vperm.xlane v18, v29;
	v0 =	vadd.f32 v62, v38;
	v38 =	vld [tilespmem:$0x1FD40]  }
0x176: {  	v31 =	vperm.xlane v17, v29;
	v44 =	vperm.xlane v16, v29;
	[tilespmem:$0x1FF60] =	vst v1;
	v1 =	vadd.f32 v37, v36;
	v36 =	vld [tilespmem:s28+$0x7160]  }
0x177: {  	v15 =	vmul.f32 v41, v9;
	v46 =	vmul.f32 v51, v35;
	v51 =	vld [tilespmem:$0x1FD10]  }
0x178: {  	v41 =	vmul.f32 v49, v31;
	v49 =	vmul.f32 v61, v44;
	v61 =	vld [tilespmem:$0x1FD20]  }
0x179: {  	v6 =	vmul.f32 v53, v31;
	v53 =	vmul.f32 v60, v35;
	v60 =	vld [tilespmem:s28+$0x71A0]  }
0x17a: {  	v9 =	vmul.f32 v48, v9;
	[tilespmem:$0x1FF80] =	vst v0;
	v0 =	vadd.f32 v26, v22;
	v22 =	vld [tilespmem:s28+$0x4990]  }
0x17b: {  	v43 =	vmul.f32 v50, v35;
	v45 =	vmul.f32 v52, v31;
	[tilespmem:$0x1FFA0] =	vst v42;
	v42 =	vld [tilespmem:$0x1FD50]  }
0x17c: {  	v47 =	vmul.f32 v58, v44;
	v48 =	vmul.f32 v57, v31;
	v57 =	vimm.s32 $0x5;
	v26 =	vld [tilespmem:s28+$0x21A0]  }
0x17d: {  	v1 =	vadd.f32 v15, v1;
	v15 =	vmul.f32 v10, v44;
	v6 =	vadd.f32 v53, v6;
	v53 =	vld [tilespmem:$0x1FDA0]  }
0x17e: {  	v8 =	vadd.f32 v43, v41;
	v52 =	vmul.f32 v51, v35;
	v62 =	vmul.f32 v61, v44;
	v44 =	vld [tilespmem:$0x1FD60]  }
0x17f: {  	v58 =	vperm.xlane v17, v57;
	v0 =	vadd.f32 v9, v0;
	v51 =	vld [tilespmem:$0x1FD80]  }
0x180: {  	v29 =	vperm.xlane v18, v57;
	v50 =	vadd.f32 v47, v8;
	v8 =	vadd.f32 v52, v48;
	v52 =	vld [tilespmem:$0x1FD90]  }
0x181: {  	v10 =	vld [tilespmem:$0x1FDC0];
	v41 =	vmul.f32 v38, v58;
	[tilespmem:$0x1FFB0] =	vst v0;
	v0 =	vadd.f32 v46, v45  }
0x182: {  	v9 =	vld [tilespmem:s28+$0x4980];
	v38 =	vperm.xlane v16, v57;
	v43 =	vmul.f32 v42, v29  }
0x183: {  	v47 =	vadd.f32 v15, v6;
	v0 =	vadd.f32 v49, v0;
	v49 =	vld [tilespmem:$0x1FD70]  }
0x184: {  	v6 =	vld [tilespmem:s28+$0x49B0];
	v57 =	vmul.f32 v53, v38;
	v35 =	vadd.f32 v43, v41;
	v46 =	vmul.f32 v44, v58  }
0x185: {  	v33 =	vmul.f32 v51, v58;
	v37 =	vmul.f32 v52, v58;
	v58 =	vld [tilespmem:$0x1FDB0]  }
0x186: {  	v51 =	vadd.f32 v57, v35;
	v57 =	vld [tilespmem:$0x1FDD0]  }
0x187: {  	[tilespmem:$0x1FFE0] =	vst v47;
	v47 =	vld [tilespmem:$0x1FDE0];
	v15 =	vmul.f32 v10, v29  }
0x188: {  	[tilespmem:$0x1FFC0] =	vst v50;
	v10 =	vld [tilespmem:$0x1FE00];
	v50 =	vmul.f32 v49, v29  }
0x189: {  	v33 =	vadd.f32 v15, v33;
	v15 =	vld [tilespmem:$0x1FE10]  }
0x18a: {  	v48 =	vadd.f32 v62, v8;
	v8 =	vadd.f32 v50, v46;
	v46 =	vld [tilespmem:$0x1FE20];
	v62 =	vmul.f32 v58, v38  }
0x18b: {  	v29 =	vmul.f32 v57, v29;
	v57 =	vld [tilespmem:$0x1FE30];
	v58 =	vimm.s32 $0x6  }
0x18c: {  	v49 =	vmul.f32 v47, v38;
	v47 =	vperm.xlane v18, v58;
	v50 =	vadd.f32 v62, v8;
	v62 =	vld [tilespmem:$0x1FDF0]  }
0x18d: {  	v45 =	vld [tilespmem:s28+$0x7190];
	v35 =	vperm.xlane v17, v58  }
0x18e: {  	v31 =	vmul.f32 v15, v47;
	v15 =	vld [tilespmem:$0x1FE40]  }
0x18f: {  	v61 =	vld [tilespmem:s28+$0x49A0];
	v43 =	vmul.f32 v10, v35  }
0x190: {  	v42 =	vld [tilespmem:s28+$0x71C0];
	v41 =	vadd.f32 v49, v33;
	v49 =	vmul.f32 v46, v35;
	v10 =	vmul.f32 v57, v47  }
0x191: {  	v53 =	vld [tilespmem:s28+$0x71B0];
	v29 =	vadd.f32 v29, v37;
	v58 =	vperm.xlane v16, v58;
	v38 =	vmul.f32 v62, v38  }
0x192: {  	v57 =	vld [tilespmem:$0x1FE60];
	v8 =	vadd.f32 v10, v49  }
0x193: {  	v49 =	vld [tilespmem:$0x1FE50];
	v33 =	vadd.f32 v38, v29;
	v29 =	vadd.f32 v31, v43;
	v31 =	vmul.f32 v15, v58  }
0x194: {  	v10 =	vld [tilespmem:$0x1FE70]  }
0x195: {  	[tilespmem:$0x1FF90] =	vst v1;
	v1 =	vimm.s32 $0x7;
	v38 =	vadd.f32 v31, v29;
	v29 =	vmul.f32 v39, v35;
	v39 =	vld [tilespmem:$0x1FE80]  }
0x196: {  	v37 =	vperm.xlane v17, v1;
	v31 =	vmul.f32 v54, v47;
	v54 =	vld [tilespmem:$0x1FE90]  }
0x197: {  	[tilespmem:$0x1FFD0] =	vst v0;
	v44 =	vld [tilespmem:s28+$0x21D0]  }
0x198: {  	v0 =	vperm.xlane v18, v1;
	[tilespmem:s28+$0x9860] =	vst v48;
	v48 =	vld [tilespmem:s28+$0x7270];
	v56 =	vmul.f32 v56, v37  }
0x199: {  	v52 =	vld [tilespmem:s28+$0x21C0];
	v57 =	vmul.f32 v57, v35;
	v15 =	vmul.f32 v10, v47  }
0x19a: {  	[tilespmem:s28+$0x98A0] =	vst v41;
	v41 =	vld [tilespmem:s28+$0x7290];
	v43 =	vmul.f32 v49, v58;
	v39 =	vmul.f32 v39, v58  }
0x19b: {  	v46 =	vld [tilespmem:s28+$0x71D0];
	v35 =	vadd.f32 v15, v57;
	v15 =	vmul.f32 v54, v58;
	v58 =	vmul.f32 v59, v0  }
0x19c: {  	[tilespmem:s28+$0x9890] =	vst v50;
	v50 =	vld [tilespmem:s28+$0x7280]  }
0x19d: {  	v56 =	vadd.f32 v58, v56;
	v58 =	vld [tilespmem:$0x1FEA0]  }
0x19e: {  	v62 =	vld [tilespmem:s28+$0x49C0]  }
0x19f: {  	v49 =	vld [tilespmem:s28+$0x49D0];
	v43 =	vadd.f32 v43, v8;
	v8 =	vadd.f32 v31, v29  }
0x1a0: {  	v10 =	vld [tilespmem:s28+$0x21F0];
	v59 =	vperm.xlane v16, v1;
	v35 =	vadd.f32 v39, v35  }
0x1a1: {  	v47 =	vld [tilespmem:s28+$0x21E0];
	v39 =	vadd.f32 v15, v8;
	v8 =	vmul.f32 v40, v37;
	v15 =	vmul.f32 v28, v0  }
0x1a2: {  	v24 =	vmul.f32 v24, v37;
	v57 =	vld [tilespmem:s28+$0x49E0];
	v1 =	vmul.f32 v58, v59  }
0x1a3: {  	v29 =	vld [tilespmem:s28+$0x2200];
	v37 =	vmul.f32 v20, v37;
	v63 =	vmul.f32 v63, v59;
	v8 =	vadd.f32 v15, v8  }
0x1a4: {  	[tilespmem:s28+$0x98C0] =	vst v38;
	v38 =	vld [tilespmem:s28+$0x72A0];
	v15 =	vmul.f32 v55, v0;
	v31 =	vadd.f32 v1, v56;
	v1 =	vimm.s32 $0x8  }
0x1a5: {  	v54 =	vld [tilespmem:s28+$0x71E0];
	v0 =	vmul.f32 v21, v0;
	v21 =	vadd.f32 v63, v8;
	v63 =	vperm.xlane v18, v1  }
0x1a6: {  	v40 =	vld [tilespmem:s28+$0x49F0]  }
0x1a7: {  	v0 =	vadd.f32 v0, v37;
	v37 =	vmul.f32 v23, v63;
	v23 =	vld [tilespmem:$0x1FED0]  }
0x1a8: {  	v55 =	vld [tilespmem:$0x1FEB0]  }
0x1a9: {  	v28 =	vld [tilespmem:s28+$0x71F0]  }
0x1aa: {  	v20 =	vld [tilespmem:s28+$0x4A00]  }
0x1ab: {  	v56 =	vld [tilespmem:$0x1FEC0]  }
0x1ac: {  	[tilespmem:s28+$0x9750] =	vst v23;
	v23 =	vld [tilespmem:$0x1FF10]  }
0x1ad: {  	v8 =	vld [tilespmem:s28+$0x7200];
	v24 =	vadd.f32 v15, v24;
	v55 =	vmul.f32 v55, v59  }
0x1ae: {  	v58 =	vld [tilespmem:s28+$0x2210];
	[tilespmem:$0x1FFF0] =	vst v21;
	v21 =	vperm.xlane v17, v1  }
0x1af: {  	v32 =	vmul.f32 v32, v59;
	v59 =	vld [tilespmem:s28+$0x4A10];
	v15 =	vadd.f32 v55, v24;
	v55 =	vperm.xlane v16, v1;
	[tilespmem:s28+$0x9900] =	vst v31  }
0x1b0: {  	v31 =	vld [tilespmem:s28+$0x22E0];
	v24 =	vmul.f32 v12, v21;
	[tilespmem:s28+$0x9740] =	vst v56  }
0x1b1: {  	v56 =	vadd.f32 v32, v0;
	v0 =	vmul.f32 v13, v63;
	[tilespmem:s28+$0x9790] =	vst v23;
	v23 =	vmul.f32 v36, v55;
	v36 =	vld [tilespmem:$0x1FF20]  }
0x1b2: {  	v30 =	vmul.f32 v30, v21;
	v12 =	vld [tilespmem:s28+$0x7210];
	v7 =	vmul.f32 v7, v21  }
0x1b3: {  	v32 =	vld [tilespmem:$0x1FEE0];
	v0 =	vadd.f32 v0, v24;
	v24 =	vmul.f32 v27, v55;
	v27 =	vmul.f32 v14, v63  }
0x1b4: {  	v3 =	vmul.f32 v3, v21;
	v4 =	vmul.f32 v4, v63;
	v14 =	vld [tilespmem:$0x1FF00]  }
0x1b5: {  	v21 =	vmul.f32 v34, v55;
	v5 =	vmul.f32 v5, v55;
	v7 =	vadd.f32 v27, v7;
	v55 =	vld [tilespmem:$0x1FF30]  }
0x1b6: {  	v30 =	vadd.f32 v37, v30;
	[tilespmem:s28+$0x97A0] =	vst v36;
	v36 =	vld [tilespmem:$0x1FF40]  }
0x1b7: {  	v1 =	vimm.s32 $0x9;
	[tilespmem:s28+$0x9920] =	vst v15;
	v4 =	vadd.f32 v4, v3;
	v3 =	vadd.f32 v23, v7;
	v23 =	vld [tilespmem:$0x1FF50]  }
0x1b8: {  	v34 =	vld [tilespmem:s28+$0x4A20];
	[tilespmem:s28+$0x9760] =	vst v32;
	v32 =	vadd.f32 v21, v30;
	v21 =	vperm.xlane v17, v1  }
0x1b9: {  	v15 =	vld [tilespmem:s28+$0x4AC0];
	[tilespmem:s28+$0x9780] =	vst v14;
	v14 =	vadd.f32 v24, v0;
	v24 =	vperm.xlane v18, v1  }
0x1ba: {  	v37 =	vld [tilespmem:$0x1FEF0];
	v11 =	vmul.f32 v11, v21;
	[tilespmem:s28+$0x97B0] =	vst v55  }
0x1bb: {  	v9 =	vmul.f32 v9, v24;
	v55 =	vperm.xlane v16, v1;
	[tilespmem:s28+$0x97C0] =	vst v36;
	v36 =	vld [tilespmem:$0x1FF60]  }
0x1bc: {  	[tilespmem:s28+$0x97D0] =	vst v23;
	v23 =	vmul.f32 v26, v21;
	v26 =	vld [tilespmem:$0x1FF70]  }
0x1bd: {  	v13 =	vld [tilespmem:s28+$0x2220];
	v4 =	vadd.f32 v5, v4;
	v5 =	vadd.f32 v9, v11;
	v9 =	vmul.f32 v25, v55  }
0x1be: {  	v63 =	vld [tilespmem:s28+$0x4A30];
	v7 =	vmul.f32 v19, v21;
	v19 =	vmul.f32 v22, v24  }
0x1bf: {  	v27 =	vld [tilespmem:s28+$0x7230];
	[tilespmem:s28+$0x9770] =	vst v37;
	v5 =	vadd.f32 v9, v5;
	v9 =	vmul.f32 v61, v24  }
0x1c0: {  	v7 =	vadd.f32 v19, v7;
	v19 =	vmul.f32 v60, v55;
	v61 =	vimm.s32 $0xA;
	[tilespmem:s28+$0x97E0] =	vst v36;
	v36 =	vld [tilespmem:$0x1FF80]  }
0x1c1: {  	v37 =	vld [tilespmem:s28+$0x7220];
	v9 =	vadd.f32 v9, v23;
	v23 =	vperm.xlane v17, v61;
	[tilespmem:s28+$0x97F0] =	vst v26;
	v26 =	vperm.xlane v18, v61  }
0x1c2: {  	v30 =	vld [tilespmem:s28+$0x2230]  }
0x1c3: {  	v9 =	vadd.f32 v19, v9;
	v19 =	vmul.f32 v52, v23;
	v52 =	vmul.f32 v62, v26;
	v62 =	vld [tilespmem:$0x1FFC0]  }
0x1c4: {  	v0 =	vld [tilespmem:s28+$0x2240];
	v2 =	vmul.f32 v2, v21;
	v6 =	vmul.f32 v6, v24  }
0x1c5: {  	[tilespmem:s28+$0x9800] =	vst v36;
	v36 =	vmul.f32 v53, v55;
	v53 =	vperm.xlane v16, v61;
	v61 =	vld [tilespmem:$0x1FFB0]  }
0x1c6: {  	[tilespmem:s28+$0x9940] =	vst v32;
	v32 =	vld [tilespmem:s28+$0x22F0]  }
0x1c7: {  	v22 =	vld [tilespmem:s28+$0x4A40];
	v2 =	vadd.f32 v6, v2  }
0x1c8: {  	v45 =	vmul.f32 v45, v55;
	[tilespmem:s28+$0x9840] =	vst v62;
	v62 =	vld [tilespmem:$0x1FFD0]  }
0x1c9: {  	v11 =	vld [tilespmem:s28+$0x7240];
	v2 =	vadd.f32 v36, v2;
	v36 =	vmul.f32 v44, v23;
	v42 =	vmul.f32 v42, v53  }
0x1ca: {  	v60 =	vld [tilespmem:$0x1FFA0];
	v44 =	vmul.f32 v47, v23;
	[tilespmem:s28+$0x9830] =	vst v61;
	v61 =	vmul.f32 v49, v26  }
0x1cb: {  	v25 =	vld [tilespmem:s28+$0x2250];
	v7 =	vadd.f32 v45, v7;
	v47 =	vmul.f32 v57, v26;
	v57 =	vmul.f32 v10, v23  }
0x1cc: {  	v45 =	vld [tilespmem:$0x1FF90];
	v26 =	vmul.f32 v40, v26;
	v6 =	vadd.f32 v61, v36;
	v61 =	vimm.s32 $0xB  }
0x1cd: {  	v21 =	vld [tilespmem:s28+$0x4A50];
	v46 =	vmul.f32 v46, v53;
	[tilespmem:s28+$0x9850] =	vst v62;
	v62 =	vperm.xlane v17, v61  }
0x1ce: {  	v24 =	vld [tilespmem:s28+$0x7250];
	v44 =	vadd.f32 v47, v44;
	v1 =	vadd.f32 v26, v57;
	v47 =	vperm.xlane v16, v61  }
0x1cf: {  	[tilespmem:s28+$0x9820] =	vst v60;
	v60 =	vld [tilespmem:s28+$0x7260];
	v6 =	vadd.f32 v46, v6;
	v46 =	vperm.xlane v18, v61;
	v57 =	vmul.f32 v29, v62  }
0x1d0: {  	v36 =	vld [tilespmem:$0x1FFE0];
	v8 =	vmul.f32 v8, v47;
	v58 =	vmul.f32 v58, v62  }
0x1d1: {  	[tilespmem:s28+$0x9810] =	vst v45;
	v45 =	vld [tilespmem:s28+$0x2260];
	v12 =	vmul.f32 v12, v47;
	v13 =	vmul.f32 v13, v62  }
0x1d2: {  	[tilespmem:s28+$0x98E0] =	vst v35;
	v19 =	vadd.f32 v52, v19;
	v52 =	vld [tilespmem:s28+$0x4A70];
	v35 =	vmul.f32 v37, v47;
	v62 =	vmul.f32 v30, v62  }
0x1d3: {  	v55 =	vld [tilespmem:s28+$0x4A60];
	v27 =	vmul.f32 v27, v47;
	v20 =	vmul.f32 v20, v46  }
0x1d4: {  	[tilespmem:s28+$0x9880] =	vst v51;
	v23 =	vld [tilespmem:s28+$0x2280];
	v61 =	vmul.f32 v59, v46;
	v34 =	vmul.f32 v34, v46  }
0x1d5: {  	v51 =	vimm.s32 $0xC;
	v49 =	vld [tilespmem:s28+$0x2270];
	v46 =	vmul.f32 v63, v46;
	[tilespmem:s28+$0x9870] =	vst v36;
	v36 =	vmul.f32 v54, v53  }
0x1d6: {  	v19 =	vadd.f32 v42, v19;
	v42 =	vld [tilespmem:s28+$0x4A80];
	v54 =	vmul.f32 v28, v53;
	v53 =	vperm.xlane v17, v51  }
0x1d7: {  	v40 =	vld [tilespmem:s28+$0x22B0];
	v20 =	vadd.f32 v20, v57;
	v26 =	vadd.f32 v61, v58;
	v58 =	vperm.xlane v16, v51  }
0x1d8: {  	v29 =	vld [tilespmem:s28+$0x2290];
	v1 =	vadd.f32 v54, v1;
	v54 =	vperm.xlane v18, v51;
	v0 =	vmul.f32 v0, v53  }
0x1d9: {  	[tilespmem:s28+$0x98D0] =	vst v43;
	v37 =	vld [tilespmem:s28+$0x4AA0];
	v59 =	vadd.f32 v46, v62;
	v25 =	vmul.f32 v25, v53;
	v43 =	vmul.f32 v45, v53  }
0x1da: {  	[tilespmem:s28+$0x98B0] =	vst v33;
	v30 =	vld [tilespmem:s28+$0x22C0];
	v33 =	vadd.f32 v36, v44;
	v47 =	vmul.f32 v49, v53;
	v11 =	vmul.f32 v11, v58  }
0x1db: {  	[tilespmem:s28+$0x98F0] =	vst v39;
	v28 =	vld [tilespmem:s28+$0x22A0];
	v44 =	vimm.s32 $0xD;
	v63 =	vmul.f32 v24, v58;
	v46 =	vmul.f32 v60, v58  }
0x1dc: {  	[tilespmem:s28+$0x9930] =	vst v56;
	v57 =	vld [tilespmem:$0x1FFF0];
	v13 =	vadd.f32 v34, v13;
	v51 =	vperm.xlane v17, v44;
	v61 =	vmul.f32 v22, v54  }
0x1dd: {  	[tilespmem:s28+$0x9970] =	vst v4;
	v34 =	vld [tilespmem:s28+$0x4AB0];
	v8 =	vadd.f32 v8, v20;
	v21 =	vmul.f32 v21, v54;
	v45 =	vmul.f32 v55, v54  }
0x1de: {  	[tilespmem:s28+$0x9950] =	vst v14;
	v36 =	vld [tilespmem:s28+$0x4A90];
	v12 =	vadd.f32 v12, v26;
	v49 =	vmul.f32 v52, v54;
	v52 =	vperm.xlane v18, v44  }
0x1df: {  	[tilespmem:s28+$0x9960] =	vst v3;
	v24 =	vld [tilespmem:s28+$0x72C0];
	v60 =	vimm.s32 $0xE;
	v54 =	vmul.f32 v48, v58;
	v55 =	vperm.xlane v16, v44  }
0x1e0: {  	[tilespmem:s28+$0x9980] =	vst v5;
	v13 =	vadd.f32 v35, v13;
	v26 =	vld [tilespmem:s28+$0x4AD0];
	v48 =	vperm.xlane v18, v60;
	v56 =	vmul.f32 v23, v51  }
0x1e1: {  	[tilespmem:s28+$0x9990] =	vst v7;
	v10 =	vadd.f32 v27, v59;
	v27 =	vld [tilespmem:s28+$0x72D0];
	v58 =	vmul.f32 v29, v51;
	v5 =	vmul.f32 v40, v51  }
0x1e2: {  	v35 =	vld [tilespmem:s28+$0x2330];
	[tilespmem:s28+$0x9910] =	vst v57;
	v0 =	vadd.f32 v61, v0;
	v62 =	vadd.f32 v21, v25;
	v57 =	vmul.f32 v42, v52  }
0x1e3: {  	[tilespmem:s28+$0x99A0] =	vst v9;
	v22 =	vld [tilespmem:s28+$0x72B0];
	v3 =	vadd.f32 v45, v43;
	v61 =	vmul.f32 v50, v55;
	v39 =	vmul.f32 v37, v52  }
0x1e4: {  	[tilespmem:s28+$0x99B0] =	vst v2;
	v23 =	vld [tilespmem:s28+$0x4AE0];
	v53 =	vadd.f32 v49, v47;
	v42 =	vmul.f32 v38, v55;
	v45 =	vmul.f32 v34, v52  }
0x1e5: {  	[tilespmem:s28+$0x99C0] =	vst v19;
	v29 =	vld [tilespmem:s28+$0x72E0];
	v49 =	vperm.xlane v16, v60;
	v59 =	vmul.f32 v36, v52;
	v0 =	vadd.f32 v11, v0  }
0x1e6: {  	[tilespmem:s28+$0x99D0] =	vst v6;
	v25 =	vld [tilespmem:s28+$0x22D0];
	v36 =	vmul.f32 v28, v51;
	v4 =	vadd.f32 v63, v62;
	v3 =	vadd.f32 v46, v3  }
0x1e7: {  	[tilespmem:s28+$0x99E0] =	vst v33;
	v43 =	vld [tilespmem:s28+$0x72F0];
	v2 =	vadd.f32 v54, v53;
	v9 =	vadd.f32 v57, v56;
	v62 =	vmul.f32 v41, v55  }
0x1e8: {  	[tilespmem:s28+$0x99F0] =	vst v1;
	v47 =	vld [tilespmem:s28+$0x2300];
	v46 =	vperm.xlane v17, v60;
	v5 =	vadd.f32 v45, v5;
	v54 =	vmul.f32 v15, v48  }
0x1e9: {  	[tilespmem:s28+$0x9A00] =	vst v8;
	v50 =	vld [tilespmem:s28+$0x4B00];
	v63 =	vadd.f32 v59, v58;
	v51 =	vmul.f32 v22, v55;
	v55 =	vmul.f32 v24, v49  }
0x1ea: {  	[tilespmem:s28+$0x9A10] =	vst v12;
	v41 =	vld [tilespmem:s28+$0x4AF0];
	v7 =	vadd.f32 v39, v36;
	v58 =	vmul.f32 v26, v48;
	v52 =	vmul.f32 v30, v46  }
0x1eb: {  	[tilespmem:s28+$0x9A20] =	vst v13;
	v53 =	vld [tilespmem:s28+$0x7300];
	v9 =	vadd.f32 v61, v9;
	v61 =	vmul.f32 v27, v49;
	v26 =	vmul.f32 v23, v48  }
0x1ec: {  	[tilespmem:s28+$0x9A30] =	vst v10;
	v56 =	vld [tilespmem:s28+$0x2310];
	v27 =	vimm.s32 $0xF;
	v30 =	vmul.f32 v32, v46;
	v32 =	vmul.f32 v29, v49  }
0x1ed: {  	v59 =	vld [tilespmem:s28+$0x4B10];
	[tilespmem:s28+$0x9A40] =	vst v0;
	v44 =	vadd.f32 v62, v63;
	v7 =	vadd.f32 v42, v7;
	v57 =	vmul.f32 v25, v46  }
0x1ee: {  	v39 =	vld [tilespmem:s28+$0x4B20];
	[tilespmem:s28+$0x9A50] =	vst v4;
	v5 =	vadd.f32 v51, v5;
	v62 =	vmul.f32 v31, v46;
	v37 =	vperm.xlane v17, v27  }
0x1ef: {  	[tilespmem:s28+$0x9A60] =	vst v3;
	v63 =	vld [tilespmem:s28+$0x7310];
	v38 =	vperm.xlane v18, v27;
	v40 =	vmul.f32 v43, v49;
	v60 =	vadd.f32 v54, v52  }
0x1f0: {  	[tilespmem:s28+$0x9A70] =	vst v2;
	v31 =	vld [tilespmem:s28+$0x2320];
	v25 =	vadd.f32 v58, v57;
	v8 =	vmul.f32 v41, v48;
	v41 =	vperm.xlane v16, v27  }
0x1f1: {  	v42 =	vld [tilespmem:s28+$0x4B30];
	v6 =	vadd.f32 v26, v62;
	[tilespmem:s28+$0x9A90] =	vst v44;
	v44 =	vmul.f32 v47, v37;
	v45 =	vmul.f32 v50, v38  }
0x1f2: {  	v46 =	vld [tilespmem:s28+$0x7320];
	[tilespmem:s28+$0x9A80] =	vst v9;
	v47 =	vmul.f32 v56, v37;
	v4 =	vmul.f32 v35, v37;
	v0 =	vadd.f32 v55, v60  }
0x1f3: {  	v49 =	vld [tilespmem:s28+$0x7330];
	[tilespmem:s28+$0x9AA0] =	vst v7;
	v50 =	vmul.f32 v59, v38;
	v36 =	vadd.f32 v61, v25;
	v43 =	vadd.f32 v8, v30  }
0x1f4: {  	[tilespmem:s28+$0x9AB0] =	vst v5;
	v3 =	vadd.f32 v32, v6;
	v51 =	vadd.f32 v45, v44;
	v52 =	vmul.f32 v53, v41  }
0x1f5: {  	v53 =	vmul.f32 v39, v38;
	v48 =	vmul.f32 v31, v37;
	[tilespmem:s28+$0x9AC0] =	vst v0;
	v54 =	vadd.f32 v50, v47  }
0x1f6: {  	v55 =	vmul.f32 v42, v38;
	v56 =	vmul.f32 v63, v41;
	v1 =	vadd.f32 v40, v43;
	[tilespmem:s28+$0x9AD0] =	vst v36  }
0x1f7: {  	p1 =	sne.s32 s19, $0x9;
	v58 =	vmul.f32 v46, v41;
	[tilespmem:s28+$0x9AE0] =	vst v3;
	v0 =	vadd.f32 v52, v51;
	v57 =	vadd.f32 v53, v48  }
.Ltmp3:
0x1f8: {  	v61 =	vmul.f32 v49, v41;
	v59 =	vadd.f32 v56, v54;
	v60 =	vadd.f32 v55, v4;
	[tilespmem:s28+$0x9AF0] =	vst v1;
	(pc) =	sbr.rel @p1 .LBB2_5-.Ltmp3, $4  }
0x1f9: {  	[tilespmem:s28+$0x9B00] =	vst v0;
	v62 =	vadd.f32 v58, v57  }
0x1fa: {  	[tilespmem:s28+$0x9B10] =	vst v59;
	v63 =	vadd.f32 v61, v60  }
0x1fb: {  	[tilespmem:s28+$0x9B20] =	vst v62  }
0x1fc: {  	s19 =	sadd.s32 $0x1, s19;
	[tilespmem:s28+$0x9B30] =	vst v63  }
0x1fd: {  	s19 =	sadd.s32 s4, s15  }
0x1fe: {  	s19 =	sshll.u32 s19, $0x3  }
0x1ff: {  	s19 =	sadd.s32 s2, s19  }
0x200: {  	[hbm4b:s19+s3] =	stream.linear.scatter [tilespmem:s16], [sflag:$0x3], $0x2800, $0x38;
	[tilespmem:$0x16580] =	vst v63  }
0x201: {  	s22 =	simm.s32 @!p0 $0x1900;
	s24 =	simm.s32 @!p0 $0x1B80;
	s19 =	simm.s32 @!p0 $0xA0  }
0x202: {  	[tilespmem:s24], [sflag:$0x1] =	stream.indirect.gather @!p0 [hbm4b:s5+s19], $0x1, s22, s19, $0xb8;
	[tilespmem:$0x16580] =	vst v63  }
0x203: {  	s22 =	simm.s32 @!p0 $0x1AE0;
	s24 =	simm.s32 @!p0 $0x1D60  }
0x204: {  	[tilespmem:s24], [sflag:$0x1] =	stream.indirect.gather @!p0 [hbm4b:s6+s19], $0x1, s22, s19, $0xb8;
	[tilespmem:$0x16580] =	vst v63  }
0x205: {  	s28 =	simm.s32 @!p0 $0x1C20;
	p1 =	seq.s32 @!p0 s21, $0x0;
	s24 =	simm.s32 @!p0 $0x19A0  }
0x206: {  	[tilespmem:s28], [sflag:$0x1] =	stream.indirect.gather @!p0 [hbm4b:s5+s19], $0x1, s24, s19, $0xb8;
	[tilespmem:$0x16580] =	vst v63  }
0x207: {  	p1 =	por p0, !p1;
	s24 =	simm.s32 @!p0 $0x1E00  }
0x208: {  	[tilespmem:s24], [sflag:$0x1] =	stream.indirect.gather @!p0 [hbm4b:s7+s19], $0x1, s22, s19, $0xb8;
	[tilespmem:$0x16580] =	vst v63  }
.Ltmp4:
0x209: {  	_ = 	snop;
	(pc) =	sbr.rel @!p1 .LBB2_8-.Ltmp4, $4  }
0x20a: {  	s28 =	simm.s32 @!p0 $0x1CC0;
	s24 =	simm.s32 @!p0 $0x1A40  }
0x20b: {  	[tilespmem:s28], [sflag:$0x1] =	stream.indirect.gather @!p0 [hbm4b:s5+s19], $0x1, s24, s19, $0xb8;
	[tilespmem:$0x16580] =	vst v63  }
0x20c: {  	s15 =	sadd.s32 @!p0 $0xA0, s15;
	s24 =	simm.s32 @!p0 $0x1EA0  }
0x20d: {  	[tilespmem:s24], [sflag:$0x1] =	stream.indirect.gather @!p0 [hbm4b:s8+s19], $0x1, s22, s19, $0xb8;
	[tilespmem:$0x16580] =	vst v63  }
0x20e: {  	_ =	swait.ge [sflag:s20], $0x2800  }
0x20f: {  	[sflag:s20] =	ssyncset.done $0x0  }
0x210: {  	s15 =	simm.s32 @p0 $0x1860;
	[sflag:s20] =	ssyncadd.s32 $0xFFFFD800  }
.LBB2_8:
0x211: {  	_ =	swait.ge [sflag:s23], $0x2800  }
0x212: {  	[sflag:s23] =	ssyncset.done $0x0  }
0x213: {  	[sflag:s23] =	ssyncadd.s32 $0xFFFFD800  }
0x214: {  	_ =	swait.ge [sflag:s23], $0x2800  }
.Ltmp5:
0x215: {  	[sflag:s23] =	ssyncset.done $0x0;
	(pc) =	sbr.rel @p0 .LBB2_10-.Ltmp5, $4  }
0x216: {  	[sflag:s23] =	ssyncadd.s32 $0xFFFFD800  }
0x217: {  	_ =	swait.ge [sflag:s23], $0x2800  }
0x218: {  	[sflag:s23] =	ssyncset.done $0x0  }
0x219: {  	[sflag:s23] =	ssyncadd.s32 $0xFFFFD800  }
0x21a: {  	_ =	swait.ge [sflag:s17], $0xA0  }
0x21b: {  	[sflag:s17] =	ssyncset.done $0x0  }
0x21c: {  	[sflag:s17] =	ssyncadd.s32 $0xFFFFFF60  }
0x21d: {  	_ =	swait.ge [sflag:s17], $0xA0  }
0x21e: {  	[sflag:s17] =	ssyncset.done $0x0  }
0x21f: {  	[sflag:s17] =	ssyncadd.s32 $0xFFFFFF60  }
0x220: {  	_ =	swait.ge [sflag:s17], $0xA0  }
0x221: {  	[sflag:s17] =	ssyncset.done $0x0  }
0x222: {  	[sflag:s17] =	ssyncadd.s32 $0xFFFFFF60  }
0x223: {  	_ =	swait.ge [sflag:s17], $0xA0  }
0x224: {  	[sflag:s17] =	ssyncset.done $0x0  }
0x225: {  	[sflag:s17] =	ssyncadd.s32 $0xFFFFFF60  }
0x226: {  	_ =	swait.ge [sflag:s17], $0xA0  }
0x227: {  	[sflag:s17] =	ssyncset.done $0x0  }
0x228: {  	[sflag:s17] =	ssyncadd.s32 $0xFFFFFF60  }
0x229: {  	_ =	swait.ge [sflag:s17], $0xA0  }
0x22a: {  	[sflag:s17] =	ssyncset.done $0x0  }
0x22b: {  	s19 =	simm.s32 $0x1B80;
	s22 =	simm.s32 $0x1F40;
	[sflag:s17] =	ssyncadd.s32 $0xFFFFFF60  }
0x22c: {  	[tilespmem:s22], [sflag:$0x2] =	stream.indirect.gather [hbm4b:s9+s13], $0x40, s19, s13, $0xb8;
	[tilespmem:$0x16580] =	vst v63  }
0x22d: {  	s24 =	simm.s32 $0x1C20;
	s28 =	simm.s32 $0x4740  }
0x22e: {  	[tilespmem:s28], [sflag:$0x2] =	stream.indirect.gather [hbm4b:s9+s13], $0x40, s24, s13, $0xb8;
	[tilespmem:$0x16580] =	vst v63  }
0x22f: {  	s24 =	simm.s32 $0x1CC0;
	s28 =	simm.s32 $0x6F40  }
0x230: {  	[tilespmem:s28], [sflag:$0x2] =	stream.indirect.gather [hbm4b:s9+s13], $0x40, s24, s13, $0xb8;
	[tilespmem:$0x16580] =	vst v63  }
0x231: {  	v0 =	vld [tilespmem:s15+$0x140];
	_ =	sdelay $0x4  }
0x232: {  	[tilespmem:$0xBF40] =	vst v0;
	v1 =	vadd.s32 $0xF4240, v0;
	v2 =	vadd.s32 $0x3, v0  }
0x233: {  	v36 =	vadd.s32 $0x1E8480, v0;
	v0 =	vadd.s32 $0xFFF0BDC3, v0;
	[tilespmem:$0xBFE0] =	vst v1;
	vm0 =	vgt.s32 v2, $0xF423F  }
0x234: {  	[tilespmem:$0xC080] =	vst v36;
	v0 =	vsel vm0, v0, v2  }
0x235: {  	[tilespmem:$0xC120] =	vst v0  }
0x236: {  	v0 =	vld [tilespmem:s15+$0x150];
	_ =	sdelay $0x4  }
0x237: {  	[tilespmem:$0xBF50] =	vst v0;
	v37 =	vadd.s32 $0xF4240, v0;
	v38 =	vadd.s32 $0x3, v0  }
0x238: {  	v39 =	vadd.s32 $0x1E8480, v0;
	v0 =	vadd.s32 $0xFFF0BDC3, v0;
	[tilespmem:$0xBFF0] =	vst v37;
	vm7 =	vgt.s32 v38, $0xF423F  }
0x239: {  	[tilespmem:$0xC090] =	vst v39;
	v0 =	vsel vm7, v0, v38  }
0x23a: {  	[tilespmem:$0xC130] =	vst v0  }
0x23b: {  	v0 =	vld [tilespmem:s15+$0x160];
	_ =	sdelay $0x4  }
0x23c: {  	[tilespmem:$0xBF60] =	vst v0;
	v40 =	vadd.s32 $0xF4240, v0;
	v41 =	vadd.s32 $0x3, v0  }
0x23d: {  	v42 =	vadd.s32 $0x1E8480, v0;
	v0 =	vadd.s32 $0xFFF0BDC3, v0;
	[tilespmem:$0xC000] =	vst v40;
	vm8 =	vgt.s32 v41, $0xF423F  }
0x23e: {  	[tilespmem:$0xC0A0] =	vst v42;
	v0 =	vsel vm8, v0, v41  }
0x23f: {  	[tilespmem:$0xC140] =	vst v0  }
0x240: {  	v0 =	vld [tilespmem:s15+$0x170];
	_ =	sdelay $0x4  }
0x241: {  	[tilespmem:$0xBF70] =	vst v0;
	v43 =	vadd.s32 $0xF4240, v0;
	v44 =	vadd.s32 $0x3, v0  }
0x242: {  	v45 =	vadd.s32 $0x1E8480, v0;
	v0 =	vadd.s32 $0xFFF0BDC3, v0;
	[tilespmem:$0xC010] =	vst v43;
	vm9 =	vgt.s32 v44, $0xF423F  }
0x243: {  	[tilespmem:$0xC0B0] =	vst v45;
	v0 =	vsel vm9, v0, v44  }
0x244: {  	[tilespmem:$0xC150] =	vst v0  }
0x245: {  	v0 =	vld [tilespmem:s15+$0x180];
	_ =	sdelay $0x4  }
0x246: {  	[tilespmem:$0xBF80] =	vst v0;
	v46 =	vadd.s32 $0xF4240, v0;
	v47 =	vadd.s32 $0x3, v0  }
0x247: {  	v48 =	vadd.s32 $0x1E8480, v0;
	v0 =	vadd.s32 $0xFFF0BDC3, v0;
	[tilespmem:$0xC020] =	vst v46;
	vm10 =	vgt.s32 v47, $0xF423F  }
0x248: {  	[tilespmem:$0xC0C0] =	vst v48;
	v0 =	vsel vm10, v0, v47  }
0x249: {  	[tilespmem:$0xC160] =	vst v0  }
0x24a: {  	v0 =	vld [tilespmem:s15+$0x190];
	_ =	sdelay $0x4  }
0x24b: {  	[tilespmem:$0xBF90] =	vst v0;
	v49 =	vadd.s32 $0xF4240, v0;
	v50 =	vadd.s32 $0x3, v0  }
0x24c: {  	v51 =	vadd.s32 $0x1E8480, v0;
	v0 =	vadd.s32 $0xFFF0BDC3, v0;
	[tilespmem:$0xC030] =	vst v49;
	vm11 =	vgt.s32 v50, $0xF423F  }
0x24d: {  	[tilespmem:$0xC0D0] =	vst v51;
	v0 =	vsel vm11, v0, v50  }
0x24e: {  	[tilespmem:$0xC170] =	vst v0  }
0x24f: {  	v0 =	vld [tilespmem:s15+$0x1A0];
	_ =	sdelay $0x4  }
0x250: {  	[tilespmem:$0xBFA0] =	vst v0;
	v52 =	vadd.s32 $0xF4240, v0;
	v53 =	vadd.s32 $0x3, v0  }
0x251: {  	v54 =	vadd.s32 $0x1E8480, v0;
	v0 =	vadd.s32 $0xFFF0BDC3, v0;
	[tilespmem:$0xC040] =	vst v52;
	vm12 =	vgt.s32 v53, $0xF423F  }
0x252: {  	[tilespmem:$0xC0E0] =	vst v54;
	v0 =	vsel vm12, v0, v53  }
0x253: {  	[tilespmem:$0xC180] =	vst v0  }
0x254: {  	v0 =	vld [tilespmem:s15+$0x1B0];
	_ =	sdelay $0x4  }
0x255: {  	[tilespmem:$0xBFB0] =	vst v0;
	v55 =	vadd.s32 $0xF4240, v0;
	v56 =	vadd.s32 $0x3, v0  }
0x256: {  	v57 =	vadd.s32 $0x1E8480, v0;
	v0 =	vadd.s32 $0xFFF0BDC3, v0;
	[tilespmem:$0xC050] =	vst v55;
	vm13 =	vgt.s32 v56, $0xF423F  }
0x257: {  	[tilespmem:$0xC0F0] =	vst v57;
	v0 =	vsel vm13, v0, v56  }
0x258: {  	[tilespmem:$0xC190] =	vst v0  }
0x259: {  	v0 =	vld [tilespmem:s15+$0x1C0];
	_ =	sdelay $0x4  }
0x25a: {  	[tilespmem:$0xBFC0] =	vst v0;
	v58 =	vadd.s32 $0xF4240, v0;
	v59 =	vadd.s32 $0x3, v0  }
0x25b: {  	v60 =	vadd.s32 $0x1E8480, v0;
	v0 =	vadd.s32 $0xFFF0BDC3, v0;
	[tilespmem:$0xC060] =	vst v58;
	vm14 =	vgt.s32 v59, $0xF423F  }
0x25c: {  	[tilespmem:$0xC100] =	vst v60;
	v0 =	vsel vm14, v0, v59  }
0x25d: {  	[tilespmem:$0xC1A0] =	vst v0  }
0x25e: {  	v0 =	vld [tilespmem:s15+$0x1D0];
	_ =	sdelay $0x4  }
0x25f: {  	[tilespmem:$0xBFD0] =	vst v0;
	v61 =	vadd.s32 $0xF4240, v0;
	v62 =	vadd.s32 $0x3, v0  }
0x260: {  	v63 =	vadd.s32 $0x1E8480, v0;
	v0 =	vadd.s32 $0xFFF0BDC3, v0;
	[tilespmem:$0xC070] =	vst v61;
	vm15 =	vgt.s32 v62, $0xF423F  }
0x261: {  	[tilespmem:$0xC110] =	vst v63;
	v0 =	vsel vm15, v0, v62  }
0x262: {  	[tilespmem:$0xC1B0] =	vst v0  }
.LBB2_10:
0x263: {  	s19 =	simm.s32 $0x0  }
.LBB2_11:
0x264: {  	s28 =	sshll.u32 s19, $0xA  }
0x265: {  	v62 =	vld [tilespmem:s28+$0x116B0];
	_ =	sdelay $0x4  }
0x266: {  	[tilespmem:$0x1FA30] =	vst v62;
	v62 =	vld [tilespmem:s28+$0xC6C0];
	_ =	sdelay $0x4  }
0x267: {  	[tilespmem:$0x1FA40] =	vst v62;
	v62 =	vld [tilespmem:s28+$0xEEC0];
	_ =	sdelay $0x4  }
0x268: {  	[tilespmem:$0x1FA50] =	vst v62;
	v62 =	vld [tilespmem:s28+$0x116C0]  }
0x269: {  	s22 =	sshll.u32 s19, $0x4  }
0x26a: {  	v17 =	vld [tilespmem:s22+$0xC3A0]  }
0x26b: {  	v18 =	vld [tilespmem:s22+$0xC440]  }
0x26c: {  	v16 =	vld [tilespmem:s22+$0xC4E0]  }
0x26d: {  	[tilespmem:$0x1FAA0] =	vst v62;
	v62 =	vld [tilespmem:s28+$0xC6D0]  }
0x26e: {  	v20 =	vld [tilespmem:s28+$0xC580]  }
0x26f: {  	v21 =	vld [tilespmem:s28+$0xED80]  }
0x270: {  	v23 =	vld [tilespmem:s28+$0x11580]  }
0x271: {  	v24 =	vld [tilespmem:s28+$0xC590]  }
0x272: {  	[tilespmem:$0x1FA60] =	vst v62;
	v62 =	vld [tilespmem:s28+$0xEED0]  }
0x273: {  	v25 =	vld [tilespmem:s28+$0xED90]  }
0x274: {  	v28 =	vld [tilespmem:s28+$0x11590]  }
0x275: {  	v30 =	vld [tilespmem:s28+$0xC5A0]  }
0x276: {  	v32 =	vld [tilespmem:s28+$0xEDA0]  }
0x277: {  	[tilespmem:$0x1FA70] =	vst v62;
	v62 =	vld [tilespmem:s28+$0x116D0]  }
0x278: {  	v40 =	vld [tilespmem:s28+$0x115A0]  }
0x279: {  	v39 =	vld [tilespmem:s28+$0xC5B0]  }
0x27a: {  	v54 =	vld [tilespmem:s28+$0xEDB0]  }
0x27b: {  	v55 =	vld [tilespmem:s28+$0x115B0]  }
0x27c: {  	[tilespmem:$0x1FAB0] =	vst v62;
	v62 =	vld [tilespmem:s28+$0xC6E0]  }
0x27d: {  	v56 =	vld [tilespmem:s28+$0xC5C0]  }
0x27e: {  	v59 =	vld [tilespmem:s28+$0xEDC0]  }
0x27f: {  	v63 =	vld [tilespmem:s28+$0x115C0]  }
0x280: {  	v4 =	vld [tilespmem:s28+$0xC5D0]  }
0x281: {  	[tilespmem:$0x1FA80] =	vst v62;
	v62 =	vld [tilespmem:s28+$0xEEE0]  }
0x282: {  	v3 =	vld [tilespmem:s28+$0xEDD0]  }
0x283: {  	v8 =	vld [tilespmem:s28+$0x115D0]  }
0x284: {  	v6 =	vld [tilespmem:s28+$0xC5E0]  }
0x285: {  	v9 =	vld [tilespmem:s28+$0xEDE0]  }
0x286: {  	[tilespmem:$0x1FAC0] =	vst v62;
	v62 =	vld [tilespmem:s28+$0x116E0]  }
0x287: {  	v11 =	vld [tilespmem:s28+$0x115E0]  }
0x288: {  	v5 =	vld [tilespmem:s28+$0xC5F0]  }
0x289: {  	v7 =	vld [tilespmem:s28+$0xEDF0]  }
0x28a: {  	v10 =	vld [tilespmem:s28+$0x115F0]  }
0x28b: {  	[tilespmem:$0x1FAE0] =	vst v62;
	v62 =	vld [tilespmem:s28+$0xC6F0]  }
0x28c: {  	v12 =	vld [tilespmem:s28+$0xC600]  }
0x28d: {  	v13 =	vld [tilespmem:s28+$0xEE00]  }
0x28e: {  	v31 =	vld [tilespmem:s28+$0x11600]  }
0x28f: {  	v14 =	vld [tilespmem:s28+$0xC610]  }
0x290: {  	[tilespmem:$0x1FA90] =	vst v62;
	v62 =	vld [tilespmem:s28+$0xEEF0]  }
0x291: {  	v22 =	vld [tilespmem:s28+$0xEE10]  }
0x292: {  	v29 =	vld [tilespmem:s28+$0x11610]  }
0x293: {  	v19 =	vld [tilespmem:s28+$0xC620]  }
0x294: {  	v27 =	vld [tilespmem:s28+$0xEE20]  }
0x295: {  	[tilespmem:$0x1FAD0] =	vst v62;
	v62 =	vld [tilespmem:s28+$0x116F0]  }
0x296: {  	v33 =	vld [tilespmem:s28+$0x11620]  }
0x297: {  	v15 =	vld [tilespmem:s28+$0xC630]  }
0x298: {  	v26 =	vld [tilespmem:s28+$0xEE30]  }
0x299: {  	v35 =	vld [tilespmem:s28+$0x11630]  }
0x29a: {  	[tilespmem:$0x1FAF0] =	vst v62;
	v62 =	vld [tilespmem:s28+$0xEF00]  }
0x29b: {  	v34 =	vld [tilespmem:s28+$0xC640]  }
0x29c: {  	v36 =	vld [tilespmem:s28+$0xEE40]  }
0x29d: {  	v43 =	vld [tilespmem:s28+$0x11640]  }
0x29e: {  	v38 =	vld [tilespmem:s28+$0xC650]  }
0x29f: {  	[tilespmem:$0x1FB10] =	vst v62;
	v62 =	vld [tilespmem:s28+$0x11700]  }
0x2a0: {  	v37 =	vld [tilespmem:s28+$0xEE50]  }
0x2a1: {  	v41 =	vld [tilespmem:s28+$0x11650]  }
0x2a2: {  	v42 =	vld [tilespmem:s28+$0xC660]  }
0x2a3: {  	v46 =	vld [tilespmem:s28+$0xEE60]  }
0x2a4: {  	[tilespmem:$0x1FB40] =	vst v62;
	v62 =	vld [tilespmem:s28+$0xC710]  }
0x2a5: {  	v47 =	vld [tilespmem:s28+$0x11660]  }
0x2a6: {  	v44 =	vld [tilespmem:s28+$0xC670]  }
0x2a7: {  	v45 =	vld [tilespmem:s28+$0xEE70]  }
0x2a8: {  	v48 =	vld [tilespmem:s28+$0x11670]  }
0x2a9: {  	[tilespmem:$0x1FB20] =	vst v62;
	v62 =	vld [tilespmem:s28+$0xEF10]  }
0x2aa: {  	v49 =	vld [tilespmem:s28+$0xC680]  }
0x2ab: {  	v0 =	vld [tilespmem:s28+$0xEEA0]  }
0x2ac: {  	v1 =	vld [tilespmem:s28+$0xC700]  }
0x2ad: {  	v50 =	vld [tilespmem:s28+$0xEE80]  }
0x2ae: {  	[tilespmem:$0x1FB30] =	vst v62;
	v62 =	vld [tilespmem:s28+$0x11710]  }
0x2af: {  	v58 =	vld [tilespmem:s28+$0x11680]  }
0x2b0: {  	v2 =	vimm.s32 $0x0;
	v52 =	vld [tilespmem:s28+$0xC690];
	[tilespmem:$0x1FA10] =	vst v0  }
0x2b1: {  	v51 =	vld [tilespmem:s28+$0xEE90];
	v0 =	vperm.xlane v17, v2;
	[tilespmem:$0x1FB00] =	vst v1;
	v1 =	vperm.xlane v18, v2  }
0x2b2: {  	v61 =	vld [tilespmem:s28+$0x11690];
	v2 =	vperm.xlane v16, v2  }
0x2b3: {  	v20 =	vmul.f32 v20, v0;
	v21 =	vmul.f32 v21, v1;
	[tilespmem:$0x1FB50] =	vst v62;
	v62 =	vld [tilespmem:s28+$0xC720]  }
0x2b4: {  	v60 =	vld [tilespmem:s28+$0x116A0];
	v24 =	vmul.f32 v24, v0;
	v25 =	vmul.f32 v25, v1  }
0x2b5: {  	v57 =	vld [tilespmem:s28+$0xC6A0];
	v20 =	vadd.f32 v21, v20  }
0x2b6: {  	v53 =	vld [tilespmem:s28+$0xC6B0];
	v21 =	vmul.f32 v23, v2;
	v23 =	vadd.f32 v25, v24;
	v24 =	vmul.f32 v28, v2  }
0x2b7: {  	v25 =	vmul.f32 v30, v0;
	v30 =	vld [tilespmem:s28+$0x11720]  }
0x2b8: {  	v28 =	vadd.f32 v24, v23;
	[tilespmem:$0x1FB60] =	vst v62;
	v62 =	vld [tilespmem:s28+$0xEF20]  }
0x2b9: {  	[tilespmem:$0x1FA20] =	vst v60;
	v60 =	vld [tilespmem:s28+$0xEEB0];
	v0 =	vmul.f32 v39, v0;
	v39 =	vmul.f32 v32, v1;
	v20 =	vadd.f32 v21, v20  }
0x2ba: {  	v1 =	vmul.f32 v54, v1;
	v54 =	vld [tilespmem:s28+$0xEF30];
	[tilespmem:$0x1FBD0] =	vst v28;
	v28 =	vimm.s32 $0x1  }
0x2bb: {  	v32 =	vmul.f32 v40, v2;
	[tilespmem:$0x1FBC0] =	vst v20;
	v20 =	vadd.f32 v39, v25;
	v39 =	vld [tilespmem:s28+$0xC730];
	v24 =	vperm.xlane v18, v28  }
0x2bc: {  	v0 =	vadd.f32 v1, v0;
	v21 =	vperm.xlane v17, v28;
	[tilespmem:$0x1FB80] =	vst v30;
	v23 =	vperm.xlane v16, v28;
	v28 =	vld [tilespmem:s28+$0xEF50]  }
0x2bd: {  	v20 =	vadd.f32 v32, v20;
	v32 =	vld [tilespmem:s28+$0x11730];
	v30 =	vmul.f32 v59, v24;
	[tilespmem:$0x1FB70] =	vst v62;
	v62 =	vmul.f32 v55, v2  }
0x2be: {  	v40 =	vmul.f32 v4, v21;
	v59 =	vld [tilespmem:s28+$0xEF40];
	v2 =	vmul.f32 v56, v21  }
0x2bf: {  	v4 =	vmul.f32 v6, v21;
	v56 =	vld [tilespmem:s28+$0xC740];
	v0 =	vadd.f32 v62, v0;
	v62 =	vmul.f32 v3, v24  }
0x2c0: {  	v25 =	vmul.f32 v5, v21;
	[tilespmem:$0x1FBE0] =	vst v20;
	v20 =	vmul.f32 v63, v23;
	v2 =	vadd.f32 v30, v2;
	v30 =	vld [tilespmem:s28+$0x11750]  }
0x2c1: {  	v63 =	vimm.s32 $0x2;
	[tilespmem:$0x1FBF0] =	vst v0;
	v0 =	vadd.f32 v62, v40;
	v40 =	vld [tilespmem:s28+$0x11740];
	v62 =	vmul.f32 v7, v24  }
0x2c2: {  	v5 =	vperm.xlane v18, v63;
	v55 =	vmul.f32 v9, v24;
	v2 =	vadd.f32 v20, v2;
	v7 =	vld [tilespmem:s28+$0xC7A0]  }
0x2c3: {  	[tilespmem:$0x1FB90] =	vst v32;
	v32 =	vmul.f32 v8, v23;
	v21 =	vmul.f32 v11, v23;
	v1 =	vadd.f32 v62, v25;
	v25 =	vld [tilespmem:s28+$0xC760]  }
0x2c4: {  	v23 =	vmul.f32 v10, v23;
	v20 =	vperm.xlane v17, v63;
	[tilespmem:$0x1FC00] =	vst v2;
	v2 =	vadd.f32 v55, v4;
	v55 =	vld [tilespmem:s28+$0xEF60]  }
0x2c5: {  	v9 =	vmul.f32 v13, v5;
	v0 =	vadd.f32 v32, v0;
	v4 =	vperm.xlane v16, v63;
	v63 =	vld [tilespmem:s28+$0x11760]  }
0x2c6: {  	v32 =	vmul.f32 v12, v20;
	v10 =	vmul.f32 v14, v20;
	[tilespmem:$0x1FBB0] =	vst v30;
	v30 =	vld [tilespmem:s28+$0xEF80]  }
0x2c7: {  	v12 =	vmul.f32 v19, v20;
	[tilespmem:$0x1FC10] =	vst v0;
	v0 =	vmul.f32 v15, v20;
	v20 =	vld [tilespmem:s28+$0xC770]  }
0x2c8: {  	v1 =	vadd.f32 v23, v1;
	v23 =	vld [tilespmem:s28+$0xEF70]  }
0x2c9: {  	v11 =	vmul.f32 v22, v5;
	v3 =	vadd.f32 v9, v32;
	v32 =	vld [tilespmem:s28+$0x11770]  }
0x2ca: {  	v19 =	vmul.f32 v26, v5;
	v2 =	vadd.f32 v21, v2;
	v15 =	vmul.f32 v27, v5;
	v27 =	vld [tilespmem:s28+$0xC780]  }
0x2cb: {  	v13 =	vmul.f32 v31, v4;
	v14 =	vmul.f32 v29, v4;
	v21 =	vimm.s32 $0x3;
	[tilespmem:$0x1FBA0] =	vst v40;
	v40 =	vld [tilespmem:s28+$0xC750]  }
0x2cc: {  	v22 =	vmul.f32 v33, v4;
	v5 =	vperm.xlane v17, v21;
	v6 =	vadd.f32 v15, v12;
	v12 =	vld [tilespmem:s28+$0xC790]  }
0x2cd: {  	v31 =	vimm.s32 $0x4;
	v62 =	vperm.xlane v16, v21;
	[tilespmem:$0x1FC30] =	vst v2;
	v2 =	vperm.xlane v18, v21;
	v21 =	vld [tilespmem:s28+$0xEF90]  }
0x2ce: {  	v4 =	vmul.f32 v35, v4;
	v33 =	vperm.xlane v17, v31;
	v3 =	vadd.f32 v13, v3;
	v13 =	vld [tilespmem:s28+$0x117B0]  }
0x2cf: {  	[tilespmem:$0x1FC40] =	vst v1;
	v1 =	vadd.f32 v11, v10;
	v26 =	vmul.f32 v34, v5;
	v34 =	vld [tilespmem:s28+$0x11780];
	v10 =	vmul.f32 v38, v5  }
0x2d0: {  	v0 =	vadd.f32 v19, v0;
	v19 =	vmul.f32 v41, v62;
	v24 =	vmul.f32 v44, v5;
	v38 =	vld [tilespmem:s28+$0x117A0]  }
0x2d1: {  	v41 =	vmul.f32 v49, v33;
	v44 =	vperm.xlane v16, v31;
	[tilespmem:$0x1FC50] =	vst v3;
	v3 =	vld [tilespmem:s28+$0xC7B0]  }
0x2d2: {  	v36 =	vmul.f32 v36, v2;
	v11 =	vmul.f32 v37, v2;
	v0 =	vadd.f32 v4, v0;
	v4 =	vld [tilespmem:s28+$0xEFB0]  }
0x2d3: {  	v37 =	vperm.xlane v18, v31;
	v49 =	vmul.f32 v61, v44;
	v61 =	vld [tilespmem:$0x1FA20]  }
0x2d4: {  	v15 =	vmul.f32 v43, v62;
	v1 =	vadd.f32 v14, v1;
	v14 =	vadd.f32 v36, v26;
	v36 =	vld [tilespmem:s28+$0x11790]  }
0x2d5: {  	v26 =	vmul.f32 v46, v2;
	v46 =	vmul.f32 v51, v37;
	v51 =	vld [tilespmem:$0x1FA10]  }
0x2d6: {  	[tilespmem:$0x1FC60] =	vst v1;
	v1 =	vadd.f32 v22, v6;
	v6 =	vmul.f32 v53, v33;
	v53 =	vmul.f32 v60, v37;
	v60 =	vld [tilespmem:s28+$0x117E0]  }
0x2d7: {  	[tilespmem:$0x1FC80] =	vst v0;
	v0 =	vadd.f32 v15, v14;
	v14 =	vld [tilespmem:s28+$0xEFA0]  }
0x2d8: {  	v22 =	vmul.f32 v42, v5;
	[tilespmem:$0x1FC70] =	vst v1;
	v1 =	vadd.f32 v11, v10;
	v11 =	vld [tilespmem:s28+$0xC7C0]  }
0x2d9: {  	v10 =	vld [tilespmem:$0x1FA30]  }
0x2da: {  	v5 =	vadd.f32 v26, v22;
	v22 =	vld [tilespmem:s28+$0xEFD0]  }
0x2db: {  	[tilespmem:$0x1FC20] =	vst v38;
	v38 =	vld [tilespmem:$0x1FA40]  }
0x2dc: {  	v29 =	vmul.f32 v45, v2;
	v26 =	vld [tilespmem:s28+$0xC7E0]  }
0x2dd: {  	v6 =	vadd.f32 v53, v6;
	v53 =	vld [tilespmem:$0x1FAA0]  }
0x2de: {  	[tilespmem:$0x1FC90] =	vst v0;
	v0 =	vadd.f32 v29, v24;
	v24 =	vld [tilespmem:s28+$0x117C0]  }
0x2df: {  	v35 =	vmul.f32 v47, v62;
	v1 =	vadd.f32 v19, v1;
	v19 =	vld [tilespmem:s28+$0xC7D0]  }
0x2e0: {  	v9 =	vmul.f32 v48, v62;
	v62 =	vmul.f32 v61, v44;
	v61 =	vld [tilespmem:s28+$0xEFE0]  }
0x2e1: {  	v45 =	vmul.f32 v52, v33;
	v42 =	vadd.f32 v35, v5;
	v5 =	vld [tilespmem:s28+$0xC7F0]  }
0x2e2: {  	v43 =	vmul.f32 v50, v37;
	v52 =	vmul.f32 v51, v37;
	v51 =	vld [tilespmem:$0x1FA80]  }
0x2e3: {  	v0 =	vadd.f32 v9, v0;
	v9 =	vld [tilespmem:s28+$0xEFC0]  }
0x2e4: {  	v48 =	vmul.f32 v57, v33;
	v47 =	vmul.f32 v58, v44;
	v8 =	vadd.f32 v43, v41;
	[tilespmem:$0x1FCB0] =	vst v42;
	v42 =	vld [tilespmem:$0x1FA50]  }
0x2e5: {  	v57 =	vimm.s32 $0x5;
	v15 =	vmul.f32 v10, v44;
	v44 =	vld [tilespmem:$0x1FA60]  }
0x2e6: {  	v58 =	vperm.xlane v17, v57;
	v50 =	vadd.f32 v47, v8;
	v8 =	vadd.f32 v52, v48;
	v52 =	vld [tilespmem:$0x1FA90]  }
0x2e7: {  	v10 =	vld [tilespmem:$0x1FAC0]  }
0x2e8: {  	v41 =	vmul.f32 v38, v58;
	v38 =	vperm.xlane v16, v57;
	[tilespmem:$0x1FCC0] =	vst v0;
	v0 =	vadd.f32 v46, v45;
	v45 =	vld [tilespmem:s28+$0x117D0]  }
0x2e9: {  	v29 =	vperm.xlane v18, v57;
	v47 =	vadd.f32 v15, v6;
	v6 =	vld [tilespmem:s28+$0xEFF0]  }
0x2ea: {  	v57 =	vmul.f32 v53, v38;
	v53 =	vld [tilespmem:s28+$0x117F0]  }
0x2eb: {  	v48 =	vadd.f32 v62, v8;
	v0 =	vadd.f32 v49, v0;
	v49 =	vld [tilespmem:$0x1FA70];
	v43 =	vmul.f32 v42, v29  }
0x2ec: {  	[tilespmem:$0x1FCF0] =	vst v47;
	v47 =	vld [tilespmem:$0x1FAE0]  }
0x2ed: {  	v33 =	vmul.f32 v51, v58;
	[tilespmem:s28+$0x13EA0] =	vst v48;
	v48 =	vld [tilespmem:s28+$0x118B0];
	v35 =	vadd.f32 v43, v41  }
0x2ee: {  	v46 =	vmul.f32 v44, v58;
	v37 =	vmul.f32 v52, v58;
	v58 =	vld [tilespmem:$0x1FAB0]  }
0x2ef: {  	v51 =	vadd.f32 v57, v35;
	v57 =	vld [tilespmem:$0x1FAD0]  }
0x2f0: {  	v15 =	vmul.f32 v10, v29;
	v10 =	vld [tilespmem:$0x1FB00]  }
0x2f1: {  	[tilespmem:$0x1FCD0] =	vst v50;
	v52 =	vld [tilespmem:s28+$0xC800];
	v50 =	vmul.f32 v49, v29  }
0x2f2: {  	v33 =	vadd.f32 v15, v33;
	v15 =	vld [tilespmem:$0x1FB10]  }
0x2f3: {  	v8 =	vadd.f32 v50, v46;
	v46 =	vld [tilespmem:$0x1FB20]  }
0x2f4: {  	v62 =	vmul.f32 v58, v38;
	v29 =	vmul.f32 v57, v29;
	v57 =	vld [tilespmem:$0x1FB30]  }
0x2f5: {  	v44 =	vld [tilespmem:s28+$0xC810];
	v49 =	vmul.f32 v47, v38;
	v58 =	vimm.s32 $0x6  }
0x2f6: {  	v35 =	vperm.xlane v17, v58;
	v47 =	vperm.xlane v18, v58;
	v50 =	vadd.f32 v62, v8;
	v62 =	vld [tilespmem:$0x1FAF0]  }
0x2f7: {  	v41 =	vld [tilespmem:s28+$0x11800];
	v43 =	vadd.f32 v49, v33  }
0x2f8: {  	v42 =	vmul.f32 v10, v35;
	v31 =	vmul.f32 v15, v47;
	v15 =	vld [tilespmem:$0x1FB40]  }
0x2f9: {  	[tilespmem:s28+$0x13EE0] =	vst v43;
	v43 =	vld [tilespmem:s28+$0xF0D0];
	v49 =	vmul.f32 v46, v35;
	v10 =	vmul.f32 v57, v47  }
0x2fa: {  	v58 =	vperm.xlane v16, v58;
	v57 =	vld [tilespmem:$0x1FB50]  }
0x2fb: {  	v29 =	vadd.f32 v29, v37;
	v38 =	vmul.f32 v62, v38;
	v8 =	vadd.f32 v10, v49;
	v10 =	vld [tilespmem:$0x1FB60]  }
0x2fc: {  	[tilespmem:s28+$0x13ED0] =	vst v50;
	v50 =	vld [tilespmem:s28+$0x118C0]  }
0x2fd: {  	v46 =	vld [tilespmem:s28+$0x11810];
	v33 =	vadd.f32 v38, v29;
	v29 =	vadd.f32 v31, v42;
	v31 =	vmul.f32 v15, v58  }
0x2fe: {  	v54 =	vmul.f32 v54, v47;
	v15 =	vld [tilespmem:$0x1FB70]  }
0x2ff: {  	v62 =	vld [tilespmem:s28+$0xF000];
	v42 =	vadd.f32 v31, v29;
	v29 =	vmul.f32 v39, v35;
	v38 =	vmul.f32 v57, v58  }
0x300: {  	v57 =	vmul.f32 v10, v35;
	v10 =	vld [tilespmem:$0x1FB80]  }
0x301: {  	[tilespmem:$0x1FCA0] =	vst v1;
	v1 =	vimm.s32 $0x7;
	v35 =	vadd.f32 v38, v8;
	v8 =	vadd.f32 v54, v29;
	v54 =	vld [tilespmem:$0x1FB90]  }
0x302: {  	[tilespmem:$0x1FCE0] =	vst v0;
	v0 =	vperm.xlane v18, v1;
	v49 =	vld [tilespmem:s28+$0xF010]  }
0x303: {  	v31 =	vmul.f32 v15, v47;
	v47 =	vld [tilespmem:s28+$0xC820]  }
0x304: {  	v29 =	vmul.f32 v28, v0;
	v28 =	vld [tilespmem:s28+$0x11830]  }
0x305: {  	v39 =	vperm.xlane v17, v1;
	v37 =	vadd.f32 v31, v57;
	v57 =	vld [tilespmem:s28+$0xF020]  }
0x306: {  	v15 =	vmul.f32 v10, v58;
	v2 =	vmul.f32 v54, v58;
	v58 =	vld [tilespmem:$0x1FBA0]  }
0x307: {  	v31 =	vld [tilespmem:$0x1FBB0]  }
0x308: {  	v56 =	vmul.f32 v56, v39;
	[tilespmem:s28+$0x13F10] =	vst v35;
	v35 =	vld [tilespmem:s28+$0xC8E0]  }
0x309: {  	v54 =	vld [tilespmem:s28+$0x11820];
	v38 =	vadd.f32 v15, v37;
	v15 =	vmul.f32 v59, v0;
	v59 =	vperm.xlane v16, v1  }
0x30a: {  	v10 =	vld [tilespmem:s28+$0xC830];
	v37 =	vadd.f32 v2, v8;
	v8 =	vmul.f32 v40, v39  }
0x30b: {  	v40 =	vld [tilespmem:s28+$0xF030];
	v56 =	vadd.f32 v15, v56;
	v15 =	vmul.f32 v58, v59  }
0x30c: {  	v25 =	vmul.f32 v25, v39;
	v39 =	vmul.f32 v20, v39;
	v2 =	vld [tilespmem:s28+$0x11840];
	v8 =	vadd.f32 v29, v8  }
0x30d: {  	v20 =	vmul.f32 v31, v59;
	v29 =	vld [tilespmem:s28+$0xC840];
	v31 =	vadd.f32 v15, v56;
	v15 =	vmul.f32 v55, v0  }
0x30e: {  	[tilespmem:s28+$0x13F20] =	vst v38;
	v38 =	vld [tilespmem:s28+$0xF0E0]  }
0x30f: {  	v32 =	vmul.f32 v32, v59;
	v0 =	vmul.f32 v23, v0;
	v25 =	vadd.f32 v15, v25;
	v15 =	vld [tilespmem:$0x1FBC0]  }
0x310: {  	v58 =	vmul.f32 v63, v59;
	v59 =	vld [tilespmem:s28+$0xC850];
	v1 =	vadd.f32 v20, v8;
	v23 =	vimm.s32 $0x8  }
0x311: {  	v63 =	vld [tilespmem:s28+$0xF050];
	v20 =	vperm.xlane v17, v23;
	v8 =	vperm.xlane v18, v23;
	v0 =	vadd.f32 v0, v39  }
0x312: {  	v55 =	vld [tilespmem:s28+$0xF040]  }
0x313: {  	v27 =	vmul.f32 v27, v20;
	v39 =	vmul.f32 v30, v8;
	v56 =	vadd.f32 v32, v0;
	v32 =	vld [tilespmem:$0x1FBE0]  }
0x314: {  	v30 =	vmul.f32 v21, v8;
	[tilespmem:s28+$0x13D80] =	vst v15;
	v15 =	vadd.f32 v58, v25;
	v58 =	vperm.xlane v16, v23;
	v23 =	vld [tilespmem:$0x1FBD0]  }
0x315: {  	[tilespmem:s28+$0x13F40] =	vst v31;
	v31 =	vld [tilespmem:s28+$0xC920];
	v7 =	vmul.f32 v7, v20;
	v25 =	vmul.f32 v12, v20  }
0x316: {  	v21 =	vld [tilespmem:s28+$0xC860];
	v3 =	vmul.f32 v3, v20;
	v27 =	vadd.f32 v39, v27;
	v20 =	vmul.f32 v34, v58  }
0x317: {  	v0 =	vadd.f32 v30, v25;
	v25 =	vmul.f32 v36, v58;
	v36 =	vld [tilespmem:$0x1FC30]  }
0x318: {  	[tilespmem:s28+$0x13DA0] =	vst v32;
	v32 =	vadd.f32 v20, v27;
	v27 =	vld [tilespmem:$0x1FC20]  }
0x319: {  	[tilespmem:s28+$0x13D90] =	vst v23;
	v23 =	vld [tilespmem:$0x1FC10]  }
0x31a: {  	v39 =	vld [tilespmem:$0x1FBF0]  }
0x31b: {  	v12 =	vld [tilespmem:s28+$0x11850]  }
0x31c: {  	[tilespmem:$0x1FD00] =	vst v1;
	v30 =	vmul.f32 v14, v8;
	v14 =	vld [tilespmem:$0x1FC00]  }
0x31d: {  	v4 =	vmul.f32 v4, v8;
	[tilespmem:s28+$0x13DE0] =	vst v36;
	v36 =	vld [tilespmem:$0x1FC50]  }
0x31e: {  	v13 =	vmul.f32 v13, v58;
	[tilespmem:s28+$0x13DD0] =	vst v23;
	v23 =	vmul.f32 v27, v58;
	v58 =	vld [tilespmem:$0x1FC40]  }
0x31f: {  	v1 =	vimm.s32 $0x9;
	v34 =	vld [tilespmem:s28+$0xF060];
	[tilespmem:s28+$0x13F60] =	vst v15;
	v7 =	vadd.f32 v30, v7  }
0x320: {  	v4 =	vadd.f32 v4, v3;
	v8 =	vperm.xlane v17, v1;
	v15 =	vld [tilespmem:s28+$0xF100];
	[tilespmem:s28+$0x13DB0] =	vst v39  }
0x321: {  	[tilespmem:s28+$0x13DC0] =	vst v14;
	v14 =	vadd.f32 v25, v0;
	v25 =	vperm.xlane v18, v1;
	v3 =	vadd.f32 v23, v7;
	v23 =	vld [tilespmem:$0x1FC60]  }
0x322: {  	v39 =	vld [tilespmem:s28+$0x11860];
	[tilespmem:s28+$0x13E00] =	vst v36;
	v7 =	vmul.f32 v19, v8  }
0x323: {  	v20 =	vld [tilespmem:s28+$0xC870];
	v36 =	vmul.f32 v22, v25;
	[tilespmem:s28+$0x13DF0] =	vst v58;
	v58 =	vperm.xlane v16, v1  }
0x324: {  	v11 =	vmul.f32 v11, v8;
	v30 =	vld [tilespmem:s28+$0x11870];
	v4 =	vadd.f32 v13, v4  }
0x325: {  	v13 =	vld [tilespmem:s28+$0x11880];
	v5 =	vmul.f32 v5, v8;
	v7 =	vadd.f32 v36, v7;
	v36 =	vmul.f32 v45, v58  }
0x326: {  	[tilespmem:s28+$0x13E10] =	vst v23;
	v23 =	vmul.f32 v26, v8;
	v8 =	vmul.f32 v61, v25;
	v26 =	vld [tilespmem:$0x1FC90]  }
0x327: {  	[tilespmem:s28+$0x13F80] =	vst v32;
	v32 =	vld [tilespmem:s28+$0xC930];
	v6 =	vmul.f32 v6, v25  }
0x328: {  	v0 =	vld [tilespmem:s28+$0xC880];
	v7 =	vadd.f32 v36, v7;
	v36 =	vmul.f32 v60, v58;
	v8 =	vadd.f32 v8, v23  }
0x329: {  	v9 =	vmul.f32 v9, v25;
	v27 =	vld [tilespmem:s28+$0xF070];
	v5 =	vadd.f32 v6, v5;
	v61 =	vimm.s32 $0xA  }
0x32a: {  	v6 =	vmul.f32 v53, v58;
	v53 =	vperm.xlane v16, v61;
	v8 =	vadd.f32 v36, v8;
	v36 =	vld [tilespmem:$0x1FCD0]  }
0x32b: {  	v23 =	vperm.xlane v17, v61;
	[tilespmem:s28+$0x13E40] =	vst v26;
	v26 =	vperm.xlane v18, v61;
	v61 =	vld [tilespmem:$0x1FCC0]  }
0x32c: {  	v22 =	vld [tilespmem:s28+$0xF080]  }
0x32d: {  	v9 =	vadd.f32 v9, v11;
	v11 =	vmul.f32 v24, v58;
	v24 =	vld [tilespmem:$0x1FC70]  }
0x32e: {  	v45 =	vld [tilespmem:$0x1FC80];
	v41 =	vmul.f32 v41, v53;
	v46 =	vmul.f32 v46, v53  }
0x32f: {  	v25 =	vld [tilespmem:s28+$0x11890];
	v19 =	vmul.f32 v52, v23;
	v52 =	vmul.f32 v62, v26;
	[tilespmem:s28+$0x13E80] =	vst v36  }
0x330: {  	v9 =	vadd.f32 v11, v9;
	v62 =	vmul.f32 v49, v26;
	v36 =	vld [tilespmem:$0x1FCE0];
	[tilespmem:s28+$0x13E70] =	vst v61;
	v61 =	vmul.f32 v44, v23  }
0x331: {  	v11 =	vld [tilespmem:s28+$0xF090];
	v5 =	vadd.f32 v6, v5;
	v57 =	vmul.f32 v57, v26;
	v44 =	vmul.f32 v47, v23  }
0x332: {  	v60 =	vld [tilespmem:$0x1FCB0];
	v26 =	vmul.f32 v40, v26;
	v6 =	vadd.f32 v62, v61;
	v62 =	vmul.f32 v10, v23  }
0x333: {  	v58 =	vld [tilespmem:s28+$0xF0A0];
	[tilespmem:s28+$0x13E20] =	vst v24;
	v10 =	vimm.s32 $0xB;
	v44 =	vadd.f32 v57, v44;
	v57 =	vmul.f32 v28, v53  }
0x334: {  	v24 =	vld [tilespmem:s28+$0xC890];
	[tilespmem:s28+$0x13E30] =	vst v45;
	v40 =	vperm.xlane v17, v10;
	v47 =	vperm.xlane v16, v10  }
0x335: {  	v45 =	vld [tilespmem:$0x1FCA0];
	v19 =	vadd.f32 v52, v19;
	[tilespmem:s28+$0x13E90] =	vst v36;
	v36 =	vmul.f32 v54, v53;
	v54 =	vperm.xlane v18, v10  }
0x336: {  	v61 =	vld [tilespmem:$0x1FCF0];
	v2 =	vmul.f32 v2, v47;
	v10 =	vmul.f32 v59, v40  }
0x337: {  	[tilespmem:s28+$0x13E60] =	vst v60;
	v60 =	vld [tilespmem:s28+$0x118A0];
	v19 =	vadd.f32 v41, v19;
	v12 =	vmul.f32 v12, v47;
	v21 =	vmul.f32 v21, v40  }
0x338: {  	[tilespmem:s28+$0x13EC0] =	vst v51;
	v49 =	vld [tilespmem:s28+$0xC8B0];
	v6 =	vadd.f32 v46, v6;
	v53 =	vmul.f32 v39, v47;
	v20 =	vmul.f32 v20, v40  }
0x339: {  	[tilespmem:s28+$0x13EF0] =	vst v33;
	v52 =	vld [tilespmem:s28+$0xF0B0];
	v1 =	vadd.f32 v26, v62;
	v30 =	vmul.f32 v30, v47;
	v62 =	vmul.f32 v55, v54  }
0x33a: {  	[tilespmem:s28+$0x13E50] =	vst v45;
	v45 =	vld [tilespmem:s28+$0xC8A0];
	v33 =	vadd.f32 v36, v44;
	v51 =	vmul.f32 v63, v54;
	v34 =	vmul.f32 v34, v54  }
0x33b: {  	v41 =	vld [tilespmem:s28+$0xF0C0];
	v27 =	vmul.f32 v27, v54;
	v54 =	vimm.s32 $0xC;
	[tilespmem:s28+$0x13EB0] =	vst v61;
	v61 =	vmul.f32 v29, v40  }
0x33c: {  	v23 =	vld [tilespmem:s28+$0xC8C0];
	v1 =	vadd.f32 v57, v1;
	v55 =	vperm.xlane v17, v54;
	v57 =	vperm.xlane v18, v54  }
0x33d: {  	v39 =	vld [tilespmem:s28+$0xC8F0];
	v36 =	vimm.s32 $0xE;
	v28 =	vadd.f32 v62, v61;
	v61 =	vperm.xlane v16, v54  }
0x33e: {  	v59 =	vld [tilespmem:$0x1FD00];
	v26 =	vadd.f32 v51, v10;
	v0 =	vmul.f32 v0, v55;
	v63 =	vmul.f32 v22, v57  }
0x33f: {  	[tilespmem:s28+$0x13F00] =	vst v42;
	v44 =	vld [tilespmem:s28+$0x118D0];
	v21 =	vadd.f32 v34, v21;
	v24 =	vmul.f32 v24, v55;
	v11 =	vmul.f32 v11, v57  }
0x340: {  	[tilespmem:s28+$0x13F30] =	vst v37;
	v29 =	vld [tilespmem:s28+$0xC8D0];
	v62 =	vadd.f32 v27, v20;
	v42 =	vmul.f32 v45, v55;
	v46 =	vmul.f32 v58, v57  }
0x341: {  	[tilespmem:s28+$0x13F70] =	vst v56;
	v34 =	vld [tilespmem:s28+$0xF0F0];
	v45 =	vimm.s32 $0xD;
	v49 =	vmul.f32 v49, v55;
	v51 =	vmul.f32 v52, v57  }
0x342: {  	[tilespmem:s28+$0x13FB0] =	vst v4;
	v22 =	vld [tilespmem:s28+$0x118F0];
	v21 =	vadd.f32 v53, v21;
	v52 =	vperm.xlane v17, v45;
	v53 =	vperm.xlane v18, v45  }
0x343: {  	[tilespmem:s28+$0x13F90] =	vst v14;
	v27 =	vld [tilespmem:s28+$0xC900];
	v12 =	vadd.f32 v12, v26;
	v56 =	vperm.xlane v16, v45;
	v45 =	vperm.xlane v17, v36  }
0x344: {  	[tilespmem:s28+$0x13FA0] =	vst v3;
	v26 =	vld [tilespmem:s28+$0xF110];
	v2 =	vadd.f32 v2, v28;
	v13 =	vmul.f32 v13, v61;
	v40 =	vmul.f32 v25, v61  }
0x345: {  	[tilespmem:s28+$0x13FC0] =	vst v9;
	v28 =	vld [tilespmem:s28+$0x118E0];
	v11 =	vadd.f32 v11, v24;
	v47 =	vmul.f32 v60, v61;
	v55 =	vmul.f32 v48, v61  }
0x346: {  	[tilespmem:s28+$0x13FD0] =	vst v7;
	v24 =	vld [tilespmem:s28+$0x11900];
	v54 =	vadd.f32 v51, v49;
	v48 =	vperm.xlane v18, v36;
	v49 =	vperm.xlane v16, v36  }
0x347: {  	[tilespmem:s28+$0x13FF0] =	vst v5;
	v10 =	vadd.f32 v30, v62;
	v25 =	vld [tilespmem:s28+$0xC910];
	v57 =	vmul.f32 v23, v52;
	v58 =	vmul.f32 v41, v53  }
0x348: {  	[tilespmem:s28+$0x13F50] =	vst v59;
	v0 =	vadd.f32 v63, v0;
	v30 =	vld [tilespmem:s28+$0x11910];
	v59 =	vmul.f32 v29, v52;
	v60 =	vmul.f32 v43, v53  }
0x349: {  	[tilespmem:s28+$0x13FE0] =	vst v8;
	v3 =	vadd.f32 v46, v42;
	v42 =	vld [tilespmem:s28+$0x11930];
	v61 =	vmul.f32 v50, v56;
	v62 =	vmul.f32 v44, v56  }
0x34a: {  	[tilespmem:s28+$0x14000] =	vst v19;
	v46 =	vld [tilespmem:s28+$0xC940];
	v37 =	vmul.f32 v35, v52;
	v38 =	vmul.f32 v38, v53;
	v0 =	vadd.f32 v13, v0  }
0x34b: {  	[tilespmem:s28+$0x14010] =	vst v6;
	v23 =	vld [tilespmem:s28+$0xF120];
	v9 =	vmul.f32 v39, v52;
	v4 =	vadd.f32 v40, v11;
	v3 =	vadd.f32 v47, v3  }
0x34c: {  	[tilespmem:s28+$0x14020] =	vst v33;
	v29 =	vld [tilespmem:s28+$0x11920];
	v5 =	vadd.f32 v55, v54;
	v44 =	vmul.f32 v34, v53;
	v8 =	vadd.f32 v58, v57  }
0x34d: {  	[tilespmem:s28+$0x14030] =	vst v1;
	v50 =	vld [tilespmem:s28+$0xF140];
	v54 =	vmul.f32 v15, v48;
	v63 =	vadd.f32 v60, v59;
	v47 =	vadd.f32 v38, v37  }
0x34e: {  	[tilespmem:s28+$0x14050] =	vst v12;
	v35 =	vld [tilespmem:s28+$0xC970];
	v51 =	vmul.f32 v22, v56;
	v52 =	vmul.f32 v27, v45;
	v6 =	vadd.f32 v44, v9  }
0x34f: {  	[tilespmem:s28+$0x14060] =	vst v21;
	v40 =	vld [tilespmem:s28+$0xF130];
	v58 =	vmul.f32 v26, v48;
	v8 =	vadd.f32 v61, v8;
	v41 =	vmul.f32 v28, v56  }
0x350: {  	[tilespmem:s28+$0x14040] =	vst v2;
	v53 =	vld [tilespmem:s28+$0x11940];
	v43 =	vadd.f32 v62, v63;
	v55 =	vmul.f32 v24, v49;
	v57 =	vmul.f32 v25, v45  }
0x351: {  	[tilespmem:s28+$0x14070] =	vst v10;
	v59 =	vld [tilespmem:s28+$0xF150];
	v60 =	vadd.f32 v54, v52;
	v61 =	vmul.f32 v30, v49;
	v62 =	vmul.f32 v31, v45  }
0x352: {  	v38 =	vld [tilespmem:s28+$0xF160];
	[tilespmem:s28+$0x14080] =	vst v0;
	v30 =	vimm.s32 $0xF;
	v31 =	vmul.f32 v32, v45;
	v27 =	vmul.f32 v23, v48  }
0x353: {  	[tilespmem:s28+$0x14090] =	vst v4;
	v56 =	vld [tilespmem:s28+$0xC950];
	v6 =	vadd.f32 v51, v6;
	v34 =	vmul.f32 v29, v49;
	v36 =	vperm.xlane v17, v30  }
0x354: {  	[tilespmem:s28+$0x140A0] =	vst v3;
	v63 =	vld [tilespmem:s28+$0x11950];
	v37 =	vperm.xlane v18, v30;
	v2 =	vadd.f32 v41, v47;
	v7 =	vmul.f32 v40, v48  }
0x355: {  	[tilespmem:s28+$0x140B0] =	vst v5;
	v32 =	vld [tilespmem:s28+$0xC960];
	v26 =	vadd.f32 v58, v57;
	v40 =	vmul.f32 v42, v49;
	v41 =	vperm.xlane v16, v30  }
0x356: {  	v0 =	vadd.f32 v55, v60;
	[tilespmem:s28+$0x140C0] =	vst v8;
	v42 =	vld [tilespmem:s28+$0xF170];
	v44 =	vmul.f32 v46, v36;
	v45 =	vmul.f32 v50, v37  }
0x357: {  	[tilespmem:s28+$0x140D0] =	vst v43;
	v39 =	vadd.f32 v27, v62;
	v46 =	vld [tilespmem:s28+$0x11960];
	v5 =	vmul.f32 v35, v36;
	v51 =	vmul.f32 v59, v37  }
0x358: {  	v50 =	vld [tilespmem:s28+$0x11970];
	[tilespmem:s28+$0x140F0] =	vst v6;
	v54 =	vmul.f32 v38, v37;
	v4 =	vadd.f32 v61, v26;
	v43 =	vadd.f32 v7, v31  }
0x359: {  	[tilespmem:s28+$0x140E0] =	vst v2;
	v53 =	vmul.f32 v53, v41;
	v47 =	vadd.f32 v34, v39;
	v48 =	vmul.f32 v56, v36  }
0x35a: {  	[tilespmem:s28+$0x14100] =	vst v0;
	v49 =	vmul.f32 v32, v36;
	v52 =	vadd.f32 v45, v44;
	v56 =	vmul.f32 v63, v41  }
0x35b: {  	v1 =	vadd.f32 v40, v43;
	[tilespmem:s28+$0x14110] =	vst v4;
	v3 =	vadd.f32 v51, v48;
	v55 =	vmul.f32 v42, v37  }
0x35c: {  	p1 =	sne.s32 s19, $0x9;
	[tilespmem:s28+$0x14120] =	vst v47;
	v0 =	vadd.f32 v53, v52;
	v57 =	vadd.f32 v54, v49;
	v58 =	vmul.f32 v46, v41  }
.Ltmp6:
0x35d: {  	[tilespmem:s28+$0x14130] =	vst v1;
	v61 =	vmul.f32 v50, v41;
	v59 =	vadd.f32 v56, v3;
	v60 =	vadd.f32 v55, v5;
	(pc) =	sbr.rel @p1 .LBB2_11-.Ltmp6, $4  }
0x35e: {  	[tilespmem:s28+$0x14140] =	vst v0;
	v62 =	vadd.f32 v58, v57  }
0x35f: {  	[tilespmem:s28+$0x14150] =	vst v59;
	v63 =	vadd.f32 v61, v60  }
0x360: {  	[tilespmem:s28+$0x14160] =	vst v62  }
0x361: {  	s19 =	sadd.s32 $0x1, s19;
	[tilespmem:s28+$0x14170] =	vst v63  }
.Ltmp7:
0x362: {  	s15 =	sadd.s32 s4, s15;
	(pc) =	sbr.rel @p0 .LBB2_14-.Ltmp7, $4  }
0x363: {  	s15 =	sshll.u32 s15, $0x3  }
0x364: {  	s15 =	sand.u32 $0x1FFFFF00, s15  }
0x365: {  	s15 =	sadd.s32 s2, s15  }
0x366: {  	[hbm4b:s15+s3] =	stream.linear.scatter [tilespmem:s18], [sflag:$0x3], $0x2800, $0x38;
	[tilespmem:$0x16580] =	vst v63  }
0x367: {  	s15 =	simm.s32 $0xBF40  }
0x368: {  	[tilespmem:s25], [sflag:$0x1] =	stream.indirect.gather [hbm4b:s5+s13], $0x1, s15, s13, $0xb8;
	[tilespmem:$0x16580] =	vst v63  }
0x369: {  	s28 =	simm.s32 $0xC3A0  }
0x36a: {  	[tilespmem:s28], [sflag:$0x1] =	stream.indirect.gather [hbm4b:s6+s13], $0x1, s26, s13, $0xb8;
	[tilespmem:$0x16580] =	vst v63  }
0x36b: {  	_ = 	snop  }
0x36c: {  	[tilespmem:s30], [sflag:$0x1] =	stream.indirect.gather [hbm4b:s5+s13], $0x1, s29, s13, $0xb8;
	[tilespmem:$0x16580] =	vst v63  }
0x36d: {  	_ = 	snop  }
0x36e: {  	[tilespmem:s31], [sflag:$0x1] =	stream.indirect.gather [hbm4b:s7+s13], $0x1, s26, s13, $0xb8;
	[tilespmem:$0x16580] =	vst v63  }
.Ltmp8:
0x36f: {  	_ = 	snop;
	(pc) =	sbr.rel .LBB2_2-.Ltmp8, $4  }
0x370: {  	_ = 	snop  }
0x371: {  	[tilespmem:s0], [sflag:$0x1] =	stream.indirect.gather [hbm4b:s5+s13], $0x1, s1, s13, $0xb8;
	[tilespmem:$0x16580] =	vst v63  }
0x372: {  	s21 =	sadd.s32 $0x1, s21  }
0x373: {  	[tilespmem:s14], [sflag:$0x1] =	stream.indirect.gather [hbm4b:s8+s13], $0x1, s26, s13, $0xb8;
	[tilespmem:$0x16580] =	vst v63  }
.LBB2_15:
0x374: {  	_ =	sfence.sel $0x180000  }
0x375: {  	[bflag:$0x0] =	sbarrier.arrive $0xFFFF  }
0x376: {  	_ =	strace $0x90000047  }
0x377: {  	s0 =	stileid.u32;
	[bflag:$0x2] =	sbarrier.arrive $0xFFFF  }
0x378: {  	p0 =	sne.s32 s0, $0x0;
	s0 =	rddreg [dreg:$0x2]  }
0x379: {  	s0 =	sadd.s32 @!p0 $0x100000, s0  }
0x37a: {  	[sflag:s0] =	ssyncadd.tile.s32 @!p0 $0x1;
	_ =	shalt  }
.Lfunc_end2:
_tile_overlayer_lowered:
.L_overlay_start_2:
0x37b: {  	(tag) =	ssettag $0x2  }
0x37c: {  	s0 =	rddreg [dreg:$0x0];
	s2 =	stileid.u32  }
0x37d: {  	s1 =	rddreg [dreg:$0x1];
	p0 =	sne.s32 s2, $0x0  }
0x37e: {  	s3 =	rddreg [dreg:$0x2];
	[bflag:$0x3] =	sbarrier.arrive $0xFFFF;
	s2 =	simm.s32 @!p0 $0x1C04  }
0x37f: {  	[timem:s3], [sflag:s2] =	dma.local @!p0 [hbm:s0], s1  }
0x380: {  	s0 =	simm.s32 @!p0 $0x4  }
0x381: {  	_ =	swait.ge @!p0 [sflag:s0], s1  }
0x382: {  	s1 =	ssub.s32 @!p0 $0x0, s1;
	[sflag:s0] =	ssyncset.done @!p0 $0x0  }
0x383: {  	[sflag:s0] =	ssyncadd.s32 @!p0 s1  }
0x384: {  	[bflag:$0x3] =	sbarrier.arrive $0xFFFF  }
0x385: {  	_ =	shalt  }

// kernel: sparse-core-data-format-call.cloned.1.call-start
scs
called_computation_lowered:
.L_overlay_start_0:
0x0: {  	s2 =	sld [smem:$0x3FD9]  }
0x1: {  	s3 =	sld [smem:$0x3FFE];
	_ =	sdelay $0x1  }
0x2: {  	s1 =	srdreg.scid  }
0x3: {  	s0 =	sand.u32 $0x1, s1  }
0x4: {  	s18 =	sshll.u32 s0, $0xA;
	s2 =	sadd.s32 s3, s2  }
0x5: {  	s2 =	sadd.s32 s2, s18  }
0x6: {  	[smem:$0x3FC4] =	sst s2  }
0x7: {  	_ = 	snop  }
0x8: {  	s2 =	sld [smem:$0x3FD0];
	(tm) =	ssettm $0x1  }
0x9: {  	s19 =	sld [smem:$0x3FFB];
	_ =	sdelay $0x3  }
0xa: {  	_ =	strace s19  }
0xb: {  	s3 =	sld [smem:$0x3FFC];
	_ =	sdelay $0x3  }
0xc: {  	_ =	strace s3  }
0xd: {  	s3 =	sld [smem:$0x3FFD];
	_ =	sdelay $0x3  }
0xe: {  	_ =	strace s3  }
0xf: {  	_ =	strace $0x8FFFFFFF  }
0x10: {  	s20 =	sld [smem:$0x3FDB];
	_ =	sdelay $0x1  }
0x11: {  	s4 =	simm.s32 $_scs_section_size  }
0x12: {  	s5 =	simm.s32 $_size__tile_overlayer_lowered;
	s6 =	simm.s32 $_tile_overlayer_lowered  }
0x13: {  	s23 =	simm.s32 $0x1BFF;
	s22 =	sshll.u32 s6, $0x1;
	s3 =	sadd.s32 s4, s20  }
0x14: {  	s7 =	simm.s32 $0x0;
	s21 =	sshll.u32 s5, $0x1;
	s5 =	sadd.s32 s22, s3  }
0x15: {  	[timem:s7], [sflag:s23] =	dma.local [hbm:s5], s21  }
0x16: {  	_ =	swait.ge [sflag:s23], s21  }
0x17: {  	s4 =	ssub.s32 $0x0, s21;
	[sflag:s23] =	ssyncset.done $0x0  }
0x18: {  	[sflag:s23] =	ssyncadd.s32 s4;
	_ =	sdelay $0x1  }
0x19: {  	s24 =	simm.s32 $0x1B8B  }
0x1a: {  	_ =	swait.ge [sflag:s24], $0x1  }
0x1b: {  	[sflag:s24] =	ssyncset.done $0x0  }
0x1c: {  	s26 =	simm.s32 $0x1B8E;
	s25 =	sld [smem:$0x3FFE];
	[sflag:s24] =	ssyncadd.s32 $0xFFFFFFFF  }
0x1d: {  	s27 =	simm.s32 $execute0_lowered;
	[smem:$0x3FD2] =	sst s26  }
0x1e: {  	s5 =	sshll.u32 s27, $0x1;
	_ =	strace $0x80000049;
	[dreg:$0x1] =	wrdreg $0xFFFFFFFF  }
0x1f: {  	s28 =	simm.s32 $_size_execute0_lowered;
	s3 =	sadd.s32 s3, s5;
	[dreg:$0x0] =	wrdreg $0x0  }
0x20: {  	s5 =	sshll.u32 s28, $0x1;
	[dreg:$0x2] =	wrdreg s3  }
0x21: {  	[dreg:$0x3] =	wrdreg s5  }
0x22: {  	[dreg:$0x4] =	wrdreg $0xC0  }
0x23: {  	_ =	task [dreg:s7], $0x5FFFF  }
0x24: {  	[dreg:$0x1] =	wrdreg $0xFFFFFFFF  }
0x25: {  	[dreg:$0x0] =	wrdreg $0x60  }
0x26: {  	[dreg:$0x2] =	wrdreg s25  }
0x27: {  	[dreg:$0x3] =	wrdreg s2  }
0x28: {  	[dreg:$0x4] =	wrdreg $0x9  }
0x29: {  	_ =	task.clear_ibuf [dreg:s7], $0x5FFFF;
	_ =	strace $0x90000049  }
0x2a: {  	s29 =	simm.s32 $0x9;
	_ =	strace $0x8000004B  }
0x2b: {  	_ =	swait.ge [sflag:s29], $0x1  }
0x2c: {  	[sflag:s29] =	ssyncadd.s32 $0xFFFFFFFF  }
0x2d: {  	_ =	strace $0x9000004B  }
0x2e: {  	_ =	sfence  }
0x2f: {  	s30 =	sld [smem:$0x0];
	_ =	sdelay $0x2  }
0x30: {  	s31 =	sshll.u32 s1, $0xD;
	s1 =	sshrl.u32 s1, $0x2  }
0x31: {  	s3 =	sand.u32 $0x4000, s31;
	s1 =	sadd.s32 s1, s30  }
0x32: {  	s0 =	sor.u32 s3, s0;
	s1 =	sshll.u32 s1, $0x11  }
0x33: {  	s0 =	sor.u32 s1, s0  }
0x34: {  	s0 =	sadd.s32 $0x8F2B, s0  }
0x35: {  	[sflag:s0] =	ssyncadd.remote.s32 $0x1  }
0x36: {  	_ =	sfence.sel $0xFFFF  }
0x37: {  	[dreg:$0x0] =	wrdreg $0xFFFFFFFF;
	(pc) =	sbr.abs _section_cstart, $3  }
0x38: {  	[dreg:$0x1] =	wrdreg $0xFFFFFFFF  }
0x39: {  	_ =	task.clear_ibuf [dreg:s7], $0x2FFFF;
	_ =	strace $0x9FFFFFFF  }
0x3a: {  	(tm) =	ssettm $0x7FFFFFFF  }
0x3b: {  	_ =	shalt  }
tec
execute0_lowered:
.L_overlay_start_1:
0x0: {  	(tag) =	ssettag $0x1  }
0x1: {  	s0 =	srdreg.scid  }
0x2: {  	s1 =	sshll.u32 s0, $0x4  }
0x3: {  	s0 =	stileid.u32;
	s1 =	sand.u32 $0x10, s1  }
0x4: {  	s1 =	sor.u32 s0, s1  }
0x5: {  	s6 =	rddreg [dreg:$0x0];
	s4 =	simm.s32 $0x1;
	s2 =	sshll.u32 s1, $0x7  }
0x6: {  	s7 =	simm.s32 $0x2;
	s12 =	simm.s32 $0x0;
	s1 =	ssub.s32 $0x1000, s2  }
0x7: {  	s8 =	simm.s32 $0x8000;
	s13 =	simm.s32 $0x0;
	s3 =	sand.u32 $0xF80, s1  }
0x8: {  	s9 =	simm.s32 $0x0;
	s5 =	sshrl.u32 s1, $0xC;
	p0 =	sne.s32 s3, $0x0  }
.Ltmp0:
0x9: {  	s1 =	rddreg [dreg:$0x2];
	s4 =	simm.s32 @!p0 $0x0;
	(pc) =	sbr.rel .LBB1_1-.Ltmp0, $4  }
0xa: {  	s11 =	simm.s32 $0x0;
	s3 =	rddreg [dreg:$0x1];
	s5 =	sadd.s32 s4, s5  }
0xb: {  	_ =	strace $0x8000004A;
	s4 =	simm.s32 $0x1;
	s5 =	smul.u32 $0x32, s5  }
0xc: {  	s6 =	sadd.s32 $0x1600, s6;
	s10 =	smov.u32 s2;
	[sflag:s4] =	ssyncpa.u1 $0x0  }
0xd: {  	p0 =	por $0x0, $0x0;
	[sflag:s7] =	ssyncpa.u1 $0x0;
	s7 =	sor.u32 $0x1, s5  }
.LBB1_4:
0xe: {  	s16 =	sshll.u32 s13, $0x3;
	s17 =	sand.u32 $0x78, s13  }
0xf: {  	s30 =	sand.u32 $0x7E00, s13;
	s12 =	sshll.u32 s12, $0xF;
	s16 =	sand.u32 $0xC00, s16  }
0x10: {  	[tilespmem:s15+$0x810 ss:$0x81] =	vst.msk $0xffff, v2;
	s31 =	sand.u32 $0x7, s13;
	s16 =	sor.u32 s17, s16;
	s17 =	sadd.s32 s3, s30  }
0x11: {  	[tilespmem:s15+$0x1020 ss:$0x81] =	vst.msk $0xffff, v0;
	s13 =	sshll.u32 s31, $0x12;
	s12 =	sadd.s32 s12, s17;
	s16 =	sshrl.u32 s16, $0x3  }
0x12: {  	[tilespmem:s15+$0x0 ss:$0x81] =	vst.msk $0xffff, v1;
	s13 =	sor.u32 $0x400, s13;
	s12 =	sadd.s32 s16, s12  }
0x13: {  	[hbm4b:s12+s13] =	stream.strided.scatter [tilespmem:s14], [sflag:$0x2], $0x2000, s8, s13, $0x20;
	[tilespmem:$0x8080] =	vst v63  }
.LBB1_5:
0x14: {  	s14 =	sadd.s32 $0x1, s9  }
0x15: {  	s12 =	sadd.s32 $0x1000, s10;
	s16 =	smov.u32 s10;
	p2 =	sgt.s32 s14, $0x31  }
0x16: {  	s16 =	smov.u32 @p2 s12  }
0x17: {  	s14 =	simm.s32 @p2 $0x0;
	p2 =	sgt.s32 s16, $0xFFF  }
0x18: {  	s16 =	smov.u32 @p2 s2;
	p2 =	sne.s32 s11, s7  }
.Ltmp1:
0x19: {  	p1 =	slt.u32 s11, $0x2;
	(pc) =	sbr.rel @!p2 .LBB1_6-.Ltmp1, $4  }
0x1a: {  	s15 =	simm.s32 @!p1 $0x2  }
0x1b: {  	s13 =	smov.u32 s10;
	p0 =	por !p0, !p0;
	_ =	swait.ge @!p1 [sflag:s15], $0x2000  }
0x1c: {  	s12 =	smov.u32 s9;
	[sflag:s15] =	ssyncset.done @!p1 $0x0;
	s9 =	smov.u32 s14  }
0x1d: {  	s11 =	sadd.s32 $0x1, s11;
	[sflag:s15] =	ssyncadd.s32 @!p1 $0xFFFFE000;
	s10 =	smov.u32 s16  }
.LBB1_1:
0x1e: {  	p1 =	sge.u32 s11, s5  }
0x1f: {  	s14 =	sand.u32 @!p1 $0x1FFFFFF, s9  }
0x20: {  	s15 =	smulhi.u32 @!p1 $0x4924925, s14;
	_ =	sdelay $0x1  }
0x21: {  	s15 =	smul.u32 @!p1 $0x38, s15  }
0x22: {  	s16 =	sxor.u32 @!p1 $0xFFFFFFFF, s11;
	s17 =	smul.u32 @!p1 $0x380, s10  }
0x23: {  	s31 =	sadd.s32 $0xFFFFFFFF, s11;
	s16 =	sshll.u32 @!p1 s16, $0xD;
	s14 =	ssub.s32 @!p1 s14, s15  }
0x24: {  	s15 =	sand.u32 @!p1 $0x2000, s16;
	s16 =	sadd.s32 @!p1 s6, s17;
	s14 =	sshll.u32 @!p1 s14, $0x4  }
0x25: {  	s17 =	simm.s32 @!p1 $0x1C00;
	s14 =	sadd.s32 @!p1 s14, s16;
	s16 =	simm.s32 @!p1 $0x40  }
0x26: {  	[tilespmem:s15], [sflag:$0x1] =	stream.strided.gather @!p1 [hbm4b:s14+s16], $0x2000, s17, s16, $0x38;
	[tilespmem:$0x8080] =	vst v63  }
0x27: {  	p1 =	sge.u32 s31, s5  }
.Ltmp2:
0x28: {  	_ = 	snop;
	(pc) =	sbr.rel @p1 .LBB1_5-.Ltmp2, $1  }
0x29: {  	_ =	sdelay $0x3  }
0x2a: {  	s14 =	simm.s32 $0x1  }
0x2b: {  	_ =	swait.ge [sflag:s4], $0x2000;
	s14 =	simm.s32 @!p0 $0x0  }
0x2c: {  	[sflag:s4] =	ssyncset.done $0x0;
	s15 =	sshll.u32 s14, $0xD  }
0x2d: {  	[sflag:s4] =	ssyncadd.s32 $0xFFFFE000;
	s18 =	sor.u32 $0x20, s15  }
0x2e: {  	s14 =	smul.u32 $0x8100, s14;
	v3 =	vld [tilespmem:s18+$0x10]  }
0x2f: {  	s30 =	sand.u32 $0x1, s11;
	v2 =	vld [tilespmem:s18+$0xFFFFFFF0]  }
0x30: {  	s15 =	smul.u32 $0x8100, s30;
	s14 =	sshrl.u32 s14, $0x2;
	v0 =	vld [tilespmem:s18+$0x0]  }
0x31: {  	v1 =	vld [tilespmem:s18+$0xFFFFFFE0];
	s16 =	sor.u32 $0x4000, s14  }
0x32: {  	s31 =	sshrl.u32 s15, $0x2;
	s15 =	sadd.s32 $0x0, s16  }
0x33: {  	s17 =	simm.s32 $0x4;
	s18 =	sadd.s32 $0x40, s18;
	s14 =	sor.u32 $0x4000, s31;
	[tilespmem:s15+$0x1830 ss:$0x81] =	vst.msk $0xffff, v3  }
.LBB1_3:
0x34: {  	v3 =	vld [tilespmem:s18+$0x10];
	p1 =	sne.s32 s17, $0x1FC;
	[tilespmem:s15+$0x810 ss:$0x81] =	vst.msk $0xffff, v2;
	s19 =	smov.u32 s17;
	s17 =	sadd.s32 $0x4, s17  }
.Ltmp3:
0x35: {  	v2 =	vld [tilespmem:s18+$0xFFFFFFF0];
	[tilespmem:s15+$0x1020 ss:$0x81] =	vst.msk $0xffff, v0;
	(pc) =	sbr.rel @p1 .LBB1_3-.Ltmp3, $4  }
0x36: {  	v0 =	vld [tilespmem:s18+$0x0];
	[tilespmem:s15+$0x0 ss:$0x81] =	vst.msk $0xffff, v1  }
0x37: {  	s15 =	sshra.s32 s19, $0x2;
	v1 =	vld [tilespmem:s18+$0xFFFFFFE0]  }
0x38: {  	s15 =	sadd.s32 s15, s16  }
0x39: {  	s18 =	sadd.s32 $0x40, s18;
	[tilespmem:s15+$0x1830 ss:$0x81] =	vst.msk $0xffff, v3  }
.Ltmp4:
0x3a: {  	_ = 	snop;
	(pc) =	sbr.rel .LBB1_4-.Ltmp4, $1  }
0x3b: {  	_ =	sdelay $0x3  }
.LBB1_6:
0x3c: {  	_ =	sfence.sel $0x180000  }
0x3d: {  	s2 =	simm.s32 $0x1;
	[bflag:$0x0] =	sbarrier.arrive $0xFFFF  }
0x3e: {  	s31 =	simm.s32 $0x2;
	[sflag:s2] =	ssyncpa.u1 $0x1  }
0x3f: {  	[sflag:s31] =	ssyncpa.u1 $0x1  }
0x40: {  	p0 =	sne.s32 s0, $0x0;
	_ =	strace $0x9000004A  }
0x41: {  	s0 =	sadd.s32 @!p0 $0x100000, s1;
	[bflag:$0x2] =	sbarrier.arrive $0xFFFF  }
0x42: {  	[sflag:s0] =	ssyncadd.tile.s32 @!p0 $0x1;
	_ =	shalt  }
.Lfunc_end1:
_tile_overlayer_lowered:
.L_overlay_start_2:
0x43: {  	(tag) =	ssettag $0x2  }
0x44: {  	s0 =	rddreg [dreg:$0x0];
	s2 =	stileid.u32  }
0x45: {  	s1 =	rddreg [dreg:$0x1];
	p0 =	sne.s32 s2, $0x0  }
0x46: {  	s3 =	rddreg [dreg:$0x2];
	[bflag:$0x3] =	sbarrier.arrive $0xFFFF;
	s2 =	simm.s32 @!p0 $0x1C01  }
0x47: {  	[timem:s3], [sflag:s2] =	dma.local @!p0 [hbm:s0], s1  }
0x48: {  	s0 =	simm.s32 @!p0 $0x1  }
0x49: {  	_ =	swait.ge @!p0 [sflag:s0], s1  }
0x4a: {  	s1 =	ssub.s32 @!p0 $0x0, s1;
	[sflag:s0] =	ssyncset.done @!p0 $0x0  }
0x4b: {  	[sflag:s0] =	ssyncadd.s32 @!p0 s1  }
0x4c: {  	[bflag:$0x3] =	sbarrier.arrive $0xFFFF  }
0x4d: {  	_ =	shalt  }

</sc_bundles>
